<compile_context>
chip_gen: v7x
topology: tpu7x:2x2x1
jax: 0.10.2.dev20260603
libtpu: 0.0.44.dev20260713+nightly
codegen_flags: <defaults>
</compile_context>

<pallas_src>
import functools

import jax
import jax.numpy as jnp
from jax import lax
from jax.experimental import pallas as pl
from jax.experimental.pallas import tpu as pltpu
from jax.experimental.pallas import tpu_sc as plsc

_A = 25200
_K = 300
_T = 20
_NCL = 4
_SPOS = 1.0 - 0.05
_SNEG = 0.05 / 3.0
_NCAND = 4096
_NV = _A // 16
_NSEL = 320
_NF = 9
_MIN32 = -2147483648
_M31 = 0x7FFFFFFF


def _key(x):
    b = lax.bitcast_convert_type(x, jnp.int32)
    return jnp.where(b >= 0, b, b ^ _M31)


def _popcnt(m):
    return plsc.all_reduce_population_count(m)



def _sc_body(obj_hbm, predf_hbm, fld_hbm, selk_hbm, seli_hbm,
             obj_v, ckey_v, cidx_v, selk_v, seli_v, gidx_v, fld_v, smem, sem):
    nc = 2
    wid = lax.axis_index("s") * nc + lax.axis_index("c")

    @pl.when(wid < 16)
    def _worker():
        s = wid
        pltpu.sync_copy(obj_hbm.at[pl.ds(s * 25600, _A)], obj_v)

        ones16 = jnp.ones((16,), jnp.int32)
        zeros16 = jnp.zeros((16,), jnp.int32)
        iot = lax.iota(jnp.int32, 16)

        def p1(i, carry):
            cntp, cnta, cntb = carry
            kk = _key(obj_v[pl.ds(i * 16, 16)])
            cntp = cntp + _popcnt(kk >= 0)
            cnta = cnta + _popcnt(kk >= jnp.int32(0x40000000))
            cntb = cntb + _popcnt(kk >= jnp.int32(-0x40000000))
            return cntp, cnta, cntb
        cntp, cnta, cntb = lax.fori_loop(0, _NV, p1, (zeros16, zeros16, zeros16))
        cnt31 = cntp[0]

        theta0 = jnp.where(cnt31 >= _K, _MIN32, jnp.int32(0))
        cnt0 = jnp.where(cnt31 >= _K, cnt31, jnp.int32(_A))
        cnt1 = jnp.where(cnt31 >= _K, cnta[0], cntb[0])
        take1 = cnt1 >= _K
        smem[0] = jnp.where(take1, theta0 | jnp.int32(1 << 30), theta0)
        smem[1] = jnp.int32(0)
        smem[2] = jnp.where(take1, cnt1, cnt0)

        def _count_pass(cand_i):
            def cp(i, acc):
                kk = _key(obj_v[pl.ds(i * 16, 16)])
                return acc + _popcnt(kk >= cand_i)
            return lax.fori_loop(0, _NV, cp, zeros16)[0]

        def _compact_pass():
            thr = smem[0] ^ _MIN32
            limit = jnp.full((16,), _NCAND, jnp.int32)
            minpad = jnp.full((16,), _MIN32, jnp.int32)
            def kp(i, off_v):
                kk = _key(obj_v[pl.ds(i * 16, 16)])
                msk = (kk >= thr) & (off_v < limit)
                csum = plsc.cumsum(jnp.where(msk, ones16, zeros16))
                pos = off_v + csum - 1
                plsc.store_scatter(ckey_v, [pos], kk, mask=msk)
                plsc.store_scatter(cidx_v, [pos], i * 16 + iot, mask=msk)
                return off_v + _popcnt(msk)
            off_v = lax.fori_loop(0, _NV, kp, zeros16)
            off = jnp.minimum(off_v[0], _NCAND)
            plsc.store_scatter(ckey_v, [off + iot], minpad)
            smem[3] = off
            smem[1] = jnp.int32(1)

        @pl.when(smem[2] <= _NCAND - 16)
        def _compact_now():
            _compact_pass()

        for lvl in range(2, 9):
            bit = jnp.int32(1 << (31 - lvl))

            @pl.when(smem[1] == 0)
            def _lvl():
                theta = smem[0]
                cnt = _count_pass((theta | bit) ^ _MIN32)
                take = cnt >= _K
                smem[0] = jnp.where(take, theta | bit, theta)
                smem[2] = jnp.where(take, cnt, smem[2])

            @pl.when((smem[1] == 0) & (smem[2] <= _NCAND - 16))
            def _do_compact():
                _compact_pass()

        @pl.when(smem[1] == 0)
        def _force_compact():
            _compact_pass()

        ncand = smem[3]
        nvec = (ncand + 15) // 16

        def bdesc(b, th):
            cand = th | (jnp.int32(1) << (jnp.int32(31) - b))
            cand_i = cand ^ _MIN32
            def cp(i, acc):
                return acc + _popcnt(ckey_v[pl.ds(i * 16, 16)] >= cand_i)
            cnt = lax.fori_loop(0, nvec, cp, zeros16)[0]
            return jnp.where(cnt >= _K, cand, th)
        theta2i = lax.fori_loop(0, 32, bdesc, jnp.int32(0)) ^ _MIN32

        kvec = jnp.full((16,), _K, jnp.int32)
        def selgt(i, off_v):
            kk = ckey_v[pl.ds(i * 16, 16)]
            ci = cidx_v[pl.ds(i * 16, 16)]
            msk = kk > theta2i
            csum = plsc.cumsum(jnp.where(msk, ones16, zeros16))
            pos = off_v + csum - 1
            plsc.store_scatter(selk_v, [pos], kk, mask=msk)
            plsc.store_scatter(seli_v, [pos], ci, mask=msk)
            return off_v + _popcnt(msk)
        c1_v = lax.fori_loop(0, nvec, selgt, zeros16)

        def seleq(i, off_v):
            kk = ckey_v[pl.ds(i * 16, 16)]
            ci = cidx_v[pl.ds(i * 16, 16)]
            msk = kk == theta2i
            csum = plsc.cumsum(jnp.where(msk, ones16, zeros16))
            pos = off_v + csum - 1
            wmsk = msk & (pos < kvec)
            plsc.store_scatter(selk_v, [pos], kk, mask=wmsk)
            plsc.store_scatter(seli_v, [pos], ci, mask=wmsk)
            return off_v + _popcnt(msk)
        lax.fori_loop(0, nvec, seleq, c1_v)

        pad = jnp.zeros((16,), jnp.int32)
        seli_v[pl.ds(304, 16)] = pad
        plsc.store_scatter(seli_v, [jnp.int32(_K) + iot], pad)
        selk_v[pl.ds(304, 16)] = pad
        plsc.store_scatter(selk_v, [jnp.int32(_K) + iot], pad)

        rowbase = jnp.int32(s * _A)
        for v in range(_NSEL // 16):
            base9 = (seli_v[pl.ds(v * 16, 16)] + rowbase) * 9
            for f in range(_NF):
                gidx_v[pl.ds(f * _NSEL + v * 16, 16)] = base9 + f
        cps = []
        for k in range(_NF * _NSEL // 96):
            cps.append(pltpu.async_copy(
                predf_hbm.at[gidx_v.at[pl.ds(k * 96, 96)]],
                fld_v.at[pl.ds(k * 96, 96)], sem))
        for cp in cps:
            cp.wait()

        pltpu.sync_copy(fld_v, fld_hbm.at[pl.ds(s * (_NF * _NSEL), _NF * _NSEL)])
        pltpu.sync_copy(selk_v.at[pl.ds(0, _NSEL)], selk_hbm.at[pl.ds(s * _NSEL, _NSEL)])
        pltpu.sync_copy(seli_v.at[pl.ds(0, _NSEL)], seli_hbm.at[pl.ds(s * _NSEL, _NSEL)])



def _softplus_tc(x):
    return jnp.maximum(x, 0.0) + jnp.log(1.0 + jnp.exp(-jnp.abs(x)))


def _tc_body(obj_ref, fld_ref, selk_ref, seli_ref, tgt_ref, out_ref):
    obj = obj_ref[...].reshape(200, 128)
    fld = fld_ref[...].reshape(_NF, _NSEL)
    selk = selk_ref[...].reshape(1, _NSEL)
    seli = seli_ref[...].reshape(1, _NSEL)
    tgt = tgt_ref[...].reshape(_T, 5)

    lane = lax.broadcasted_iota(jnp.int32, (1, _NSEL), 1)
    act = lane < _K
    zf = jnp.float32(0.0)
    big = jnp.int32(0x7FFFFFFF)

    bp0 = jax.nn.sigmoid(fld[0:1, :])
    bp1 = jax.nn.sigmoid(fld[1:2, :])
    bp2 = jax.nn.sigmoid(fld[2:3, :])
    bp3 = jax.nn.sigmoid(fld[3:4, :])
    ax1 = bp0 - bp2 * 0.5
    ay1 = bp1 - bp3 * 0.5
    ax2 = bp0 + bp2 * 0.5
    ay2 = bp1 + bp3 * 0.5
    a1 = (ax2 - ax1) * (ay2 - ay1)

    tcls = jnp.clip(tgt[:, 0:1].astype(jnp.int32), 0, _NCL - 1)
    tbc = [jnp.clip(tgt[:, 1 + c:2 + c], 0.0, 1.0) for c in range(4)]
    tx1 = tbc[0] - tbc[2] * 0.5
    ty1 = tbc[1] - tbc[3] * 0.5
    tx2 = tbc[0] + tbc[2] * 0.5
    ty2 = tbc[1] + tbc[3] * 0.5
    a2 = (tx2 - tx1) * (ty2 - ty1)

    iw = jnp.clip(jnp.minimum(ax2, tx2) - jnp.maximum(ax1, tx1), 0.0, None)
    ih = jnp.clip(jnp.minimum(ay2, ty2) - jnp.maximum(ay1, ty1), 0.0, None)
    inter = iw * ih
    union = a1 + a2 - inter
    iou = jnp.where(union > 0, inter / jnp.where(union > 0, union, 1.0), 0.0)
    iou_m = jnp.where(act, iou, jnp.float32(-1.0))

    bi = jnp.max(iou_m, axis=1, keepdims=True)
    e1 = iou_m == bi
    bk = jnp.max(jnp.where(e1, selk, jnp.int32(_MIN32)), axis=1, keepdims=True)
    e2 = e1 & (selk == bk)
    a_t = jnp.min(jnp.where(e2, seli, big), axis=1, keepdims=True)
    p_t = jnp.min(jnp.where(e2 & (seli == a_t), lane, big), axis=1, keepdims=True)

    a_row = jnp.transpose(a_t)
    same = a_t == a_row
    jj_col = lax.broadcasted_iota(jnp.int32, (_T, 1), 0)
    jj_row = lax.broadcasted_iota(jnp.int32, (1, _T), 1)
    is_first = ~jnp.any(same & (jj_row < jj_col), axis=1, keepdims=True)
    is_last = ~jnp.any(same & (jj_row > jj_col), axis=1, keepdims=True)
    cnt = jnp.sum(is_first.astype(jnp.float32))

    eqp = lane == p_t
    m = jnp.any(eqp, axis=0, keepdims=True)

    fi = lax.broadcasted_iota(jnp.int32, (200, 128), 0) * 128 + \
         lax.broadcasted_iota(jnp.int32, (200, 128), 1)
    sp_obj = jnp.where(fi < _A, _softplus_tc(obj), zf)
    dense = 0.5 * jnp.sum(sp_obj)
    objl_sel = fld[4:5, :]
    sp_sel = _softplus_tc(objl_sel)
    corr = jnp.sum(jnp.where(m, 1.5 * sp_sel - 2.0 * objl_sel, zf))
    obj_l = (dense + corr) / _A

    cls_sum = zf
    for c in range(4):
        row = fld[5 + c:6 + c, :]
        sp_row = _softplus_tc(row)
        cls_sum = cls_sum + jnp.sum(jnp.where(m, sp_row, zf))
        cls_sum = cls_sum - _SNEG * jnp.sum(jnp.where(m, row, zf))
        cm_c = jnp.minimum(
            jnp.sum(jnp.where(eqp & (tcls == c), 1.0, zf), axis=0, keepdims=True), 1.0)
        cls_sum = cls_sum - (_SPOS - _SNEG) * jnp.sum(cm_c * row)
    cls_l = cls_sum / (cnt * _NCL)

    bp = [bp0, bp1, bp2, bp3]
    box_sum = zf
    for c in range(4):
        bt_c = jnp.sum(jnp.where(eqp & is_last, tbc[c], zf), axis=0, keepdims=True)
        d = bp[c] - bt_c
        ad = jnp.abs(d)
        sl1 = jnp.where(ad < 0.1, 0.5 * d * d / 0.1, ad - 0.05)
        box_sum = box_sum + jnp.sum(jnp.where(m, sl1, zf))
    box_l = box_sum / (cnt * 4.0) * 2.0

    olane = lax.broadcasted_iota(jnp.int32, (1, 128), 1)
    vec = jnp.where(olane == 0, box_l,
          jnp.where(olane == 1, cls_l,
          jnp.where(olane == 2, obj_l, zf)))
    out_ref[...] = vec.reshape(out_ref.shape)


@jax.jit
def kernel(predictions, targets):
    B = predictions.shape[0]
    pred = predictions.reshape(B, _A, 9)
    _AP = 25600
    objp = jnp.pad(pred[:, :, 4], ((0, 0), (0, _AP - _A))).reshape(B * _AP)
    predf = predictions.reshape(B * _A * 9)

    mesh = plsc.VectorSubcoreMesh(core_axis_name="c", subcore_axis_name="s")
    f32 = jnp.float32
    i32 = jnp.int32

    @functools.partial(
        pl.kernel, mesh=mesh,
        out_type=(jax.ShapeDtypeStruct((B * _NF * _NSEL,), f32),
                  jax.ShapeDtypeStruct((B * _NSEL,), i32),
                  jax.ShapeDtypeStruct((B * _NSEL,), i32)),
        compiler_params=pltpu.CompilerParams(needs_layout_passes=False),
        scratch_types=[
            pltpu.VMEM((_A,), f32),
            pltpu.VMEM((_NCAND + 32,), i32),
            pltpu.VMEM((_NCAND + 32,), i32),
            pltpu.VMEM((_NSEL + 32,), i32),
            pltpu.VMEM((_NSEL + 32,), i32),
            pltpu.VMEM((_NF * _NSEL,), i32),
            pltpu.VMEM((_NF * _NSEL,), f32),
            pltpu.SMEM((8,), i32),
            pltpu.SemaphoreType.DMA,
        ],
    )
    def run(obj_hbm, predf_hbm, fld_hbm, selk_hbm, seli_hbm, *scratch):
        _sc_body(obj_hbm, predf_hbm, fld_hbm, selk_hbm, seli_hbm, *scratch)

    fld, selk, seli = run(objp, predf)

    out = pl.pallas_call(
        _tc_body,
        grid=(B,),
        in_specs=[
            pl.BlockSpec((25600,), lambda i: (i,)),
            pl.BlockSpec((1, _NF, _NSEL), lambda i: (i, 0, 0)),
            pl.BlockSpec((1, 1, _NSEL), lambda i: (i, 0, 0)),
            pl.BlockSpec((1, 1, _NSEL), lambda i: (i, 0, 0)),
            pl.BlockSpec((1, _T, 5), lambda i: (i, 0, 0)),
        ],
        out_specs=pl.BlockSpec((1, 1, 128), lambda i: (i, 0, 0)),
        out_shape=jax.ShapeDtypeStruct((B, 1, 128), jnp.float32),
    )(objp, fld.reshape(B, _NF, _NSEL), selk.reshape(B, 1, _NSEL),
      seli.reshape(B, 1, _NSEL), targets)

    box_loss = jnp.sum(out[:, 0, 0])
    cls_loss = jnp.sum(out[:, 0, 1])
    obj_loss = jnp.sum(out[:, 0, 2])
    total = box_loss + cls_loss + obj_loss
    return (total, box_loss, cls_loss, obj_loss)

# --- scband reference (transcript-rebuilt; emitter-appended) ---
"""Pipeline reference for scband-improved-loss-2783138807899 (READ-ONLY COPY).

The authoritative reference and input builder live on the scoring server;
editing this copy changes nothing except your own understanding.
"""

import jax, jax.numpy as jnp
import numpy as np

NUM_CLASSES = 4
BOX_WEIGHT = 2.0
OBJ_WEIGHT = 1.0
CLS_WEIGHT = 1.0
CLS_LABEL_SMOOTHING = 0.05


def _xywh_to_xyxy(b):
    x1 = b[:, 0] - b[:, 2] / 2
    y1 = b[:, 1] - b[:, 3] / 2
    x2 = b[:, 0] + b[:, 2] / 2
    y2 = b[:, 1] + b[:, 3] / 2
    return jnp.stack([x1, y1, x2, y2], axis=1)


def _pairwise_iou_xywh(boxes1, boxes2):
    b1 = _xywh_to_xyxy(boxes1)
    b2 = _xywh_to_xyxy(boxes2)
    b1e = b1[:, None, :]
    b2e = b2[None, :, :]
    inter_x1 = jnp.maximum(b1e[..., 0], b2e[..., 0])
    inter_y1 = jnp.maximum(b1e[..., 1], b2e[..., 1])
    inter_x2 = jnp.minimum(b1e[..., 2], b2e[..., 2])
    inter_y2 = jnp.minimum(b1e[..., 3], b2e[..., 3])
    inter_w = jnp.clip(inter_x2 - inter_x1, 0.0, None)
    inter_h = jnp.clip(inter_y2 - inter_y1, 0.0, None)
    inter = inter_w * inter_h
    area1 = (b1e[..., 2] - b1e[..., 0]) * (b1e[..., 3] - b1e[..., 1])
    area2 = (b2e[..., 2] - b2e[..., 0]) * (b2e[..., 3] - b2e[..., 1])
    union = area1 + area2 - inter
    safe_union = jnp.where(union > 0, union, 1.0)
    return jnp.where(union > 0, inter / safe_union, 0.0)


def _bce_with_logits(x, y):
    # elementwise BCEWithLogitsLoss (reduction='none')
    return jnp.maximum(x, 0.0) - x * y + jnp.log1p(jnp.exp(-jnp.abs(x)))


def _smooth_l1(p, t, beta=0.1):
    d = p - t
    ad = jnp.abs(d)
    return jnp.where(ad < beta, 0.5 * d * d / beta, ad - 0.5 * beta)


def _forward(predictions, targets):
    # Faithful to the torch module under finite, non-empty targets
    # (the isfinite filter and empty-target branches are no-ops for rand-filled data).
    nfa = 5 + NUM_CLASSES  # 9
    total_loss = jnp.float32(0.0)
    box_loss = jnp.float32(0.0)
    cls_loss = jnp.float32(0.0)
    obj_loss = jnp.float32(0.0)
    batch_size = predictions.shape[0]
    for i in range(batch_size):
        pred = predictions[i]                    # [A, 27]
        t = targets[i]                           # [T, 5]
        all_anchors = pred.reshape(-1, nfa)      # [3A, 9]
        box_logits = all_anchors[:, :4]
        obj_logits = all_anchors[:, 4]
        cls_logits = all_anchors[:, 5:5 + NUM_CLASSES]
        box_preds = jax.nn.sigmoid(box_logits)
        A = all_anchors.shape[0]
        tcls = jnp.clip(t[:, 0].astype(jnp.int32), 0, NUM_CLASSES - 1)
        tboxes = jnp.clip(t[:, 1:5], 0.0, 1.0)
        k = min(300, A)
        topk_scores, topk_idx = jax.lax.top_k(obj_logits, k)
        p_boxes_k = box_preds[topk_idx]          # [k, 4]
        ious = _pairwise_iou_xywh(p_boxes_k, tboxes)  # [k, T]
        best_idx = jnp.argmax(ious, axis=0)      # [T]
        chosen_anchor_idx = topk_idx[best_idx]   # [T]
        obj_targets = jnp.zeros((A,), dtype=jnp.float32).at[chosen_anchor_idx].set(1.0)
        box_targets = jnp.zeros((A, 4), dtype=jnp.float32).at[chosen_anchor_idx].set(tboxes)
        smooth_pos = 1.0 - CLS_LABEL_SMOOTHING
        smooth_neg = CLS_LABEL_SMOOTHING / max(NUM_CLASSES - 1, 1)
        cls_targets = jnp.full((A, NUM_CLASSES), smooth_neg, dtype=jnp.float32)
        cls_targets = cls_targets.at[chosen_anchor_idx, tcls].set(smooth_pos)
        obj_weights = jnp.where(obj_targets > 0, 2.0, 0.5)
        obj_loss_sample = _bce_with_logits(obj_logits, obj_targets)
        obj_loss = obj_loss + jnp.mean(obj_loss_sample * obj_weights) * OBJ_WEIGHT
        pos_mask = obj_targets > 0
        cnt = jnp.sum(pos_mask).astype(jnp.float32)  # always > 0 here (T=20 targets)
        cls_loss_sample = _bce_with_logits(cls_logits, cls_targets) * pos_mask[:, None]
        cls_loss = cls_loss + (jnp.sum(cls_loss_sample) / (cnt * NUM_CLASSES)) * CLS_WEIGHT
        box_loss_sample = _smooth_l1(box_preds, box_targets) * pos_mask[:, None]
        box_loss = box_loss + (jnp.sum(box_loss_sample) / (cnt * 4)) * BOX_WEIGHT
    total_loss = total_loss + box_loss + cls_loss + obj_loss
    return (total_loss, box_loss, cls_loss, obj_loss)


def setup_inputs(seed: int = 0) -> dict:
    key = jax.random.key(seed)
    k1, k2 = jax.random.split(key)
    predictions = jax.random.normal(k1, (16, 8400, 27), dtype=jnp.float32)
    targets = jax.random.uniform(k2, (16, 20, 5), dtype=jnp.float32)
    return {"predictions": predictions, "targets": targets}


def reference(predictions, targets):
    return _forward(predictions, targets)

if __name__ == "__main__":
    import jax
    _d = setup_inputs()
    print(jax.jit(kernel)(*tuple(_d.values())))

</pallas_src>

<mosaic_0001>
#map = affine_map<(d0, d1) -> (0)>
module attributes {stable_mosaic.version = 14 : i64} {
  func.func @run(%arg0: i32, %arg1: i32, %arg2: memref<409600xf32, #tpu.memory_space<hbm>>, %arg3: memref<3628800xf32, #tpu.memory_space<hbm>>, %arg4: memref<46080xf32, #tpu.memory_space<hbm>>, %arg5: memref<5120xi32, #tpu.memory_space<hbm>>, %arg6: memref<5120xi32, #tpu.memory_space<hbm>>, %arg7: memref<25200xf32, #tpu.memory_space<vmem>>, %arg8: memref<4128xi32, #tpu.memory_space<vmem>>, %arg9: memref<4128xi32, #tpu.memory_space<vmem>>, %arg10: memref<352xi32, #tpu.memory_space<vmem>>, %arg11: memref<352xi32, #tpu.memory_space<vmem>>, %arg12: memref<2880xi32, #tpu.memory_space<vmem>>, %arg13: memref<2880xf32, #tpu.memory_space<vmem>>, %arg14: memref<8xi32, #tpu.memory_space<smem>>, %arg15: memref<!tpu.dma_semaphore, #tpu.memory_space<semaphore_mem>>) attributes {dimension_semantics = [#tpu.dimension_semantics<core_parallel>, #tpu.dimension_semantics<subcore_parallel>], iteration_bounds = array<i64: 2, 16>, scalar_prefetch = 0 : i64, scratch_operands = 9 : i64, tpu.core_type = #tpu.core_type<sc_vector_subcore>, window_params = [{transform_indices = #map}, {transform_indices = #map}, {transform_indices = #map}, {transform_indices = #map}, {transform_indices = #map}]} {
    %mul3A = arith.constant 2 : i32
    %mul3A_0 = arith.muli %arg1, %mul3A : i32
    %add3A = arith.addi %mul3A_0, %arg0 : i32
    %lt3A = arith.constant 16 : i32
    %lt3A_1 = arith.cmpi slt, %add3A, %lt3A : i32
    %convert_element_type3A = arith.extui %lt3A_1 : i1 to i32
    %cond3A = arith.constant 0 : i32
    %cond3A_2 = arith.cmpi ne, %convert_element_type3A, %cond3A : i32
    scf.if %cond3A_2 {
      %mul3A_3 = arith.constant 25600 : i32
      %mul3A_4 = arith.muli %add3A, %mul3A_3 : i32
      "tpu.region"() ({
        %run_scoped3A = tpu.sem_alloc : memref<!tpu.dma_semaphore, #tpu.memory_space<semaphore_mem>>
        %dma_start3A_1686 = tpu.memref_slice %arg2[%mul3A_4] : memref<409600xf32, #tpu.memory_space<hbm>> -> memref<25200xf32, #tpu.memory_space<hbm>>
        %dma_start3A_1687 = tpu.memref_slice %arg2[%mul3A_4] : memref<409600xf32, #tpu.memory_space<hbm>> -> memref<25200xf32, #tpu.memory_space<hbm>>
        tpu.enqueue_dma source(%dma_start3A_1687 : memref<25200xf32, #tpu.memory_space<hbm>>) target(%arg7 : memref<25200xf32, #tpu.memory_space<vmem>>) target_semaphore(%run_scoped3A : memref<!tpu.dma_semaphore, #tpu.memory_space<semaphore_mem>>)
        %dma_wait3A_1688 = tpu.memref_slice %arg2[%mul3A_4] : memref<409600xf32, #tpu.memory_space<hbm>> -> memref<25200xf32, #tpu.memory_space<hbm>>
        %dma_wait3A_1689 = tpu.memref_slice %arg2[%mul3A_4] : memref<409600xf32, #tpu.memory_space<hbm>> -> memref<25200xf32, #tpu.memory_space<hbm>>
        tpu.wait_dma2 semaphore(%run_scoped3A : memref<!tpu.dma_semaphore, #tpu.memory_space<semaphore_mem>>) src(%dma_wait3A_1689 : memref<25200xf32, #tpu.memory_space<hbm>>) dst(%arg7 : memref<25200xf32, #tpu.memory_space<vmem>>)
        tpu.yield
      }) : () -> ()
      %broadcast_in_dim3A = arith.constant 1 : i32
      %broadcast_in_dim3A_5 = vector.broadcast %broadcast_in_dim3A : i32 to vector<16xi32>
      %broadcast_in_dim3A_6 = arith.constant 0 : i32
      %broadcast_in_dim3A_7 = vector.broadcast %broadcast_in_dim3A_6 : i32 to vector<16xi32>
      %iota3A = tpu.iota {dimensions = array<i32: 0>} : vector<16xi32>
      %scan3A = arith.constant 0 : i32
      %scan3A_8 = arith.constant 1575 : i32
      %scan3A_9 = arith.addi %scan3A, %scan3A_8 : i32
      %scan3A_10 = arith.constant 1 : i32
      %scan3A_11:3 = scf.for %scan3A_1686 = %scan3A to %scan3A_9 step %scan3A_10 iter_args(%scan3A_1687 = %broadcast_in_dim3A_7, %scan3A_1688 = %broadcast_in_dim3A_7, %scan3A_1689 = %broadcast_in_dim3A_7) -> (vector<16xi32>, vector<16xi32>, vector<16xi32>)  : i32 {
        %mul3A_1690 = arith.constant 16 : i32
        %mul3A_1691 = arith.muli %scan3A_1686, %mul3A_1690 : i32
        %get3A_1692 = arith.index_cast %mul3A_1691 : i32 to index
        %get3A_1693 = tpu.vector_load %arg7[%get3A_1692] {strides = array<i32>} : memref<25200xf32, #tpu.memory_space<vmem>>, vector<16xf32>,
        %bitcast_convert_type3A = tpu.bitcast %get3A_1693 : vector<16xf32> -> vector<16xi32>
        %ge3A_1694 = arith.constant 0 : i32
        %ge3A_1695 = vector.broadcast %ge3A_1694 : i32 to vector<16xi32>
        %ge3A_1696 = arith.cmpi sge, %bitcast_convert_type3A, %ge3A_1695 : vector<16xi32>
        %xor3A_1697 = arith.constant 2147483647 : i32
        %xor3A_1698 = vector.broadcast %xor3A_1697 : i32 to vector<16xi32>
        %xor3A_1699 = arith.xori %bitcast_convert_type3A, %xor3A_1698 : vector<16xi32>
        %select_n3A_1700 = arith.select %ge3A_1696, %bitcast_convert_type3A, %xor3A_1699 : vector<16xi1>, vector<16xi32>
        %ge3A_1701 = arith.constant 0 : i32
        %ge3A_1702 = vector.broadcast %ge3A_1701 : i32 to vector<16xi32>
        %ge3A_1703 = arith.cmpi sge, %select_n3A_1700, %ge3A_1702 : vector<16xi32>
        %all_reduce_population_count3A = tpu.all_reduce %ge3A_1703 {dim = 0 : i64, kind = #tpu.reduction_kind<sum>} : vector<16xi1> -> vector<16xi32>
        %add3A_1704 = arith.addi %scan3A_1687, %all_reduce_population_count3A : vector<16xi32>
        %ge3A_1705 = arith.constant 1073741824 : i32
        %ge3A_1706 = vector.broadcast %ge3A_1705 : i32 to vector<16xi32>
        %ge3A_1707 = arith.cmpi sge, %select_n3A_1700, %ge3A_1706 : vector<16xi32>
        %all_reduce_population_count3A_1708 = tpu.all_reduce %ge3A_1707 {dim = 0 : i64, kind = #tpu.reduction_kind<sum>} : vector<16xi1> -> vector<16xi32>
        %add3A_1709 = arith.addi %scan3A_1688, %all_reduce_population_count3A_1708 : vector<16xi32>
        %ge3A_1710 = arith.constant -1073741824 : i32
        %ge3A_1711 = vector.broadcast %ge3A_1710 : i32 to vector<16xi32>
        %ge3A_1712 = arith.cmpi sge, %select_n3A_1700, %ge3A_1711 : vector<16xi32>
        %all_reduce_population_count3A_1713 = tpu.all_reduce %ge3A_1712 {dim = 0 : i64, kind = #tpu.reduction_kind<sum>} : vector<16xi1> -> vector<16xi32>
        %add3A_1714 = arith.addi %scan3A_1689, %all_reduce_population_count3A_1713 : vector<16xi32>
        scf.yield %add3A_1704, %add3A_1709, %add3A_1714 : vector<16xi32>, vector<16xi32>, vector<16xi32>
      }
      %scan3A_12 = arith.constant 1575 : i32
      %slice3A = vector.extract_strided_slice %scan3A_11#0 {offsets = [0], sizes = [1], strides = [1]} : vector<16xi32> to vector<1xi32>
      %squeeze3A = vector.extract %slice3A[0] : i32 from vector<1xi32>
      %ge3A = arith.constant 300 : i32
      %ge3A_13 = arith.cmpi sge, %squeeze3A, %ge3A : i32
      %jit3A = arith.constant -2147483648 : i32
      %jit3A_14 = arith.constant 0 : i32
      %select_n3A = arith.select %ge3A_13, %jit3A, %jit3A_14 : i32
      %ge3A_15 = arith.constant 300 : i32
      %ge3A_16 = arith.cmpi sge, %squeeze3A, %ge3A_15 : i32
      %jit3A_17 = arith.constant 25200 : i32
      %select_n3A_18 = arith.select %ge3A_16, %squeeze3A, %jit3A_17 : i32
      %ge3A_19 = arith.constant 300 : i32
      %ge3A_20 = arith.cmpi sge, %squeeze3A, %ge3A_19 : i32
      %slice3A_21 = vector.extract_strided_slice %scan3A_11#1 {offsets = [0], sizes = [1], strides = [1]} : vector<16xi32> to vector<1xi32>
      %squeeze3A_22 = vector.extract %slice3A_21[0] : i32 from vector<1xi32>
      %slice3A_23 = vector.extract_strided_slice %scan3A_11#2 {offsets = [0], sizes = [1], strides = [1]} : vector<16xi32> to vector<1xi32>
      %squeeze3A_24 = vector.extract %slice3A_23[0] : i32 from vector<1xi32>
      %select_n3A_25 = arith.select %ge3A_20, %squeeze3A_22, %squeeze3A_24 : i32
      %ge3A_26 = arith.constant 300 : i32
      %ge3A_27 = arith.cmpi sge, %select_n3A_25, %ge3A_26 : i32
      %or3A = arith.constant 1073741824 : i32
      %or3A_28 = arith.ori %select_n3A, %or3A : i32
      %select_n3A_29 = arith.select %ge3A_27, %or3A_28, %select_n3A : i32
      %swap3A = arith.constant 0 : i32
      %swap3A_30 = arith.index_cast %swap3A : i32 to index
      %swap3A_31 = memref.load %arg14[%swap3A_30] : memref<8xi32, #tpu.memory_space<smem>>
      memref.store %select_n3A_29, %arg14[%swap3A_30] : memref<8xi32, #tpu.memory_space<smem>>
      %swap3A_32 = arith.constant 0 : i32
      %swap3A_33 = arith.constant 1 : i32
      %swap3A_34 = arith.index_cast %swap3A_33 : i32 to index
      %swap3A_35 = memref.load %arg14[%swap3A_34] : memref<8xi32, #tpu.memory_space<smem>>
      memref.store %swap3A_32, %arg14[%swap3A_34] : memref<8xi32, #tpu.memory_space<smem>>
      %select_n3A_36 = arith.select %ge3A_27, %select_n3A_25, %select_n3A_18 : i32
      %swap3A_37 = arith.constant 2 : i32
      %swap3A_38 = arith.index_cast %swap3A_37 : i32 to index
      %swap3A_39 = memref.load %arg14[%swap3A_38] : memref<8xi32, #tpu.memory_space<smem>>
      memref.store %select_n3A_36, %arg14[%swap3A_38] : memref<8xi32, #tpu.memory_space<smem>>
      %get3A = arith.constant 2 : i32
      %get3A_40 = arith.index_cast %get3A : i32 to index
      %get3A_41 = memref.load %arg14[%get3A_40] : memref<8xi32, #tpu.memory_space<smem>>
      %le3A = arith.constant 4080 : i32
      %le3A_42 = arith.cmpi sle, %get3A_41, %le3A : i32
      %convert_element_type3A_43 = arith.extui %le3A_42 : i1 to i32
      %cond3A_44 = arith.constant 0 : i32
      %cond3A_45 = arith.cmpi ne, %convert_element_type3A_43, %cond3A_44 : i32
      scf.if %cond3A_45 {
        %get3A_1686 = arith.constant 0 : i32
        %get3A_1687 = arith.index_cast %get3A_1686 : i32 to index
        %get3A_1688 = memref.load %arg14[%get3A_1687] : memref<8xi32, #tpu.memory_space<smem>>
        %xor3A_1689 = arith.constant -2147483648 : i32
        %xor3A_1690 = arith.xori %get3A_1688, %xor3A_1689 : i32
        %broadcast_in_dim3A_1691 = arith.constant 4096 : i32
        %broadcast_in_dim3A_1692 = vector.broadcast %broadcast_in_dim3A_1691 : i32 to vector<16xi32>
        %broadcast_in_dim3A_1693 = arith.constant -2147483648 : i32
        %broadcast_in_dim3A_1694 = vector.broadcast %broadcast_in_dim3A_1693 : i32 to vector<16xi32>
        %scan3A_1695 = arith.constant 0 : i32
        %scan3A_1696 = arith.constant 1575 : i32
        %scan3A_1697 = arith.addi %scan3A_1695, %scan3A_1696 : i32
        %scan3A_1698 = arith.constant 1 : i32
        %scan3A_1699 = scf.for %scan3A_1713 = %scan3A_1695 to %scan3A_1697 step %scan3A_1698 iter_args(%scan3A_1714 = %broadcast_in_dim3A_7) -> (vector<16xi32>)  : i32 {
          %mul3A_1715 = arith.constant 16 : i32
          %mul3A_1716 = arith.muli %scan3A_1713, %mul3A_1715 : i32
          %get3A_1717 = arith.index_cast %mul3A_1716 : i32 to index
          %get3A_1718 = tpu.vector_load %arg7[%get3A_1717] {strides = array<i32>} : memref<25200xf32, #tpu.memory_space<vmem>>, vector<16xf32>,
          %bitcast_convert_type3A = tpu.bitcast %get3A_1718 : vector<16xf32> -> vector<16xi32>
          %ge3A_1719 = arith.constant 0 : i32
          %ge3A_1720 = vector.broadcast %ge3A_1719 : i32 to vector<16xi32>
          %ge3A_1721 = arith.cmpi sge, %bitcast_convert_type3A, %ge3A_1720 : vector<16xi32>
          %xor3A_1722 = arith.constant 2147483647 : i32
          %xor3A_1723 = vector.broadcast %xor3A_1722 : i32 to vector<16xi32>
          %xor3A_1724 = arith.xori %bitcast_convert_type3A, %xor3A_1723 : vector<16xi32>
          %select_n3A_1725 = arith.select %ge3A_1721, %bitcast_convert_type3A, %xor3A_1724 : vector<16xi1>, vector<16xi32>
          %ge3A_1726 = vector.broadcast %xor3A_1690 : i32 to vector<16xi32>
          %ge3A_1727 = arith.cmpi sge, %select_n3A_1725, %ge3A_1726 : vector<16xi32>
          %lt3A_1728 = arith.cmpi slt, %scan3A_1714, %broadcast_in_dim3A_1692 : vector<16xi32>
          %and3A_1729 = arith.andi %ge3A_1727, %lt3A_1728 : vector<16xi1>
          %select_n3A_1730 = arith.select %and3A_1729, %broadcast_in_dim3A_5, %broadcast_in_dim3A_7 : vector<16xi1>, vector<16xi32>
          %broadcast_in_dim3A_1731 = arith.constant true
          %broadcast_in_dim3A_1732 = vector.broadcast %broadcast_in_dim3A_1731 : i1 to vector<16xi1>
          %masked_cumsum3A = tpu.scan <sum>, %select_n3A_1730 masked %broadcast_in_dim3A_1732 : vector<16xi32>, vector<16xi1> -> vector<16xi32>
          %add3A_1733 = arith.addi %scan3A_1714, %masked_cumsum3A : vector<16xi32>
          %sub3A_1734 = arith.constant 1 : i32
          %sub3A_1735 = vector.broadcast %sub3A_1734 : i32 to vector<16xi32>
          %sub3A_1736 = arith.subi %add3A_1733, %sub3A_1735 : vector<16xi32>
          tpu.vector_store_idx %arg8[%sub3A_1736], %select_n3A_1725 masked %and3A_1729 : memref<4128xi32, #tpu.memory_space<vmem>>[vector<16xi32>], vector<16xi32>, vector<16xi1>
          %mul3A_1737 = arith.constant 16 : i32
          %mul3A_1738 = arith.muli %scan3A_1713, %mul3A_1737 : i32
          %add3A_1739 = vector.broadcast %mul3A_1738 : i32 to vector<16xi32>
          %add3A_1740 = arith.addi %add3A_1739, %iota3A : vector<16xi32>
          tpu.vector_store_idx %arg9[%sub3A_1736], %add3A_1740 masked %and3A_1729 : memref<4128xi32, #tpu.memory_space<vmem>>[vector<16xi32>], vector<16xi32>, vector<16xi1>
          %all_reduce_population_count3A = tpu.all_reduce %and3A_1729 {dim = 0 : i64, kind = #tpu.reduction_kind<sum>} : vector<16xi1> -> vector<16xi32>
          %add3A_1741 = arith.addi %scan3A_1714, %all_reduce_population_count3A : vector<16xi32>
          scf.yield %add3A_1741 : vector<16xi32>
        }
        %scan3A_1700 = arith.constant 1575 : i32
        %slice3A_1701 = vector.extract_strided_slice %scan3A_1699 {offsets = [0], sizes = [1], strides = [1]} : vector<16xi32> to vector<1xi32>
        %squeeze3A_1702 = vector.extract %slice3A_1701[0] : i32 from vector<1xi32>
        %min3A = arith.constant 4096 : i32
        %min3A_1703 = arith.minsi %squeeze3A_1702, %min3A : i32
        %add3A_1704 = vector.broadcast %min3A_1703 : i32 to vector<16xi32>
        %add3A_1705 = arith.addi %add3A_1704, %iota3A : vector<16xi32>
        tpu.vector_store_idx %arg8[%add3A_1705], %broadcast_in_dim3A_1694 : memref<4128xi32, #tpu.memory_space<vmem>>[vector<16xi32>], vector<16xi32>,
        %swap3A_1706 = arith.constant 3 : i32
        %swap3A_1707 = arith.index_cast %swap3A_1706 : i32 to index
        %swap3A_1708 = memref.load %arg14[%swap3A_1707] : memref<8xi32, #tpu.memory_space<smem>>
        memref.store %min3A_1703, %arg14[%swap3A_1707] : memref<8xi32, #tpu.memory_space<smem>>
        %swap3A_1709 = arith.constant 1 : i32
        %swap3A_1710 = arith.constant 1 : i32
        %swap3A_1711 = arith.index_cast %swap3A_1710 : i32 to index
        %swap3A_1712 = memref.load %arg14[%swap3A_1711] : memref<8xi32, #tpu.memory_space<smem>>
        memref.store %swap3A_1709, %arg14[%swap3A_1711] : memref<8xi32, #tpu.memory_space<smem>>
      } else {
      }
      %get3A_46 = arith.constant 1 : i32
      %get3A_47 = arith.index_cast %get3A_46 : i32 to index
      %get3A_48 = memref.load %arg14[%get3A_47] : memref<8xi32, #tpu.memory_space<smem>>
      %eq3A = arith.constant 0 : i32
      %eq3A_49 = arith.cmpi eq, %get3A_48, %eq3A : i32
      %convert_element_type3A_50 = arith.extui %eq3A_49 : i1 to i32
      %cond3A_51 = arith.constant 536870912 : i32
      %cond3A_52 = arith.constant 0 : i32
      %cond3A_53 = arith.cmpi ne, %convert_element_type3A_50, %cond3A_52 : i32
      scf.if %cond3A_53 {
        %get3A_1686 = arith.constant 0 : i32
        %get3A_1687 = arith.index_cast %get3A_1686 : i32 to index
        %get3A_1688 = memref.load %arg14[%get3A_1687] : memref<8xi32, #tpu.memory_space<smem>>
        %or3A_1689 = arith.ori %get3A_1688, %cond3A_51 : i32
        %xor3A_1690 = arith.constant -2147483648 : i32
        %xor3A_1691 = arith.xori %or3A_1689, %xor3A_1690 : i32
        %scan3A_1692 = arith.constant 0 : i32
        %scan3A_1693 = arith.constant 1575 : i32
        %scan3A_1694 = arith.addi %scan3A_1692, %scan3A_1693 : i32
        %scan3A_1695 = arith.constant 1 : i32
        %scan3A_1696 = scf.for %scan3A_1714 = %scan3A_1692 to %scan3A_1694 step %scan3A_1695 iter_args(%scan3A_1715 = %broadcast_in_dim3A_7) -> (vector<16xi32>)  : i32 {
          %mul3A_1716 = arith.constant 16 : i32
          %mul3A_1717 = arith.muli %scan3A_1714, %mul3A_1716 : i32
          %get3A_1718 = arith.index_cast %mul3A_1717 : i32 to index
          %get3A_1719 = tpu.vector_load %arg7[%get3A_1718] {strides = array<i32>} : memref<25200xf32, #tpu.memory_space<vmem>>, vector<16xf32>,
          %bitcast_convert_type3A = tpu.bitcast %get3A_1719 : vector<16xf32> -> vector<16xi32>
          %ge3A_1720 = arith.constant 0 : i32
          %ge3A_1721 = vector.broadcast %ge3A_1720 : i32 to vector<16xi32>
          %ge3A_1722 = arith.cmpi sge, %bitcast_convert_type3A, %ge3A_1721 : vector<16xi32>
          %xor3A_1723 = arith.constant 2147483647 : i32
          %xor3A_1724 = vector.broadcast %xor3A_1723 : i32 to vector<16xi32>
          %xor3A_1725 = arith.xori %bitcast_convert_type3A, %xor3A_1724 : vector<16xi32>
          %select_n3A_1726 = arith.select %ge3A_1722, %bitcast_convert_type3A, %xor3A_1725 : vector<16xi1>, vector<16xi32>
          %ge3A_1727 = vector.broadcast %xor3A_1691 : i32 to vector<16xi32>
          %ge3A_1728 = arith.cmpi sge, %select_n3A_1726, %ge3A_1727 : vector<16xi32>
          %all_reduce_population_count3A = tpu.all_reduce %ge3A_1728 {dim = 0 : i64, kind = #tpu.reduction_kind<sum>} : vector<16xi1> -> vector<16xi32>
          %add3A_1729 = arith.addi %scan3A_1715, %all_reduce_population_count3A : vector<16xi32>
          scf.yield %add3A_1729 : vector<16xi32>
        }
        %scan3A_1697 = arith.constant 1575 : i32
        %slice3A_1698 = vector.extract_strided_slice %scan3A_1696 {offsets = [0], sizes = [1], strides = [1]} : vector<16xi32> to vector<1xi32>
        %squeeze3A_1699 = vector.extract %slice3A_1698[0] : i32 from vector<1xi32>
        %ge3A_1700 = arith.constant 300 : i32
        %ge3A_1701 = arith.cmpi sge, %squeeze3A_1699, %ge3A_1700 : i32
        %or3A_1702 = arith.ori %get3A_1688, %cond3A_51 : i32
        %select_n3A_1703 = arith.select %ge3A_1701, %or3A_1702, %get3A_1688 : i32
        %swap3A_1704 = arith.constant 0 : i32
        %swap3A_1705 = arith.index_cast %swap3A_1704 : i32 to index
        %swap3A_1706 = memref.load %arg14[%swap3A_1705] : memref<8xi32, #tpu.memory_space<smem>>
        memref.store %select_n3A_1703, %arg14[%swap3A_1705] : memref<8xi32, #tpu.memory_space<smem>>
        %get3A_1707 = arith.constant 2 : i32
        %get3A_1708 = arith.index_cast %get3A_1707 : i32 to index
        %get3A_1709 = memref.load %arg14[%get3A_1708] : memref<8xi32, #tpu.memory_space<smem>>
        %select_n3A_1710 = arith.select %ge3A_1701, %squeeze3A_1699, %get3A_1709 : i32
        %swap3A_1711 = arith.constant 2 : i32
        %swap3A_1712 = arith.index_cast %swap3A_1711 : i32 to index
        %swap3A_1713 = memref.load %arg14[%swap3A_1712] : memref<8xi32, #tpu.memory_space<smem>>
        memref.store %select_n3A_1710, %arg14[%swap3A_1712] : memref<8xi32, #tpu.memory_space<smem>>
      } else {
      }
      %get3A_54 = arith.constant 1 : i32
      %get3A_55 = arith.index_cast %get3A_54 : i32 to index
      %get3A_56 = memref.load %arg14[%get3A_55] : memref<8xi32, #tpu.memory_space<smem>>
      %eq3A_57 = arith.constant 0 : i32
      %eq3A_58 = arith.cmpi eq, %get3A_56, %eq3A_57 : i32
      %get3A_59 = arith.constant 2 : i32
      %get3A_60 = arith.index_cast %get3A_59 : i32 to index
      %get3A_61 = memref.load %arg14[%get3A_60] : memref<8xi32, #tpu.memory_space<smem>>
      %le3A_62 = arith.constant 4080 : i32
      %le3A_63 = arith.cmpi sle, %get3A_61, %le3A_62 : i32
      %and3A = arith.andi %eq3A_58, %le3A_63 : i1
      %convert_element_type3A_64 = arith.extui %and3A : i1 to i32
      %cond3A_65 = arith.constant 0 : i32
      %cond3A_66 = arith.cmpi ne, %convert_element_type3A_64, %cond3A_65 : i32
      scf.if %cond3A_66 {
        %get3A_1686 = arith.constant 0 : i32
        %get3A_1687 = arith.index_cast %get3A_1686 : i32 to index
        %get3A_1688 = memref.load %arg14[%get3A_1687] : memref<8xi32, #tpu.memory_space<smem>>
        %xor3A_1689 = arith.constant -2147483648 : i32
        %xor3A_1690 = arith.xori %get3A_1688, %xor3A_1689 : i32
        %broadcast_in_dim3A_1691 = arith.constant 4096 : i32
        %broadcast_in_dim3A_1692 = vector.broadcast %broadcast_in_dim3A_1691 : i32 to vector<16xi32>
        %broadcast_in_dim3A_1693 = arith.constant -2147483648 : i32
        %broadcast_in_dim3A_1694 = vector.broadcast %broadcast_in_dim3A_1693 : i32 to vector<16xi32>
        %scan3A_1695 = arith.constant 0 : i32
        %scan3A_1696 = arith.constant 1575 : i32
        %scan3A_1697 = arith.addi %scan3A_1695, %scan3A_1696 : i32
        %scan3A_1698 = arith.constant 1 : i32
        %scan3A_1699 = scf.for %scan3A_1713 = %scan3A_1695 to %scan3A_1697 step %scan3A_1698 iter_args(%scan3A_1714 = %broadcast_in_dim3A_7) -> (vector<16xi32>)  : i32 {
          %mul3A_1715 = arith.constant 16 : i32
          %mul3A_1716 = arith.muli %scan3A_1713, %mul3A_1715 : i32
          %get3A_1717 = arith.index_cast %mul3A_1716 : i32 to index
          %get3A_1718 = tpu.vector_load %arg7[%get3A_1717] {strides = array<i32>} : memref<25200xf32, #tpu.memory_space<vmem>>, vector<16xf32>,
          %bitcast_convert_type3A = tpu.bitcast %get3A_1718 : vector<16xf32> -> vector<16xi32>
          %ge3A_1719 = arith.constant 0 : i32
          %ge3A_1720 = vector.broadcast %ge3A_1719 : i32 to vector<16xi32>
          %ge3A_1721 = arith.cmpi sge, %bitcast_convert_type3A, %ge3A_1720 : vector<16xi32>
          %xor3A_1722 = arith.constant 2147483647 : i32
          %xor3A_1723 = vector.broadcast %xor3A_1722 : i32 to vector<16xi32>
          %xor3A_1724 = arith.xori %bitcast_convert_type3A, %xor3A_1723 : vector<16xi32>
          %select_n3A_1725 = arith.select %ge3A_1721, %bitcast_convert_type3A, %xor3A_1724 : vector<16xi1>, vector<16xi32>
          %ge3A_1726 = vector.broadcast %xor3A_1690 : i32 to vector<16xi32>
          %ge3A_1727 = arith.cmpi sge, %select_n3A_1725, %ge3A_1726 : vector<16xi32>
          %lt3A_1728 = arith.cmpi slt, %scan3A_1714, %broadcast_in_dim3A_1692 : vector<16xi32>
          %and3A_1729 = arith.andi %ge3A_1727, %lt3A_1728 : vector<16xi1>
          %select_n3A_1730 = arith.select %and3A_1729, %broadcast_in_dim3A_5, %broadcast_in_dim3A_7 : vector<16xi1>, vector<16xi32>
          %broadcast_in_dim3A_1731 = arith.constant true
          %broadcast_in_dim3A_1732 = vector.broadcast %broadcast_in_dim3A_1731 : i1 to vector<16xi1>
          %masked_cumsum3A = tpu.scan <sum>, %select_n3A_1730 masked %broadcast_in_dim3A_1732 : vector<16xi32>, vector<16xi1> -> vector<16xi32>
          %add3A_1733 = arith.addi %scan3A_1714, %masked_cumsum3A : vector<16xi32>
          %sub3A_1734 = arith.constant 1 : i32
          %sub3A_1735 = vector.broadcast %sub3A_1734 : i32 to vector<16xi32>
          %sub3A_1736 = arith.subi %add3A_1733, %sub3A_1735 : vector<16xi32>
          tpu.vector_store_idx %arg8[%sub3A_1736], %select_n3A_1725 masked %and3A_1729 : memref<4128xi32, #tpu.memory_space<vmem>>[vector<16xi32>], vector<16xi32>, vector<16xi1>
          %mul3A_1737 = arith.constant 16 : i32
          %mul3A_1738 = arith.muli %scan3A_1713, %mul3A_1737 : i32
          %add3A_1739 = vector.broadcast %mul3A_1738 : i32 to vector<16xi32>
          %add3A_1740 = arith.addi %add3A_1739, %iota3A : vector<16xi32>
          tpu.vector_store_idx %arg9[%sub3A_1736], %add3A_1740 masked %and3A_1729 : memref<4128xi32, #tpu.memory_space<vmem>>[vector<16xi32>], vector<16xi32>, vector<16xi1>
          %all_reduce_population_count3A = tpu.all_reduce %and3A_1729 {dim = 0 : i64, kind = #tpu.reduction_kind<sum>} : vector<16xi1> -> vector<16xi32>
          %add3A_1741 = arith.addi %scan3A_1714, %all_reduce_population_count3A : vector<16xi32>
          scf.yield %add3A_1741 : vector<16xi32>
        }
        %scan3A_1700 = arith.constant 1575 : i32
        %slice3A_1701 = vector.extract_strided_slice %scan3A_1699 {offsets = [0], sizes = [1], strides = [1]} : vector<16xi32> to vector<1xi32>
        %squeeze3A_1702 = vector.extract %slice3A_1701[0] : i32 from vector<1xi32>
        %min3A = arith.constant 4096 : i32
        %min3A_1703 = arith.minsi %squeeze3A_1702, %min3A : i32
        %add3A_1704 = vector.broadcast %min3A_1703 : i32 to vector<16xi32>
        %add3A_1705 = arith.addi %add3A_1704, %iota3A : vector<16xi32>
        tpu.vector_store_idx %arg8[%add3A_1705], %broadcast_in_dim3A_1694 : memref<4128xi32, #tpu.memory_space<vmem>>[vector<16xi32>], vector<16xi32>,
        %swap3A_1706 = arith.constant 3 : i32
        %swap3A_1707 = arith.index_cast %swap3A_1706 : i32 to index
        %swap3A_1708 = memref.load %arg14[%swap3A_1707] : memref<8xi32, #tpu.memory_space<smem>>
        memref.store %min3A_1703, %arg14[%swap3A_1707] : memref<8xi32, #tpu.memory_space<smem>>
        %swap3A_1709 = arith.constant 1 : i32
        %swap3A_1710 = arith.constant 1 : i32
        %swap3A_1711 = arith.index_cast %swap3A_1710 : i32 to index
        %swap3A_1712 = memref.load %arg14[%swap3A_1711] : memref<8xi32, #tpu.memory_space<smem>>
        memref.store %swap3A_1709, %arg14[%swap3A_1711] : memref<8xi32, #tpu.memory_space<smem>>
      } else {
      }
      %get3A_67 = arith.constant 1 : i32
      %get3A_68 = arith.index_cast %get3A_67 : i32 to index
      %get3A_69 = memref.load %arg14[%get3A_68] : memref<8xi32, #tpu.memory_space<smem>>
      %eq3A_70 = arith.constant 0 : i32
      %eq3A_71 = arith.cmpi eq, %get3A_69, %eq3A_70 : i32
      %convert_element_type3A_72 = arith.extui %eq3A_71 : i1 to i32
      %cond3A_73 = arith.constant 268435456 : i32
      %cond3A_74 = arith.constant 0 : i32
      %cond3A_75 = arith.cmpi ne, %convert_element_type3A_72, %cond3A_74 : i32
      scf.if %cond3A_75 {
        %get3A_1686 = arith.constant 0 : i32
        %get3A_1687 = arith.index_cast %get3A_1686 : i32 to index
        %get3A_1688 = memref.load %arg14[%get3A_1687] : memref<8xi32, #tpu.memory_space<smem>>
        %or3A_1689 = arith.ori %get3A_1688, %cond3A_73 : i32
        %xor3A_1690 = arith.constant -2147483648 : i32
        %xor3A_1691 = arith.xori %or3A_1689, %xor3A_1690 : i32
        %scan3A_1692 = arith.constant 0 : i32
        %scan3A_1693 = arith.constant 1575 : i32
        %scan3A_1694 = arith.addi %scan3A_1692, %scan3A_1693 : i32
        %scan3A_1695 = arith.constant 1 : i32
        %scan3A_1696 = scf.for %scan3A_1714 = %scan3A_1692 to %scan3A_1694 step %scan3A_1695 iter_args(%scan3A_1715 = %broadcast_in_dim3A_7) -> (vector<16xi32>)  : i32 {
          %mul3A_1716 = arith.constant 16 : i32
          %mul3A_1717 = arith.muli %scan3A_1714, %mul3A_1716 : i32
          %get3A_1718 = arith.index_cast %mul3A_1717 : i32 to index
          %get3A_1719 = tpu.vector_load %arg7[%get3A_1718] {strides = array<i32>} : memref<25200xf32, #tpu.memory_space<vmem>>, vector<16xf32>,
          %bitcast_convert_type3A = tpu.bitcast %get3A_1719 : vector<16xf32> -> vector<16xi32>
          %ge3A_1720 = arith.constant 0 : i32
          %ge3A_1721 = vector.broadcast %ge3A_1720 : i32 to vector<16xi32>
          %ge3A_1722 = arith.cmpi sge, %bitcast_convert_type3A, %ge3A_1721 : vector<16xi32>
          %xor3A_1723 = arith.constant 2147483647 : i32
          %xor3A_1724 = vector.broadcast %xor3A_1723 : i32 to vector<16xi32>
          %xor3A_1725 = arith.xori %bitcast_convert_type3A, %xor3A_1724 : vector<16xi32>
          %select_n3A_1726 = arith.select %ge3A_1722, %bitcast_convert_type3A, %xor3A_1725 : vector<16xi1>, vector<16xi32>
          %ge3A_1727 = vector.broadcast %xor3A_1691 : i32 to vector<16xi32>
          %ge3A_1728 = arith.cmpi sge, %select_n3A_1726, %ge3A_1727 : vector<16xi32>
          %all_reduce_population_count3A = tpu.all_reduce %ge3A_1728 {dim = 0 : i64, kind = #tpu.reduction_kind<sum>} : vector<16xi1> -> vector<16xi32>
          %add3A_1729 = arith.addi %scan3A_1715, %all_reduce_population_count3A : vector<16xi32>
          scf.yield %add3A_1729 : vector<16xi32>
        }
        %scan3A_1697 = arith.constant 1575 : i32
        %slice3A_1698 = vector.extract_strided_slice %scan3A_1696 {offsets = [0], sizes = [1], strides = [1]} : vector<16xi32> to vector<1xi32>
        %squeeze3A_1699 = vector.extract %slice3A_1698[0] : i32 from vector<1xi32>
        %ge3A_1700 = arith.constant 300 : i32
        %ge3A_1701 = arith.cmpi sge, %squeeze3A_1699, %ge3A_1700 : i32
        %or3A_1702 = arith.ori %get3A_1688, %cond3A_73 : i32
        %select_n3A_1703 = arith.select %ge3A_1701, %or3A_1702, %get3A_1688 : i32
        %swap3A_1704 = arith.constant 0 : i32
        %swap3A_1705 = arith.index_cast %swap3A_1704 : i32 to index
        %swap3A_1706 = memref.load %arg14[%swap3A_1705] : memref<8xi32, #tpu.memory_space<smem>>
        memref.store %select_n3A_1703, %arg14[%swap3A_1705] : memref<8xi32, #tpu.memory_space<smem>>
        %get3A_1707 = arith.constant 2 : i32
        %get3A_1708 = arith.index_cast %get3A_1707 : i32 to index
        %get3A_1709 = memref.load %arg14[%get3A_1708] : memref<8xi32, #tpu.memory_space<smem>>
        %select_n3A_1710 = arith.select %ge3A_1701, %squeeze3A_1699, %get3A_1709 : i32
        %swap3A_1711 = arith.constant 2 : i32
        %swap3A_1712 = arith.index_cast %swap3A_1711 : i32 to index
        %swap3A_1713 = memref.load %arg14[%swap3A_1712] : memref<8xi32, #tpu.memory_space<smem>>
        memref.store %select_n3A_1710, %arg14[%swap3A_1712] : memref<8xi32, #tpu.memory_space<smem>>
      } else {
      }
      %get3A_76 = arith.constant 1 : i32
      %get3A_77 = arith.index_cast %get3A_76 : i32 to index
      %get3A_78 = memref.load %arg14[%get3A_77] : memref<8xi32, #tpu.memory_space<smem>>
      %eq3A_79 = arith.constant 0 : i32
      %eq3A_80 = arith.cmpi eq, %get3A_78, %eq3A_79 : i32
      %get3A_81 = arith.constant 2 : i32
      %get3A_82 = arith.index_cast %get3A_81 : i32 to index
      %get3A_83 = memref.load %arg14[%get3A_82] : memref<8xi32, #tpu.memory_space<smem>>
      %le3A_84 = arith.constant 4080 : i32
      %le3A_85 = arith.cmpi sle, %get3A_83, %le3A_84 : i32
      %and3A_86 = arith.andi %eq3A_80, %le3A_85 : i1
      %convert_element_type3A_87 = arith.extui %and3A_86 : i1 to i32
      %cond3A_88 = arith.constant 0 : i32
      %cond3A_89 = arith.cmpi ne, %convert_element_type3A_87, %cond3A_88 : i32
      scf.if %cond3A_89 {
        %get3A_1686 = arith.constant 0 : i32
        %get3A_1687 = arith.index_cast %get3A_1686 : i32 to index
        %get3A_1688 = memref.load %arg14[%get3A_1687] : memref<8xi32, #tpu.memory_space<smem>>
        %xor3A_1689 = arith.constant -2147483648 : i32
        %xor3A_1690 = arith.xori %get3A_1688, %xor3A_1689 : i32
        %broadcast_in_dim3A_1691 = arith.constant 4096 : i32
        %broadcast_in_dim3A_1692 = vector.broadcast %broadcast_in_dim3A_1691 : i32 to vector<16xi32>
        %broadcast_in_dim3A_1693 = arith.constant -2147483648 : i32
        %broadcast_in_dim3A_1694 = vector.broadcast %broadcast_in_dim3A_1693 : i32 to vector<16xi32>
        %scan3A_1695 = arith.constant 0 : i32
        %scan3A_1696 = arith.constant 1575 : i32
        %scan3A_1697 = arith.addi %scan3A_1695, %scan3A_1696 : i32
        %scan3A_1698 = arith.constant 1 : i32
        %scan3A_1699 = scf.for %scan3A_1713 = %scan3A_1695 to %scan3A_1697 step %scan3A_1698 iter_args(%scan3A_1714 = %broadcast_in_dim3A_7) -> (vector<16xi32>)  : i32 {
          %mul3A_1715 = arith.constant 16 : i32
          %mul3A_1716 = arith.muli %scan3A_1713, %mul3A_1715 : i32
          %get3A_1717 = arith.index_cast %mul3A_1716 : i32 to index
          %get3A_1718 = tpu.vector_load %arg7[%get3A_1717] {strides = array<i32>} : memref<25200xf32, #tpu.memory_space<vmem>>, vector<16xf32>,
          %bitcast_convert_type3A = tpu.bitcast %get3A_1718 : vector<16xf32> -> vector<16xi32>
          %ge3A_1719 = arith.constant 0 : i32
          %ge3A_1720 = vector.broadcast %ge3A_1719 : i32 to vector<16xi32>
          %ge3A_1721 = arith.cmpi sge, %bitcast_convert_type3A, %ge3A_1720 : vector<16xi32>
          %xor3A_1722 = arith.constant 2147483647 : i32
          %xor3A_1723 = vector.broadcast %xor3A_1722 : i32 to vector<16xi32>
          %xor3A_1724 = arith.xori %bitcast_convert_type3A, %xor3A_1723 : vector<16xi32>
          %select_n3A_1725 = arith.select %ge3A_1721, %bitcast_convert_type3A, %xor3A_1724 : vector<16xi1>, vector<16xi32>
          %ge3A_1726 = vector.broadcast %xor3A_1690 : i32 to vector<16xi32>
          %ge3A_1727 = arith.cmpi sge, %select_n3A_1725, %ge3A_1726 : vector<16xi32>
          %lt3A_1728 = arith.cmpi slt, %scan3A_1714, %broadcast_in_dim3A_1692 : vector<16xi32>
          %and3A_1729 = arith.andi %ge3A_1727, %lt3A_1728 : vector<16xi1>
          %select_n3A_1730 = arith.select %and3A_1729, %broadcast_in_dim3A_5, %broadcast_in_dim3A_7 : vector<16xi1>, vector<16xi32>
          %broadcast_in_dim3A_1731 = arith.constant true
          %broadcast_in_dim3A_1732 = vector.broadcast %broadcast_in_dim3A_1731 : i1 to vector<16xi1>
          %masked_cumsum3A = tpu.scan <sum>, %select_n3A_1730 masked %broadcast_in_dim3A_1732 : vector<16xi32>, vector<16xi1> -> vector<16xi32>
          %add3A_1733 = arith.addi %scan3A_1714, %masked_cumsum3A : vector<16xi32>
          %sub3A_1734 = arith.constant 1 : i32
          %sub3A_1735 = vector.broadcast %sub3A_1734 : i32 to vector<16xi32>
          %sub3A_1736 = arith.subi %add3A_1733, %sub3A_1735 : vector<16xi32>
          tpu.vector_store_idx %arg8[%sub3A_1736], %select_n3A_1725 masked %and3A_1729 : memref<4128xi32, #tpu.memory_space<vmem>>[vector<16xi32>], vector<16xi32>, vector<16xi1>
          %mul3A_1737 = arith.constant 16 : i32
          %mul3A_1738 = arith.muli %scan3A_1713, %mul3A_1737 : i32
          %add3A_1739 = vector.broadcast %mul3A_1738 : i32 to vector<16xi32>
          %add3A_1740 = arith.addi %add3A_1739, %iota3A : vector<16xi32>
          tpu.vector_store_idx %arg9[%sub3A_1736], %add3A_1740 masked %and3A_1729 : memref<4128xi32, #tpu.memory_space<vmem>>[vector<16xi32>], vector<16xi32>, vector<16xi1>
          %all_reduce_population_count3A = tpu.all_reduce %and3A_1729 {dim = 0 : i64, kind = #tpu.reduction_kind<sum>} : vector<16xi1> -> vector<16xi32>
          %add3A_1741 = arith.addi %scan3A_1714, %all_reduce_population_count3A : vector<16xi32>
          scf.yield %add3A_1741 : vector<16xi32>
        }
        %scan3A_1700 = arith.constant 1575 : i32
        %slice3A_1701 = vector.extract_strided_slice %scan3A_1699 {offsets = [0], sizes = [1], strides = [1]} : vector<16xi32> to vector<1xi32>
        %squeeze3A_1702 = vector.extract %slice3A_1701[0] : i32 from vector<1xi32>
        %min3A = arith.constant 4096 : i32
        %min3A_1703 = arith.minsi %squeeze3A_1702, %min3A : i32
        %add3A_1704 = vector.broadcast %min3A_1703 : i32 to vector<16xi32>
        %add3A_1705 = arith.addi %add3A_1704, %iota3A : vector<16xi32>
        tpu.vector_store_idx %arg8[%add3A_1705], %broadcast_in_dim3A_1694 : memref<4128xi32, #tpu.memory_space<vmem>>[vector<16xi32>], vector<16xi32>,
        %swap3A_1706 = arith.constant 3 : i32
        %swap3A_1707 = arith.index_cast %swap3A_1706 : i32 to index
        %swap3A_1708 = memref.load %arg14[%swap3A_1707] : memref<8xi32, #tpu.memory_space<smem>>
        memref.store %min3A_1703, %arg14[%swap3A_1707] : memref<8xi32, #tpu.memory_space<smem>>
        %swap3A_1709 = arith.constant 1 : i32
        %swap3A_1710 = arith.constant 1 : i32
        %swap3A_1711 = arith.index_cast %swap3A_1710 : i32 to index
        %swap3A_1712 = memref.load %arg14[%swap3A_1711] : memref<8xi32, #tpu.memory_space<smem>>
        memref.store %swap3A_1709, %arg14[%swap3A_1711] : memref<8xi32, #tpu.memory_space<smem>>
      } else {
      }
      %get3A_90 = arith.constant 1 : i32
      %get3A_91 = arith.index_cast %get3A_90 : i32 to index
      %get3A_92 = memref.load %arg14[%get3A_91] : memref<8xi32, #tpu.memory_space<smem>>
      %eq3A_93 = arith.constant 0 : i32
      %eq3A_94 = arith.cmpi eq, %get3A_92, %eq3A_93 : i32
      %convert_element_type3A_95 = arith.extui %eq3A_94 : i1 to i32
      %cond3A_96 = arith.constant 134217728 : i32
      %cond3A_97 = arith.constant 0 : i32
      %cond3A_98 = arith.cmpi ne, %convert_element_type3A_95, %cond3A_97 : i32
      scf.if %cond3A_98 {
        %get3A_1686 = arith.constant 0 : i32
        %get3A_1687 = arith.index_cast %get3A_1686 : i32 to index
        %get3A_1688 = memref.load %arg14[%get3A_1687] : memref<8xi32, #tpu.memory_space<smem>>
        %or3A_1689 = arith.ori %get3A_1688, %cond3A_96 : i32
        %xor3A_1690 = arith.constant -2147483648 : i32
        %xor3A_1691 = arith.xori %or3A_1689, %xor3A_1690 : i32
        %scan3A_1692 = arith.constant 0 : i32
        %scan3A_1693 = arith.constant 1575 : i32
        %scan3A_1694 = arith.addi %scan3A_1692, %scan3A_1693 : i32
        %scan3A_1695 = arith.constant 1 : i32
        %scan3A_1696 = scf.for %scan3A_1714 = %scan3A_1692 to %scan3A_1694 step %scan3A_1695 iter_args(%scan3A_1715 = %broadcast_in_dim3A_7) -> (vector<16xi32>)  : i32 {
          %mul3A_1716 = arith.constant 16 : i32
          %mul3A_1717 = arith.muli %scan3A_1714, %mul3A_1716 : i32
          %get3A_1718 = arith.index_cast %mul3A_1717 : i32 to index
          %get3A_1719 = tpu.vector_load %arg7[%get3A_1718] {strides = array<i32>} : memref<25200xf32, #tpu.memory_space<vmem>>, vector<16xf32>,
          %bitcast_convert_type3A = tpu.bitcast %get3A_1719 : vector<16xf32> -> vector<16xi32>
          %ge3A_1720 = arith.constant 0 : i32
          %ge3A_1721 = vector.broadcast %ge3A_1720 : i32 to vector<16xi32>
          %ge3A_1722 = arith.cmpi sge, %bitcast_convert_type3A, %ge3A_1721 : vector<16xi32>
          %xor3A_1723 = arith.constant 2147483647 : i32
          %xor3A_1724 = vector.broadcast %xor3A_1723 : i32 to vector<16xi32>
          %xor3A_1725 = arith.xori %bitcast_convert_type3A, %xor3A_1724 : vector<16xi32>
          %select_n3A_1726 = arith.select %ge3A_1722, %bitcast_convert_type3A, %xor3A_1725 : vector<16xi1>, vector<16xi32>
          %ge3A_1727 = vector.broadcast %xor3A_1691 : i32 to vector<16xi32>
          %ge3A_1728 = arith.cmpi sge, %select_n3A_1726, %ge3A_1727 : vector<16xi32>
          %all_reduce_population_count3A = tpu.all_reduce %ge3A_1728 {dim = 0 : i64, kind = #tpu.reduction_kind<sum>} : vector<16xi1> -> vector<16xi32>
          %add3A_1729 = arith.addi %scan3A_1715, %all_reduce_population_count3A : vector<16xi32>
          scf.yield %add3A_1729 : vector<16xi32>
        }
        %scan3A_1697 = arith.constant 1575 : i32
        %slice3A_1698 = vector.extract_strided_slice %scan3A_1696 {offsets = [0], sizes = [1], strides = [1]} : vector<16xi32> to vector<1xi32>
        %squeeze3A_1699 = vector.extract %slice3A_1698[0] : i32 from vector<1xi32>
        %ge3A_1700 = arith.constant 300 : i32
        %ge3A_1701 = arith.cmpi sge, %squeeze3A_1699, %ge3A_1700 : i32
        %or3A_1702 = arith.ori %get3A_1688, %cond3A_96 : i32
        %select_n3A_1703 = arith.select %ge3A_1701, %or3A_1702, %get3A_1688 : i32
        %swap3A_1704 = arith.constant 0 : i32
        %swap3A_1705 = arith.index_cast %swap3A_1704 : i32 to index
        %swap3A_1706 = memref.load %arg14[%swap3A_1705] : memref<8xi32, #tpu.memory_space<smem>>
        memref.store %select_n3A_1703, %arg14[%swap3A_1705] : memref<8xi32, #tpu.memory_space<smem>>
        %get3A_1707 = arith.constant 2 : i32
        %get3A_1708 = arith.index_cast %get3A_1707 : i32 to index
        %get3A_1709 = memref.load %arg14[%get3A_1708] : memref<8xi32, #tpu.memory_space<smem>>
        %select_n3A_1710 = arith.select %ge3A_1701, %squeeze3A_1699, %get3A_1709 : i32
        %swap3A_1711 = arith.constant 2 : i32
        %swap3A_1712 = arith.index_cast %swap3A_1711 : i32 to index
        %swap3A_1713 = memref.load %arg14[%swap3A_1712] : memref<8xi32, #tpu.memory_space<smem>>
        memref.store %select_n3A_1710, %arg14[%swap3A_1712] : memref<8xi32, #tpu.memory_space<smem>>
      } else {
      }
      %get3A_99 = arith.constant 1 : i32
      %get3A_100 = arith.index_cast %get3A_99 : i32 to index
      %get3A_101 = memref.load %arg14[%get3A_100] : memref<8xi32, #tpu.memory_space<smem>>
      %eq3A_102 = arith.constant 0 : i32
      %eq3A_103 = arith.cmpi eq, %get3A_101, %eq3A_102 : i32
      %get3A_104 = arith.constant 2 : i32
      %get3A_105 = arith.index_cast %get3A_104 : i32 to index
      %get3A_106 = memref.load %arg14[%get3A_105] : memref<8xi32, #tpu.memory_space<smem>>
      %le3A_107 = arith.constant 4080 : i32
      %le3A_108 = arith.cmpi sle, %get3A_106, %le3A_107 : i32
      %and3A_109 = arith.andi %eq3A_103, %le3A_108 : i1
      %convert_element_type3A_110 = arith.extui %and3A_109 : i1 to i32
      %cond3A_111 = arith.constant 0 : i32
      %cond3A_112 = arith.cmpi ne, %convert_element_type3A_110, %cond3A_111 : i32
      scf.if %cond3A_112 {
        %get3A_1686 = arith.constant 0 : i32
        %get3A_1687 = arith.index_cast %get3A_1686 : i32 to index
        %get3A_1688 = memref.load %arg14[%get3A_1687] : memref<8xi32, #tpu.memory_space<smem>>
        %xor3A_1689 = arith.constant -2147483648 : i32
        %xor3A_1690 = arith.xori %get3A_1688, %xor3A_1689 : i32
        %broadcast_in_dim3A_1691 = arith.constant 4096 : i32
        %broadcast_in_dim3A_1692 = vector.broadcast %broadcast_in_dim3A_1691 : i32 to vector<16xi32>
        %broadcast_in_dim3A_1693 = arith.constant -2147483648 : i32
        %broadcast_in_dim3A_1694 = vector.broadcast %broadcast_in_dim3A_1693 : i32 to vector<16xi32>
        %scan3A_1695 = arith.constant 0 : i32
        %scan3A_1696 = arith.constant 1575 : i32
        %scan3A_1697 = arith.addi %scan3A_1695, %scan3A_1696 : i32
        %scan3A_1698 = arith.constant 1 : i32
        %scan3A_1699 = scf.for %scan3A_1713 = %scan3A_1695 to %scan3A_1697 step %scan3A_1698 iter_args(%scan3A_1714 = %broadcast_in_dim3A_7) -> (vector<16xi32>)  : i32 {
          %mul3A_1715 = arith.constant 16 : i32
          %mul3A_1716 = arith.muli %scan3A_1713, %mul3A_1715 : i32
          %get3A_1717 = arith.index_cast %mul3A_1716 : i32 to index
          %get3A_1718 = tpu.vector_load %arg7[%get3A_1717] {strides = array<i32>} : memref<25200xf32, #tpu.memory_space<vmem>>, vector<16xf32>,
          %bitcast_convert_type3A = tpu.bitcast %get3A_1718 : vector<16xf32> -> vector<16xi32>
          %ge3A_1719 = arith.constant 0 : i32
          %ge3A_1720 = vector.broadcast %ge3A_1719 : i32 to vector<16xi32>
          %ge3A_1721 = arith.cmpi sge, %bitcast_convert_type3A, %ge3A_1720 : vector<16xi32>
          %xor3A_1722 = arith.constant 2147483647 : i32
          %xor3A_1723 = vector.broadcast %xor3A_1722 : i32 to vector<16xi32>
          %xor3A_1724 = arith.xori %bitcast_convert_type3A, %xor3A_1723 : vector<16xi32>
          %select_n3A_1725 = arith.select %ge3A_1721, %bitcast_convert_type3A, %xor3A_1724 : vector<16xi1>, vector<16xi32>
          %ge3A_1726 = vector.broadcast %xor3A_1690 : i32 to vector<16xi32>
          %ge3A_1727 = arith.cmpi sge, %select_n3A_1725, %ge3A_1726 : vector<16xi32>
          %lt3A_1728 = arith.cmpi slt, %scan3A_1714, %broadcast_in_dim3A_1692 : vector<16xi32>
          %and3A_1729 = arith.andi %ge3A_1727, %lt3A_1728 : vector<16xi1>
          %select_n3A_1730 = arith.select %and3A_1729, %broadcast_in_dim3A_5, %broadcast_in_dim3A_7 : vector<16xi1>, vector<16xi32>
          %broadcast_in_dim3A_1731 = arith.constant true
          %broadcast_in_dim3A_1732 = vector.broadcast %broadcast_in_dim3A_1731 : i1 to vector<16xi1>
          %masked_cumsum3A = tpu.scan <sum>, %select_n3A_1730 masked %broadcast_in_dim3A_1732 : vector<16xi32>, vector<16xi1> -> vector<16xi32>
          %add3A_1733 = arith.addi %scan3A_1714, %masked_cumsum3A : vector<16xi32>
          %sub3A_1734 = arith.constant 1 : i32
          %sub3A_1735 = vector.broadcast %sub3A_1734 : i32 to vector<16xi32>
          %sub3A_1736 = arith.subi %add3A_1733, %sub3A_1735 : vector<16xi32>
          tpu.vector_store_idx %arg8[%sub3A_1736], %select_n3A_1725 masked %and3A_1729 : memref<4128xi32, #tpu.memory_space<vmem>>[vector<16xi32>], vector<16xi32>, vector<16xi1>
          %mul3A_1737 = arith.constant 16 : i32
          %mul3A_1738 = arith.muli %scan3A_1713, %mul3A_1737 : i32
          %add3A_1739 = vector.broadcast %mul3A_1738 : i32 to vector<16xi32>
          %add3A_1740 = arith.addi %add3A_1739, %iota3A : vector<16xi32>
          tpu.vector_store_idx %arg9[%sub3A_1736], %add3A_1740 masked %and3A_1729 : memref<4128xi32, #tpu.memory_space<vmem>>[vector<16xi32>], vector<16xi32>, vector<16xi1>
          %all_reduce_population_count3A = tpu.all_reduce %and3A_1729 {dim = 0 : i64, kind = #tpu.reduction_kind<sum>} : vector<16xi1> -> vector<16xi32>
          %add3A_1741 = arith.addi %scan3A_1714, %all_reduce_population_count3A : vector<16xi32>
          scf.yield %add3A_1741 : vector<16xi32>
        }
        %scan3A_1700 = arith.constant 1575 : i32
        %slice3A_1701 = vector.extract_strided_slice %scan3A_1699 {offsets = [0], sizes = [1], strides = [1]} : vector<16xi32> to vector<1xi32>
        %squeeze3A_1702 = vector.extract %slice3A_1701[0] : i32 from vector<1xi32>
        %min3A = arith.constant 4096 : i32
        %min3A_1703 = arith.minsi %squeeze3A_1702, %min3A : i32
        %add3A_1704 = vector.broadcast %min3A_1703 : i32 to vector<16xi32>
        %add3A_1705 = arith.addi %add3A_1704, %iota3A : vector<16xi32>
        tpu.vector_store_idx %arg8[%add3A_1705], %broadcast_in_dim3A_1694 : memref<4128xi32, #tpu.memory_space<vmem>>[vector<16xi32>], vector<16xi32>,
        %swap3A_1706 = arith.constant 3 : i32
        %swap3A_1707 = arith.index_cast %swap3A_1706 : i32 to index
        %swap3A_1708 = memref.load %arg14[%swap3A_1707] : memref<8xi32, #tpu.memory_space<smem>>
        memref.store %min3A_1703, %arg14[%swap3A_1707] : memref<8xi32, #tpu.memory_space<smem>>
        %swap3A_1709 = arith.constant 1 : i32
        %swap3A_1710 = arith.constant 1 : i32
        %swap3A_1711 = arith.index_cast %swap3A_1710 : i32 to index
        %swap3A_1712 = memref.load %arg14[%swap3A_1711] : memref<8xi32, #tpu.memory_space<smem>>
        memref.store %swap3A_1709, %arg14[%swap3A_1711] : memref<8xi32, #tpu.memory_space<smem>>
      } else {
      }
      %get3A_113 = arith.constant 1 : i32
      %get3A_114 = arith.index_cast %get3A_113 : i32 to index
      %get3A_115 = memref.load %arg14[%get3A_114] : memref<8xi32, #tpu.memory_space<smem>>
      %eq3A_116 = arith.constant 0 : i32
      %eq3A_117 = arith.cmpi eq, %get3A_115, %eq3A_116 : i32
      %convert_element_type3A_118 = arith.extui %eq3A_117 : i1 to i32
      %cond3A_119 = arith.constant 67108864 : i32
      %cond3A_120 = arith.constant 0 : i32
      %cond3A_121 = arith.cmpi ne, %convert_element_type3A_118, %cond3A_120 : i32
      scf.if %cond3A_121 {
        %get3A_1686 = arith.constant 0 : i32
        %get3A_1687 = arith.index_cast %get3A_1686 : i32 to index
        %get3A_1688 = memref.load %arg14[%get3A_1687] : memref<8xi32, #tpu.memory_space<smem>>
        %or3A_1689 = arith.ori %get3A_1688, %cond3A_119 : i32
        %xor3A_1690 = arith.constant -2147483648 : i32
        %xor3A_1691 = arith.xori %or3A_1689, %xor3A_1690 : i32
        %scan3A_1692 = arith.constant 0 : i32
        %scan3A_1693 = arith.constant 1575 : i32
        %scan3A_1694 = arith.addi %scan3A_1692, %scan3A_1693 : i32
        %scan3A_1695 = arith.constant 1 : i32
        %scan3A_1696 = scf.for %scan3A_1714 = %scan3A_1692 to %scan3A_1694 step %scan3A_1695 iter_args(%scan3A_1715 = %broadcast_in_dim3A_7) -> (vector<16xi32>)  : i32 {
          %mul3A_1716 = arith.constant 16 : i32
          %mul3A_1717 = arith.muli %scan3A_1714, %mul3A_1716 : i32
          %get3A_1718 = arith.index_cast %mul3A_1717 : i32 to index
          %get3A_1719 = tpu.vector_load %arg7[%get3A_1718] {strides = array<i32>} : memref<25200xf32, #tpu.memory_space<vmem>>, vector<16xf32>,
          %bitcast_convert_type3A = tpu.bitcast %get3A_1719 : vector<16xf32> -> vector<16xi32>
          %ge3A_1720 = arith.constant 0 : i32
          %ge3A_1721 = vector.broadcast %ge3A_1720 : i32 to vector<16xi32>
          %ge3A_1722 = arith.cmpi sge, %bitcast_convert_type3A, %ge3A_1721 : vector<16xi32>
          %xor3A_1723 = arith.constant 2147483647 : i32
          %xor3A_1724 = vector.broadcast %xor3A_1723 : i32 to vector<16xi32>
          %xor3A_1725 = arith.xori %bitcast_convert_type3A, %xor3A_1724 : vector<16xi32>
          %select_n3A_1726 = arith.select %ge3A_1722, %bitcast_convert_type3A, %xor3A_1725 : vector<16xi1>, vector<16xi32>
          %ge3A_1727 = vector.broadcast %xor3A_1691 : i32 to vector<16xi32>
          %ge3A_1728 = arith.cmpi sge, %select_n3A_1726, %ge3A_1727 : vector<16xi32>
          %all_reduce_population_count3A = tpu.all_reduce %ge3A_1728 {dim = 0 : i64, kind = #tpu.reduction_kind<sum>} : vector<16xi1> -> vector<16xi32>
          %add3A_1729 = arith.addi %scan3A_1715, %all_reduce_population_count3A : vector<16xi32>
          scf.yield %add3A_1729 : vector<16xi32>
        }
        %scan3A_1697 = arith.constant 1575 : i32
        %slice3A_1698 = vector.extract_strided_slice %scan3A_1696 {offsets = [0], sizes = [1], strides = [1]} : vector<16xi32> to vector<1xi32>
        %squeeze3A_1699 = vector.extract %slice3A_1698[0] : i32 from vector<1xi32>
        %ge3A_1700 = arith.constant 300 : i32
        %ge3A_1701 = arith.cmpi sge, %squeeze3A_1699, %ge3A_1700 : i32
        %or3A_1702 = arith.ori %get3A_1688, %cond3A_119 : i32
        %select_n3A_1703 = arith.select %ge3A_1701, %or3A_1702, %get3A_1688 : i32
        %swap3A_1704 = arith.constant 0 : i32
        %swap3A_1705 = arith.index_cast %swap3A_1704 : i32 to index
        %swap3A_1706 = memref.load %arg14[%swap3A_1705] : memref<8xi32, #tpu.memory_space<smem>>
        memref.store %select_n3A_1703, %arg14[%swap3A_1705] : memref<8xi32, #tpu.memory_space<smem>>
        %get3A_1707 = arith.constant 2 : i32
        %get3A_1708 = arith.index_cast %get3A_1707 : i32 to index
        %get3A_1709 = memref.load %arg14[%get3A_1708] : memref<8xi32, #tpu.memory_space<smem>>
        %select_n3A_1710 = arith.select %ge3A_1701, %squeeze3A_1699, %get3A_1709 : i32
        %swap3A_1711 = arith.constant 2 : i32
        %swap3A_1712 = arith.index_cast %swap3A_1711 : i32 to index
        %swap3A_1713 = memref.load %arg14[%swap3A_1712] : memref<8xi32, #tpu.memory_space<smem>>
        memref.store %select_n3A_1710, %arg14[%swap3A_1712] : memref<8xi32, #tpu.memory_space<smem>>
      } else {
      }
      %get3A_122 = arith.constant 1 : i32
      %get3A_123 = arith.index_cast %get3A_122 : i32 to index
      %get3A_124 = memref.load %arg14[%get3A_123] : memref<8xi32, #tpu.memory_space<smem>>
      %eq3A_125 = arith.constant 0 : i32
      %eq3A_126 = arith.cmpi eq, %get3A_124, %eq3A_125 : i32
      %get3A_127 = arith.constant 2 : i32
      %get3A_128 = arith.index_cast %get3A_127 : i32 to index
      %get3A_129 = memref.load %arg14[%get3A_128] : memref<8xi32, #tpu.memory_space<smem>>
      %le3A_130 = arith.constant 4080 : i32
      %le3A_131 = arith.cmpi sle, %get3A_129, %le3A_130 : i32
      %and3A_132 = arith.andi %eq3A_126, %le3A_131 : i1
      %convert_element_type3A_133 = arith.extui %and3A_132 : i1 to i32
      %cond3A_134 = arith.constant 0 : i32
      %cond3A_135 = arith.cmpi ne, %convert_element_type3A_133, %cond3A_134 : i32
      scf.if %cond3A_135 {
        %get3A_1686 = arith.constant 0 : i32
        %get3A_1687 = arith.index_cast %get3A_1686 : i32 to index
        %get3A_1688 = memref.load %arg14[%get3A_1687] : memref<8xi32, #tpu.memory_space<smem>>
        %xor3A_1689 = arith.constant -2147483648 : i32
        %xor3A_1690 = arith.xori %get3A_1688, %xor3A_1689 : i32
        %broadcast_in_dim3A_1691 = arith.constant 4096 : i32
        %broadcast_in_dim3A_1692 = vector.broadcast %broadcast_in_dim3A_1691 : i32 to vector<16xi32>
        %broadcast_in_dim3A_1693 = arith.constant -2147483648 : i32
        %broadcast_in_dim3A_1694 = vector.broadcast %broadcast_in_dim3A_1693 : i32 to vector<16xi32>
        %scan3A_1695 = arith.constant 0 : i32
        %scan3A_1696 = arith.constant 1575 : i32
        %scan3A_1697 = arith.addi %scan3A_1695, %scan3A_1696 : i32
        %scan3A_1698 = arith.constant 1 : i32
        %scan3A_1699 = scf.for %scan3A_1713 = %scan3A_1695 to %scan3A_1697 step %scan3A_1698 iter_args(%scan3A_1714 = %broadcast_in_dim3A_7) -> (vector<16xi32>)  : i32 {
          %mul3A_1715 = arith.constant 16 : i32
          %mul3A_1716 = arith.muli %scan3A_1713, %mul3A_1715 : i32
          %get3A_1717 = arith.index_cast %mul3A_1716 : i32 to index
          %get3A_1718 = tpu.vector_load %arg7[%get3A_1717] {strides = array<i32>} : memref<25200xf32, #tpu.memory_space<vmem>>, vector<16xf32>,
          %bitcast_convert_type3A = tpu.bitcast %get3A_1718 : vector<16xf32> -> vector<16xi32>
          %ge3A_1719 = arith.constant 0 : i32
          %ge3A_1720 = vector.broadcast %ge3A_1719 : i32 to vector<16xi32>
          %ge3A_1721 = arith.cmpi sge, %bitcast_convert_type3A, %ge3A_1720 : vector<16xi32>
          %xor3A_1722 = arith.constant 2147483647 : i32
          %xor3A_1723 = vector.broadcast %xor3A_1722 : i32 to vector<16xi32>
          %xor3A_1724 = arith.xori %bitcast_convert_type3A, %xor3A_1723 : vector<16xi32>
          %select_n3A_1725 = arith.select %ge3A_1721, %bitcast_convert_type3A, %xor3A_1724 : vector<16xi1>, vector<16xi32>
          %ge3A_1726 = vector.broadcast %xor3A_1690 : i32 to vector<16xi32>
          %ge3A_1727 = arith.cmpi sge, %select_n3A_1725, %ge3A_1726 : vector<16xi32>
          %lt3A_1728 = arith.cmpi slt, %scan3A_1714, %broadcast_in_dim3A_1692 : vector<16xi32>
          %and3A_1729 = arith.andi %ge3A_1727, %lt3A_1728 : vector<16xi1>
          %select_n3A_1730 = arith.select %and3A_1729, %broadcast_in_dim3A_5, %broadcast_in_dim3A_7 : vector<16xi1>, vector<16xi32>
          %broadcast_in_dim3A_1731 = arith.constant true
          %broadcast_in_dim3A_1732 = vector.broadcast %broadcast_in_dim3A_1731 : i1 to vector<16xi1>
          %masked_cumsum3A = tpu.scan <sum>, %select_n3A_1730 masked %broadcast_in_dim3A_1732 : vector<16xi32>, vector<16xi1> -> vector<16xi32>
          %add3A_1733 = arith.addi %scan3A_1714, %masked_cumsum3A : vector<16xi32>
          %sub3A_1734 = arith.constant 1 : i32
          %sub3A_1735 = vector.broadcast %sub3A_1734 : i32 to vector<16xi32>
          %sub3A_1736 = arith.subi %add3A_1733, %sub3A_1735 : vector<16xi32>
          tpu.vector_store_idx %arg8[%sub3A_1736], %select_n3A_1725 masked %and3A_1729 : memref<4128xi32, #tpu.memory_space<vmem>>[vector<16xi32>], vector<16xi32>, vector<16xi1>
          %mul3A_1737 = arith.constant 16 : i32
          %mul3A_1738 = arith.muli %scan3A_1713, %mul3A_1737 : i32
          %add3A_1739 = vector.broadcast %mul3A_1738 : i32 to vector<16xi32>
          %add3A_1740 = arith.addi %add3A_1739, %iota3A : vector<16xi32>
          tpu.vector_store_idx %arg9[%sub3A_1736], %add3A_1740 masked %and3A_1729 : memref<4128xi32, #tpu.memory_space<vmem>>[vector<16xi32>], vector<16xi32>, vector<16xi1>
          %all_reduce_population_count3A = tpu.all_reduce %and3A_1729 {dim = 0 : i64, kind = #tpu.reduction_kind<sum>} : vector<16xi1> -> vector<16xi32>
          %add3A_1741 = arith.addi %scan3A_1714, %all_reduce_population_count3A : vector<16xi32>
          scf.yield %add3A_1741 : vector<16xi32>
        }
        %scan3A_1700 = arith.constant 1575 : i32
        %slice3A_1701 = vector.extract_strided_slice %scan3A_1699 {offsets = [0], sizes = [1], strides = [1]} : vector<16xi32> to vector<1xi32>
        %squeeze3A_1702 = vector.extract %slice3A_1701[0] : i32 from vector<1xi32>
        %min3A = arith.constant 4096 : i32
        %min3A_1703 = arith.minsi %squeeze3A_1702, %min3A : i32
        %add3A_1704 = vector.broadcast %min3A_1703 : i32 to vector<16xi32>
        %add3A_1705 = arith.addi %add3A_1704, %iota3A : vector<16xi32>
        tpu.vector_store_idx %arg8[%add3A_1705], %broadcast_in_dim3A_1694 : memref<4128xi32, #tpu.memory_space<vmem>>[vector<16xi32>], vector<16xi32>,
        %swap3A_1706 = arith.constant 3 : i32
        %swap3A_1707 = arith.index_cast %swap3A_1706 : i32 to index
        %swap3A_1708 = memref.load %arg14[%swap3A_1707] : memref<8xi32, #tpu.memory_space<smem>>
        memref.store %min3A_1703, %arg14[%swap3A_1707] : memref<8xi32, #tpu.memory_space<smem>>
        %swap3A_1709 = arith.constant 1 : i32
        %swap3A_1710 = arith.constant 1 : i32
        %swap3A_1711 = arith.index_cast %swap3A_1710 : i32 to index
        %swap3A_1712 = memref.load %arg14[%swap3A_1711] : memref<8xi32, #tpu.memory_space<smem>>
        memref.store %swap3A_1709, %arg14[%swap3A_1711] : memref<8xi32, #tpu.memory_space<smem>>
      } else {
      }
      %get3A_136 = arith.constant 1 : i32
      %get3A_137 = arith.index_cast %get3A_136 : i32 to index
      %get3A_138 = memref.load %arg14[%get3A_137] : memref<8xi32, #tpu.memory_space<smem>>
      %eq3A_139 = arith.constant 0 : i32
      %eq3A_140 = arith.cmpi eq, %get3A_138, %eq3A_139 : i32
      %convert_element_type3A_141 = arith.extui %eq3A_140 : i1 to i32
      %cond3A_142 = arith.constant 33554432 : i32
      %cond3A_143 = arith.constant 0 : i32
      %cond3A_144 = arith.cmpi ne, %convert_element_type3A_141, %cond3A_143 : i32
      scf.if %cond3A_144 {
        %get3A_1686 = arith.constant 0 : i32
        %get3A_1687 = arith.index_cast %get3A_1686 : i32 to index
        %get3A_1688 = memref.load %arg14[%get3A_1687] : memref<8xi32, #tpu.memory_space<smem>>
        %or3A_1689 = arith.ori %get3A_1688, %cond3A_142 : i32
        %xor3A_1690 = arith.constant -2147483648 : i32
        %xor3A_1691 = arith.xori %or3A_1689, %xor3A_1690 : i32
        %scan3A_1692 = arith.constant 0 : i32
        %scan3A_1693 = arith.constant 1575 : i32
        %scan3A_1694 = arith.addi %scan3A_1692, %scan3A_1693 : i32
        %scan3A_1695 = arith.constant 1 : i32
        %scan3A_1696 = scf.for %scan3A_1714 = %scan3A_1692 to %scan3A_1694 step %scan3A_1695 iter_args(%scan3A_1715 = %broadcast_in_dim3A_7) -> (vector<16xi32>)  : i32 {
          %mul3A_1716 = arith.constant 16 : i32
          %mul3A_1717 = arith.muli %scan3A_1714, %mul3A_1716 : i32
          %get3A_1718 = arith.index_cast %mul3A_1717 : i32 to index
          %get3A_1719 = tpu.vector_load %arg7[%get3A_1718] {strides = array<i32>} : memref<25200xf32, #tpu.memory_space<vmem>>, vector<16xf32>,
          %bitcast_convert_type3A = tpu.bitcast %get3A_1719 : vector<16xf32> -> vector<16xi32>
          %ge3A_1720 = arith.constant 0 : i32
          %ge3A_1721 = vector.broadcast %ge3A_1720 : i32 to vector<16xi32>
          %ge3A_1722 = arith.cmpi sge, %bitcast_convert_type3A, %ge3A_1721 : vector<16xi32>
          %xor3A_1723 = arith.constant 2147483647 : i32
          %xor3A_1724 = vector.broadcast %xor3A_1723 : i32 to vector<16xi32>
          %xor3A_1725 = arith.xori %bitcast_convert_type3A, %xor3A_1724 : vector<16xi32>
          %select_n3A_1726 = arith.select %ge3A_1722, %bitcast_convert_type3A, %xor3A_1725 : vector<16xi1>, vector<16xi32>
          %ge3A_1727 = vector.broadcast %xor3A_1691 : i32 to vector<16xi32>
          %ge3A_1728 = arith.cmpi sge, %select_n3A_1726, %ge3A_1727 : vector<16xi32>
          %all_reduce_population_count3A = tpu.all_reduce %ge3A_1728 {dim = 0 : i64, kind = #tpu.reduction_kind<sum>} : vector<16xi1> -> vector<16xi32>
          %add3A_1729 = arith.addi %scan3A_1715, %all_reduce_population_count3A : vector<16xi32>
          scf.yield %add3A_1729 : vector<16xi32>
        }
        %scan3A_1697 = arith.constant 1575 : i32
        %slice3A_1698 = vector.extract_strided_slice %scan3A_1696 {offsets = [0], sizes = [1], strides = [1]} : vector<16xi32> to vector<1xi32>
        %squeeze3A_1699 = vector.extract %slice3A_1698[0] : i32 from vector<1xi32>
        %ge3A_1700 = arith.constant 300 : i32
        %ge3A_1701 = arith.cmpi sge, %squeeze3A_1699, %ge3A_1700 : i32
        %or3A_1702 = arith.ori %get3A_1688, %cond3A_142 : i32
        %select_n3A_1703 = arith.select %ge3A_1701, %or3A_1702, %get3A_1688 : i32
        %swap3A_1704 = arith.constant 0 : i32
        %swap3A_1705 = arith.index_cast %swap3A_1704 : i32 to index
        %swap3A_1706 = memref.load %arg14[%swap3A_1705] : memref<8xi32, #tpu.memory_space<smem>>
        memref.store %select_n3A_1703, %arg14[%swap3A_1705] : memref<8xi32, #tpu.memory_space<smem>>
        %get3A_1707 = arith.constant 2 : i32
        %get3A_1708 = arith.index_cast %get3A_1707 : i32 to index
        %get3A_1709 = memref.load %arg14[%get3A_1708] : memref<8xi32, #tpu.memory_space<smem>>
        %select_n3A_1710 = arith.select %ge3A_1701, %squeeze3A_1699, %get3A_1709 : i32
        %swap3A_1711 = arith.constant 2 : i32
        %swap3A_1712 = arith.index_cast %swap3A_1711 : i32 to index
        %swap3A_1713 = memref.load %arg14[%swap3A_1712] : memref<8xi32, #tpu.memory_space<smem>>
        memref.store %select_n3A_1710, %arg14[%swap3A_1712] : memref<8xi32, #tpu.memory_space<smem>>
      } else {
      }
      %get3A_145 = arith.constant 1 : i32
      %get3A_146 = arith.index_cast %get3A_145 : i32 to index
      %get3A_147 = memref.load %arg14[%get3A_146] : memref<8xi32, #tpu.memory_space<smem>>
      %eq3A_148 = arith.constant 0 : i32
      %eq3A_149 = arith.cmpi eq, %get3A_147, %eq3A_148 : i32
      %get3A_150 = arith.constant 2 : i32
      %get3A_151 = arith.index_cast %get3A_150 : i32 to index
      %get3A_152 = memref.load %arg14[%get3A_151] : memref<8xi32, #tpu.memory_space<smem>>
      %le3A_153 = arith.constant 4080 : i32
      %le3A_154 = arith.cmpi sle, %get3A_152, %le3A_153 : i32
      %and3A_155 = arith.andi %eq3A_149, %le3A_154 : i1
      %convert_element_type3A_156 = arith.extui %and3A_155 : i1 to i32
      %cond3A_157 = arith.constant 0 : i32
      %cond3A_158 = arith.cmpi ne, %convert_element_type3A_156, %cond3A_157 : i32
      scf.if %cond3A_158 {
        %get3A_1686 = arith.constant 0 : i32
        %get3A_1687 = arith.index_cast %get3A_1686 : i32 to index
        %get3A_1688 = memref.load %arg14[%get3A_1687] : memref<8xi32, #tpu.memory_space<smem>>
        %xor3A_1689 = arith.constant -2147483648 : i32
        %xor3A_1690 = arith.xori %get3A_1688, %xor3A_1689 : i32
        %broadcast_in_dim3A_1691 = arith.constant 4096 : i32
        %broadcast_in_dim3A_1692 = vector.broadcast %broadcast_in_dim3A_1691 : i32 to vector<16xi32>
        %broadcast_in_dim3A_1693 = arith.constant -2147483648 : i32
        %broadcast_in_dim3A_1694 = vector.broadcast %broadcast_in_dim3A_1693 : i32 to vector<16xi32>
        %scan3A_1695 = arith.constant 0 : i32
        %scan3A_1696 = arith.constant 1575 : i32
        %scan3A_1697 = arith.addi %scan3A_1695, %scan3A_1696 : i32
        %scan3A_1698 = arith.constant 1 : i32
        %scan3A_1699 = scf.for %scan3A_1713 = %scan3A_1695 to %scan3A_1697 step %scan3A_1698 iter_args(%scan3A_1714 = %broadcast_in_dim3A_7) -> (vector<16xi32>)  : i32 {
          %mul3A_1715 = arith.constant 16 : i32
          %mul3A_1716 = arith.muli %scan3A_1713, %mul3A_1715 : i32
          %get3A_1717 = arith.index_cast %mul3A_1716 : i32 to index
          %get3A_1718 = tpu.vector_load %arg7[%get3A_1717] {strides = array<i32>} : memref<25200xf32, #tpu.memory_space<vmem>>, vector<16xf32>,
          %bitcast_convert_type3A = tpu.bitcast %get3A_1718 : vector<16xf32> -> vector<16xi32>
          %ge3A_1719 = arith.constant 0 : i32
          %ge3A_1720 = vector.broadcast %ge3A_1719 : i32 to vector<16xi32>
          %ge3A_1721 = arith.cmpi sge, %bitcast_convert_type3A, %ge3A_1720 : vector<16xi32>
          %xor3A_1722 = arith.constant 2147483647 : i32
          %xor3A_1723 = vector.broadcast %xor3A_1722 : i32 to vector<16xi32>
          %xor3A_1724 = arith.xori %bitcast_convert_type3A, %xor3A_1723 : vector<16xi32>
          %select_n3A_1725 = arith.select %ge3A_1721, %bitcast_convert_type3A, %xor3A_1724 : vector<16xi1>, vector<16xi32>
          %ge3A_1726 = vector.broadcast %xor3A_1690 : i32 to vector<16xi32>
          %ge3A_1727 = arith.cmpi sge, %select_n3A_1725, %ge3A_1726 : vector<16xi32>
          %lt3A_1728 = arith.cmpi slt, %scan3A_1714, %broadcast_in_dim3A_1692 : vector<16xi32>
          %and3A_1729 = arith.andi %ge3A_1727, %lt3A_1728 : vector<16xi1>
          %select_n3A_1730 = arith.select %and3A_1729, %broadcast_in_dim3A_5, %broadcast_in_dim3A_7 : vector<16xi1>, vector<16xi32>
          %broadcast_in_dim3A_1731 = arith.constant true
          %broadcast_in_dim3A_1732 = vector.broadcast %broadcast_in_dim3A_1731 : i1 to vector<16xi1>
          %masked_cumsum3A = tpu.scan <sum>, %select_n3A_1730 masked %broadcast_in_dim3A_1732 : vector<16xi32>, vector<16xi1> -> vector<16xi32>
          %add3A_1733 = arith.addi %scan3A_1714, %masked_cumsum3A : vector<16xi32>
          %sub3A_1734 = arith.constant 1 : i32
          %sub3A_1735 = vector.broadcast %sub3A_1734 : i32 to vector<16xi32>
          %sub3A_1736 = arith.subi %add3A_1733, %sub3A_1735 : vector<16xi32>
          tpu.vector_store_idx %arg8[%sub3A_1736], %select_n3A_1725 masked %and3A_1729 : memref<4128xi32, #tpu.memory_space<vmem>>[vector<16xi32>], vector<16xi32>, vector<16xi1>
          %mul3A_1737 = arith.constant 16 : i32
          %mul3A_1738 = arith.muli %scan3A_1713, %mul3A_1737 : i32
          %add3A_1739 = vector.broadcast %mul3A_1738 : i32 to vector<16xi32>
          %add3A_1740 = arith.addi %add3A_1739, %iota3A : vector<16xi32>
          tpu.vector_store_idx %arg9[%sub3A_1736], %add3A_1740 masked %and3A_1729 : memref<4128xi32, #tpu.memory_space<vmem>>[vector<16xi32>], vector<16xi32>, vector<16xi1>
          %all_reduce_population_count3A = tpu.all_reduce %and3A_1729 {dim = 0 : i64, kind = #tpu.reduction_kind<sum>} : vector<16xi1> -> vector<16xi32>
          %add3A_1741 = arith.addi %scan3A_1714, %all_reduce_population_count3A : vector<16xi32>
          scf.yield %add3A_1741 : vector<16xi32>
        }
        %scan3A_1700 = arith.constant 1575 : i32
        %slice3A_1701 = vector.extract_strided_slice %scan3A_1699 {offsets = [0], sizes = [1], strides = [1]} : vector<16xi32> to vector<1xi32>
        %squeeze3A_1702 = vector.extract %slice3A_1701[0] : i32 from vector<1xi32>
        %min3A = arith.constant 4096 : i32
        %min3A_1703 = arith.minsi %squeeze3A_1702, %min3A : i32
        %add3A_1704 = vector.broadcast %min3A_1703 : i32 to vector<16xi32>
        %add3A_1705 = arith.addi %add3A_1704, %iota3A : vector<16xi32>
        tpu.vector_store_idx %arg8[%add3A_1705], %broadcast_in_dim3A_1694 : memref<4128xi32, #tpu.memory_space<vmem>>[vector<16xi32>], vector<16xi32>,
        %swap3A_1706 = arith.constant 3 : i32
        %swap3A_1707 = arith.index_cast %swap3A_1706 : i32 to index
        %swap3A_1708 = memref.load %arg14[%swap3A_1707] : memref<8xi32, #tpu.memory_space<smem>>
        memref.store %min3A_1703, %arg14[%swap3A_1707] : memref<8xi32, #tpu.memory_space<smem>>
        %swap3A_1709 = arith.constant 1 : i32
        %swap3A_1710 = arith.constant 1 : i32
        %swap3A_1711 = arith.index_cast %swap3A_1710 : i32 to index
        %swap3A_1712 = memref.load %arg14[%swap3A_1711] : memref<8xi32, #tpu.memory_space<smem>>
        memref.store %swap3A_1709, %arg14[%swap3A_1711] : memref<8xi32, #tpu.memory_space<smem>>
      } else {
      }
      %get3A_159 = arith.constant 1 : i32
      %get3A_160 = arith.index_cast %get3A_159 : i32 to index
      %get3A_161 = memref.load %arg14[%get3A_160] : memref<8xi32, #tpu.memory_space<smem>>
      %eq3A_162 = arith.constant 0 : i32
      %eq3A_163 = arith.cmpi eq, %get3A_161, %eq3A_162 : i32
      %convert_element_type3A_164 = arith.extui %eq3A_163 : i1 to i32
      %cond3A_165 = arith.constant 16777216 : i32
      %cond3A_166 = arith.constant 0 : i32
      %cond3A_167 = arith.cmpi ne, %convert_element_type3A_164, %cond3A_166 : i32
      scf.if %cond3A_167 {
        %get3A_1686 = arith.constant 0 : i32
        %get3A_1687 = arith.index_cast %get3A_1686 : i32 to index
        %get3A_1688 = memref.load %arg14[%get3A_1687] : memref<8xi32, #tpu.memory_space<smem>>
        %or3A_1689 = arith.ori %get3A_1688, %cond3A_165 : i32
        %xor3A_1690 = arith.constant -2147483648 : i32
        %xor3A_1691 = arith.xori %or3A_1689, %xor3A_1690 : i32
        %scan3A_1692 = arith.constant 0 : i32
        %scan3A_1693 = arith.constant 1575 : i32
        %scan3A_1694 = arith.addi %scan3A_1692, %scan3A_1693 : i32
        %scan3A_1695 = arith.constant 1 : i32
        %scan3A_1696 = scf.for %scan3A_1714 = %scan3A_1692 to %scan3A_1694 step %scan3A_1695 iter_args(%scan3A_1715 = %broadcast_in_dim3A_7) -> (vector<16xi32>)  : i32 {
          %mul3A_1716 = arith.constant 16 : i32
          %mul3A_1717 = arith.muli %scan3A_1714, %mul3A_1716 : i32
          %get3A_1718 = arith.index_cast %mul3A_1717 : i32 to index
          %get3A_1719 = tpu.vector_load %arg7[%get3A_1718] {strides = array<i32>} : memref<25200xf32, #tpu.memory_space<vmem>>, vector<16xf32>,
          %bitcast_convert_type3A = tpu.bitcast %get3A_1719 : vector<16xf32> -> vector<16xi32>
          %ge3A_1720 = arith.constant 0 : i32
          %ge3A_1721 = vector.broadcast %ge3A_1720 : i32 to vector<16xi32>
          %ge3A_1722 = arith.cmpi sge, %bitcast_convert_type3A, %ge3A_1721 : vector<16xi32>
          %xor3A_1723 = arith.constant 2147483647 : i32
          %xor3A_1724 = vector.broadcast %xor3A_1723 : i32 to vector<16xi32>
          %xor3A_1725 = arith.xori %bitcast_convert_type3A, %xor3A_1724 : vector<16xi32>
          %select_n3A_1726 = arith.select %ge3A_1722, %bitcast_convert_type3A, %xor3A_1725 : vector<16xi1>, vector<16xi32>
          %ge3A_1727 = vector.broadcast %xor3A_1691 : i32 to vector<16xi32>
          %ge3A_1728 = arith.cmpi sge, %select_n3A_1726, %ge3A_1727 : vector<16xi32>
          %all_reduce_population_count3A = tpu.all_reduce %ge3A_1728 {dim = 0 : i64, kind = #tpu.reduction_kind<sum>} : vector<16xi1> -> vector<16xi32>
          %add3A_1729 = arith.addi %scan3A_1715, %all_reduce_population_count3A : vector<16xi32>
          scf.yield %add3A_1729 : vector<16xi32>
        }
        %scan3A_1697 = arith.constant 1575 : i32
        %slice3A_1698 = vector.extract_strided_slice %scan3A_1696 {offsets = [0], sizes = [1], strides = [1]} : vector<16xi32> to vector<1xi32>
        %squeeze3A_1699 = vector.extract %slice3A_1698[0] : i32 from vector<1xi32>
        %ge3A_1700 = arith.constant 300 : i32
        %ge3A_1701 = arith.cmpi sge, %squeeze3A_1699, %ge3A_1700 : i32
        %or3A_1702 = arith.ori %get3A_1688, %cond3A_165 : i32
        %select_n3A_1703 = arith.select %ge3A_1701, %or3A_1702, %get3A_1688 : i32
        %swap3A_1704 = arith.constant 0 : i32
        %swap3A_1705 = arith.index_cast %swap3A_1704 : i32 to index
        %swap3A_1706 = memref.load %arg14[%swap3A_1705] : memref<8xi32, #tpu.memory_space<smem>>
        memref.store %select_n3A_1703, %arg14[%swap3A_1705] : memref<8xi32, #tpu.memory_space<smem>>
        %get3A_1707 = arith.constant 2 : i32
        %get3A_1708 = arith.index_cast %get3A_1707 : i32 to index
        %get3A_1709 = memref.load %arg14[%get3A_1708] : memref<8xi32, #tpu.memory_space<smem>>
        %select_n3A_1710 = arith.select %ge3A_1701, %squeeze3A_1699, %get3A_1709 : i32
        %swap3A_1711 = arith.constant 2 : i32
        %swap3A_1712 = arith.index_cast %swap3A_1711 : i32 to index
        %swap3A_1713 = memref.load %arg14[%swap3A_1712] : memref<8xi32, #tpu.memory_space<smem>>
        memref.store %select_n3A_1710, %arg14[%swap3A_1712] : memref<8xi32, #tpu.memory_space<smem>>
      } else {
      }
      %get3A_168 = arith.constant 1 : i32
      %get3A_169 = arith.index_cast %get3A_168 : i32 to index
      %get3A_170 = memref.load %arg14[%get3A_169] : memref<8xi32, #tpu.memory_space<smem>>
      %eq3A_171 = arith.constant 0 : i32
      %eq3A_172 = arith.cmpi eq, %get3A_170, %eq3A_171 : i32
      %get3A_173 = arith.constant 2 : i32
      %get3A_174 = arith.index_cast %get3A_173 : i32 to index
      %get3A_175 = memref.load %arg14[%get3A_174] : memref<8xi32, #tpu.memory_space<smem>>
      %le3A_176 = arith.constant 4080 : i32
      %le3A_177 = arith.cmpi sle, %get3A_175, %le3A_176 : i32
      %and3A_178 = arith.andi %eq3A_172, %le3A_177 : i1
      %convert_element_type3A_179 = arith.extui %and3A_178 : i1 to i32
      %cond3A_180 = arith.constant 0 : i32
      %cond3A_181 = arith.cmpi ne, %convert_element_type3A_179, %cond3A_180 : i32
      scf.if %cond3A_181 {
        %get3A_1686 = arith.constant 0 : i32
        %get3A_1687 = arith.index_cast %get3A_1686 : i32 to index
        %get3A_1688 = memref.load %arg14[%get3A_1687] : memref<8xi32, #tpu.memory_space<smem>>
        %xor3A_1689 = arith.constant -2147483648 : i32
        %xor3A_1690 = arith.xori %get3A_1688, %xor3A_1689 : i32
        %broadcast_in_dim3A_1691 = arith.constant 4096 : i32
        %broadcast_in_dim3A_1692 = vector.broadcast %broadcast_in_dim3A_1691 : i32 to vector<16xi32>
        %broadcast_in_dim3A_1693 = arith.constant -2147483648 : i32
        %broadcast_in_dim3A_1694 = vector.broadcast %broadcast_in_dim3A_1693 : i32 to vector<16xi32>
        %scan3A_1695 = arith.constant 0 : i32
        %scan3A_1696 = arith.constant 1575 : i32
        %scan3A_1697 = arith.addi %scan3A_1695, %scan3A_1696 : i32
        %scan3A_1698 = arith.constant 1 : i32
        %scan3A_1699 = scf.for %scan3A_1713 = %scan3A_1695 to %scan3A_1697 step %scan3A_1698 iter_args(%scan3A_1714 = %broadcast_in_dim3A_7) -> (vector<16xi32>)  : i32 {
          %mul3A_1715 = arith.constant 16 : i32
          %mul3A_1716 = arith.muli %scan3A_1713, %mul3A_1715 : i32
          %get3A_1717 = arith.index_cast %mul3A_1716 : i32 to index
          %get3A_1718 = tpu.vector_load %arg7[%get3A_1717] {strides = array<i32>} : memref<25200xf32, #tpu.memory_space<vmem>>, vector<16xf32>,
          %bitcast_convert_type3A = tpu.bitcast %get3A_1718 : vector<16xf32> -> vector<16xi32>
          %ge3A_1719 = arith.constant 0 : i32
          %ge3A_1720 = vector.broadcast %ge3A_1719 : i32 to vector<16xi32>
          %ge3A_1721 = arith.cmpi sge, %bitcast_convert_type3A, %ge3A_1720 : vector<16xi32>
          %xor3A_1722 = arith.constant 2147483647 : i32
          %xor3A_1723 = vector.broadcast %xor3A_1722 : i32 to vector<16xi32>
          %xor3A_1724 = arith.xori %bitcast_convert_type3A, %xor3A_1723 : vector<16xi32>
          %select_n3A_1725 = arith.select %ge3A_1721, %bitcast_convert_type3A, %xor3A_1724 : vector<16xi1>, vector<16xi32>
          %ge3A_1726 = vector.broadcast %xor3A_1690 : i32 to vector<16xi32>
          %ge3A_1727 = arith.cmpi sge, %select_n3A_1725, %ge3A_1726 : vector<16xi32>
          %lt3A_1728 = arith.cmpi slt, %scan3A_1714, %broadcast_in_dim3A_1692 : vector<16xi32>
          %and3A_1729 = arith.andi %ge3A_1727, %lt3A_1728 : vector<16xi1>
          %select_n3A_1730 = arith.select %and3A_1729, %broadcast_in_dim3A_5, %broadcast_in_dim3A_7 : vector<16xi1>, vector<16xi32>
          %broadcast_in_dim3A_1731 = arith.constant true
          %broadcast_in_dim3A_1732 = vector.broadcast %broadcast_in_dim3A_1731 : i1 to vector<16xi1>
          %masked_cumsum3A = tpu.scan <sum>, %select_n3A_1730 masked %broadcast_in_dim3A_1732 : vector<16xi32>, vector<16xi1> -> vector<16xi32>
          %add3A_1733 = arith.addi %scan3A_1714, %masked_cumsum3A : vector<16xi32>
          %sub3A_1734 = arith.constant 1 : i32
          %sub3A_1735 = vector.broadcast %sub3A_1734 : i32 to vector<16xi32>
          %sub3A_1736 = arith.subi %add3A_1733, %sub3A_1735 : vector<16xi32>
          tpu.vector_store_idx %arg8[%sub3A_1736], %select_n3A_1725 masked %and3A_1729 : memref<4128xi32, #tpu.memory_space<vmem>>[vector<16xi32>], vector<16xi32>, vector<16xi1>
          %mul3A_1737 = arith.constant 16 : i32
          %mul3A_1738 = arith.muli %scan3A_1713, %mul3A_1737 : i32
          %add3A_1739 = vector.broadcast %mul3A_1738 : i32 to vector<16xi32>
          %add3A_1740 = arith.addi %add3A_1739, %iota3A : vector<16xi32>
          tpu.vector_store_idx %arg9[%sub3A_1736], %add3A_1740 masked %and3A_1729 : memref<4128xi32, #tpu.memory_space<vmem>>[vector<16xi32>], vector<16xi32>, vector<16xi1>
          %all_reduce_population_count3A = tpu.all_reduce %and3A_1729 {dim = 0 : i64, kind = #tpu.reduction_kind<sum>} : vector<16xi1> -> vector<16xi32>
          %add3A_1741 = arith.addi %scan3A_1714, %all_reduce_population_count3A : vector<16xi32>
          scf.yield %add3A_1741 : vector<16xi32>
        }
        %scan3A_1700 = arith.constant 1575 : i32
        %slice3A_1701 = vector.extract_strided_slice %scan3A_1699 {offsets = [0], sizes = [1], strides = [1]} : vector<16xi32> to vector<1xi32>
        %squeeze3A_1702 = vector.extract %slice3A_1701[0] : i32 from vector<1xi32>
        %min3A = arith.constant 4096 : i32
        %min3A_1703 = arith.minsi %squeeze3A_1702, %min3A : i32
        %add3A_1704 = vector.broadcast %min3A_1703 : i32 to vector<16xi32>
        %add3A_1705 = arith.addi %add3A_1704, %iota3A : vector<16xi32>
        tpu.vector_store_idx %arg8[%add3A_1705], %broadcast_in_dim3A_1694 : memref<4128xi32, #tpu.memory_space<vmem>>[vector<16xi32>], vector<16xi32>,
        %swap3A_1706 = arith.constant 3 : i32
        %swap3A_1707 = arith.index_cast %swap3A_1706 : i32 to index
        %swap3A_1708 = memref.load %arg14[%swap3A_1707] : memref<8xi32, #tpu.memory_space<smem>>
        memref.store %min3A_1703, %arg14[%swap3A_1707] : memref<8xi32, #tpu.memory_space<smem>>
        %swap3A_1709 = arith.constant 1 : i32
        %swap3A_1710 = arith.constant 1 : i32
        %swap3A_1711 = arith.index_cast %swap3A_1710 : i32 to index
        %swap3A_1712 = memref.load %arg14[%swap3A_1711] : memref<8xi32, #tpu.memory_space<smem>>
        memref.store %swap3A_1709, %arg14[%swap3A_1711] : memref<8xi32, #tpu.memory_space<smem>>
      } else {
      }
      %get3A_182 = arith.constant 1 : i32
      %get3A_183 = arith.index_cast %get3A_182 : i32 to index
      %get3A_184 = memref.load %arg14[%get3A_183] : memref<8xi32, #tpu.memory_space<smem>>
      %eq3A_185 = arith.constant 0 : i32
      %eq3A_186 = arith.cmpi eq, %get3A_184, %eq3A_185 : i32
      %convert_element_type3A_187 = arith.extui %eq3A_186 : i1 to i32
      %cond3A_188 = arith.constant 8388608 : i32
      %cond3A_189 = arith.constant 0 : i32
      %cond3A_190 = arith.cmpi ne, %convert_element_type3A_187, %cond3A_189 : i32
      scf.if %cond3A_190 {
        %get3A_1686 = arith.constant 0 : i32
        %get3A_1687 = arith.index_cast %get3A_1686 : i32 to index
        %get3A_1688 = memref.load %arg14[%get3A_1687] : memref<8xi32, #tpu.memory_space<smem>>
        %or3A_1689 = arith.ori %get3A_1688, %cond3A_188 : i32
        %xor3A_1690 = arith.constant -2147483648 : i32
        %xor3A_1691 = arith.xori %or3A_1689, %xor3A_1690 : i32
        %scan3A_1692 = arith.constant 0 : i32
        %scan3A_1693 = arith.constant 1575 : i32
        %scan3A_1694 = arith.addi %scan3A_1692, %scan3A_1693 : i32
        %scan3A_1695 = arith.constant 1 : i32
        %scan3A_1696 = scf.for %scan3A_1714 = %scan3A_1692 to %scan3A_1694 step %scan3A_1695 iter_args(%scan3A_1715 = %broadcast_in_dim3A_7) -> (vector<16xi32>)  : i32 {
          %mul3A_1716 = arith.constant 16 : i32
          %mul3A_1717 = arith.muli %scan3A_1714, %mul3A_1716 : i32
          %get3A_1718 = arith.index_cast %mul3A_1717 : i32 to index
          %get3A_1719 = tpu.vector_load %arg7[%get3A_1718] {strides = array<i32>} : memref<25200xf32, #tpu.memory_space<vmem>>, vector<16xf32>,
          %bitcast_convert_type3A = tpu.bitcast %get3A_1719 : vector<16xf32> -> vector<16xi32>
          %ge3A_1720 = arith.constant 0 : i32
          %ge3A_1721 = vector.broadcast %ge3A_1720 : i32 to vector<16xi32>
          %ge3A_1722 = arith.cmpi sge, %bitcast_convert_type3A, %ge3A_1721 : vector<16xi32>
          %xor3A_1723 = arith.constant 2147483647 : i32
          %xor3A_1724 = vector.broadcast %xor3A_1723 : i32 to vector<16xi32>
          %xor3A_1725 = arith.xori %bitcast_convert_type3A, %xor3A_1724 : vector<16xi32>
          %select_n3A_1726 = arith.select %ge3A_1722, %bitcast_convert_type3A, %xor3A_1725 : vector<16xi1>, vector<16xi32>
          %ge3A_1727 = vector.broadcast %xor3A_1691 : i32 to vector<16xi32>
          %ge3A_1728 = arith.cmpi sge, %select_n3A_1726, %ge3A_1727 : vector<16xi32>
          %all_reduce_population_count3A = tpu.all_reduce %ge3A_1728 {dim = 0 : i64, kind = #tpu.reduction_kind<sum>} : vector<16xi1> -> vector<16xi32>
          %add3A_1729 = arith.addi %scan3A_1715, %all_reduce_population_count3A : vector<16xi32>
          scf.yield %add3A_1729 : vector<16xi32>
        }
        %scan3A_1697 = arith.constant 1575 : i32
        %slice3A_1698 = vector.extract_strided_slice %scan3A_1696 {offsets = [0], sizes = [1], strides = [1]} : vector<16xi32> to vector<1xi32>
        %squeeze3A_1699 = vector.extract %slice3A_1698[0] : i32 from vector<1xi32>
        %ge3A_1700 = arith.constant 300 : i32
        %ge3A_1701 = arith.cmpi sge, %squeeze3A_1699, %ge3A_1700 : i32
        %or3A_1702 = arith.ori %get3A_1688, %cond3A_188 : i32
        %select_n3A_1703 = arith.select %ge3A_1701, %or3A_1702, %get3A_1688 : i32
        %swap3A_1704 = arith.constant 0 : i32
        %swap3A_1705 = arith.index_cast %swap3A_1704 : i32 to index
        %swap3A_1706 = memref.load %arg14[%swap3A_1705] : memref<8xi32, #tpu.memory_space<smem>>
        memref.store %select_n3A_1703, %arg14[%swap3A_1705] : memref<8xi32, #tpu.memory_space<smem>>
        %get3A_1707 = arith.constant 2 : i32
        %get3A_1708 = arith.index_cast %get3A_1707 : i32 to index
        %get3A_1709 = memref.load %arg14[%get3A_1708] : memref<8xi32, #tpu.memory_space<smem>>
        %select_n3A_1710 = arith.select %ge3A_1701, %squeeze3A_1699, %get3A_1709 : i32
        %swap3A_1711 = arith.constant 2 : i32
        %swap3A_1712 = arith.index_cast %swap3A_1711 : i32 to index
        %swap3A_1713 = memref.load %arg14[%swap3A_1712] : memref<8xi32, #tpu.memory_space<smem>>
        memref.store %select_n3A_1710, %arg14[%swap3A_1712] : memref<8xi32, #tpu.memory_space<smem>>
      } else {
      }
      %get3A_191 = arith.constant 1 : i32
      %get3A_192 = arith.index_cast %get3A_191 : i32 to index
      %get3A_193 = memref.load %arg14[%get3A_192] : memref<8xi32, #tpu.memory_space<smem>>
      %eq3A_194 = arith.constant 0 : i32
      %eq3A_195 = arith.cmpi eq, %get3A_193, %eq3A_194 : i32
      %get3A_196 = arith.constant 2 : i32
      %get3A_197 = arith.index_cast %get3A_196 : i32 to index
      %get3A_198 = memref.load %arg14[%get3A_197] : memref<8xi32, #tpu.memory_space<smem>>
      %le3A_199 = arith.constant 4080 : i32
      %le3A_200 = arith.cmpi sle, %get3A_198, %le3A_199 : i32
      %and3A_201 = arith.andi %eq3A_195, %le3A_200 : i1
      %convert_element_type3A_202 = arith.extui %and3A_201 : i1 to i32
      %cond3A_203 = arith.constant 0 : i32
      %cond3A_204 = arith.cmpi ne, %convert_element_type3A_202, %cond3A_203 : i32
      scf.if %cond3A_204 {
        %get3A_1686 = arith.constant 0 : i32
        %get3A_1687 = arith.index_cast %get3A_1686 : i32 to index
        %get3A_1688 = memref.load %arg14[%get3A_1687] : memref<8xi32, #tpu.memory_space<smem>>
        %xor3A_1689 = arith.constant -2147483648 : i32
        %xor3A_1690 = arith.xori %get3A_1688, %xor3A_1689 : i32
        %broadcast_in_dim3A_1691 = arith.constant 4096 : i32
        %broadcast_in_dim3A_1692 = vector.broadcast %broadcast_in_dim3A_1691 : i32 to vector<16xi32>
        %broadcast_in_dim3A_1693 = arith.constant -2147483648 : i32
        %broadcast_in_dim3A_1694 = vector.broadcast %broadcast_in_dim3A_1693 : i32 to vector<16xi32>
        %scan3A_1695 = arith.constant 0 : i32
        %scan3A_1696 = arith.constant 1575 : i32
        %scan3A_1697 = arith.addi %scan3A_1695, %scan3A_1696 : i32
        %scan3A_1698 = arith.constant 1 : i32
        %scan3A_1699 = scf.for %scan3A_1713 = %scan3A_1695 to %scan3A_1697 step %scan3A_1698 iter_args(%scan3A_1714 = %broadcast_in_dim3A_7) -> (vector<16xi32>)  : i32 {
          %mul3A_1715 = arith.constant 16 : i32
          %mul3A_1716 = arith.muli %scan3A_1713, %mul3A_1715 : i32
          %get3A_1717 = arith.index_cast %mul3A_1716 : i32 to index
          %get3A_1718 = tpu.vector_load %arg7[%get3A_1717] {strides = array<i32>} : memref<25200xf32, #tpu.memory_space<vmem>>, vector<16xf32>,
          %bitcast_convert_type3A = tpu.bitcast %get3A_1718 : vector<16xf32> -> vector<16xi32>
          %ge3A_1719 = arith.constant 0 : i32
          %ge3A_1720 = vector.broadcast %ge3A_1719 : i32 to vector<16xi32>
          %ge3A_1721 = arith.cmpi sge, %bitcast_convert_type3A, %ge3A_1720 : vector<16xi32>
          %xor3A_1722 = arith.constant 2147483647 : i32
          %xor3A_1723 = vector.broadcast %xor3A_1722 : i32 to vector<16xi32>
          %xor3A_1724 = arith.xori %bitcast_convert_type3A, %xor3A_1723 : vector<16xi32>
          %select_n3A_1725 = arith.select %ge3A_1721, %bitcast_convert_type3A, %xor3A_1724 : vector<16xi1>, vector<16xi32>
          %ge3A_1726 = vector.broadcast %xor3A_1690 : i32 to vector<16xi32>
          %ge3A_1727 = arith.cmpi sge, %select_n3A_1725, %ge3A_1726 : vector<16xi32>
          %lt3A_1728 = arith.cmpi slt, %scan3A_1714, %broadcast_in_dim3A_1692 : vector<16xi32>
          %and3A_1729 = arith.andi %ge3A_1727, %lt3A_1728 : vector<16xi1>
          %select_n3A_1730 = arith.select %and3A_1729, %broadcast_in_dim3A_5, %broadcast_in_dim3A_7 : vector<16xi1>, vector<16xi32>
          %broadcast_in_dim3A_1731 = arith.constant true
          %broadcast_in_dim3A_1732 = vector.broadcast %broadcast_in_dim3A_1731 : i1 to vector<16xi1>
          %masked_cumsum3A = tpu.scan <sum>, %select_n3A_1730 masked %broadcast_in_dim3A_1732 : vector<16xi32>, vector<16xi1> -> vector<16xi32>
          %add3A_1733 = arith.addi %scan3A_1714, %masked_cumsum3A : vector<16xi32>
          %sub3A_1734 = arith.constant 1 : i32
          %sub3A_1735 = vector.broadcast %sub3A_1734 : i32 to vector<16xi32>
          %sub3A_1736 = arith.subi %add3A_1733, %sub3A_1735 : vector<16xi32>
          tpu.vector_store_idx %arg8[%sub3A_1736], %select_n3A_1725 masked %and3A_1729 : memref<4128xi32, #tpu.memory_space<vmem>>[vector<16xi32>], vector<16xi32>, vector<16xi1>
          %mul3A_1737 = arith.constant 16 : i32
          %mul3A_1738 = arith.muli %scan3A_1713, %mul3A_1737 : i32
          %add3A_1739 = vector.broadcast %mul3A_1738 : i32 to vector<16xi32>
          %add3A_1740 = arith.addi %add3A_1739, %iota3A : vector<16xi32>
          tpu.vector_store_idx %arg9[%sub3A_1736], %add3A_1740 masked %and3A_1729 : memref<4128xi32, #tpu.memory_space<vmem>>[vector<16xi32>], vector<16xi32>, vector<16xi1>
          %all_reduce_population_count3A = tpu.all_reduce %and3A_1729 {dim = 0 : i64, kind = #tpu.reduction_kind<sum>} : vector<16xi1> -> vector<16xi32>
          %add3A_1741 = arith.addi %scan3A_1714, %all_reduce_population_count3A : vector<16xi32>
          scf.yield %add3A_1741 : vector<16xi32>
        }
        %scan3A_1700 = arith.constant 1575 : i32
        %slice3A_1701 = vector.extract_strided_slice %scan3A_1699 {offsets = [0], sizes = [1], strides = [1]} : vector<16xi32> to vector<1xi32>
        %squeeze3A_1702 = vector.extract %slice3A_1701[0] : i32 from vector<1xi32>
        %min3A = arith.constant 4096 : i32
        %min3A_1703 = arith.minsi %squeeze3A_1702, %min3A : i32
        %add3A_1704 = vector.broadcast %min3A_1703 : i32 to vector<16xi32>
        %add3A_1705 = arith.addi %add3A_1704, %iota3A : vector<16xi32>
        tpu.vector_store_idx %arg8[%add3A_1705], %broadcast_in_dim3A_1694 : memref<4128xi32, #tpu.memory_space<vmem>>[vector<16xi32>], vector<16xi32>,
        %swap3A_1706 = arith.constant 3 : i32
        %swap3A_1707 = arith.index_cast %swap3A_1706 : i32 to index
        %swap3A_1708 = memref.load %arg14[%swap3A_1707] : memref<8xi32, #tpu.memory_space<smem>>
        memref.store %min3A_1703, %arg14[%swap3A_1707] : memref<8xi32, #tpu.memory_space<smem>>
        %swap3A_1709 = arith.constant 1 : i32
        %swap3A_1710 = arith.constant 1 : i32
        %swap3A_1711 = arith.index_cast %swap3A_1710 : i32 to index
        %swap3A_1712 = memref.load %arg14[%swap3A_1711] : memref<8xi32, #tpu.memory_space<smem>>
        memref.store %swap3A_1709, %arg14[%swap3A_1711] : memref<8xi32, #tpu.memory_space<smem>>
      } else {
      }
      %get3A_205 = arith.constant 1 : i32
      %get3A_206 = arith.index_cast %get3A_205 : i32 to index
      %get3A_207 = memref.load %arg14[%get3A_206] : memref<8xi32, #tpu.memory_space<smem>>
      %eq3A_208 = arith.constant 0 : i32
      %eq3A_209 = arith.cmpi eq, %get3A_207, %eq3A_208 : i32
      %convert_element_type3A_210 = arith.extui %eq3A_209 : i1 to i32
      %cond3A_211 = arith.constant 0 : i32
      %cond3A_212 = arith.cmpi ne, %convert_element_type3A_210, %cond3A_211 : i32
      scf.if %cond3A_212 {
        %get3A_1686 = arith.constant 0 : i32
        %get3A_1687 = arith.index_cast %get3A_1686 : i32 to index
        %get3A_1688 = memref.load %arg14[%get3A_1687] : memref<8xi32, #tpu.memory_space<smem>>
        %xor3A_1689 = arith.constant -2147483648 : i32
        %xor3A_1690 = arith.xori %get3A_1688, %xor3A_1689 : i32
        %broadcast_in_dim3A_1691 = arith.constant 4096 : i32
        %broadcast_in_dim3A_1692 = vector.broadcast %broadcast_in_dim3A_1691 : i32 to vector<16xi32>
        %broadcast_in_dim3A_1693 = arith.constant -2147483648 : i32
        %broadcast_in_dim3A_1694 = vector.broadcast %broadcast_in_dim3A_1693 : i32 to vector<16xi32>
        %scan3A_1695 = arith.constant 0 : i32
        %scan3A_1696 = arith.constant 1575 : i32
        %scan3A_1697 = arith.addi %scan3A_1695, %scan3A_1696 : i32
        %scan3A_1698 = arith.constant 1 : i32
        %scan3A_1699 = scf.for %scan3A_1713 = %scan3A_1695 to %scan3A_1697 step %scan3A_1698 iter_args(%scan3A_1714 = %broadcast_in_dim3A_7) -> (vector<16xi32>)  : i32 {
          %mul3A_1715 = arith.constant 16 : i32
          %mul3A_1716 = arith.muli %scan3A_1713, %mul3A_1715 : i32
          %get3A_1717 = arith.index_cast %mul3A_1716 : i32 to index
          %get3A_1718 = tpu.vector_load %arg7[%get3A_1717] {strides = array<i32>} : memref<25200xf32, #tpu.memory_space<vmem>>, vector<16xf32>,
          %bitcast_convert_type3A = tpu.bitcast %get3A_1718 : vector<16xf32> -> vector<16xi32>
          %ge3A_1719 = arith.constant 0 : i32
          %ge3A_1720 = vector.broadcast %ge3A_1719 : i32 to vector<16xi32>
          %ge3A_1721 = arith.cmpi sge, %bitcast_convert_type3A, %ge3A_1720 : vector<16xi32>
          %xor3A_1722 = arith.constant 2147483647 : i32
          %xor3A_1723 = vector.broadcast %xor3A_1722 : i32 to vector<16xi32>
          %xor3A_1724 = arith.xori %bitcast_convert_type3A, %xor3A_1723 : vector<16xi32>
          %select_n3A_1725 = arith.select %ge3A_1721, %bitcast_convert_type3A, %xor3A_1724 : vector<16xi1>, vector<16xi32>
          %ge3A_1726 = vector.broadcast %xor3A_1690 : i32 to vector<16xi32>
          %ge3A_1727 = arith.cmpi sge, %select_n3A_1725, %ge3A_1726 : vector<16xi32>
          %lt3A_1728 = arith.cmpi slt, %scan3A_1714, %broadcast_in_dim3A_1692 : vector<16xi32>
          %and3A_1729 = arith.andi %ge3A_1727, %lt3A_1728 : vector<16xi1>
          %select_n3A_1730 = arith.select %and3A_1729, %broadcast_in_dim3A_5, %broadcast_in_dim3A_7 : vector<16xi1>, vector<16xi32>
          %broadcast_in_dim3A_1731 = arith.constant true
          %broadcast_in_dim3A_1732 = vector.broadcast %broadcast_in_dim3A_1731 : i1 to vector<16xi1>
          %masked_cumsum3A = tpu.scan <sum>, %select_n3A_1730 masked %broadcast_in_dim3A_1732 : vector<16xi32>, vector<16xi1> -> vector<16xi32>
          %add3A_1733 = arith.addi %scan3A_1714, %masked_cumsum3A : vector<16xi32>
          %sub3A_1734 = arith.constant 1 : i32
          %sub3A_1735 = vector.broadcast %sub3A_1734 : i32 to vector<16xi32>
          %sub3A_1736 = arith.subi %add3A_1733, %sub3A_1735 : vector<16xi32>
          tpu.vector_store_idx %arg8[%sub3A_1736], %select_n3A_1725 masked %and3A_1729 : memref<4128xi32, #tpu.memory_space<vmem>>[vector<16xi32>], vector<16xi32>, vector<16xi1>
          %mul3A_1737 = arith.constant 16 : i32
          %mul3A_1738 = arith.muli %scan3A_1713, %mul3A_1737 : i32
          %add3A_1739 = vector.broadcast %mul3A_1738 : i32 to vector<16xi32>
          %add3A_1740 = arith.addi %add3A_1739, %iota3A : vector<16xi32>
          tpu.vector_store_idx %arg9[%sub3A_1736], %add3A_1740 masked %and3A_1729 : memref<4128xi32, #tpu.memory_space<vmem>>[vector<16xi32>], vector<16xi32>, vector<16xi1>
          %all_reduce_population_count3A = tpu.all_reduce %and3A_1729 {dim = 0 : i64, kind = #tpu.reduction_kind<sum>} : vector<16xi1> -> vector<16xi32>
          %add3A_1741 = arith.addi %scan3A_1714, %all_reduce_population_count3A : vector<16xi32>
          scf.yield %add3A_1741 : vector<16xi32>
        }
        %scan3A_1700 = arith.constant 1575 : i32
        %slice3A_1701 = vector.extract_strided_slice %scan3A_1699 {offsets = [0], sizes = [1], strides = [1]} : vector<16xi32> to vector<1xi32>
        %squeeze3A_1702 = vector.extract %slice3A_1701[0] : i32 from vector<1xi32>
        %min3A = arith.constant 4096 : i32
        %min3A_1703 = arith.minsi %squeeze3A_1702, %min3A : i32
        %add3A_1704 = vector.broadcast %min3A_1703 : i32 to vector<16xi32>
        %add3A_1705 = arith.addi %add3A_1704, %iota3A : vector<16xi32>
        tpu.vector_store_idx %arg8[%add3A_1705], %broadcast_in_dim3A_1694 : memref<4128xi32, #tpu.memory_space<vmem>>[vector<16xi32>], vector<16xi32>,
        %swap3A_1706 = arith.constant 3 : i32
        %swap3A_1707 = arith.index_cast %swap3A_1706 : i32 to index
        %swap3A_1708 = memref.load %arg14[%swap3A_1707] : memref<8xi32, #tpu.memory_space<smem>>
        memref.store %min3A_1703, %arg14[%swap3A_1707] : memref<8xi32, #tpu.memory_space<smem>>
        %swap3A_1709 = arith.constant 1 : i32
        %swap3A_1710 = arith.constant 1 : i32
        %swap3A_1711 = arith.index_cast %swap3A_1710 : i32 to index
        %swap3A_1712 = memref.load %arg14[%swap3A_1711] : memref<8xi32, #tpu.memory_space<smem>>
        memref.store %swap3A_1709, %arg14[%swap3A_1711] : memref<8xi32, #tpu.memory_space<smem>>
      } else {
      }
      %get3A_213 = arith.constant 3 : i32
      %get3A_214 = arith.index_cast %get3A_213 : i32 to index
      %get3A_215 = memref.load %arg14[%get3A_214] : memref<8xi32, #tpu.memory_space<smem>>
      %add3A_216 = arith.constant 15 : i32
      %add3A_217 = arith.addi %get3A_215, %add3A_216 : i32
      %jit3A_218 = arith.constant 16 : i32
      %div3A = arith.divsi %add3A_217, %jit3A_218 : i32
      %sign3A = arith.constant 0 : i32
      %sign3A_219 = arith.cmpi sgt, %add3A_217, %sign3A : i32
      %sign3A_220 = arith.extui %sign3A_219 : i1 to i32
      %sign3A_221 = arith.constant 0 : i32
      %sign3A_222 = arith.cmpi slt, %add3A_217, %sign3A_221 : i32
      %sign3A_223 = arith.extui %sign3A_222 : i1 to i32
      %sign3A_224 = arith.subi %sign3A_220, %sign3A_223 : i32
      %sign3A_225 = arith.constant 0 : i32
      %sign3A_226 = arith.cmpi sgt, %jit3A_218, %sign3A_225 : i32
      %sign3A_227 = arith.extui %sign3A_226 : i1 to i32
      %sign3A_228 = arith.constant 0 : i32
      %sign3A_229 = arith.cmpi slt, %jit3A_218, %sign3A_228 : i32
      %sign3A_230 = arith.extui %sign3A_229 : i1 to i32
      %sign3A_231 = arith.subi %sign3A_227, %sign3A_230 : i32
      %ne3A = arith.cmpi ne, %sign3A_224, %sign3A_231 : i32
      %rem3A = arith.remsi %add3A_217, %jit3A_218 : i32
      %ne3A_232 = arith.constant 0 : i32
      %ne3A_233 = arith.cmpi ne, %rem3A, %ne3A_232 : i32
      %and3A_234 = arith.andi %ne3A, %ne3A_233 : i1
      %sub3A = arith.constant 1 : i32
      %sub3A_235 = arith.subi %div3A, %sub3A : i32
      %select_n3A_236 = arith.select %and3A_234, %sub3A_235, %div3A : i32
      %scan3A_237 = arith.constant 0 : i32
      %scan3A_238 = arith.constant 0 : i32
      %scan3A_239 = arith.constant 32 : i32
      %scan3A_240 = arith.addi %scan3A_238, %scan3A_239 : i32
      %scan3A_241 = arith.constant 1 : i32
      %scan3A_242 = scf.for %scan3A_1686 = %scan3A_238 to %scan3A_240 step %scan3A_241 iter_args(%scan3A_1687 = %scan3A_237) -> (i32)  : i32 {
        %sub3A_1688 = arith.constant 31 : i32
        %sub3A_1689 = arith.subi %sub3A_1688, %scan3A_1686 : i32
        %shift_left3A = arith.constant 1 : i32
        %shift_left3A_1690 = arith.shli %shift_left3A, %sub3A_1689 : i32
        %or3A_1691 = arith.ori %scan3A_1687, %shift_left3A_1690 : i32
        %xor3A_1692 = arith.constant -2147483648 : i32
        %xor3A_1693 = arith.xori %or3A_1691, %xor3A_1692 : i32
        %while3A_1694 = arith.constant 0 : i32
        %while3A_1695 = arith.subi %select_n3A_236, %while3A_1694 : i32
        %while3A_1696 = arith.addi %while3A_1694, %while3A_1695 : i32
        %while3A_1697 = arith.constant 1 : i32
        %while3A_1698 = arith.divsi %while3A_1695, %while3A_1697 : i32
        %while3A_1699 = arith.muli %while3A_1698, %while3A_1697 : i32
        %while3A_1700 = arith.addi %while3A_1694, %while3A_1699 : i32
        %while3A_1701 = arith.constant 1 : i32
        %while3A_1702 = scf.for %while3A_1710 = %while3A_1694 to %while3A_1700 step %while3A_1701 iter_args(%while3A_1711 = %broadcast_in_dim3A_7) -> (vector<16xi32>)  : i32 {
          %mul3A_1712 = arith.constant 16 : i32
          %mul3A_1713 = arith.muli %while3A_1710, %mul3A_1712 : i32
          %get3A_1714 = arith.index_cast %mul3A_1713 : i32 to index
          %get3A_1715 = tpu.vector_load %arg8[%get3A_1714] {strides = array<i32>} : memref<4128xi32, #tpu.memory_space<vmem>>, vector<16xi32>,
          %ge3A_1716 = vector.broadcast %xor3A_1693 : i32 to vector<16xi32>
          %ge3A_1717 = arith.cmpi sge, %get3A_1715, %ge3A_1716 : vector<16xi32>
          %all_reduce_population_count3A = tpu.all_reduce %ge3A_1717 {dim = 0 : i64, kind = #tpu.reduction_kind<sum>} : vector<16xi1> -> vector<16xi32>
          %add3A_1718 = arith.addi %while3A_1711, %all_reduce_population_count3A : vector<16xi32>
          scf.yield %add3A_1718 : vector<16xi32>
        }
        %while3A_1703 = arith.constant 1 : i32
        %while3A_1704 = scf.for %while3A_1710 = %while3A_1700 to %while3A_1696 step %while3A_1703 iter_args(%while3A_1711 = %while3A_1702) -> (vector<16xi32>)  : i32 {
          %mul3A_1712 = arith.constant 16 : i32
          %mul3A_1713 = arith.muli %while3A_1710, %mul3A_1712 : i32
          %get3A_1714 = arith.index_cast %mul3A_1713 : i32 to index
          %get3A_1715 = tpu.vector_load %arg8[%get3A_1714] {strides = array<i32>} : memref<4128xi32, #tpu.memory_space<vmem>>, vector<16xi32>,
          %ge3A_1716 = vector.broadcast %xor3A_1693 : i32 to vector<16xi32>
          %ge3A_1717 = arith.cmpi sge, %get3A_1715, %ge3A_1716 : vector<16xi32>
          %all_reduce_population_count3A = tpu.all_reduce %ge3A_1717 {dim = 0 : i64, kind = #tpu.reduction_kind<sum>} : vector<16xi1> -> vector<16xi32>
          %add3A_1718 = arith.addi %while3A_1711, %all_reduce_population_count3A : vector<16xi32>
          scf.yield %add3A_1718 : vector<16xi32>
        }
        %slice3A_1705 = vector.extract_strided_slice %while3A_1704 {offsets = [0], sizes = [1], strides = [1]} : vector<16xi32> to vector<1xi32>
        %squeeze3A_1706 = vector.extract %slice3A_1705[0] : i32 from vector<1xi32>
        %ge3A_1707 = arith.constant 300 : i32
        %ge3A_1708 = arith.cmpi sge, %squeeze3A_1706, %ge3A_1707 : i32
        %select_n3A_1709 = arith.select %ge3A_1708, %or3A_1691, %scan3A_1687 : i32
        scf.yield %select_n3A_1709 : i32
      }
      %scan3A_243 = arith.constant 32 : i32
      %xor3A = arith.constant -2147483648 : i32
      %xor3A_244 = arith.xori %scan3A_242, %xor3A : i32
      %broadcast_in_dim3A_245 = arith.constant 300 : i32
      %broadcast_in_dim3A_246 = vector.broadcast %broadcast_in_dim3A_245 : i32 to vector<16xi32>
      %while3A = arith.constant 0 : i32
      %while3A_247 = arith.subi %select_n3A_236, %while3A : i32
      %while3A_248 = arith.addi %while3A, %while3A_247 : i32
      %while3A_249 = arith.constant 1 : i32
      %while3A_250 = arith.divsi %while3A_247, %while3A_249 : i32
      %while3A_251 = arith.muli %while3A_250, %while3A_249 : i32
      %while3A_252 = arith.addi %while3A, %while3A_251 : i32
      %while3A_253 = arith.constant 1 : i32
      %while3A_254 = scf.for %while3A_1686 = %while3A to %while3A_252 step %while3A_253 iter_args(%while3A_1687 = %broadcast_in_dim3A_7) -> (vector<16xi32>)  : i32 {
        %mul3A_1688 = arith.constant 16 : i32
        %mul3A_1689 = arith.muli %while3A_1686, %mul3A_1688 : i32
        %get3A_1690 = arith.index_cast %mul3A_1689 : i32 to index
        %get3A_1691 = tpu.vector_load %arg8[%get3A_1690] {strides = array<i32>} : memref<4128xi32, #tpu.memory_space<vmem>>, vector<16xi32>,
        %mul3A_1692 = arith.constant 16 : i32
        %mul3A_1693 = arith.muli %while3A_1686, %mul3A_1692 : i32
        %get3A_1694 = arith.index_cast %mul3A_1693 : i32 to index
        %get3A_1695 = tpu.vector_load %arg9[%get3A_1694] {strides = array<i32>} : memref<4128xi32, #tpu.memory_space<vmem>>, vector<16xi32>,
        %gt3A = vector.broadcast %xor3A_244 : i32 to vector<16xi32>
        %gt3A_1696 = arith.cmpi sgt, %get3A_1691, %gt3A : vector<16xi32>
        %select_n3A_1697 = arith.select %gt3A_1696, %broadcast_in_dim3A_5, %broadcast_in_dim3A_7 : vector<16xi1>, vector<16xi32>
        %broadcast_in_dim3A_1698 = arith.constant true
        %broadcast_in_dim3A_1699 = vector.broadcast %broadcast_in_dim3A_1698 : i1 to vector<16xi1>
        %masked_cumsum3A = tpu.scan <sum>, %select_n3A_1697 masked %broadcast_in_dim3A_1699 : vector<16xi32>, vector<16xi1> -> vector<16xi32>
        %add3A_1700 = arith.addi %while3A_1687, %masked_cumsum3A : vector<16xi32>
        %sub3A_1701 = arith.constant 1 : i32
        %sub3A_1702 = vector.broadcast %sub3A_1701 : i32 to vector<16xi32>
        %sub3A_1703 = arith.subi %add3A_1700, %sub3A_1702 : vector<16xi32>
        tpu.vector_store_idx %arg10[%sub3A_1703], %get3A_1691 masked %gt3A_1696 : memref<352xi32, #tpu.memory_space<vmem>>[vector<16xi32>], vector<16xi32>, vector<16xi1>
        tpu.vector_store_idx %arg11[%sub3A_1703], %get3A_1695 masked %gt3A_1696 : memref<352xi32, #tpu.memory_space<vmem>>[vector<16xi32>], vector<16xi32>, vector<16xi1>
        %all_reduce_population_count3A = tpu.all_reduce %gt3A_1696 {dim = 0 : i64, kind = #tpu.reduction_kind<sum>} : vector<16xi1> -> vector<16xi32>
        %add3A_1704 = arith.addi %while3A_1687, %all_reduce_population_count3A : vector<16xi32>
        scf.yield %add3A_1704 : vector<16xi32>
      }
      %while3A_255 = arith.constant 1 : i32
      %while3A_256 = scf.for %while3A_1686 = %while3A_252 to %while3A_248 step %while3A_255 iter_args(%while3A_1687 = %while3A_254) -> (vector<16xi32>)  : i32 {
        %mul3A_1688 = arith.constant 16 : i32
        %mul3A_1689 = arith.muli %while3A_1686, %mul3A_1688 : i32
        %get3A_1690 = arith.index_cast %mul3A_1689 : i32 to index
        %get3A_1691 = tpu.vector_load %arg8[%get3A_1690] {strides = array<i32>} : memref<4128xi32, #tpu.memory_space<vmem>>, vector<16xi32>,
        %mul3A_1692 = arith.constant 16 : i32
        %mul3A_1693 = arith.muli %while3A_1686, %mul3A_1692 : i32
        %get3A_1694 = arith.index_cast %mul3A_1693 : i32 to index
        %get3A_1695 = tpu.vector_load %arg9[%get3A_1694] {strides = array<i32>} : memref<4128xi32, #tpu.memory_space<vmem>>, vector<16xi32>,
        %gt3A = vector.broadcast %xor3A_244 : i32 to vector<16xi32>
        %gt3A_1696 = arith.cmpi sgt, %get3A_1691, %gt3A : vector<16xi32>
        %select_n3A_1697 = arith.select %gt3A_1696, %broadcast_in_dim3A_5, %broadcast_in_dim3A_7 : vector<16xi1>, vector<16xi32>
        %broadcast_in_dim3A_1698 = arith.constant true
        %broadcast_in_dim3A_1699 = vector.broadcast %broadcast_in_dim3A_1698 : i1 to vector<16xi1>
        %masked_cumsum3A = tpu.scan <sum>, %select_n3A_1697 masked %broadcast_in_dim3A_1699 : vector<16xi32>, vector<16xi1> -> vector<16xi32>
        %add3A_1700 = arith.addi %while3A_1687, %masked_cumsum3A : vector<16xi32>
        %sub3A_1701 = arith.constant 1 : i32
        %sub3A_1702 = vector.broadcast %sub3A_1701 : i32 to vector<16xi32>
        %sub3A_1703 = arith.subi %add3A_1700, %sub3A_1702 : vector<16xi32>
        tpu.vector_store_idx %arg10[%sub3A_1703], %get3A_1691 masked %gt3A_1696 : memref<352xi32, #tpu.memory_space<vmem>>[vector<16xi32>], vector<16xi32>, vector<16xi1>
        tpu.vector_store_idx %arg11[%sub3A_1703], %get3A_1695 masked %gt3A_1696 : memref<352xi32, #tpu.memory_space<vmem>>[vector<16xi32>], vector<16xi32>, vector<16xi1>
        %all_reduce_population_count3A = tpu.all_reduce %gt3A_1696 {dim = 0 : i64, kind = #tpu.reduction_kind<sum>} : vector<16xi1> -> vector<16xi32>
        %add3A_1704 = arith.addi %while3A_1687, %all_reduce_population_count3A : vector<16xi32>
        scf.yield %add3A_1704 : vector<16xi32>
      }
      %while3A_257 = arith.constant 0 : i32
      %while3A_258 = arith.subi %select_n3A_236, %while3A_257 : i32
      %while3A_259 = arith.addi %while3A_257, %while3A_258 : i32
      %while3A_260 = arith.constant 1 : i32
      %while3A_261 = arith.divsi %while3A_258, %while3A_260 : i32
      %while3A_262 = arith.muli %while3A_261, %while3A_260 : i32
      %while3A_263 = arith.addi %while3A_257, %while3A_262 : i32
      %while3A_264 = arith.constant 1 : i32
      %while3A_265 = scf.for %while3A_1686 = %while3A_257 to %while3A_263 step %while3A_264 iter_args(%while3A_1687 = %while3A_256) -> (vector<16xi32>)  : i32 {
        %mul3A_1688 = arith.constant 16 : i32
        %mul3A_1689 = arith.muli %while3A_1686, %mul3A_1688 : i32
        %get3A_1690 = arith.index_cast %mul3A_1689 : i32 to index
        %get3A_1691 = tpu.vector_load %arg8[%get3A_1690] {strides = array<i32>} : memref<4128xi32, #tpu.memory_space<vmem>>, vector<16xi32>,
        %mul3A_1692 = arith.constant 16 : i32
        %mul3A_1693 = arith.muli %while3A_1686, %mul3A_1692 : i32
        %get3A_1694 = arith.index_cast %mul3A_1693 : i32 to index
        %get3A_1695 = tpu.vector_load %arg9[%get3A_1694] {strides = array<i32>} : memref<4128xi32, #tpu.memory_space<vmem>>, vector<16xi32>,
        %eq3A_1696 = vector.broadcast %xor3A_244 : i32 to vector<16xi32>
        %eq3A_1697 = arith.cmpi eq, %get3A_1691, %eq3A_1696 : vector<16xi32>
        %select_n3A_1698 = arith.select %eq3A_1697, %broadcast_in_dim3A_5, %broadcast_in_dim3A_7 : vector<16xi1>, vector<16xi32>
        %broadcast_in_dim3A_1699 = arith.constant true
        %broadcast_in_dim3A_1700 = vector.broadcast %broadcast_in_dim3A_1699 : i1 to vector<16xi1>
        %masked_cumsum3A = tpu.scan <sum>, %select_n3A_1698 masked %broadcast_in_dim3A_1700 : vector<16xi32>, vector<16xi1> -> vector<16xi32>
        %add3A_1701 = arith.addi %while3A_1687, %masked_cumsum3A : vector<16xi32>
        %sub3A_1702 = arith.constant 1 : i32
        %sub3A_1703 = vector.broadcast %sub3A_1702 : i32 to vector<16xi32>
        %sub3A_1704 = arith.subi %add3A_1701, %sub3A_1703 : vector<16xi32>
        %lt3A_1705 = arith.cmpi slt, %sub3A_1704, %broadcast_in_dim3A_246 : vector<16xi32>
        %and3A_1706 = arith.andi %eq3A_1697, %lt3A_1705 : vector<16xi1>
        tpu.vector_store_idx %arg10[%sub3A_1704], %get3A_1691 masked %and3A_1706 : memref<352xi32, #tpu.memory_space<vmem>>[vector<16xi32>], vector<16xi32>, vector<16xi1>
        tpu.vector_store_idx %arg11[%sub3A_1704], %get3A_1695 masked %and3A_1706 : memref<352xi32, #tpu.memory_space<vmem>>[vector<16xi32>], vector<16xi32>, vector<16xi1>
        %all_reduce_population_count3A = tpu.all_reduce %eq3A_1697 {dim = 0 : i64, kind = #tpu.reduction_kind<sum>} : vector<16xi1> -> vector<16xi32>
        %add3A_1707 = arith.addi %while3A_1687, %all_reduce_population_count3A : vector<16xi32>
        scf.yield %add3A_1707 : vector<16xi32>
      }
      %while3A_266 = arith.constant 1 : i32
      %while3A_267 = scf.for %while3A_1686 = %while3A_263 to %while3A_259 step %while3A_266 iter_args(%while3A_1687 = %while3A_265) -> (vector<16xi32>)  : i32 {
        %mul3A_1688 = arith.constant 16 : i32
        %mul3A_1689 = arith.muli %while3A_1686, %mul3A_1688 : i32
        %get3A_1690 = arith.index_cast %mul3A_1689 : i32 to index
        %get3A_1691 = tpu.vector_load %arg8[%get3A_1690] {strides = array<i32>} : memref<4128xi32, #tpu.memory_space<vmem>>, vector<16xi32>,
        %mul3A_1692 = arith.constant 16 : i32
        %mul3A_1693 = arith.muli %while3A_1686, %mul3A_1692 : i32
        %get3A_1694 = arith.index_cast %mul3A_1693 : i32 to index
        %get3A_1695 = tpu.vector_load %arg9[%get3A_1694] {strides = array<i32>} : memref<4128xi32, #tpu.memory_space<vmem>>, vector<16xi32>,
        %eq3A_1696 = vector.broadcast %xor3A_244 : i32 to vector<16xi32>
        %eq3A_1697 = arith.cmpi eq, %get3A_1691, %eq3A_1696 : vector<16xi32>
        %select_n3A_1698 = arith.select %eq3A_1697, %broadcast_in_dim3A_5, %broadcast_in_dim3A_7 : vector<16xi1>, vector<16xi32>
        %broadcast_in_dim3A_1699 = arith.constant true
        %broadcast_in_dim3A_1700 = vector.broadcast %broadcast_in_dim3A_1699 : i1 to vector<16xi1>
        %masked_cumsum3A = tpu.scan <sum>, %select_n3A_1698 masked %broadcast_in_dim3A_1700 : vector<16xi32>, vector<16xi1> -> vector<16xi32>
        %add3A_1701 = arith.addi %while3A_1687, %masked_cumsum3A : vector<16xi32>
        %sub3A_1702 = arith.constant 1 : i32
        %sub3A_1703 = vector.broadcast %sub3A_1702 : i32 to vector<16xi32>
        %sub3A_1704 = arith.subi %add3A_1701, %sub3A_1703 : vector<16xi32>
        %lt3A_1705 = arith.cmpi slt, %sub3A_1704, %broadcast_in_dim3A_246 : vector<16xi32>
        %and3A_1706 = arith.andi %eq3A_1697, %lt3A_1705 : vector<16xi1>
        tpu.vector_store_idx %arg10[%sub3A_1704], %get3A_1691 masked %and3A_1706 : memref<352xi32, #tpu.memory_space<vmem>>[vector<16xi32>], vector<16xi32>, vector<16xi1>
        tpu.vector_store_idx %arg11[%sub3A_1704], %get3A_1695 masked %and3A_1706 : memref<352xi32, #tpu.memory_space<vmem>>[vector<16xi32>], vector<16xi32>, vector<16xi1>
        %all_reduce_population_count3A = tpu.all_reduce %eq3A_1697 {dim = 0 : i64, kind = #tpu.reduction_kind<sum>} : vector<16xi1> -> vector<16xi32>
        %add3A_1707 = arith.addi %while3A_1687, %all_reduce_population_count3A : vector<16xi32>
        scf.yield %add3A_1707 : vector<16xi32>
      }
      %broadcast_in_dim3A_268 = arith.constant 0 : i32
      %broadcast_in_dim3A_269 = vector.broadcast %broadcast_in_dim3A_268 : i32 to vector<16xi32>
      %swap3A_270 = arith.constant 304 : index
      %swap3A_271 = tpu.vector_load %arg11[%swap3A_270] {strides = array<i32>} : memref<352xi32, #tpu.memory_space<vmem>>, vector<16xi32>,
      tpu.vector_store %arg11[%swap3A_270], %broadcast_in_dim3A_269 {strides = array<i32>} : memref<352xi32, #tpu.memory_space<vmem>>, vector<16xi32>,
      %add3A_272 = arith.constant 300 : i32
      %add3A_273 = vector.broadcast %add3A_272 : i32 to vector<16xi32>
      %add3A_274 = arith.addi %add3A_273, %iota3A : vector<16xi32>
      tpu.vector_store_idx %arg11[%add3A_274], %broadcast_in_dim3A_269 : memref<352xi32, #tpu.memory_space<vmem>>[vector<16xi32>], vector<16xi32>,
      %swap3A_275 = arith.constant 304 : index
      %swap3A_276 = tpu.vector_load %arg10[%swap3A_275] {strides = array<i32>} : memref<352xi32, #tpu.memory_space<vmem>>, vector<16xi32>,
      tpu.vector_store %arg10[%swap3A_275], %broadcast_in_dim3A_269 {strides = array<i32>} : memref<352xi32, #tpu.memory_space<vmem>>, vector<16xi32>,
      %add3A_277 = arith.constant 300 : i32
      %add3A_278 = vector.broadcast %add3A_277 : i32 to vector<16xi32>
      %add3A_279 = arith.addi %add3A_278, %iota3A : vector<16xi32>
      tpu.vector_store_idx %arg10[%add3A_279], %broadcast_in_dim3A_269 : memref<352xi32, #tpu.memory_space<vmem>>[vector<16xi32>], vector<16xi32>,
      %mul3A_280 = arith.constant 25200 : i32
      %mul3A_281 = arith.muli %add3A, %mul3A_280 : i32
      %get3A_282 = arith.constant 0 : index
      %get3A_283 = tpu.vector_load %arg11[%get3A_282] {strides = array<i32>} : memref<352xi32, #tpu.memory_space<vmem>>, vector<16xi32>,
      %add3A_284 = vector.broadcast %mul3A_281 : i32 to vector<16xi32>
      %add3A_285 = arith.addi %get3A_283, %add3A_284 : vector<16xi32>
      %mul3A_286 = arith.constant 9 : i32
      %mul3A_287 = vector.broadcast %mul3A_286 : i32 to vector<16xi32>
      %mul3A_288 = arith.muli %add3A_285, %mul3A_287 : vector<16xi32>
      %add3A_289 = arith.constant 0 : i32
      %add3A_290 = vector.broadcast %add3A_289 : i32 to vector<16xi32>
      %add3A_291 = arith.addi %mul3A_288, %add3A_290 : vector<16xi32>
      %swap3A_292 = arith.constant 0 : index
      %swap3A_293 = tpu.vector_load %arg12[%swap3A_292] {strides = array<i32>} : memref<2880xi32, #tpu.memory_space<vmem>>, vector<16xi32>,
      tpu.vector_store %arg12[%swap3A_292], %add3A_291 {strides = array<i32>} : memref<2880xi32, #tpu.memory_space<vmem>>, vector<16xi32>,
      %add3A_294 = arith.constant 1 : i32
      %add3A_295 = vector.broadcast %add3A_294 : i32 to vector<16xi32>
      %add3A_296 = arith.addi %mul3A_288, %add3A_295 : vector<16xi32>
      %swap3A_297 = arith.constant 320 : index
      %swap3A_298 = tpu.vector_load %arg12[%swap3A_297] {strides = array<i32>} : memref<2880xi32, #tpu.memory_space<vmem>>, vector<16xi32>,
      tpu.vector_store %arg12[%swap3A_297], %add3A_296 {strides = array<i32>} : memref<2880xi32, #tpu.memory_space<vmem>>, vector<16xi32>,
      %add3A_299 = arith.constant 2 : i32
      %add3A_300 = vector.broadcast %add3A_299 : i32 to vector<16xi32>
      %add3A_301 = arith.addi %mul3A_288, %add3A_300 : vector<16xi32>
      %swap3A_302 = arith.constant 640 : index
      %swap3A_303 = tpu.vector_load %arg12[%swap3A_302] {strides = array<i32>} : memref<2880xi32, #tpu.memory_space<vmem>>, vector<16xi32>,
      tpu.vector_store %arg12[%swap3A_302], %add3A_301 {strides = array<i32>} : memref<2880xi32, #tpu.memory_space<vmem>>, vector<16xi32>,
      %add3A_304 = arith.constant 3 : i32
      %add3A_305 = vector.broadcast %add3A_304 : i32 to vector<16xi32>
      %add3A_306 = arith.addi %mul3A_288, %add3A_305 : vector<16xi32>
      %swap3A_307 = arith.constant 960 : index
      %swap3A_308 = tpu.vector_load %arg12[%swap3A_307] {strides = array<i32>} : memref<2880xi32, #tpu.memory_space<vmem>>, vector<16xi32>,
      tpu.vector_store %arg12[%swap3A_307], %add3A_306 {strides = array<i32>} : memref<2880xi32, #tpu.memory_space<vmem>>, vector<16xi32>,
      %add3A_309 = arith.constant 4 : i32
      %add3A_310 = vector.broadcast %add3A_309 : i32 to vector<16xi32>
      %add3A_311 = arith.addi %mul3A_288, %add3A_310 : vector<16xi32>
      %swap3A_312 = arith.constant 1280 : index
      %swap3A_313 = tpu.vector_load %arg12[%swap3A_312] {strides = array<i32>} : memref<2880xi32, #tpu.memory_space<vmem>>, vector<16xi32>,
      tpu.vector_store %arg12[%swap3A_312], %add3A_311 {strides = array<i32>} : memref<2880xi32, #tpu.memory_space<vmem>>, vector<16xi32>,
      %add3A_314 = arith.constant 5 : i32
      %add3A_315 = vector.broadcast %add3A_314 : i32 to vector<16xi32>
      %add3A_316 = arith.addi %mul3A_288, %add3A_315 : vector<16xi32>
      %swap3A_317 = arith.constant 1600 : index
      %swap3A_318 = tpu.vector_load %arg12[%swap3A_317] {strides = array<i32>} : memref<2880xi32, #tpu.memory_space<vmem>>, vector<16xi32>,
      tpu.vector_store %arg12[%swap3A_317], %add3A_316 {strides = array<i32>} : memref<2880xi32, #tpu.memory_space<vmem>>, vector<16xi32>,
      %add3A_319 = arith.constant 6 : i32
      %add3A_320 = vector.broadcast %add3A_319 : i32 to vector<16xi32>
      %add3A_321 = arith.addi %mul3A_288, %add3A_320 : vector<16xi32>
      %swap3A_322 = arith.constant 1920 : index
      %swap3A_323 = tpu.vector_load %arg12[%swap3A_322] {strides = array<i32>} : memref<2880xi32, #tpu.memory_space<vmem>>, vector<16xi32>,
      tpu.vector_store %arg12[%swap3A_322], %add3A_321 {strides = array<i32>} : memref<2880xi32, #tpu.memory_space<vmem>>, vector<16xi32>,
      %add3A_324 = arith.constant 7 : i32
      %add3A_325 = vector.broadcast %add3A_324 : i32 to vector<16xi32>
      %add3A_326 = arith.addi %mul3A_288, %add3A_325 : vector<16xi32>
      %swap3A_327 = arith.constant 2240 : index
      %swap3A_328 = tpu.vector_load %arg12[%swap3A_327] {strides = array<i32>} : memref<2880xi32, #tpu.memory_space<vmem>>, vector<16xi32>,
      tpu.vector_store %arg12[%swap3A_327], %add3A_326 {strides = array<i32>} : memref<2880xi32, #tpu.memory_space<vmem>>, vector<16xi32>,
      %add3A_329 = arith.constant 8 : i32
      %add3A_330 = vector.broadcast %add3A_329 : i32 to vector<16xi32>
      %add3A_331 = arith.addi %mul3A_288, %add3A_330 : vector<16xi32>
      %swap3A_332 = arith.constant 2560 : index
      %swap3A_333 = tpu.vector_load %arg12[%swap3A_332] {strides = array<i32>} : memref<2880xi32, #tpu.memory_space<vmem>>, vector<16xi32>,
      tpu.vector_store %arg12[%swap3A_332], %add3A_331 {strides = array<i32>} : memref<2880xi32, #tpu.memory_space<vmem>>, vector<16xi32>,
      %get3A_334 = arith.constant 16 : index
      %get3A_335 = tpu.vector_load %arg11[%get3A_334] {strides = array<i32>} : memref<352xi32, #tpu.memory_space<vmem>>, vector<16xi32>,
      %add3A_336 = vector.broadcast %mul3A_281 : i32 to vector<16xi32>
      %add3A_337 = arith.addi %get3A_335, %add3A_336 : vector<16xi32>
      %mul3A_338 = arith.constant 9 : i32
      %mul3A_339 = vector.broadcast %mul3A_338 : i32 to vector<16xi32>
      %mul3A_340 = arith.muli %add3A_337, %mul3A_339 : vector<16xi32>
      %add3A_341 = arith.constant 0 : i32
      %add3A_342 = vector.broadcast %add3A_341 : i32 to vector<16xi32>
      %add3A_343 = arith.addi %mul3A_340, %add3A_342 : vector<16xi32>
      %swap3A_344 = arith.constant 16 : index
      %swap3A_345 = tpu.vector_load %arg12[%swap3A_344] {strides = array<i32>} : memref<2880xi32, #tpu.memory_space<vmem>>, vector<16xi32>,
      tpu.vector_store %arg12[%swap3A_344], %add3A_343 {strides = array<i32>} : memref<2880xi32, #tpu.memory_space<vmem>>, vector<16xi32>,
      %add3A_346 = arith.constant 1 : i32
      %add3A_347 = vector.broadcast %add3A_346 : i32 to vector<16xi32>
      %add3A_348 = arith.addi %mul3A_340, %add3A_347 : vector<16xi32>
      %swap3A_349 = arith.constant 336 : index
      %swap3A_350 = tpu.vector_load %arg12[%swap3A_349] {strides = array<i32>} : memref<2880xi32, #tpu.memory_space<vmem>>, vector<16xi32>,
      tpu.vector_store %arg12[%swap3A_349], %add3A_348 {strides = array<i32>} : memref<2880xi32, #tpu.memory_space<vmem>>, vector<16xi32>,
      %add3A_351 = arith.constant 2 : i32
      %add3A_352 = vector.broadcast %add3A_351 : i32 to vector<16xi32>
      %add3A_353 = arith.addi %mul3A_340, %add3A_352 : vector<16xi32>
      %swap3A_354 = arith.constant 656 : index
      %swap3A_355 = tpu.vector_load %arg12[%swap3A_354] {strides = array<i32>} : memref<2880xi32, #tpu.memory_space<vmem>>, vector<16xi32>,
      tpu.vector_store %arg12[%swap3A_354], %add3A_353 {strides = array<i32>} : memref<2880xi32, #tpu.memory_space<vmem>>, vector<16xi32>,
      %add3A_356 = arith.constant 3 : i32
      %add3A_357 = vector.broadcast %add3A_356 : i32 to vector<16xi32>
      %add3A_358 = arith.addi %mul3A_340, %add3A_357 : vector<16xi32>
      %swap3A_359 = arith.constant 976 : index
      %swap3A_360 = tpu.vector_load %arg12[%swap3A_359] {strides = array<i32>} : memref<2880xi32, #tpu.memory_space<vmem>>, vector<16xi32>,
      tpu.vector_store %arg12[%swap3A_359], %add3A_358 {strides = array<i32>} : memref<2880xi32, #tpu.memory_space<vmem>>, vector<16xi32>,
      %add3A_361 = arith.constant 4 : i32
      %add3A_362 = vector.broadcast %add3A_361 : i32 to vector<16xi32>
      %add3A_363 = arith.addi %mul3A_340, %add3A_362 : vector<16xi32>
      %swap3A_364 = arith.constant 1296 : index
      %swap3A_365 = tpu.vector_load %arg12[%swap3A_364] {strides = array<i32>} : memref<2880xi32, #tpu.memory_space<vmem>>, vector<16xi32>,
      tpu.vector_store %arg12[%swap3A_364], %add3A_363 {strides = array<i32>} : memref<2880xi32, #tpu.memory_space<vmem>>, vector<16xi32>,
      %add3A_366 = arith.constant 5 : i32
      %add3A_367 = vector.broadcast %add3A_366 : i32 to vector<16xi32>
      %add3A_368 = arith.addi %mul3A_340, %add3A_367 : vector<16xi32>
      %swap3A_369 = arith.constant 1616 : index
      %swap3A_370 = tpu.vector_load %arg12[%swap3A_369] {strides = array<i32>} : memref<2880xi32, #tpu.memory_space<vmem>>, vector<16xi32>,
      tpu.vector_store %arg12[%swap3A_369], %add3A_368 {strides = array<i32>} : memref<2880xi32, #tpu.memory_space<vmem>>, vector<16xi32>,
      %add3A_371 = arith.constant 6 : i32
      %add3A_372 = vector.broadcast %add3A_371 : i32 to vector<16xi32>
      %add3A_373 = arith.addi %mul3A_340, %add3A_372 : vector<16xi32>
      %swap3A_374 = arith.constant 1936 : index
      %swap3A_375 = tpu.vector_load %arg12[%swap3A_374] {strides = array<i32>} : memref<2880xi32, #tpu.memory_space<vmem>>, vector<16xi32>,
      tpu.vector_store %arg12[%swap3A_374], %add3A_373 {strides = array<i32>} : memref<2880xi32, #tpu.memory_space<vmem>>, vector<16xi32>,
      %add3A_376 = arith.constant 7 : i32
      %add3A_377 = vector.broadcast %add3A_376 : i32 to vector<16xi32>
      %add3A_378 = arith.addi %mul3A_340, %add3A_377 : vector<16xi32>
      %swap3A_379 = arith.constant 2256 : index
      %swap3A_380 = tpu.vector_load %arg12[%swap3A_379] {strides = array<i32>} : memref<2880xi32, #tpu.memory_space<vmem>>, vector<16xi32>,
      tpu.vector_store %arg12[%swap3A_379], %add3A_378 {strides = array<i32>} : memref<2880xi32, #tpu.memory_space<vmem>>, vector<16xi32>,
      %add3A_381 = arith.constant 8 : i32
      %add3A_382 = vector.broadcast %add3A_381 : i32 to vector<16xi32>
      %add3A_383 = arith.addi %mul3A_340, %add3A_382 : vector<16xi32>
      %swap3A_384 = arith.constant 2576 : index
      %swap3A_385 = tpu.vector_load %arg12[%swap3A_384] {strides = array<i32>} : memref<2880xi32, #tpu.memory_space<vmem>>, vector<16xi32>,
      tpu.vector_store %arg12[%swap3A_384], %add3A_383 {strides = array<i32>} : memref<2880xi32, #tpu.memory_space<vmem>>, vector<16xi32>,
      %get3A_386 = arith.constant 32 : index
      %get3A_387 = tpu.vector_load %arg11[%get3A_386] {strides = array<i32>} : memref<352xi32, #tpu.memory_space<vmem>>, vector<16xi32>,
      %add3A_388 = vector.broadcast %mul3A_281 : i32 to vector<16xi32>
      %add3A_389 = arith.addi %get3A_387, %add3A_388 : vector<16xi32>
      %mul3A_390 = arith.constant 9 : i32
      %mul3A_391 = vector.broadcast %mul3A_390 : i32 to vector<16xi32>
      %mul3A_392 = arith.muli %add3A_389, %mul3A_391 : vector<16xi32>
      %add3A_393 = arith.constant 0 : i32
      %add3A_394 = vector.broadcast %add3A_393 : i32 to vector<16xi32>
      %add3A_395 = arith.addi %mul3A_392, %add3A_394 : vector<16xi32>
      %swap3A_396 = arith.constant 32 : index
      %swap3A_397 = tpu.vector_load %arg12[%swap3A_396] {strides = array<i32>} : memref<2880xi32, #tpu.memory_space<vmem>>, vector<16xi32>,
      tpu.vector_store %arg12[%swap3A_396], %add3A_395 {strides = array<i32>} : memref<2880xi32, #tpu.memory_space<vmem>>, vector<16xi32>,
      %add3A_398 = arith.constant 1 : i32
      %add3A_399 = vector.broadcast %add3A_398 : i32 to vector<16xi32>
      %add3A_400 = arith.addi %mul3A_392, %add3A_399 : vector<16xi32>
      %swap3A_401 = arith.constant 352 : index
      %swap3A_402 = tpu.vector_load %arg12[%swap3A_401] {strides = array<i32>} : memref<2880xi32, #tpu.memory_space<vmem>>, vector<16xi32>,
      tpu.vector_store %arg12[%swap3A_401], %add3A_400 {strides = array<i32>} : memref<2880xi32, #tpu.memory_space<vmem>>, vector<16xi32>,
      %add3A_403 = arith.constant 2 : i32
      %add3A_404 = vector.broadcast %add3A_403 : i32 to vector<16xi32>
      %add3A_405 = arith.addi %mul3A_392, %add3A_404 : vector<16xi32>
      %swap3A_406 = arith.constant 672 : index
      %swap3A_407 = tpu.vector_load %arg12[%swap3A_406] {strides = array<i32>} : memref<2880xi32, #tpu.memory_space<vmem>>, vector<16xi32>,
      tpu.vector_store %arg12[%swap3A_406], %add3A_405 {strides = array<i32>} : memref<2880xi32, #tpu.memory_space<vmem>>, vector<16xi32>,
      %add3A_408 = arith.constant 3 : i32
      %add3A_409 = vector.broadcast %add3A_408 : i32 to vector<16xi32>
      %add3A_410 = arith.addi %mul3A_392, %add3A_409 : vector<16xi32>
      %swap3A_411 = arith.constant 992 : index
      %swap3A_412 = tpu.vector_load %arg12[%swap3A_411] {strides = array<i32>} : memref<2880xi32, #tpu.memory_space<vmem>>, vector<16xi32>,
      tpu.vector_store %arg12[%swap3A_411], %add3A_410 {strides = array<i32>} : memref<2880xi32, #tpu.memory_space<vmem>>, vector<16xi32>,
      %add3A_413 = arith.constant 4 : i32
      %add3A_414 = vector.broadcast %add3A_413 : i32 to vector<16xi32>
      %add3A_415 = arith.addi %mul3A_392, %add3A_414 : vector<16xi32>
      %swap3A_416 = arith.constant 1312 : index
      %swap3A_417 = tpu.vector_load %arg12[%swap3A_416] {strides = array<i32>} : memref<2880xi32, #tpu.memory_space<vmem>>, vector<16xi32>,
      tpu.vector_store %arg12[%swap3A_416], %add3A_415 {strides = array<i32>} : memref<2880xi32, #tpu.memory_space<vmem>>, vector<16xi32>,
      %add3A_418 = arith.constant 5 : i32
      %add3A_419 = vector.broadcast %add3A_418 : i32 to vector<16xi32>
      %add3A_420 = arith.addi %mul3A_392, %add3A_419 : vector<16xi32>
      %swap3A_421 = arith.constant 1632 : index
      %swap3A_422 = tpu.vector_load %arg12[%swap3A_421] {strides = array<i32>} : memref<2880xi32, #tpu.memory_space<vmem>>, vector<16xi32>,
      tpu.vector_store %arg12[%swap3A_421], %add3A_420 {strides = array<i32>} : memref<2880xi32, #tpu.memory_space<vmem>>, vector<16xi32>,
      %add3A_423 = arith.constant 6 : i32
      %add3A_424 = vector.broadcast %add3A_423 : i32 to vector<16xi32>
      %add3A_425 = arith.addi %mul3A_392, %add3A_424 : vector<16xi32>
      %swap3A_426 = arith.constant 1952 : index
      %swap3A_427 = tpu.vector_load %arg12[%swap3A_426] {strides = array<i32>} : memref<2880xi32, #tpu.memory_space<vmem>>, vector<16xi32>,
      tpu.vector_store %arg12[%swap3A_426], %add3A_425 {strides = array<i32>} : memref<2880xi32, #tpu.memory_space<vmem>>, vector<16xi32>,
      %add3A_428 = arith.constant 7 : i32
      %add3A_429 = vector.broadcast %add3A_428 : i32 to vector<16xi32>
      %add3A_430 = arith.addi %mul3A_392, %add3A_429 : vector<16xi32>
      %swap3A_431 = arith.constant 2272 : index
      %swap3A_432 = tpu.vector_load %arg12[%swap3A_431] {strides = array<i32>} : memref<2880xi32, #tpu.memory_space<vmem>>, vector<16xi32>,
      tpu.vector_store %arg12[%swap3A_431], %add3A_430 {strides = array<i32>} : memref<2880xi32, #tpu.memory_space<vmem>>, vector<16xi32>,
      %add3A_433 = arith.constant 8 : i32
      %add3A_434 = vector.broadcast %add3A_433 : i32 to vector<16xi32>
      %add3A_435 = arith.addi %mul3A_392, %add3A_434 : vector<16xi32>
      %swap3A_436 = arith.constant 2592 : index
      %swap3A_437 = tpu.vector_load %arg12[%swap3A_436] {strides = array<i32>} : memref<2880xi32, #tpu.memory_space<vmem>>, vector<16xi32>,
      tpu.vector_store %arg12[%swap3A_436], %add3A_435 {strides = array<i32>} : memref<2880xi32, #tpu.memory_space<vmem>>, vector<16xi32>,
      %get3A_438 = arith.constant 48 : index
      %get3A_439 = tpu.vector_load %arg11[%get3A_438] {strides = array<i32>} : memref<352xi32, #tpu.memory_space<vmem>>, vector<16xi32>,
      %add3A_440 = vector.broadcast %mul3A_281 : i32 to vector<16xi32>
      %add3A_441 = arith.addi %get3A_439, %add3A_440 : vector<16xi32>
      %mul3A_442 = arith.constant 9 : i32
      %mul3A_443 = vector.broadcast %mul3A_442 : i32 to vector<16xi32>
      %mul3A_444 = arith.muli %add3A_441, %mul3A_443 : vector<16xi32>
      %add3A_445 = arith.constant 0 : i32
      %add3A_446 = vector.broadcast %add3A_445 : i32 to vector<16xi32>
      %add3A_447 = arith.addi %mul3A_444, %add3A_446 : vector<16xi32>
      %swap3A_448 = arith.constant 48 : index
      %swap3A_449 = tpu.vector_load %arg12[%swap3A_448] {strides = array<i32>} : memref<2880xi32, #tpu.memory_space<vmem>>, vector<16xi32>,
      tpu.vector_store %arg12[%swap3A_448], %add3A_447 {strides = array<i32>} : memref<2880xi32, #tpu.memory_space<vmem>>, vector<16xi32>,
      %add3A_450 = arith.constant 1 : i32
      %add3A_451 = vector.broadcast %add3A_450 : i32 to vector<16xi32>
      %add3A_452 = arith.addi %mul3A_444, %add3A_451 : vector<16xi32>
      %swap3A_453 = arith.constant 368 : index
      %swap3A_454 = tpu.vector_load %arg12[%swap3A_453] {strides = array<i32>} : memref<2880xi32, #tpu.memory_space<vmem>>, vector<16xi32>,
      tpu.vector_store %arg12[%swap3A_453], %add3A_452 {strides = array<i32>} : memref<2880xi32, #tpu.memory_space<vmem>>, vector<16xi32>,
      %add3A_455 = arith.constant 2 : i32
      %add3A_456 = vector.broadcast %add3A_455 : i32 to vector<16xi32>
      %add3A_457 = arith.addi %mul3A_444, %add3A_456 : vector<16xi32>
      %swap3A_458 = arith.constant 688 : index
      %swap3A_459 = tpu.vector_load %arg12[%swap3A_458] {strides = array<i32>} : memref<2880xi32, #tpu.memory_space<vmem>>, vector<16xi32>,
      tpu.vector_store %arg12[%swap3A_458], %add3A_457 {strides = array<i32>} : memref<2880xi32, #tpu.memory_space<vmem>>, vector<16xi32>,
      %add3A_460 = arith.constant 3 : i32
      %add3A_461 = vector.broadcast %add3A_460 : i32 to vector<16xi32>
      %add3A_462 = arith.addi %mul3A_444, %add3A_461 : vector<16xi32>
      %swap3A_463 = arith.constant 1008 : index
      %swap3A_464 = tpu.vector_load %arg12[%swap3A_463] {strides = array<i32>} : memref<2880xi32, #tpu.memory_space<vmem>>, vector<16xi32>,
      tpu.vector_store %arg12[%swap3A_463], %add3A_462 {strides = array<i32>} : memref<2880xi32, #tpu.memory_space<vmem>>, vector<16xi32>,
      %add3A_465 = arith.constant 4 : i32
      %add3A_466 = vector.broadcast %add3A_465 : i32 to vector<16xi32>
      %add3A_467 = arith.addi %mul3A_444, %add3A_466 : vector<16xi32>
      %swap3A_468 = arith.constant 1328 : index
      %swap3A_469 = tpu.vector_load %arg12[%swap3A_468] {strides = array<i32>} : memref<2880xi32, #tpu.memory_space<vmem>>, vector<16xi32>,
      tpu.vector_store %arg12[%swap3A_468], %add3A_467 {strides = array<i32>} : memref<2880xi32, #tpu.memory_space<vmem>>, vector<16xi32>,
      %add3A_470 = arith.constant 5 : i32
      %add3A_471 = vector.broadcast %add3A_470 : i32 to vector<16xi32>
      %add3A_472 = arith.addi %mul3A_444, %add3A_471 : vector<16xi32>
      %swap3A_473 = arith.constant 1648 : index
      %swap3A_474 = tpu.vector_load %arg12[%swap3A_473] {strides = array<i32>} : memref<2880xi32, #tpu.memory_space<vmem>>, vector<16xi32>,
      tpu.vector_store %arg12[%swap3A_473], %add3A_472 {strides = array<i32>} : memref<2880xi32, #tpu.memory_space<vmem>>, vector<16xi32>,
      %add3A_475 = arith.constant 6 : i32
      %add3A_476 = vector.broadcast %add3A_475 : i32 to vector<16xi32>
      %add3A_477 = arith.addi %mul3A_444, %add3A_476 : vector<16xi32>
      %swap3A_478 = arith.constant 1968 : index
      %swap3A_479 = tpu.vector_load %arg12[%swap3A_478] {strides = array<i32>} : memref<2880xi32, #tpu.memory_space<vmem>>, vector<16xi32>,
      tpu.vector_store %arg12[%swap3A_478], %add3A_477 {strides = array<i32>} : memref<2880xi32, #tpu.memory_space<vmem>>, vector<16xi32>,
      %add3A_480 = arith.constant 7 : i32
      %add3A_481 = vector.broadcast %add3A_480 : i32 to vector<16xi32>
      %add3A_482 = arith.addi %mul3A_444, %add3A_481 : vector<16xi32>
      %swap3A_483 = arith.constant 2288 : index
      %swap3A_484 = tpu.vector_load %arg12[%swap3A_483] {strides = array<i32>} : memref<2880xi32, #tpu.memory_space<vmem>>, vector<16xi32>,
      tpu.vector_store %arg12[%swap3A_483], %add3A_482 {strides = array<i32>} : memref<2880xi32, #tpu.memory_space<vmem>>, vector<16xi32>,
      %add3A_485 = arith.constant 8 : i32
      %add3A_486 = vector.broadcast %add3A_485 : i32 to vector<16xi32>
      %add3A_487 = arith.addi %mul3A_444, %add3A_486 : vector<16xi32>
      %swap3A_488 = arith.constant 2608 : index
      %swap3A_489 = tpu.vector_load %arg12[%swap3A_488] {strides = array<i32>} : memref<2880xi32, #tpu.memory_space<vmem>>, vector<16xi32>,
      tpu.vector_store %arg12[%swap3A_488], %add3A_487 {strides = array<i32>} : memref<2880xi32, #tpu.memory_space<vmem>>, vector<16xi32>,
      %get3A_490 = arith.constant 64 : index
      %get3A_491 = tpu.vector_load %arg11[%get3A_490] {strides = array<i32>} : memref<352xi32, #tpu.memory_space<vmem>>, vector<16xi32>,
      %add3A_492 = vector.broadcast %mul3A_281 : i32 to vector<16xi32>
      %add3A_493 = arith.addi %get3A_491, %add3A_492 : vector<16xi32>
      %mul3A_494 = arith.constant 9 : i32
      %mul3A_495 = vector.broadcast %mul3A_494 : i32 to vector<16xi32>
      %mul3A_496 = arith.muli %add3A_493, %mul3A_495 : vector<16xi32>
      %add3A_497 = arith.constant 0 : i32
      %add3A_498 = vector.broadcast %add3A_497 : i32 to vector<16xi32>
      %add3A_499 = arith.addi %mul3A_496, %add3A_498 : vector<16xi32>
      %swap3A_500 = arith.constant 64 : index
      %swap3A_501 = tpu.vector_load %arg12[%swap3A_500] {strides = array<i32>} : memref<2880xi32, #tpu.memory_space<vmem>>, vector<16xi32>,
      tpu.vector_store %arg12[%swap3A_500], %add3A_499 {strides = array<i32>} : memref<2880xi32, #tpu.memory_space<vmem>>, vector<16xi32>,
      %add3A_502 = arith.constant 1 : i32
      %add3A_503 = vector.broadcast %add3A_502 : i32 to vector<16xi32>
      %add3A_504 = arith.addi %mul3A_496, %add3A_503 : vector<16xi32>
      %swap3A_505 = arith.constant 384 : index
      %swap3A_506 = tpu.vector_load %arg12[%swap3A_505] {strides = array<i32>} : memref<2880xi32, #tpu.memory_space<vmem>>, vector<16xi32>,
      tpu.vector_store %arg12[%swap3A_505], %add3A_504 {strides = array<i32>} : memref<2880xi32, #tpu.memory_space<vmem>>, vector<16xi32>,
      %add3A_507 = arith.constant 2 : i32
      %add3A_508 = vector.broadcast %add3A_507 : i32 to vector<16xi32>
      %add3A_509 = arith.addi %mul3A_496, %add3A_508 : vector<16xi32>
      %swap3A_510 = arith.constant 704 : index
      %swap3A_511 = tpu.vector_load %arg12[%swap3A_510] {strides = array<i32>} : memref<2880xi32, #tpu.memory_space<vmem>>, vector<16xi32>,
      tpu.vector_store %arg12[%swap3A_510], %add3A_509 {strides = array<i32>} : memref<2880xi32, #tpu.memory_space<vmem>>, vector<16xi32>,
      %add3A_512 = arith.constant 3 : i32
      %add3A_513 = vector.broadcast %add3A_512 : i32 to vector<16xi32>
      %add3A_514 = arith.addi %mul3A_496, %add3A_513 : vector<16xi32>
      %swap3A_515 = arith.constant 1024 : index
      %swap3A_516 = tpu.vector_load %arg12[%swap3A_515] {strides = array<i32>} : memref<2880xi32, #tpu.memory_space<vmem>>, vector<16xi32>,
      tpu.vector_store %arg12[%swap3A_515], %add3A_514 {strides = array<i32>} : memref<2880xi32, #tpu.memory_space<vmem>>, vector<16xi32>,
      %add3A_517 = arith.constant 4 : i32
      %add3A_518 = vector.broadcast %add3A_517 : i32 to vector<16xi32>
      %add3A_519 = arith.addi %mul3A_496, %add3A_518 : vector<16xi32>
      %swap3A_520 = arith.constant 1344 : index
      %swap3A_521 = tpu.vector_load %arg12[%swap3A_520] {strides = array<i32>} : memref<2880xi32, #tpu.memory_space<vmem>>, vector<16xi32>,
      tpu.vector_store %arg12[%swap3A_520], %add3A_519 {strides = array<i32>} : memref<2880xi32, #tpu.memory_space<vmem>>, vector<16xi32>,
      %add3A_522 = arith.constant 5 : i32
      %add3A_523 = vector.broadcast %add3A_522 : i32 to vector<16xi32>
      %add3A_524 = arith.addi %mul3A_496, %add3A_523 : vector<16xi32>
      %swap3A_525 = arith.constant 1664 : index
      %swap3A_526 = tpu.vector_load %arg12[%swap3A_525] {strides = array<i32>} : memref<2880xi32, #tpu.memory_space<vmem>>, vector<16xi32>,
      tpu.vector_store %arg12[%swap3A_525], %add3A_524 {strides = array<i32>} : memref<2880xi32, #tpu.memory_space<vmem>>, vector<16xi32>,
      %add3A_527 = arith.constant 6 : i32
      %add3A_528 = vector.broadcast %add3A_527 : i32 to vector<16xi32>
      %add3A_529 = arith.addi %mul3A_496, %add3A_528 : vector<16xi32>
      %swap3A_530 = arith.constant 1984 : index
      %swap3A_531 = tpu.vector_load %arg12[%swap3A_530] {strides = array<i32>} : memref<2880xi32, #tpu.memory_space<vmem>>, vector<16xi32>,
      tpu.vector_store %arg12[%swap3A_530], %add3A_529 {strides = array<i32>} : memref<2880xi32, #tpu.memory_space<vmem>>, vector<16xi32>,
      %add3A_532 = arith.constant 7 : i32
      %add3A_533 = vector.broadcast %add3A_532 : i32 to vector<16xi32>
      %add3A_534 = arith.addi %mul3A_496, %add3A_533 : vector<16xi32>
      %swap3A_535 = arith.constant 2304 : index
      %swap3A_536 = tpu.vector_load %arg12[%swap3A_535] {strides = array<i32>} : memref<2880xi32, #tpu.memory_space<vmem>>, vector<16xi32>,
      tpu.vector_store %arg12[%swap3A_535], %add3A_534 {strides = array<i32>} : memref<2880xi32, #tpu.memory_space<vmem>>, vector<16xi32>,
      %add3A_537 = arith.constant 8 : i32
      %add3A_538 = vector.broadcast %add3A_537 : i32 to vector<16xi32>
      %add3A_539 = arith.addi %mul3A_496, %add3A_538 : vector<16xi32>
      %swap3A_540 = arith.constant 2624 : index
      %swap3A_541 = tpu.vector_load %arg12[%swap3A_540] {strides = array<i32>} : memref<2880xi32, #tpu.memory_space<vmem>>, vector<16xi32>,
      tpu.vector_store %arg12[%swap3A_540], %add3A_539 {strides = array<i32>} : memref<2880xi32, #tpu.memory_space<vmem>>, vector<16xi32>,
      %get3A_542 = arith.constant 80 : index
      %get3A_543 = tpu.vector_load %arg11[%get3A_542] {strides = array<i32>} : memref<352xi32, #tpu.memory_space<vmem>>, vector<16xi32>,
      %add3A_544 = vector.broadcast %mul3A_281 : i32 to vector<16xi32>
      %add3A_545 = arith.addi %get3A_543, %add3A_544 : vector<16xi32>
      %mul3A_546 = arith.constant 9 : i32
      %mul3A_547 = vector.broadcast %mul3A_546 : i32 to vector<16xi32>
      %mul3A_548 = arith.muli %add3A_545, %mul3A_547 : vector<16xi32>
      %add3A_549 = arith.constant 0 : i32
      %add3A_550 = vector.broadcast %add3A_549 : i32 to vector<16xi32>
      %add3A_551 = arith.addi %mul3A_548, %add3A_550 : vector<16xi32>
      %swap3A_552 = arith.constant 80 : index
      %swap3A_553 = tpu.vector_load %arg12[%swap3A_552] {strides = array<i32>} : memref<2880xi32, #tpu.memory_space<vmem>>, vector<16xi32>,
      tpu.vector_store %arg12[%swap3A_552], %add3A_551 {strides = array<i32>} : memref<2880xi32, #tpu.memory_space<vmem>>, vector<16xi32>,
      %add3A_554 = arith.constant 1 : i32
      %add3A_555 = vector.broadcast %add3A_554 : i32 to vector<16xi32>
      %add3A_556 = arith.addi %mul3A_548, %add3A_555 : vector<16xi32>
      %swap3A_557 = arith.constant 400 : index
      %swap3A_558 = tpu.vector_load %arg12[%swap3A_557] {strides = array<i32>} : memref<2880xi32, #tpu.memory_space<vmem>>, vector<16xi32>,
      tpu.vector_store %arg12[%swap3A_557], %add3A_556 {strides = array<i32>} : memref<2880xi32, #tpu.memory_space<vmem>>, vector<16xi32>,
      %add3A_559 = arith.constant 2 : i32
      %add3A_560 = vector.broadcast %add3A_559 : i32 to vector<16xi32>
      %add3A_561 = arith.addi %mul3A_548, %add3A_560 : vector<16xi32>
      %swap3A_562 = arith.constant 720 : index
      %swap3A_563 = tpu.vector_load %arg12[%swap3A_562] {strides = array<i32>} : memref<2880xi32, #tpu.memory_space<vmem>>, vector<16xi32>,
      tpu.vector_store %arg12[%swap3A_562], %add3A_561 {strides = array<i32>} : memref<2880xi32, #tpu.memory_space<vmem>>, vector<16xi32>,
      %add3A_564 = arith.constant 3 : i32
      %add3A_565 = vector.broadcast %add3A_564 : i32 to vector<16xi32>
      %add3A_566 = arith.addi %mul3A_548, %add3A_565 : vector<16xi32>
      %swap3A_567 = arith.constant 1040 : index
      %swap3A_568 = tpu.vector_load %arg12[%swap3A_567] {strides = array<i32>} : memref<2880xi32, #tpu.memory_space<vmem>>, vector<16xi32>,
      tpu.vector_store %arg12[%swap3A_567], %add3A_566 {strides = array<i32>} : memref<2880xi32, #tpu.memory_space<vmem>>, vector<16xi32>,
      %add3A_569 = arith.constant 4 : i32
      %add3A_570 = vector.broadcast %add3A_569 : i32 to vector<16xi32>
      %add3A_571 = arith.addi %mul3A_548, %add3A_570 : vector<16xi32>
      %swap3A_572 = arith.constant 1360 : index
      %swap3A_573 = tpu.vector_load %arg12[%swap3A_572] {strides = array<i32>} : memref<2880xi32, #tpu.memory_space<vmem>>, vector<16xi32>,
      tpu.vector_store %arg12[%swap3A_572], %add3A_571 {strides = array<i32>} : memref<2880xi32, #tpu.memory_space<vmem>>, vector<16xi32>,
      %add3A_574 = arith.constant 5 : i32
      %add3A_575 = vector.broadcast %add3A_574 : i32 to vector<16xi32>
      %add3A_576 = arith.addi %mul3A_548, %add3A_575 : vector<16xi32>
      %swap3A_577 = arith.constant 1680 : index
      %swap3A_578 = tpu.vector_load %arg12[%swap3A_577] {strides = array<i32>} : memref<2880xi32, #tpu.memory_space<vmem>>, vector<16xi32>,
      tpu.vector_store %arg12[%swap3A_577], %add3A_576 {strides = array<i32>} : memref<2880xi32, #tpu.memory_space<vmem>>, vector<16xi32>,
      %add3A_579 = arith.constant 6 : i32
      %add3A_580 = vector.broadcast %add3A_579 : i32 to vector<16xi32>
      %add3A_581 = arith.addi %mul3A_548, %add3A_580 : vector<16xi32>
      %swap3A_582 = arith.constant 2000 : index
      %swap3A_583 = tpu.vector_load %arg12[%swap3A_582] {strides = array<i32>} : memref<2880xi32, #tpu.memory_space<vmem>>, vector<16xi32>,
      tpu.vector_store %arg12[%swap3A_582], %add3A_581 {strides = array<i32>} : memref<2880xi32, #tpu.memory_space<vmem>>, vector<16xi32>,
      %add3A_584 = arith.constant 7 : i32
      %add3A_585 = vector.broadcast %add3A_584 : i32 to vector<16xi32>
      %add3A_586 = arith.addi %mul3A_548, %add3A_585 : vector<16xi32>
      %swap3A_587 = arith.constant 2320 : index
      %swap3A_588 = tpu.vector_load %arg12[%swap3A_587] {strides = array<i32>} : memref<2880xi32, #tpu.memory_space<vmem>>, vector<16xi32>,
      tpu.vector_store %arg12[%swap3A_587], %add3A_586 {strides = array<i32>} : memref<2880xi32, #tpu.memory_space<vmem>>, vector<16xi32>,
      %add3A_589 = arith.constant 8 : i32
      %add3A_590 = vector.broadcast %add3A_589 : i32 to vector<16xi32>
      %add3A_591 = arith.addi %mul3A_548, %add3A_590 : vector<16xi32>
      %swap3A_592 = arith.constant 2640 : index
      %swap3A_593 = tpu.vector_load %arg12[%swap3A_592] {strides = array<i32>} : memref<2880xi32, #tpu.memory_space<vmem>>, vector<16xi32>,
      tpu.vector_store %arg12[%swap3A_592], %add3A_591 {strides = array<i32>} : memref<2880xi32, #tpu.memory_space<vmem>>, vector<16xi32>,
      %get3A_594 = arith.constant 96 : index
      %get3A_595 = tpu.vector_load %arg11[%get3A_594] {strides = array<i32>} : memref<352xi32, #tpu.memory_space<vmem>>, vector<16xi32>,
      %add3A_596 = vector.broadcast %mul3A_281 : i32 to vector<16xi32>
      %add3A_597 = arith.addi %get3A_595, %add3A_596 : vector<16xi32>
      %mul3A_598 = arith.constant 9 : i32
      %mul3A_599 = vector.broadcast %mul3A_598 : i32 to vector<16xi32>
      %mul3A_600 = arith.muli %add3A_597, %mul3A_599 : vector<16xi32>
      %add3A_601 = arith.constant 0 : i32
      %add3A_602 = vector.broadcast %add3A_601 : i32 to vector<16xi32>
      %add3A_603 = arith.addi %mul3A_600, %add3A_602 : vector<16xi32>
      %swap3A_604 = arith.constant 96 : index
      %swap3A_605 = tpu.vector_load %arg12[%swap3A_604] {strides = array<i32>} : memref<2880xi32, #tpu.memory_space<vmem>>, vector<16xi32>,
      tpu.vector_store %arg12[%swap3A_604], %add3A_603 {strides = array<i32>} : memref<2880xi32, #tpu.memory_space<vmem>>, vector<16xi32>,
      %add3A_606 = arith.constant 1 : i32
      %add3A_607 = vector.broadcast %add3A_606 : i32 to vector<16xi32>
      %add3A_608 = arith.addi %mul3A_600, %add3A_607 : vector<16xi32>
      %swap3A_609 = arith.constant 416 : index
      %swap3A_610 = tpu.vector_load %arg12[%swap3A_609] {strides = array<i32>} : memref<2880xi32, #tpu.memory_space<vmem>>, vector<16xi32>,
      tpu.vector_store %arg12[%swap3A_609], %add3A_608 {strides = array<i32>} : memref<2880xi32, #tpu.memory_space<vmem>>, vector<16xi32>,
      %add3A_611 = arith.constant 2 : i32
      %add3A_612 = vector.broadcast %add3A_611 : i32 to vector<16xi32>
      %add3A_613 = arith.addi %mul3A_600, %add3A_612 : vector<16xi32>
      %swap3A_614 = arith.constant 736 : index
      %swap3A_615 = tpu.vector_load %arg12[%swap3A_614] {strides = array<i32>} : memref<2880xi32, #tpu.memory_space<vmem>>, vector<16xi32>,
      tpu.vector_store %arg12[%swap3A_614], %add3A_613 {strides = array<i32>} : memref<2880xi32, #tpu.memory_space<vmem>>, vector<16xi32>,
      %add3A_616 = arith.constant 3 : i32
      %add3A_617 = vector.broadcast %add3A_616 : i32 to vector<16xi32>
      %add3A_618 = arith.addi %mul3A_600, %add3A_617 : vector<16xi32>
      %swap3A_619 = arith.constant 1056 : index
      %swap3A_620 = tpu.vector_load %arg12[%swap3A_619] {strides = array<i32>} : memref<2880xi32, #tpu.memory_space<vmem>>, vector<16xi32>,
      tpu.vector_store %arg12[%swap3A_619], %add3A_618 {strides = array<i32>} : memref<2880xi32, #tpu.memory_space<vmem>>, vector<16xi32>,
      %add3A_621 = arith.constant 4 : i32
      %add3A_622 = vector.broadcast %add3A_621 : i32 to vector<16xi32>
      %add3A_623 = arith.addi %mul3A_600, %add3A_622 : vector<16xi32>
      %swap3A_624 = arith.constant 1376 : index
      %swap3A_625 = tpu.vector_load %arg12[%swap3A_624] {strides = array<i32>} : memref<2880xi32, #tpu.memory_space<vmem>>, vector<16xi32>,
      tpu.vector_store %arg12[%swap3A_624], %add3A_623 {strides = array<i32>} : memref<2880xi32, #tpu.memory_space<vmem>>, vector<16xi32>,
      %add3A_626 = arith.constant 5 : i32
      %add3A_627 = vector.broadcast %add3A_626 : i32 to vector<16xi32>
      %add3A_628 = arith.addi %mul3A_600, %add3A_627 : vector<16xi32>
      %swap3A_629 = arith.constant 1696 : index
      %swap3A_630 = tpu.vector_load %arg12[%swap3A_629] {strides = array<i32>} : memref<2880xi32, #tpu.memory_space<vmem>>, vector<16xi32>,
      tpu.vector_store %arg12[%swap3A_629], %add3A_628 {strides = array<i32>} : memref<2880xi32, #tpu.memory_space<vmem>>, vector<16xi32>,
      %add3A_631 = arith.constant 6 : i32
      %add3A_632 = vector.broadcast %add3A_631 : i32 to vector<16xi32>
      %add3A_633 = arith.addi %mul3A_600, %add3A_632 : vector<16xi32>
      %swap3A_634 = arith.constant 2016 : index
      %swap3A_635 = tpu.vector_load %arg12[%swap3A_634] {strides = array<i32>} : memref<2880xi32, #tpu.memory_space<vmem>>, vector<16xi32>,
      tpu.vector_store %arg12[%swap3A_634], %add3A_633 {strides = array<i32>} : memref<2880xi32, #tpu.memory_space<vmem>>, vector<16xi32>,
      %add3A_636 = arith.constant 7 : i32
      %add3A_637 = vector.broadcast %add3A_636 : i32 to vector<16xi32>
      %add3A_638 = arith.addi %mul3A_600, %add3A_637 : vector<16xi32>
      %swap3A_639 = arith.constant 2336 : index
      %swap3A_640 = tpu.vector_load %arg12[%swap3A_639] {strides = array<i32>} : memref<2880xi32, #tpu.memory_space<vmem>>, vector<16xi32>,
      tpu.vector_store %arg12[%swap3A_639], %add3A_638 {strides = array<i32>} : memref<2880xi32, #tpu.memory_space<vmem>>, vector<16xi32>,
      %add3A_641 = arith.constant 8 : i32
      %add3A_642 = vector.broadcast %add3A_641 : i32 to vector<16xi32>
      %add3A_643 = arith.addi %mul3A_600, %add3A_642 : vector<16xi32>
      %swap3A_644 = arith.constant 2656 : index
      %swap3A_645 = tpu.vector_load %arg12[%swap3A_644] {strides = array<i32>} : memref<2880xi32, #tpu.memory_space<vmem>>, vector<16xi32>,
      tpu.vector_store %arg12[%swap3A_644], %add3A_643 {strides = array<i32>} : memref<2880xi32, #tpu.memory_space<vmem>>, vector<16xi32>,
      %get3A_646 = arith.constant 112 : index
      %get3A_647 = tpu.vector_load %arg11[%get3A_646] {strides = array<i32>} : memref<352xi32, #tpu.memory_space<vmem>>, vector<16xi32>,
      %add3A_648 = vector.broadcast %mul3A_281 : i32 to vector<16xi32>
      %add3A_649 = arith.addi %get3A_647, %add3A_648 : vector<16xi32>
      %mul3A_650 = arith.constant 9 : i32
      %mul3A_651 = vector.broadcast %mul3A_650 : i32 to vector<16xi32>
      %mul3A_652 = arith.muli %add3A_649, %mul3A_651 : vector<16xi32>
      %add3A_653 = arith.constant 0 : i32
      %add3A_654 = vector.broadcast %add3A_653 : i32 to vector<16xi32>
      %add3A_655 = arith.addi %mul3A_652, %add3A_654 : vector<16xi32>
      %swap3A_656 = arith.constant 112 : index
      %swap3A_657 = tpu.vector_load %arg12[%swap3A_656] {strides = array<i32>} : memref<2880xi32, #tpu.memory_space<vmem>>, vector<16xi32>,
      tpu.vector_store %arg12[%swap3A_656], %add3A_655 {strides = array<i32>} : memref<2880xi32, #tpu.memory_space<vmem>>, vector<16xi32>,
      %add3A_658 = arith.constant 1 : i32
      %add3A_659 = vector.broadcast %add3A_658 : i32 to vector<16xi32>
      %add3A_660 = arith.addi %mul3A_652, %add3A_659 : vector<16xi32>
      %swap3A_661 = arith.constant 432 : index
      %swap3A_662 = tpu.vector_load %arg12[%swap3A_661] {strides = array<i32>} : memref<2880xi32, #tpu.memory_space<vmem>>, vector<16xi32>,
      tpu.vector_store %arg12[%swap3A_661], %add3A_660 {strides = array<i32>} : memref<2880xi32, #tpu.memory_space<vmem>>, vector<16xi32>,
      %add3A_663 = arith.constant 2 : i32
      %add3A_664 = vector.broadcast %add3A_663 : i32 to vector<16xi32>
      %add3A_665 = arith.addi %mul3A_652, %add3A_664 : vector<16xi32>
      %swap3A_666 = arith.constant 752 : index
      %swap3A_667 = tpu.vector_load %arg12[%swap3A_666] {strides = array<i32>} : memref<2880xi32, #tpu.memory_space<vmem>>, vector<16xi32>,
      tpu.vector_store %arg12[%swap3A_666], %add3A_665 {strides = array<i32>} : memref<2880xi32, #tpu.memory_space<vmem>>, vector<16xi32>,
      %add3A_668 = arith.constant 3 : i32
      %add3A_669 = vector.broadcast %add3A_668 : i32 to vector<16xi32>
      %add3A_670 = arith.addi %mul3A_652, %add3A_669 : vector<16xi32>
      %swap3A_671 = arith.constant 1072 : index
      %swap3A_672 = tpu.vector_load %arg12[%swap3A_671] {strides = array<i32>} : memref<2880xi32, #tpu.memory_space<vmem>>, vector<16xi32>,
      tpu.vector_store %arg12[%swap3A_671], %add3A_670 {strides = array<i32>} : memref<2880xi32, #tpu.memory_space<vmem>>, vector<16xi32>,
      %add3A_673 = arith.constant 4 : i32
      %add3A_674 = vector.broadcast %add3A_673 : i32 to vector<16xi32>
      %add3A_675 = arith.addi %mul3A_652, %add3A_674 : vector<16xi32>
      %swap3A_676 = arith.constant 1392 : index
      %swap3A_677 = tpu.vector_load %arg12[%swap3A_676] {strides = array<i32>} : memref<2880xi32, #tpu.memory_space<vmem>>, vector<16xi32>,
      tpu.vector_store %arg12[%swap3A_676], %add3A_675 {strides = array<i32>} : memref<2880xi32, #tpu.memory_space<vmem>>, vector<16xi32>,
      %add3A_678 = arith.constant 5 : i32
      %add3A_679 = vector.broadcast %add3A_678 : i32 to vector<16xi32>
      %add3A_680 = arith.addi %mul3A_652, %add3A_679 : vector<16xi32>
      %swap3A_681 = arith.constant 1712 : index
      %swap3A_682 = tpu.vector_load %arg12[%swap3A_681] {strides = array<i32>} : memref<2880xi32, #tpu.memory_space<vmem>>, vector<16xi32>,
      tpu.vector_store %arg12[%swap3A_681], %add3A_680 {strides = array<i32>} : memref<2880xi32, #tpu.memory_space<vmem>>, vector<16xi32>,
      %add3A_683 = arith.constant 6 : i32
      %add3A_684 = vector.broadcast %add3A_683 : i32 to vector<16xi32>
      %add3A_685 = arith.addi %mul3A_652, %add3A_684 : vector<16xi32>
      %swap3A_686 = arith.constant 2032 : index
      %swap3A_687 = tpu.vector_load %arg12[%swap3A_686] {strides = array<i32>} : memref<2880xi32, #tpu.memory_space<vmem>>, vector<16xi32>,
      tpu.vector_store %arg12[%swap3A_686], %add3A_685 {strides = array<i32>} : memref<2880xi32, #tpu.memory_space<vmem>>, vector<16xi32>,
      %add3A_688 = arith.constant 7 : i32
      %add3A_689 = vector.broadcast %add3A_688 : i32 to vector<16xi32>
      %add3A_690 = arith.addi %mul3A_652, %add3A_689 : vector<16xi32>
      %swap3A_691 = arith.constant 2352 : index
      %swap3A_692 = tpu.vector_load %arg12[%swap3A_691] {strides = array<i32>} : memref<2880xi32, #tpu.memory_space<vmem>>, vector<16xi32>,
      tpu.vector_store %arg12[%swap3A_691], %add3A_690 {strides = array<i32>} : memref<2880xi32, #tpu.memory_space<vmem>>, vector<16xi32>,
      %add3A_693 = arith.constant 8 : i32
      %add3A_694 = vector.broadcast %add3A_693 : i32 to vector<16xi32>
      %add3A_695 = arith.addi %mul3A_652, %add3A_694 : vector<16xi32>
      %swap3A_696 = arith.constant 2672 : index
      %swap3A_697 = tpu.vector_load %arg12[%swap3A_696] {strides = array<i32>} : memref<2880xi32, #tpu.memory_space<vmem>>, vector<16xi32>,
      tpu.vector_store %arg12[%swap3A_696], %add3A_695 {strides = array<i32>} : memref<2880xi32, #tpu.memory_space<vmem>>, vector<16xi32>,
      %get3A_698 = arith.constant 128 : index
      %get3A_699 = tpu.vector_load %arg11[%get3A_698] {strides = array<i32>} : memref<352xi32, #tpu.memory_space<vmem>>, vector<16xi32>,
      %add3A_700 = vector.broadcast %mul3A_281 : i32 to vector<16xi32>
      %add3A_701 = arith.addi %get3A_699, %add3A_700 : vector<16xi32>
      %mul3A_702 = arith.constant 9 : i32
      %mul3A_703 = vector.broadcast %mul3A_702 : i32 to vector<16xi32>
      %mul3A_704 = arith.muli %add3A_701, %mul3A_703 : vector<16xi32>
      %add3A_705 = arith.constant 0 : i32
      %add3A_706 = vector.broadcast %add3A_705 : i32 to vector<16xi32>
      %add3A_707 = arith.addi %mul3A_704, %add3A_706 : vector<16xi32>
      %swap3A_708 = arith.constant 128 : index
      %swap3A_709 = tpu.vector_load %arg12[%swap3A_708] {strides = array<i32>} : memref<2880xi32, #tpu.memory_space<vmem>>, vector<16xi32>,
      tpu.vector_store %arg12[%swap3A_708], %add3A_707 {strides = array<i32>} : memref<2880xi32, #tpu.memory_space<vmem>>, vector<16xi32>,
      %add3A_710 = arith.constant 1 : i32
      %add3A_711 = vector.broadcast %add3A_710 : i32 to vector<16xi32>
      %add3A_712 = arith.addi %mul3A_704, %add3A_711 : vector<16xi32>
      %swap3A_713 = arith.constant 448 : index
      %swap3A_714 = tpu.vector_load %arg12[%swap3A_713] {strides = array<i32>} : memref<2880xi32, #tpu.memory_space<vmem>>, vector<16xi32>,
      tpu.vector_store %arg12[%swap3A_713], %add3A_712 {strides = array<i32>} : memref<2880xi32, #tpu.memory_space<vmem>>, vector<16xi32>,
      %add3A_715 = arith.constant 2 : i32
      %add3A_716 = vector.broadcast %add3A_715 : i32 to vector<16xi32>
      %add3A_717 = arith.addi %mul3A_704, %add3A_716 : vector<16xi32>
      %swap3A_718 = arith.constant 768 : index
      %swap3A_719 = tpu.vector_load %arg12[%swap3A_718] {strides = array<i32>} : memref<2880xi32, #tpu.memory_space<vmem>>, vector<16xi32>,
      tpu.vector_store %arg12[%swap3A_718], %add3A_717 {strides = array<i32>} : memref<2880xi32, #tpu.memory_space<vmem>>, vector<16xi32>,
      %add3A_720 = arith.constant 3 : i32
      %add3A_721 = vector.broadcast %add3A_720 : i32 to vector<16xi32>
      %add3A_722 = arith.addi %mul3A_704, %add3A_721 : vector<16xi32>
      %swap3A_723 = arith.constant 1088 : index
      %swap3A_724 = tpu.vector_load %arg12[%swap3A_723] {strides = array<i32>} : memref<2880xi32, #tpu.memory_space<vmem>>, vector<16xi32>,
      tpu.vector_store %arg12[%swap3A_723], %add3A_722 {strides = array<i32>} : memref<2880xi32, #tpu.memory_space<vmem>>, vector<16xi32>,
      %add3A_725 = arith.constant 4 : i32
      %add3A_726 = vector.broadcast %add3A_725 : i32 to vector<16xi32>
      %add3A_727 = arith.addi %mul3A_704, %add3A_726 : vector<16xi32>
      %swap3A_728 = arith.constant 1408 : index
      %swap3A_729 = tpu.vector_load %arg12[%swap3A_728] {strides = array<i32>} : memref<2880xi32, #tpu.memory_space<vmem>>, vector<16xi32>,
      tpu.vector_store %arg12[%swap3A_728], %add3A_727 {strides = array<i32>} : memref<2880xi32, #tpu.memory_space<vmem>>, vector<16xi32>,
      %add3A_730 = arith.constant 5 : i32
      %add3A_731 = vector.broadcast %add3A_730 : i32 to vector<16xi32>
      %add3A_732 = arith.addi %mul3A_704, %add3A_731 : vector<16xi32>
      %swap3A_733 = arith.constant 1728 : index
      %swap3A_734 = tpu.vector_load %arg12[%swap3A_733] {strides = array<i32>} : memref<2880xi32, #tpu.memory_space<vmem>>, vector<16xi32>,
      tpu.vector_store %arg12[%swap3A_733], %add3A_732 {strides = array<i32>} : memref<2880xi32, #tpu.memory_space<vmem>>, vector<16xi32>,
      %add3A_735 = arith.constant 6 : i32
      %add3A_736 = vector.broadcast %add3A_735 : i32 to vector<16xi32>
      %add3A_737 = arith.addi %mul3A_704, %add3A_736 : vector<16xi32>
      %swap3A_738 = arith.constant 2048 : index
      %swap3A_739 = tpu.vector_load %arg12[%swap3A_738] {strides = array<i32>} : memref<2880xi32, #tpu.memory_space<vmem>>, vector<16xi32>,
      tpu.vector_store %arg12[%swap3A_738], %add3A_737 {strides = array<i32>} : memref<2880xi32, #tpu.memory_space<vmem>>, vector<16xi32>,
      %add3A_740 = arith.constant 7 : i32
      %add3A_741 = vector.broadcast %add3A_740 : i32 to vector<16xi32>
      %add3A_742 = arith.addi %mul3A_704, %add3A_741 : vector<16xi32>
      %swap3A_743 = arith.constant 2368 : index
      %swap3A_744 = tpu.vector_load %arg12[%swap3A_743] {strides = array<i32>} : memref<2880xi32, #tpu.memory_space<vmem>>, vector<16xi32>,
      tpu.vector_store %arg12[%swap3A_743], %add3A_742 {strides = array<i32>} : memref<2880xi32, #tpu.memory_space<vmem>>, vector<16xi32>,
      %add3A_745 = arith.constant 8 : i32
      %add3A_746 = vector.broadcast %add3A_745 : i32 to vector<16xi32>
      %add3A_747 = arith.addi %mul3A_704, %add3A_746 : vector<16xi32>
      %swap3A_748 = arith.constant 2688 : index
      %swap3A_749 = tpu.vector_load %arg12[%swap3A_748] {strides = array<i32>} : memref<2880xi32, #tpu.memory_space<vmem>>, vector<16xi32>,
      tpu.vector_store %arg12[%swap3A_748], %add3A_747 {strides = array<i32>} : memref<2880xi32, #tpu.memory_space<vmem>>, vector<16xi32>,
      %get3A_750 = arith.constant 144 : index
      %get3A_751 = tpu.vector_load %arg11[%get3A_750] {strides = array<i32>} : memref<352xi32, #tpu.memory_space<vmem>>, vector<16xi32>,
      %add3A_752 = vector.broadcast %mul3A_281 : i32 to vector<16xi32>
      %add3A_753 = arith.addi %get3A_751, %add3A_752 : vector<16xi32>
      %mul3A_754 = arith.constant 9 : i32
      %mul3A_755 = vector.broadcast %mul3A_754 : i32 to vector<16xi32>
      %mul3A_756 = arith.muli %add3A_753, %mul3A_755 : vector<16xi32>
      %add3A_757 = arith.constant 0 : i32
      %add3A_758 = vector.broadcast %add3A_757 : i32 to vector<16xi32>
      %add3A_759 = arith.addi %mul3A_756, %add3A_758 : vector<16xi32>
      %swap3A_760 = arith.constant 144 : index
      %swap3A_761 = tpu.vector_load %arg12[%swap3A_760] {strides = array<i32>} : memref<2880xi32, #tpu.memory_space<vmem>>, vector<16xi32>,
      tpu.vector_store %arg12[%swap3A_760], %add3A_759 {strides = array<i32>} : memref<2880xi32, #tpu.memory_space<vmem>>, vector<16xi32>,
      %add3A_762 = arith.constant 1 : i32
      %add3A_763 = vector.broadcast %add3A_762 : i32 to vector<16xi32>
      %add3A_764 = arith.addi %mul3A_756, %add3A_763 : vector<16xi32>
      %swap3A_765 = arith.constant 464 : index
      %swap3A_766 = tpu.vector_load %arg12[%swap3A_765] {strides = array<i32>} : memref<2880xi32, #tpu.memory_space<vmem>>, vector<16xi32>,
      tpu.vector_store %arg12[%swap3A_765], %add3A_764 {strides = array<i32>} : memref<2880xi32, #tpu.memory_space<vmem>>, vector<16xi32>,
      %add3A_767 = arith.constant 2 : i32
      %add3A_768 = vector.broadcast %add3A_767 : i32 to vector<16xi32>
      %add3A_769 = arith.addi %mul3A_756, %add3A_768 : vector<16xi32>
      %swap3A_770 = arith.constant 784 : index
      %swap3A_771 = tpu.vector_load %arg12[%swap3A_770] {strides = array<i32>} : memref<2880xi32, #tpu.memory_space<vmem>>, vector<16xi32>,
      tpu.vector_store %arg12[%swap3A_770], %add3A_769 {strides = array<i32>} : memref<2880xi32, #tpu.memory_space<vmem>>, vector<16xi32>,
      %add3A_772 = arith.constant 3 : i32
      %add3A_773 = vector.broadcast %add3A_772 : i32 to vector<16xi32>
      %add3A_774 = arith.addi %mul3A_756, %add3A_773 : vector<16xi32>
      %swap3A_775 = arith.constant 1104 : index
      %swap3A_776 = tpu.vector_load %arg12[%swap3A_775] {strides = array<i32>} : memref<2880xi32, #tpu.memory_space<vmem>>, vector<16xi32>,
      tpu.vector_store %arg12[%swap3A_775], %add3A_774 {strides = array<i32>} : memref<2880xi32, #tpu.memory_space<vmem>>, vector<16xi32>,
      %add3A_777 = arith.constant 4 : i32
      %add3A_778 = vector.broadcast %add3A_777 : i32 to vector<16xi32>
      %add3A_779 = arith.addi %mul3A_756, %add3A_778 : vector<16xi32>
      %swap3A_780 = arith.constant 1424 : index
      %swap3A_781 = tpu.vector_load %arg12[%swap3A_780] {strides = array<i32>} : memref<2880xi32, #tpu.memory_space<vmem>>, vector<16xi32>,
      tpu.vector_store %arg12[%swap3A_780], %add3A_779 {strides = array<i32>} : memref<2880xi32, #tpu.memory_space<vmem>>, vector<16xi32>,
      %add3A_782 = arith.constant 5 : i32
      %add3A_783 = vector.broadcast %add3A_782 : i32 to vector<16xi32>
      %add3A_784 = arith.addi %mul3A_756, %add3A_783 : vector<16xi32>
      %swap3A_785 = arith.constant 1744 : index
      %swap3A_786 = tpu.vector_load %arg12[%swap3A_785] {strides = array<i32>} : memref<2880xi32, #tpu.memory_space<vmem>>, vector<16xi32>,
      tpu.vector_store %arg12[%swap3A_785], %add3A_784 {strides = array<i32>} : memref<2880xi32, #tpu.memory_space<vmem>>, vector<16xi32>,
      %add3A_787 = arith.constant 6 : i32
      %add3A_788 = vector.broadcast %add3A_787 : i32 to vector<16xi32>
      %add3A_789 = arith.addi %mul3A_756, %add3A_788 : vector<16xi32>
      %swap3A_790 = arith.constant 2064 : index
      %swap3A_791 = tpu.vector_load %arg12[%swap3A_790] {strides = array<i32>} : memref<2880xi32, #tpu.memory_space<vmem>>, vector<16xi32>,
      tpu.vector_store %arg12[%swap3A_790], %add3A_789 {strides = array<i32>} : memref<2880xi32, #tpu.memory_space<vmem>>, vector<16xi32>,
      %add3A_792 = arith.constant 7 : i32
      %add3A_793 = vector.broadcast %add3A_792 : i32 to vector<16xi32>
      %add3A_794 = arith.addi %mul3A_756, %add3A_793 : vector<16xi32>
      %swap3A_795 = arith.constant 2384 : index
      %swap3A_796 = tpu.vector_load %arg12[%swap3A_795] {strides = array<i32>} : memref<2880xi32, #tpu.memory_space<vmem>>, vector<16xi32>,
      tpu.vector_store %arg12[%swap3A_795], %add3A_794 {strides = array<i32>} : memref<2880xi32, #tpu.memory_space<vmem>>, vector<16xi32>,
      %add3A_797 = arith.constant 8 : i32
      %add3A_798 = vector.broadcast %add3A_797 : i32 to vector<16xi32>
      %add3A_799 = arith.addi %mul3A_756, %add3A_798 : vector<16xi32>
      %swap3A_800 = arith.constant 2704 : index
      %swap3A_801 = tpu.vector_load %arg12[%swap3A_800] {strides = array<i32>} : memref<2880xi32, #tpu.memory_space<vmem>>, vector<16xi32>,
      tpu.vector_store %arg12[%swap3A_800], %add3A_799 {strides = array<i32>} : memref<2880xi32, #tpu.memory_space<vmem>>, vector<16xi32>,
      %get3A_802 = arith.constant 160 : index
      %get3A_803 = tpu.vector_load %arg11[%get3A_802] {strides = array<i32>} : memref<352xi32, #tpu.memory_space<vmem>>, vector<16xi32>,
      %add3A_804 = vector.broadcast %mul3A_281 : i32 to vector<16xi32>
      %add3A_805 = arith.addi %get3A_803, %add3A_804 : vector<16xi32>
      %mul3A_806 = arith.constant 9 : i32
      %mul3A_807 = vector.broadcast %mul3A_806 : i32 to vector<16xi32>
      %mul3A_808 = arith.muli %add3A_805, %mul3A_807 : vector<16xi32>
      %add3A_809 = arith.constant 0 : i32
      %add3A_810 = vector.broadcast %add3A_809 : i32 to vector<16xi32>
      %add3A_811 = arith.addi %mul3A_808, %add3A_810 : vector<16xi32>
      %swap3A_812 = arith.constant 160 : index
      %swap3A_813 = tpu.vector_load %arg12[%swap3A_812] {strides = array<i32>} : memref<2880xi32, #tpu.memory_space<vmem>>, vector<16xi32>,
      tpu.vector_store %arg12[%swap3A_812], %add3A_811 {strides = array<i32>} : memref<2880xi32, #tpu.memory_space<vmem>>, vector<16xi32>,
      %add3A_814 = arith.constant 1 : i32
      %add3A_815 = vector.broadcast %add3A_814 : i32 to vector<16xi32>
      %add3A_816 = arith.addi %mul3A_808, %add3A_815 : vector<16xi32>
      %swap3A_817 = arith.constant 480 : index
      %swap3A_818 = tpu.vector_load %arg12[%swap3A_817] {strides = array<i32>} : memref<2880xi32, #tpu.memory_space<vmem>>, vector<16xi32>,
      tpu.vector_store %arg12[%swap3A_817], %add3A_816 {strides = array<i32>} : memref<2880xi32, #tpu.memory_space<vmem>>, vector<16xi32>,
      %add3A_819 = arith.constant 2 : i32
      %add3A_820 = vector.broadcast %add3A_819 : i32 to vector<16xi32>
      %add3A_821 = arith.addi %mul3A_808, %add3A_820 : vector<16xi32>
      %swap3A_822 = arith.constant 800 : index
      %swap3A_823 = tpu.vector_load %arg12[%swap3A_822] {strides = array<i32>} : memref<2880xi32, #tpu.memory_space<vmem>>, vector<16xi32>,
      tpu.vector_store %arg12[%swap3A_822], %add3A_821 {strides = array<i32>} : memref<2880xi32, #tpu.memory_space<vmem>>, vector<16xi32>,
      %add3A_824 = arith.constant 3 : i32
      %add3A_825 = vector.broadcast %add3A_824 : i32 to vector<16xi32>
      %add3A_826 = arith.addi %mul3A_808, %add3A_825 : vector<16xi32>
      %swap3A_827 = arith.constant 1120 : index
      %swap3A_828 = tpu.vector_load %arg12[%swap3A_827] {strides = array<i32>} : memref<2880xi32, #tpu.memory_space<vmem>>, vector<16xi32>,
      tpu.vector_store %arg12[%swap3A_827], %add3A_826 {strides = array<i32>} : memref<2880xi32, #tpu.memory_space<vmem>>, vector<16xi32>,
      %add3A_829 = arith.constant 4 : i32
      %add3A_830 = vector.broadcast %add3A_829 : i32 to vector<16xi32>
      %add3A_831 = arith.addi %mul3A_808, %add3A_830 : vector<16xi32>
      %swap3A_832 = arith.constant 1440 : index
      %swap3A_833 = tpu.vector_load %arg12[%swap3A_832] {strides = array<i32>} : memref<2880xi32, #tpu.memory_space<vmem>>, vector<16xi32>,
      tpu.vector_store %arg12[%swap3A_832], %add3A_831 {strides = array<i32>} : memref<2880xi32, #tpu.memory_space<vmem>>, vector<16xi32>,
      %add3A_834 = arith.constant 5 : i32
      %add3A_835 = vector.broadcast %add3A_834 : i32 to vector<16xi32>
      %add3A_836 = arith.addi %mul3A_808, %add3A_835 : vector<16xi32>
      %swap3A_837 = arith.constant 1760 : index
      %swap3A_838 = tpu.vector_load %arg12[%swap3A_837] {strides = array<i32>} : memref<2880xi32, #tpu.memory_space<vmem>>, vector<16xi32>,
      tpu.vector_store %arg12[%swap3A_837], %add3A_836 {strides = array<i32>} : memref<2880xi32, #tpu.memory_space<vmem>>, vector<16xi32>,
      %add3A_839 = arith.constant 6 : i32
      %add3A_840 = vector.broadcast %add3A_839 : i32 to vector<16xi32>
      %add3A_841 = arith.addi %mul3A_808, %add3A_840 : vector<16xi32>
      %swap3A_842 = arith.constant 2080 : index
      %swap3A_843 = tpu.vector_load %arg12[%swap3A_842] {strides = array<i32>} : memref<2880xi32, #tpu.memory_space<vmem>>, vector<16xi32>,
      tpu.vector_store %arg12[%swap3A_842], %add3A_841 {strides = array<i32>} : memref<2880xi32, #tpu.memory_space<vmem>>, vector<16xi32>,
      %add3A_844 = arith.constant 7 : i32
      %add3A_845 = vector.broadcast %add3A_844 : i32 to vector<16xi32>
      %add3A_846 = arith.addi %mul3A_808, %add3A_845 : vector<16xi32>
      %swap3A_847 = arith.constant 2400 : index
      %swap3A_848 = tpu.vector_load %arg12[%swap3A_847] {strides = array<i32>} : memref<2880xi32, #tpu.memory_space<vmem>>, vector<16xi32>,
      tpu.vector_store %arg12[%swap3A_847], %add3A_846 {strides = array<i32>} : memref<2880xi32, #tpu.memory_space<vmem>>, vector<16xi32>,
      %add3A_849 = arith.constant 8 : i32
      %add3A_850 = vector.broadcast %add3A_849 : i32 to vector<16xi32>
      %add3A_851 = arith.addi %mul3A_808, %add3A_850 : vector<16xi32>
      %swap3A_852 = arith.constant 2720 : index
      %swap3A_853 = tpu.vector_load %arg12[%swap3A_852] {strides = array<i32>} : memref<2880xi32, #tpu.memory_space<vmem>>, vector<16xi32>,
      tpu.vector_store %arg12[%swap3A_852], %add3A_851 {strides = array<i32>} : memref<2880xi32, #tpu.memory_space<vmem>>, vector<16xi32>,
      %get3A_854 = arith.constant 176 : index
      %get3A_855 = tpu.vector_load %arg11[%get3A_854] {strides = array<i32>} : memref<352xi32, #tpu.memory_space<vmem>>, vector<16xi32>,
      %add3A_856 = vector.broadcast %mul3A_281 : i32 to vector<16xi32>
      %add3A_857 = arith.addi %get3A_855, %add3A_856 : vector<16xi32>
      %mul3A_858 = arith.constant 9 : i32
      %mul3A_859 = vector.broadcast %mul3A_858 : i32 to vector<16xi32>
      %mul3A_860 = arith.muli %add3A_857, %mul3A_859 : vector<16xi32>
      %add3A_861 = arith.constant 0 : i32
      %add3A_862 = vector.broadcast %add3A_861 : i32 to vector<16xi32>
      %add3A_863 = arith.addi %mul3A_860, %add3A_862 : vector<16xi32>
      %swap3A_864 = arith.constant 176 : index
      %swap3A_865 = tpu.vector_load %arg12[%swap3A_864] {strides = array<i32>} : memref<2880xi32, #tpu.memory_space<vmem>>, vector<16xi32>,
      tpu.vector_store %arg12[%swap3A_864], %add3A_863 {strides = array<i32>} : memref<2880xi32, #tpu.memory_space<vmem>>, vector<16xi32>,
      %add3A_866 = arith.constant 1 : i32
      %add3A_867 = vector.broadcast %add3A_866 : i32 to vector<16xi32>
      %add3A_868 = arith.addi %mul3A_860, %add3A_867 : vector<16xi32>
      %swap3A_869 = arith.constant 496 : index
      %swap3A_870 = tpu.vector_load %arg12[%swap3A_869] {strides = array<i32>} : memref<2880xi32, #tpu.memory_space<vmem>>, vector<16xi32>,
      tpu.vector_store %arg12[%swap3A_869], %add3A_868 {strides = array<i32>} : memref<2880xi32, #tpu.memory_space<vmem>>, vector<16xi32>,
      %add3A_871 = arith.constant 2 : i32
      %add3A_872 = vector.broadcast %add3A_871 : i32 to vector<16xi32>
      %add3A_873 = arith.addi %mul3A_860, %add3A_872 : vector<16xi32>
      %swap3A_874 = arith.constant 816 : index
      %swap3A_875 = tpu.vector_load %arg12[%swap3A_874] {strides = array<i32>} : memref<2880xi32, #tpu.memory_space<vmem>>, vector<16xi32>,
      tpu.vector_store %arg12[%swap3A_874], %add3A_873 {strides = array<i32>} : memref<2880xi32, #tpu.memory_space<vmem>>, vector<16xi32>,
      %add3A_876 = arith.constant 3 : i32
      %add3A_877 = vector.broadcast %add3A_876 : i32 to vector<16xi32>
      %add3A_878 = arith.addi %mul3A_860, %add3A_877 : vector<16xi32>
      %swap3A_879 = arith.constant 1136 : index
      %swap3A_880 = tpu.vector_load %arg12[%swap3A_879] {strides = array<i32>} : memref<2880xi32, #tpu.memory_space<vmem>>, vector<16xi32>,
      tpu.vector_store %arg12[%swap3A_879], %add3A_878 {strides = array<i32>} : memref<2880xi32, #tpu.memory_space<vmem>>, vector<16xi32>,
      %add3A_881 = arith.constant 4 : i32
      %add3A_882 = vector.broadcast %add3A_881 : i32 to vector<16xi32>
      %add3A_883 = arith.addi %mul3A_860, %add3A_882 : vector<16xi32>
      %swap3A_884 = arith.constant 1456 : index
      %swap3A_885 = tpu.vector_load %arg12[%swap3A_884] {strides = array<i32>} : memref<2880xi32, #tpu.memory_space<vmem>>, vector<16xi32>,
      tpu.vector_store %arg12[%swap3A_884], %add3A_883 {strides = array<i32>} : memref<2880xi32, #tpu.memory_space<vmem>>, vector<16xi32>,
      %add3A_886 = arith.constant 5 : i32
      %add3A_887 = vector.broadcast %add3A_886 : i32 to vector<16xi32>
      %add3A_888 = arith.addi %mul3A_860, %add3A_887 : vector<16xi32>
      %swap3A_889 = arith.constant 1776 : index
      %swap3A_890 = tpu.vector_load %arg12[%swap3A_889] {strides = array<i32>} : memref<2880xi32, #tpu.memory_space<vmem>>, vector<16xi32>,
      tpu.vector_store %arg12[%swap3A_889], %add3A_888 {strides = array<i32>} : memref<2880xi32, #tpu.memory_space<vmem>>, vector<16xi32>,
      %add3A_891 = arith.constant 6 : i32
      %add3A_892 = vector.broadcast %add3A_891 : i32 to vector<16xi32>
      %add3A_893 = arith.addi %mul3A_860, %add3A_892 : vector<16xi32>
      %swap3A_894 = arith.constant 2096 : index
      %swap3A_895 = tpu.vector_load %arg12[%swap3A_894] {strides = array<i32>} : memref<2880xi32, #tpu.memory_space<vmem>>, vector<16xi32>,
      tpu.vector_store %arg12[%swap3A_894], %add3A_893 {strides = array<i32>} : memref<2880xi32, #tpu.memory_space<vmem>>, vector<16xi32>,
      %add3A_896 = arith.constant 7 : i32
      %add3A_897 = vector.broadcast %add3A_896 : i32 to vector<16xi32>
      %add3A_898 = arith.addi %mul3A_860, %add3A_897 : vector<16xi32>
      %swap3A_899 = arith.constant 2416 : index
      %swap3A_900 = tpu.vector_load %arg12[%swap3A_899] {strides = array<i32>} : memref<2880xi32, #tpu.memory_space<vmem>>, vector<16xi32>,
      tpu.vector_store %arg12[%swap3A_899], %add3A_898 {strides = array<i32>} : memref<2880xi32, #tpu.memory_space<vmem>>, vector<16xi32>,
      %add3A_901 = arith.constant 8 : i32
      %add3A_902 = vector.broadcast %add3A_901 : i32 to vector<16xi32>
      %add3A_903 = arith.addi %mul3A_860, %add3A_902 : vector<16xi32>
      %swap3A_904 = arith.constant 2736 : index
      %swap3A_905 = tpu.vector_load %arg12[%swap3A_904] {strides = array<i32>} : memref<2880xi32, #tpu.memory_space<vmem>>, vector<16xi32>,
      tpu.vector_store %arg12[%swap3A_904], %add3A_903 {strides = array<i32>} : memref<2880xi32, #tpu.memory_space<vmem>>, vector<16xi32>,
      %get3A_906 = arith.constant 192 : index
      %get3A_907 = tpu.vector_load %arg11[%get3A_906] {strides = array<i32>} : memref<352xi32, #tpu.memory_space<vmem>>, vector<16xi32>,
      %add3A_908 = vector.broadcast %mul3A_281 : i32 to vector<16xi32>
      %add3A_909 = arith.addi %get3A_907, %add3A_908 : vector<16xi32>
      %mul3A_910 = arith.constant 9 : i32
      %mul3A_911 = vector.broadcast %mul3A_910 : i32 to vector<16xi32>
      %mul3A_912 = arith.muli %add3A_909, %mul3A_911 : vector<16xi32>
      %add3A_913 = arith.constant 0 : i32
      %add3A_914 = vector.broadcast %add3A_913 : i32 to vector<16xi32>
      %add3A_915 = arith.addi %mul3A_912, %add3A_914 : vector<16xi32>
      %swap3A_916 = arith.constant 192 : index
      %swap3A_917 = tpu.vector_load %arg12[%swap3A_916] {strides = array<i32>} : memref<2880xi32, #tpu.memory_space<vmem>>, vector<16xi32>,
      tpu.vector_store %arg12[%swap3A_916], %add3A_915 {strides = array<i32>} : memref<2880xi32, #tpu.memory_space<vmem>>, vector<16xi32>,
      %add3A_918 = arith.constant 1 : i32
      %add3A_919 = vector.broadcast %add3A_918 : i32 to vector<16xi32>
      %add3A_920 = arith.addi %mul3A_912, %add3A_919 : vector<16xi32>
      %swap3A_921 = arith.constant 512 : index
      %swap3A_922 = tpu.vector_load %arg12[%swap3A_921] {strides = array<i32>} : memref<2880xi32, #tpu.memory_space<vmem>>, vector<16xi32>,
      tpu.vector_store %arg12[%swap3A_921], %add3A_920 {strides = array<i32>} : memref<2880xi32, #tpu.memory_space<vmem>>, vector<16xi32>,
      %add3A_923 = arith.constant 2 : i32
      %add3A_924 = vector.broadcast %add3A_923 : i32 to vector<16xi32>
      %add3A_925 = arith.addi %mul3A_912, %add3A_924 : vector<16xi32>
      %swap3A_926 = arith.constant 832 : index
      %swap3A_927 = tpu.vector_load %arg12[%swap3A_926] {strides = array<i32>} : memref<2880xi32, #tpu.memory_space<vmem>>, vector<16xi32>,
      tpu.vector_store %arg12[%swap3A_926], %add3A_925 {strides = array<i32>} : memref<2880xi32, #tpu.memory_space<vmem>>, vector<16xi32>,
      %add3A_928 = arith.constant 3 : i32
      %add3A_929 = vector.broadcast %add3A_928 : i32 to vector<16xi32>
      %add3A_930 = arith.addi %mul3A_912, %add3A_929 : vector<16xi32>
      %swap3A_931 = arith.constant 1152 : index
      %swap3A_932 = tpu.vector_load %arg12[%swap3A_931] {strides = array<i32>} : memref<2880xi32, #tpu.memory_space<vmem>>, vector<16xi32>,
      tpu.vector_store %arg12[%swap3A_931], %add3A_930 {strides = array<i32>} : memref<2880xi32, #tpu.memory_space<vmem>>, vector<16xi32>,
      %add3A_933 = arith.constant 4 : i32
      %add3A_934 = vector.broadcast %add3A_933 : i32 to vector<16xi32>
      %add3A_935 = arith.addi %mul3A_912, %add3A_934 : vector<16xi32>
      %swap3A_936 = arith.constant 1472 : index
      %swap3A_937 = tpu.vector_load %arg12[%swap3A_936] {strides = array<i32>} : memref<2880xi32, #tpu.memory_space<vmem>>, vector<16xi32>,
      tpu.vector_store %arg12[%swap3A_936], %add3A_935 {strides = array<i32>} : memref<2880xi32, #tpu.memory_space<vmem>>, vector<16xi32>,
      %add3A_938 = arith.constant 5 : i32
      %add3A_939 = vector.broadcast %add3A_938 : i32 to vector<16xi32>
      %add3A_940 = arith.addi %mul3A_912, %add3A_939 : vector<16xi32>
      %swap3A_941 = arith.constant 1792 : index
      %swap3A_942 = tpu.vector_load %arg12[%swap3A_941] {strides = array<i32>} : memref<2880xi32, #tpu.memory_space<vmem>>, vector<16xi32>,
      tpu.vector_store %arg12[%swap3A_941], %add3A_940 {strides = array<i32>} : memref<2880xi32, #tpu.memory_space<vmem>>, vector<16xi32>,
      %add3A_943 = arith.constant 6 : i32
      %add3A_944 = vector.broadcast %add3A_943 : i32 to vector<16xi32>
      %add3A_945 = arith.addi %mul3A_912, %add3A_944 : vector<16xi32>
      %swap3A_946 = arith.constant 2112 : index
      %swap3A_947 = tpu.vector_load %arg12[%swap3A_946] {strides = array<i32>} : memref<2880xi32, #tpu.memory_space<vmem>>, vector<16xi32>,
      tpu.vector_store %arg12[%swap3A_946], %add3A_945 {strides = array<i32>} : memref<2880xi32, #tpu.memory_space<vmem>>, vector<16xi32>,
      %add3A_948 = arith.constant 7 : i32
      %add3A_949 = vector.broadcast %add3A_948 : i32 to vector<16xi32>
      %add3A_950 = arith.addi %mul3A_912, %add3A_949 : vector<16xi32>
      %swap3A_951 = arith.constant 2432 : index
      %swap3A_952 = tpu.vector_load %arg12[%swap3A_951] {strides = array<i32>} : memref<2880xi32, #tpu.memory_space<vmem>>, vector<16xi32>,
      tpu.vector_store %arg12[%swap3A_951], %add3A_950 {strides = array<i32>} : memref<2880xi32, #tpu.memory_space<vmem>>, vector<16xi32>,
      %add3A_953 = arith.constant 8 : i32
      %add3A_954 = vector.broadcast %add3A_953 : i32 to vector<16xi32>
      %add3A_955 = arith.addi %mul3A_912, %add3A_954 : vector<16xi32>
      %swap3A_956 = arith.constant 2752 : index
      %swap3A_957 = tpu.vector_load %arg12[%swap3A_956] {strides = array<i32>} : memref<2880xi32, #tpu.memory_space<vmem>>, vector<16xi32>,
      tpu.vector_store %arg12[%swap3A_956], %add3A_955 {strides = array<i32>} : memref<2880xi32, #tpu.memory_space<vmem>>, vector<16xi32>,
      %get3A_958 = arith.constant 208 : index
      %get3A_959 = tpu.vector_load %arg11[%get3A_958] {strides = array<i32>} : memref<352xi32, #tpu.memory_space<vmem>>, vector<16xi32>,
      %add3A_960 = vector.broadcast %mul3A_281 : i32 to vector<16xi32>
      %add3A_961 = arith.addi %get3A_959, %add3A_960 : vector<16xi32>
      %mul3A_962 = arith.constant 9 : i32
      %mul3A_963 = vector.broadcast %mul3A_962 : i32 to vector<16xi32>
      %mul3A_964 = arith.muli %add3A_961, %mul3A_963 : vector<16xi32>
      %add3A_965 = arith.constant 0 : i32
      %add3A_966 = vector.broadcast %add3A_965 : i32 to vector<16xi32>
      %add3A_967 = arith.addi %mul3A_964, %add3A_966 : vector<16xi32>
      %swap3A_968 = arith.constant 208 : index
      %swap3A_969 = tpu.vector_load %arg12[%swap3A_968] {strides = array<i32>} : memref<2880xi32, #tpu.memory_space<vmem>>, vector<16xi32>,
      tpu.vector_store %arg12[%swap3A_968], %add3A_967 {strides = array<i32>} : memref<2880xi32, #tpu.memory_space<vmem>>, vector<16xi32>,
      %add3A_970 = arith.constant 1 : i32
      %add3A_971 = vector.broadcast %add3A_970 : i32 to vector<16xi32>
      %add3A_972 = arith.addi %mul3A_964, %add3A_971 : vector<16xi32>
      %swap3A_973 = arith.constant 528 : index
      %swap3A_974 = tpu.vector_load %arg12[%swap3A_973] {strides = array<i32>} : memref<2880xi32, #tpu.memory_space<vmem>>, vector<16xi32>,
      tpu.vector_store %arg12[%swap3A_973], %add3A_972 {strides = array<i32>} : memref<2880xi32, #tpu.memory_space<vmem>>, vector<16xi32>,
      %add3A_975 = arith.constant 2 : i32
      %add3A_976 = vector.broadcast %add3A_975 : i32 to vector<16xi32>
      %add3A_977 = arith.addi %mul3A_964, %add3A_976 : vector<16xi32>
      %swap3A_978 = arith.constant 848 : index
      %swap3A_979 = tpu.vector_load %arg12[%swap3A_978] {strides = array<i32>} : memref<2880xi32, #tpu.memory_space<vmem>>, vector<16xi32>,
      tpu.vector_store %arg12[%swap3A_978], %add3A_977 {strides = array<i32>} : memref<2880xi32, #tpu.memory_space<vmem>>, vector<16xi32>,
      %add3A_980 = arith.constant 3 : i32
      %add3A_981 = vector.broadcast %add3A_980 : i32 to vector<16xi32>
      %add3A_982 = arith.addi %mul3A_964, %add3A_981 : vector<16xi32>
      %swap3A_983 = arith.constant 1168 : index
      %swap3A_984 = tpu.vector_load %arg12[%swap3A_983] {strides = array<i32>} : memref<2880xi32, #tpu.memory_space<vmem>>, vector<16xi32>,
      tpu.vector_store %arg12[%swap3A_983], %add3A_982 {strides = array<i32>} : memref<2880xi32, #tpu.memory_space<vmem>>, vector<16xi32>,
      %add3A_985 = arith.constant 4 : i32
      %add3A_986 = vector.broadcast %add3A_985 : i32 to vector<16xi32>
      %add3A_987 = arith.addi %mul3A_964, %add3A_986 : vector<16xi32>
      %swap3A_988 = arith.constant 1488 : index
      %swap3A_989 = tpu.vector_load %arg12[%swap3A_988] {strides = array<i32>} : memref<2880xi32, #tpu.memory_space<vmem>>, vector<16xi32>,
      tpu.vector_store %arg12[%swap3A_988], %add3A_987 {strides = array<i32>} : memref<2880xi32, #tpu.memory_space<vmem>>, vector<16xi32>,
      %add3A_990 = arith.constant 5 : i32
      %add3A_991 = vector.broadcast %add3A_990 : i32 to vector<16xi32>
      %add3A_992 = arith.addi %mul3A_964, %add3A_991 : vector<16xi32>
      %swap3A_993 = arith.constant 1808 : index
      %swap3A_994 = tpu.vector_load %arg12[%swap3A_993] {strides = array<i32>} : memref<2880xi32, #tpu.memory_space<vmem>>, vector<16xi32>,
      tpu.vector_store %arg12[%swap3A_993], %add3A_992 {strides = array<i32>} : memref<2880xi32, #tpu.memory_space<vmem>>, vector<16xi32>,
      %add3A_995 = arith.constant 6 : i32
      %add3A_996 = vector.broadcast %add3A_995 : i32 to vector<16xi32>
      %add3A_997 = arith.addi %mul3A_964, %add3A_996 : vector<16xi32>
      %swap3A_998 = arith.constant 2128 : index
      %swap3A_999 = tpu.vector_load %arg12[%swap3A_998] {strides = array<i32>} : memref<2880xi32, #tpu.memory_space<vmem>>, vector<16xi32>,
      tpu.vector_store %arg12[%swap3A_998], %add3A_997 {strides = array<i32>} : memref<2880xi32, #tpu.memory_space<vmem>>, vector<16xi32>,
      %add3A_1000 = arith.constant 7 : i32
      %add3A_1001 = vector.broadcast %add3A_1000 : i32 to vector<16xi32>
      %add3A_1002 = arith.addi %mul3A_964, %add3A_1001 : vector<16xi32>
      %swap3A_1003 = arith.constant 2448 : index
      %swap3A_1004 = tpu.vector_load %arg12[%swap3A_1003] {strides = array<i32>} : memref<2880xi32, #tpu.memory_space<vmem>>, vector<16xi32>,
      tpu.vector_store %arg12[%swap3A_1003], %add3A_1002 {strides = array<i32>} : memref<2880xi32, #tpu.memory_space<vmem>>, vector<16xi32>,
      %add3A_1005 = arith.constant 8 : i32
      %add3A_1006 = vector.broadcast %add3A_1005 : i32 to vector<16xi32>
      %add3A_1007 = arith.addi %mul3A_964, %add3A_1006 : vector<16xi32>
      %swap3A_1008 = arith.constant 2768 : index
      %swap3A_1009 = tpu.vector_load %arg12[%swap3A_1008] {strides = array<i32>} : memref<2880xi32, #tpu.memory_space<vmem>>, vector<16xi32>,
      tpu.vector_store %arg12[%swap3A_1008], %add3A_1007 {strides = array<i32>} : memref<2880xi32, #tpu.memory_space<vmem>>, vector<16xi32>,
      %get3A_1010 = arith.constant 224 : index
      %get3A_1011 = tpu.vector_load %arg11[%get3A_1010] {strides = array<i32>} : memref<352xi32, #tpu.memory_space<vmem>>, vector<16xi32>,
      %add3A_1012 = vector.broadcast %mul3A_281 : i32 to vector<16xi32>
      %add3A_1013 = arith.addi %get3A_1011, %add3A_1012 : vector<16xi32>
      %mul3A_1014 = arith.constant 9 : i32
      %mul3A_1015 = vector.broadcast %mul3A_1014 : i32 to vector<16xi32>
      %mul3A_1016 = arith.muli %add3A_1013, %mul3A_1015 : vector<16xi32>
      %add3A_1017 = arith.constant 0 : i32
      %add3A_1018 = vector.broadcast %add3A_1017 : i32 to vector<16xi32>
      %add3A_1019 = arith.addi %mul3A_1016, %add3A_1018 : vector<16xi32>
      %swap3A_1020 = arith.constant 224 : index
      %swap3A_1021 = tpu.vector_load %arg12[%swap3A_1020] {strides = array<i32>} : memref<2880xi32, #tpu.memory_space<vmem>>, vector<16xi32>,
      tpu.vector_store %arg12[%swap3A_1020], %add3A_1019 {strides = array<i32>} : memref<2880xi32, #tpu.memory_space<vmem>>, vector<16xi32>,
      %add3A_1022 = arith.constant 1 : i32
      %add3A_1023 = vector.broadcast %add3A_1022 : i32 to vector<16xi32>
      %add3A_1024 = arith.addi %mul3A_1016, %add3A_1023 : vector<16xi32>
      %swap3A_1025 = arith.constant 544 : index
      %swap3A_1026 = tpu.vector_load %arg12[%swap3A_1025] {strides = array<i32>} : memref<2880xi32, #tpu.memory_space<vmem>>, vector<16xi32>,
      tpu.vector_store %arg12[%swap3A_1025], %add3A_1024 {strides = array<i32>} : memref<2880xi32, #tpu.memory_space<vmem>>, vector<16xi32>,
      %add3A_1027 = arith.constant 2 : i32
      %add3A_1028 = vector.broadcast %add3A_1027 : i32 to vector<16xi32>
      %add3A_1029 = arith.addi %mul3A_1016, %add3A_1028 : vector<16xi32>
      %swap3A_1030 = arith.constant 864 : index
      %swap3A_1031 = tpu.vector_load %arg12[%swap3A_1030] {strides = array<i32>} : memref<2880xi32, #tpu.memory_space<vmem>>, vector<16xi32>,
      tpu.vector_store %arg12[%swap3A_1030], %add3A_1029 {strides = array<i32>} : memref<2880xi32, #tpu.memory_space<vmem>>, vector<16xi32>,
      %add3A_1032 = arith.constant 3 : i32
      %add3A_1033 = vector.broadcast %add3A_1032 : i32 to vector<16xi32>
      %add3A_1034 = arith.addi %mul3A_1016, %add3A_1033 : vector<16xi32>
      %swap3A_1035 = arith.constant 1184 : index
      %swap3A_1036 = tpu.vector_load %arg12[%swap3A_1035] {strides = array<i32>} : memref<2880xi32, #tpu.memory_space<vmem>>, vector<16xi32>,
      tpu.vector_store %arg12[%swap3A_1035], %add3A_1034 {strides = array<i32>} : memref<2880xi32, #tpu.memory_space<vmem>>, vector<16xi32>,
      %add3A_1037 = arith.constant 4 : i32
      %add3A_1038 = vector.broadcast %add3A_1037 : i32 to vector<16xi32>
      %add3A_1039 = arith.addi %mul3A_1016, %add3A_1038 : vector<16xi32>
      %swap3A_1040 = arith.constant 1504 : index
      %swap3A_1041 = tpu.vector_load %arg12[%swap3A_1040] {strides = array<i32>} : memref<2880xi32, #tpu.memory_space<vmem>>, vector<16xi32>,
      tpu.vector_store %arg12[%swap3A_1040], %add3A_1039 {strides = array<i32>} : memref<2880xi32, #tpu.memory_space<vmem>>, vector<16xi32>,
      %add3A_1042 = arith.constant 5 : i32
      %add3A_1043 = vector.broadcast %add3A_1042 : i32 to vector<16xi32>
      %add3A_1044 = arith.addi %mul3A_1016, %add3A_1043 : vector<16xi32>
      %swap3A_1045 = arith.constant 1824 : index
      %swap3A_1046 = tpu.vector_load %arg12[%swap3A_1045] {strides = array<i32>} : memref<2880xi32, #tpu.memory_space<vmem>>, vector<16xi32>,
      tpu.vector_store %arg12[%swap3A_1045], %add3A_1044 {strides = array<i32>} : memref<2880xi32, #tpu.memory_space<vmem>>, vector<16xi32>,
      %add3A_1047 = arith.constant 6 : i32
      %add3A_1048 = vector.broadcast %add3A_1047 : i32 to vector<16xi32>
      %add3A_1049 = arith.addi %mul3A_1016, %add3A_1048 : vector<16xi32>
      %swap3A_1050 = arith.constant 2144 : index
      %swap3A_1051 = tpu.vector_load %arg12[%swap3A_1050] {strides = array<i32>} : memref<2880xi32, #tpu.memory_space<vmem>>, vector<16xi32>,
      tpu.vector_store %arg12[%swap3A_1050], %add3A_1049 {strides = array<i32>} : memref<2880xi32, #tpu.memory_space<vmem>>, vector<16xi32>,
      %add3A_1052 = arith.constant 7 : i32
      %add3A_1053 = vector.broadcast %add3A_1052 : i32 to vector<16xi32>
      %add3A_1054 = arith.addi %mul3A_1016, %add3A_1053 : vector<16xi32>
      %swap3A_1055 = arith.constant 2464 : index
      %swap3A_1056 = tpu.vector_load %arg12[%swap3A_1055] {strides = array<i32>} : memref<2880xi32, #tpu.memory_space<vmem>>, vector<16xi32>,
      tpu.vector_store %arg12[%swap3A_1055], %add3A_1054 {strides = array<i32>} : memref<2880xi32, #tpu.memory_space<vmem>>, vector<16xi32>,
      %add3A_1057 = arith.constant 8 : i32
      %add3A_1058 = vector.broadcast %add3A_1057 : i32 to vector<16xi32>
      %add3A_1059 = arith.addi %mul3A_1016, %add3A_1058 : vector<16xi32>
      %swap3A_1060 = arith.constant 2784 : index
      %swap3A_1061 = tpu.vector_load %arg12[%swap3A_1060] {strides = array<i32>} : memref<2880xi32, #tpu.memory_space<vmem>>, vector<16xi32>,
      tpu.vector_store %arg12[%swap3A_1060], %add3A_1059 {strides = array<i32>} : memref<2880xi32, #tpu.memory_space<vmem>>, vector<16xi32>,
      %get3A_1062 = arith.constant 240 : index
      %get3A_1063 = tpu.vector_load %arg11[%get3A_1062] {strides = array<i32>} : memref<352xi32, #tpu.memory_space<vmem>>, vector<16xi32>,
      %add3A_1064 = vector.broadcast %mul3A_281 : i32 to vector<16xi32>
      %add3A_1065 = arith.addi %get3A_1063, %add3A_1064 : vector<16xi32>
      %mul3A_1066 = arith.constant 9 : i32
      %mul3A_1067 = vector.broadcast %mul3A_1066 : i32 to vector<16xi32>
      %mul3A_1068 = arith.muli %add3A_1065, %mul3A_1067 : vector<16xi32>
      %add3A_1069 = arith.constant 0 : i32
      %add3A_1070 = vector.broadcast %add3A_1069 : i32 to vector<16xi32>
      %add3A_1071 = arith.addi %mul3A_1068, %add3A_1070 : vector<16xi32>
      %swap3A_1072 = arith.constant 240 : index
      %swap3A_1073 = tpu.vector_load %arg12[%swap3A_1072] {strides = array<i32>} : memref<2880xi32, #tpu.memory_space<vmem>>, vector<16xi32>,
      tpu.vector_store %arg12[%swap3A_1072], %add3A_1071 {strides = array<i32>} : memref<2880xi32, #tpu.memory_space<vmem>>, vector<16xi32>,
      %add3A_1074 = arith.constant 1 : i32
      %add3A_1075 = vector.broadcast %add3A_1074 : i32 to vector<16xi32>
      %add3A_1076 = arith.addi %mul3A_1068, %add3A_1075 : vector<16xi32>
      %swap3A_1077 = arith.constant 560 : index
      %swap3A_1078 = tpu.vector_load %arg12[%swap3A_1077] {strides = array<i32>} : memref<2880xi32, #tpu.memory_space<vmem>>, vector<16xi32>,
      tpu.vector_store %arg12[%swap3A_1077], %add3A_1076 {strides = array<i32>} : memref<2880xi32, #tpu.memory_space<vmem>>, vector<16xi32>,
      %add3A_1079 = arith.constant 2 : i32
      %add3A_1080 = vector.broadcast %add3A_1079 : i32 to vector<16xi32>
      %add3A_1081 = arith.addi %mul3A_1068, %add3A_1080 : vector<16xi32>
      %swap3A_1082 = arith.constant 880 : index
      %swap3A_1083 = tpu.vector_load %arg12[%swap3A_1082] {strides = array<i32>} : memref<2880xi32, #tpu.memory_space<vmem>>, vector<16xi32>,
      tpu.vector_store %arg12[%swap3A_1082], %add3A_1081 {strides = array<i32>} : memref<2880xi32, #tpu.memory_space<vmem>>, vector<16xi32>,
      %add3A_1084 = arith.constant 3 : i32
      %add3A_1085 = vector.broadcast %add3A_1084 : i32 to vector<16xi32>
      %add3A_1086 = arith.addi %mul3A_1068, %add3A_1085 : vector<16xi32>
      %swap3A_1087 = arith.constant 1200 : index
      %swap3A_1088 = tpu.vector_load %arg12[%swap3A_1087] {strides = array<i32>} : memref<2880xi32, #tpu.memory_space<vmem>>, vector<16xi32>,
      tpu.vector_store %arg12[%swap3A_1087], %add3A_1086 {strides = array<i32>} : memref<2880xi32, #tpu.memory_space<vmem>>, vector<16xi32>,
      %add3A_1089 = arith.constant 4 : i32
      %add3A_1090 = vector.broadcast %add3A_1089 : i32 to vector<16xi32>
      %add3A_1091 = arith.addi %mul3A_1068, %add3A_1090 : vector<16xi32>
      %swap3A_1092 = arith.constant 1520 : index
      %swap3A_1093 = tpu.vector_load %arg12[%swap3A_1092] {strides = array<i32>} : memref<2880xi32, #tpu.memory_space<vmem>>, vector<16xi32>,
      tpu.vector_store %arg12[%swap3A_1092], %add3A_1091 {strides = array<i32>} : memref<2880xi32, #tpu.memory_space<vmem>>, vector<16xi32>,
      %add3A_1094 = arith.constant 5 : i32
      %add3A_1095 = vector.broadcast %add3A_1094 : i32 to vector<16xi32>
      %add3A_1096 = arith.addi %mul3A_1068, %add3A_1095 : vector<16xi32>
      %swap3A_1097 = arith.constant 1840 : index
      %swap3A_1098 = tpu.vector_load %arg12[%swap3A_1097] {strides = array<i32>} : memref<2880xi32, #tpu.memory_space<vmem>>, vector<16xi32>,
      tpu.vector_store %arg12[%swap3A_1097], %add3A_1096 {strides = array<i32>} : memref<2880xi32, #tpu.memory_space<vmem>>, vector<16xi32>,
      %add3A_1099 = arith.constant 6 : i32
      %add3A_1100 = vector.broadcast %add3A_1099 : i32 to vector<16xi32>
      %add3A_1101 = arith.addi %mul3A_1068, %add3A_1100 : vector<16xi32>
      %swap3A_1102 = arith.constant 2160 : index
      %swap3A_1103 = tpu.vector_load %arg12[%swap3A_1102] {strides = array<i32>} : memref<2880xi32, #tpu.memory_space<vmem>>, vector<16xi32>,
      tpu.vector_store %arg12[%swap3A_1102], %add3A_1101 {strides = array<i32>} : memref<2880xi32, #tpu.memory_space<vmem>>, vector<16xi32>,
      %add3A_1104 = arith.constant 7 : i32
      %add3A_1105 = vector.broadcast %add3A_1104 : i32 to vector<16xi32>
      %add3A_1106 = arith.addi %mul3A_1068, %add3A_1105 : vector<16xi32>
      %swap3A_1107 = arith.constant 2480 : index
      %swap3A_1108 = tpu.vector_load %arg12[%swap3A_1107] {strides = array<i32>} : memref<2880xi32, #tpu.memory_space<vmem>>, vector<16xi32>,
      tpu.vector_store %arg12[%swap3A_1107], %add3A_1106 {strides = array<i32>} : memref<2880xi32, #tpu.memory_space<vmem>>, vector<16xi32>,
      %add3A_1109 = arith.constant 8 : i32
      %add3A_1110 = vector.broadcast %add3A_1109 : i32 to vector<16xi32>
      %add3A_1111 = arith.addi %mul3A_1068, %add3A_1110 : vector<16xi32>
      %swap3A_1112 = arith.constant 2800 : index
      %swap3A_1113 = tpu.vector_load %arg12[%swap3A_1112] {strides = array<i32>} : memref<2880xi32, #tpu.memory_space<vmem>>, vector<16xi32>,
      tpu.vector_store %arg12[%swap3A_1112], %add3A_1111 {strides = array<i32>} : memref<2880xi32, #tpu.memory_space<vmem>>, vector<16xi32>,
      %get3A_1114 = arith.constant 256 : index
      %get3A_1115 = tpu.vector_load %arg11[%get3A_1114] {strides = array<i32>} : memref<352xi32, #tpu.memory_space<vmem>>, vector<16xi32>,
      %add3A_1116 = vector.broadcast %mul3A_281 : i32 to vector<16xi32>
      %add3A_1117 = arith.addi %get3A_1115, %add3A_1116 : vector<16xi32>
      %mul3A_1118 = arith.constant 9 : i32
      %mul3A_1119 = vector.broadcast %mul3A_1118 : i32 to vector<16xi32>
      %mul3A_1120 = arith.muli %add3A_1117, %mul3A_1119 : vector<16xi32>
      %add3A_1121 = arith.constant 0 : i32
      %add3A_1122 = vector.broadcast %add3A_1121 : i32 to vector<16xi32>
      %add3A_1123 = arith.addi %mul3A_1120, %add3A_1122 : vector<16xi32>
      %swap3A_1124 = arith.constant 256 : index
      %swap3A_1125 = tpu.vector_load %arg12[%swap3A_1124] {strides = array<i32>} : memref<2880xi32, #tpu.memory_space<vmem>>, vector<16xi32>,
      tpu.vector_store %arg12[%swap3A_1124], %add3A_1123 {strides = array<i32>} : memref<2880xi32, #tpu.memory_space<vmem>>, vector<16xi32>,
      %add3A_1126 = arith.constant 1 : i32
      %add3A_1127 = vector.broadcast %add3A_1126 : i32 to vector<16xi32>
      %add3A_1128 = arith.addi %mul3A_1120, %add3A_1127 : vector<16xi32>
      %swap3A_1129 = arith.constant 576 : index
      %swap3A_1130 = tpu.vector_load %arg12[%swap3A_1129] {strides = array<i32>} : memref<2880xi32, #tpu.memory_space<vmem>>, vector<16xi32>,
      tpu.vector_store %arg12[%swap3A_1129], %add3A_1128 {strides = array<i32>} : memref<2880xi32, #tpu.memory_space<vmem>>, vector<16xi32>,
      %add3A_1131 = arith.constant 2 : i32
      %add3A_1132 = vector.broadcast %add3A_1131 : i32 to vector<16xi32>
      %add3A_1133 = arith.addi %mul3A_1120, %add3A_1132 : vector<16xi32>
      %swap3A_1134 = arith.constant 896 : index
      %swap3A_1135 = tpu.vector_load %arg12[%swap3A_1134] {strides = array<i32>} : memref<2880xi32, #tpu.memory_space<vmem>>, vector<16xi32>,
      tpu.vector_store %arg12[%swap3A_1134], %add3A_1133 {strides = array<i32>} : memref<2880xi32, #tpu.memory_space<vmem>>, vector<16xi32>,
      %add3A_1136 = arith.constant 3 : i32
      %add3A_1137 = vector.broadcast %add3A_1136 : i32 to vector<16xi32>
      %add3A_1138 = arith.addi %mul3A_1120, %add3A_1137 : vector<16xi32>
      %swap3A_1139 = arith.constant 1216 : index
      %swap3A_1140 = tpu.vector_load %arg12[%swap3A_1139] {strides = array<i32>} : memref<2880xi32, #tpu.memory_space<vmem>>, vector<16xi32>,
      tpu.vector_store %arg12[%swap3A_1139], %add3A_1138 {strides = array<i32>} : memref<2880xi32, #tpu.memory_space<vmem>>, vector<16xi32>,
      %add3A_1141 = arith.constant 4 : i32
      %add3A_1142 = vector.broadcast %add3A_1141 : i32 to vector<16xi32>
      %add3A_1143 = arith.addi %mul3A_1120, %add3A_1142 : vector<16xi32>
      %swap3A_1144 = arith.constant 1536 : index
      %swap3A_1145 = tpu.vector_load %arg12[%swap3A_1144] {strides = array<i32>} : memref<2880xi32, #tpu.memory_space<vmem>>, vector<16xi32>,
      tpu.vector_store %arg12[%swap3A_1144], %add3A_1143 {strides = array<i32>} : memref<2880xi32, #tpu.memory_space<vmem>>, vector<16xi32>,
      %add3A_1146 = arith.constant 5 : i32
      %add3A_1147 = vector.broadcast %add3A_1146 : i32 to vector<16xi32>
      %add3A_1148 = arith.addi %mul3A_1120, %add3A_1147 : vector<16xi32>
      %swap3A_1149 = arith.constant 1856 : index
      %swap3A_1150 = tpu.vector_load %arg12[%swap3A_1149] {strides = array<i32>} : memref<2880xi32, #tpu.memory_space<vmem>>, vector<16xi32>,
      tpu.vector_store %arg12[%swap3A_1149], %add3A_1148 {strides = array<i32>} : memref<2880xi32, #tpu.memory_space<vmem>>, vector<16xi32>,
      %add3A_1151 = arith.constant 6 : i32
      %add3A_1152 = vector.broadcast %add3A_1151 : i32 to vector<16xi32>
      %add3A_1153 = arith.addi %mul3A_1120, %add3A_1152 : vector<16xi32>
      %swap3A_1154 = arith.constant 2176 : index
      %swap3A_1155 = tpu.vector_load %arg12[%swap3A_1154] {strides = array<i32>} : memref<2880xi32, #tpu.memory_space<vmem>>, vector<16xi32>,
      tpu.vector_store %arg12[%swap3A_1154], %add3A_1153 {strides = array<i32>} : memref<2880xi32, #tpu.memory_space<vmem>>, vector<16xi32>,
      %add3A_1156 = arith.constant 7 : i32
      %add3A_1157 = vector.broadcast %add3A_1156 : i32 to vector<16xi32>
      %add3A_1158 = arith.addi %mul3A_1120, %add3A_1157 : vector<16xi32>
      %swap3A_1159 = arith.constant 2496 : index
      %swap3A_1160 = tpu.vector_load %arg12[%swap3A_1159] {strides = array<i32>} : memref<2880xi32, #tpu.memory_space<vmem>>, vector<16xi32>,
      tpu.vector_store %arg12[%swap3A_1159], %add3A_1158 {strides = array<i32>} : memref<2880xi32, #tpu.memory_space<vmem>>, vector<16xi32>,
      %add3A_1161 = arith.constant 8 : i32
      %add3A_1162 = vector.broadcast %add3A_1161 : i32 to vector<16xi32>
      %add3A_1163 = arith.addi %mul3A_1120, %add3A_1162 : vector<16xi32>
      %swap3A_1164 = arith.constant 2816 : index
      %swap3A_1165 = tpu.vector_load %arg12[%swap3A_1164] {strides = array<i32>} : memref<2880xi32, #tpu.memory_space<vmem>>, vector<16xi32>,
      tpu.vector_store %arg12[%swap3A_1164], %add3A_1163 {strides = array<i32>} : memref<2880xi32, #tpu.memory_space<vmem>>, vector<16xi32>,
      %get3A_1166 = arith.constant 272 : index
      %get3A_1167 = tpu.vector_load %arg11[%get3A_1166] {strides = array<i32>} : memref<352xi32, #tpu.memory_space<vmem>>, vector<16xi32>,
      %add3A_1168 = vector.broadcast %mul3A_281 : i32 to vector<16xi32>
      %add3A_1169 = arith.addi %get3A_1167, %add3A_1168 : vector<16xi32>
      %mul3A_1170 = arith.constant 9 : i32
      %mul3A_1171 = vector.broadcast %mul3A_1170 : i32 to vector<16xi32>
      %mul3A_1172 = arith.muli %add3A_1169, %mul3A_1171 : vector<16xi32>
      %add3A_1173 = arith.constant 0 : i32
      %add3A_1174 = vector.broadcast %add3A_1173 : i32 to vector<16xi32>
      %add3A_1175 = arith.addi %mul3A_1172, %add3A_1174 : vector<16xi32>
      %swap3A_1176 = arith.constant 272 : index
      %swap3A_1177 = tpu.vector_load %arg12[%swap3A_1176] {strides = array<i32>} : memref<2880xi32, #tpu.memory_space<vmem>>, vector<16xi32>,
      tpu.vector_store %arg12[%swap3A_1176], %add3A_1175 {strides = array<i32>} : memref<2880xi32, #tpu.memory_space<vmem>>, vector<16xi32>,
      %add3A_1178 = arith.constant 1 : i32
      %add3A_1179 = vector.broadcast %add3A_1178 : i32 to vector<16xi32>
      %add3A_1180 = arith.addi %mul3A_1172, %add3A_1179 : vector<16xi32>
      %swap3A_1181 = arith.constant 592 : index
      %swap3A_1182 = tpu.vector_load %arg12[%swap3A_1181] {strides = array<i32>} : memref<2880xi32, #tpu.memory_space<vmem>>, vector<16xi32>,
      tpu.vector_store %arg12[%swap3A_1181], %add3A_1180 {strides = array<i32>} : memref<2880xi32, #tpu.memory_space<vmem>>, vector<16xi32>,
      %add3A_1183 = arith.constant 2 : i32
      %add3A_1184 = vector.broadcast %add3A_1183 : i32 to vector<16xi32>
      %add3A_1185 = arith.addi %mul3A_1172, %add3A_1184 : vector<16xi32>
      %swap3A_1186 = arith.constant 912 : index
      %swap3A_1187 = tpu.vector_load %arg12[%swap3A_1186] {strides = array<i32>} : memref<2880xi32, #tpu.memory_space<vmem>>, vector<16xi32>,
      tpu.vector_store %arg12[%swap3A_1186], %add3A_1185 {strides = array<i32>} : memref<2880xi32, #tpu.memory_space<vmem>>, vector<16xi32>,
      %add3A_1188 = arith.constant 3 : i32
      %add3A_1189 = vector.broadcast %add3A_1188 : i32 to vector<16xi32>
      %add3A_1190 = arith.addi %mul3A_1172, %add3A_1189 : vector<16xi32>
      %swap3A_1191 = arith.constant 1232 : index
      %swap3A_1192 = tpu.vector_load %arg12[%swap3A_1191] {strides = array<i32>} : memref<2880xi32, #tpu.memory_space<vmem>>, vector<16xi32>,
      tpu.vector_store %arg12[%swap3A_1191], %add3A_1190 {strides = array<i32>} : memref<2880xi32, #tpu.memory_space<vmem>>, vector<16xi32>,
      %add3A_1193 = arith.constant 4 : i32
      %add3A_1194 = vector.broadcast %add3A_1193 : i32 to vector<16xi32>
      %add3A_1195 = arith.addi %mul3A_1172, %add3A_1194 : vector<16xi32>
      %swap3A_1196 = arith.constant 1552 : index
      %swap3A_1197 = tpu.vector_load %arg12[%swap3A_1196] {strides = array<i32>} : memref<2880xi32, #tpu.memory_space<vmem>>, vector<16xi32>,
      tpu.vector_store %arg12[%swap3A_1196], %add3A_1195 {strides = array<i32>} : memref<2880xi32, #tpu.memory_space<vmem>>, vector<16xi32>,
      %add3A_1198 = arith.constant 5 : i32
      %add3A_1199 = vector.broadcast %add3A_1198 : i32 to vector<16xi32>
      %add3A_1200 = arith.addi %mul3A_1172, %add3A_1199 : vector<16xi32>
      %swap3A_1201 = arith.constant 1872 : index
      %swap3A_1202 = tpu.vector_load %arg12[%swap3A_1201] {strides = array<i32>} : memref<2880xi32, #tpu.memory_space<vmem>>, vector<16xi32>,
      tpu.vector_store %arg12[%swap3A_1201], %add3A_1200 {strides = array<i32>} : memref<2880xi32, #tpu.memory_space<vmem>>, vector<16xi32>,
      %add3A_1203 = arith.constant 6 : i32
      %add3A_1204 = vector.broadcast %add3A_1203 : i32 to vector<16xi32>
      %add3A_1205 = arith.addi %mul3A_1172, %add3A_1204 : vector<16xi32>
      %swap3A_1206 = arith.constant 2192 : index
      %swap3A_1207 = tpu.vector_load %arg12[%swap3A_1206] {strides = array<i32>} : memref<2880xi32, #tpu.memory_space<vmem>>, vector<16xi32>,
      tpu.vector_store %arg12[%swap3A_1206], %add3A_1205 {strides = array<i32>} : memref<2880xi32, #tpu.memory_space<vmem>>, vector<16xi32>,
      %add3A_1208 = arith.constant 7 : i32
      %add3A_1209 = vector.broadcast %add3A_1208 : i32 to vector<16xi32>
      %add3A_1210 = arith.addi %mul3A_1172, %add3A_1209 : vector<16xi32>
      %swap3A_1211 = arith.constant 2512 : index
      %swap3A_1212 = tpu.vector_load %arg12[%swap3A_1211] {strides = array<i32>} : memref<2880xi32, #tpu.memory_space<vmem>>, vector<16xi32>,
      tpu.vector_store %arg12[%swap3A_1211], %add3A_1210 {strides = array<i32>} : memref<2880xi32, #tpu.memory_space<vmem>>, vector<16xi32>,
      %add3A_1213 = arith.constant 8 : i32
      %add3A_1214 = vector.broadcast %add3A_1213 : i32 to vector<16xi32>
      %add3A_1215 = arith.addi %mul3A_1172, %add3A_1214 : vector<16xi32>
      %swap3A_1216 = arith.constant 2832 : index
      %swap3A_1217 = tpu.vector_load %arg12[%swap3A_1216] {strides = array<i32>} : memref<2880xi32, #tpu.memory_space<vmem>>, vector<16xi32>,
      tpu.vector_store %arg12[%swap3A_1216], %add3A_1215 {strides = array<i32>} : memref<2880xi32, #tpu.memory_space<vmem>>, vector<16xi32>,
      %get3A_1218 = arith.constant 288 : index
      %get3A_1219 = tpu.vector_load %arg11[%get3A_1218] {strides = array<i32>} : memref<352xi32, #tpu.memory_space<vmem>>, vector<16xi32>,
      %add3A_1220 = vector.broadcast %mul3A_281 : i32 to vector<16xi32>
      %add3A_1221 = arith.addi %get3A_1219, %add3A_1220 : vector<16xi32>
      %mul3A_1222 = arith.constant 9 : i32
      %mul3A_1223 = vector.broadcast %mul3A_1222 : i32 to vector<16xi32>
      %mul3A_1224 = arith.muli %add3A_1221, %mul3A_1223 : vector<16xi32>
      %add3A_1225 = arith.constant 0 : i32
      %add3A_1226 = vector.broadcast %add3A_1225 : i32 to vector<16xi32>
      %add3A_1227 = arith.addi %mul3A_1224, %add3A_1226 : vector<16xi32>
      %swap3A_1228 = arith.constant 288 : index
      %swap3A_1229 = tpu.vector_load %arg12[%swap3A_1228] {strides = array<i32>} : memref<2880xi32, #tpu.memory_space<vmem>>, vector<16xi32>,
      tpu.vector_store %arg12[%swap3A_1228], %add3A_1227 {strides = array<i32>} : memref<2880xi32, #tpu.memory_space<vmem>>, vector<16xi32>,
      %add3A_1230 = arith.constant 1 : i32
      %add3A_1231 = vector.broadcast %add3A_1230 : i32 to vector<16xi32>
      %add3A_1232 = arith.addi %mul3A_1224, %add3A_1231 : vector<16xi32>
      %swap3A_1233 = arith.constant 608 : index
      %swap3A_1234 = tpu.vector_load %arg12[%swap3A_1233] {strides = array<i32>} : memref<2880xi32, #tpu.memory_space<vmem>>, vector<16xi32>,
      tpu.vector_store %arg12[%swap3A_1233], %add3A_1232 {strides = array<i32>} : memref<2880xi32, #tpu.memory_space<vmem>>, vector<16xi32>,
      %add3A_1235 = arith.constant 2 : i32
      %add3A_1236 = vector.broadcast %add3A_1235 : i32 to vector<16xi32>
      %add3A_1237 = arith.addi %mul3A_1224, %add3A_1236 : vector<16xi32>
      %swap3A_1238 = arith.constant 928 : index
      %swap3A_1239 = tpu.vector_load %arg12[%swap3A_1238] {strides = array<i32>} : memref<2880xi32, #tpu.memory_space<vmem>>, vector<16xi32>,
      tpu.vector_store %arg12[%swap3A_1238], %add3A_1237 {strides = array<i32>} : memref<2880xi32, #tpu.memory_space<vmem>>, vector<16xi32>,
      %add3A_1240 = arith.constant 3 : i32
      %add3A_1241 = vector.broadcast %add3A_1240 : i32 to vector<16xi32>
      %add3A_1242 = arith.addi %mul3A_1224, %add3A_1241 : vector<16xi32>
      %swap3A_1243 = arith.constant 1248 : index
      %swap3A_1244 = tpu.vector_load %arg12[%swap3A_1243] {strides = array<i32>} : memref<2880xi32, #tpu.memory_space<vmem>>, vector<16xi32>,
      tpu.vector_store %arg12[%swap3A_1243], %add3A_1242 {strides = array<i32>} : memref<2880xi32, #tpu.memory_space<vmem>>, vector<16xi32>,
      %add3A_1245 = arith.constant 4 : i32
      %add3A_1246 = vector.broadcast %add3A_1245 : i32 to vector<16xi32>
      %add3A_1247 = arith.addi %mul3A_1224, %add3A_1246 : vector<16xi32>
      %swap3A_1248 = arith.constant 1568 : index
      %swap3A_1249 = tpu.vector_load %arg12[%swap3A_1248] {strides = array<i32>} : memref<2880xi32, #tpu.memory_space<vmem>>, vector<16xi32>,
      tpu.vector_store %arg12[%swap3A_1248], %add3A_1247 {strides = array<i32>} : memref<2880xi32, #tpu.memory_space<vmem>>, vector<16xi32>,
      %add3A_1250 = arith.constant 5 : i32
      %add3A_1251 = vector.broadcast %add3A_1250 : i32 to vector<16xi32>
      %add3A_1252 = arith.addi %mul3A_1224, %add3A_1251 : vector<16xi32>
      %swap3A_1253 = arith.constant 1888 : index
      %swap3A_1254 = tpu.vector_load %arg12[%swap3A_1253] {strides = array<i32>} : memref<2880xi32, #tpu.memory_space<vmem>>, vector<16xi32>,
      tpu.vector_store %arg12[%swap3A_1253], %add3A_1252 {strides = array<i32>} : memref<2880xi32, #tpu.memory_space<vmem>>, vector<16xi32>,
      %add3A_1255 = arith.constant 6 : i32
      %add3A_1256 = vector.broadcast %add3A_1255 : i32 to vector<16xi32>
      %add3A_1257 = arith.addi %mul3A_1224, %add3A_1256 : vector<16xi32>
      %swap3A_1258 = arith.constant 2208 : index
      %swap3A_1259 = tpu.vector_load %arg12[%swap3A_1258] {strides = array<i32>} : memref<2880xi32, #tpu.memory_space<vmem>>, vector<16xi32>,
      tpu.vector_store %arg12[%swap3A_1258], %add3A_1257 {strides = array<i32>} : memref<2880xi32, #tpu.memory_space<vmem>>, vector<16xi32>,
      %add3A_1260 = arith.constant 7 : i32
      %add3A_1261 = vector.broadcast %add3A_1260 : i32 to vector<16xi32>
      %add3A_1262 = arith.addi %mul3A_1224, %add3A_1261 : vector<16xi32>
      %swap3A_1263 = arith.constant 2528 : index
      %swap3A_1264 = tpu.vector_load %arg12[%swap3A_1263] {strides = array<i32>} : memref<2880xi32, #tpu.memory_space<vmem>>, vector<16xi32>,
      tpu.vector_store %arg12[%swap3A_1263], %add3A_1262 {strides = array<i32>} : memref<2880xi32, #tpu.memory_space<vmem>>, vector<16xi32>,
      %add3A_1265 = arith.constant 8 : i32
      %add3A_1266 = vector.broadcast %add3A_1265 : i32 to vector<16xi32>
      %add3A_1267 = arith.addi %mul3A_1224, %add3A_1266 : vector<16xi32>
      %swap3A_1268 = arith.constant 2848 : index
      %swap3A_1269 = tpu.vector_load %arg12[%swap3A_1268] {strides = array<i32>} : memref<2880xi32, #tpu.memory_space<vmem>>, vector<16xi32>,
      tpu.vector_store %arg12[%swap3A_1268], %add3A_1267 {strides = array<i32>} : memref<2880xi32, #tpu.memory_space<vmem>>, vector<16xi32>,
      %get3A_1270 = arith.constant 304 : index
      %get3A_1271 = tpu.vector_load %arg11[%get3A_1270] {strides = array<i32>} : memref<352xi32, #tpu.memory_space<vmem>>, vector<16xi32>,
      %add3A_1272 = vector.broadcast %mul3A_281 : i32 to vector<16xi32>
      %add3A_1273 = arith.addi %get3A_1271, %add3A_1272 : vector<16xi32>
      %mul3A_1274 = arith.constant 9 : i32
      %mul3A_1275 = vector.broadcast %mul3A_1274 : i32 to vector<16xi32>
      %mul3A_1276 = arith.muli %add3A_1273, %mul3A_1275 : vector<16xi32>
      %add3A_1277 = arith.constant 0 : i32
      %add3A_1278 = vector.broadcast %add3A_1277 : i32 to vector<16xi32>
      %add3A_1279 = arith.addi %mul3A_1276, %add3A_1278 : vector<16xi32>
      %swap3A_1280 = arith.constant 304 : index
      %swap3A_1281 = tpu.vector_load %arg12[%swap3A_1280] {strides = array<i32>} : memref<2880xi32, #tpu.memory_space<vmem>>, vector<16xi32>,
      tpu.vector_store %arg12[%swap3A_1280], %add3A_1279 {strides = array<i32>} : memref<2880xi32, #tpu.memory_space<vmem>>, vector<16xi32>,
      %add3A_1282 = arith.constant 1 : i32
      %add3A_1283 = vector.broadcast %add3A_1282 : i32 to vector<16xi32>
      %add3A_1284 = arith.addi %mul3A_1276, %add3A_1283 : vector<16xi32>
      %swap3A_1285 = arith.constant 624 : index
      %swap3A_1286 = tpu.vector_load %arg12[%swap3A_1285] {strides = array<i32>} : memref<2880xi32, #tpu.memory_space<vmem>>, vector<16xi32>,
      tpu.vector_store %arg12[%swap3A_1285], %add3A_1284 {strides = array<i32>} : memref<2880xi32, #tpu.memory_space<vmem>>, vector<16xi32>,
      %add3A_1287 = arith.constant 2 : i32
      %add3A_1288 = vector.broadcast %add3A_1287 : i32 to vector<16xi32>
      %add3A_1289 = arith.addi %mul3A_1276, %add3A_1288 : vector<16xi32>
      %swap3A_1290 = arith.constant 944 : index
      %swap3A_1291 = tpu.vector_load %arg12[%swap3A_1290] {strides = array<i32>} : memref<2880xi32, #tpu.memory_space<vmem>>, vector<16xi32>,
      tpu.vector_store %arg12[%swap3A_1290], %add3A_1289 {strides = array<i32>} : memref<2880xi32, #tpu.memory_space<vmem>>, vector<16xi32>,
      %add3A_1292 = arith.constant 3 : i32
      %add3A_1293 = vector.broadcast %add3A_1292 : i32 to vector<16xi32>
      %add3A_1294 = arith.addi %mul3A_1276, %add3A_1293 : vector<16xi32>
      %swap3A_1295 = arith.constant 1264 : index
      %swap3A_1296 = tpu.vector_load %arg12[%swap3A_1295] {strides = array<i32>} : memref<2880xi32, #tpu.memory_space<vmem>>, vector<16xi32>,
      tpu.vector_store %arg12[%swap3A_1295], %add3A_1294 {strides = array<i32>} : memref<2880xi32, #tpu.memory_space<vmem>>, vector<16xi32>,
      %add3A_1297 = arith.constant 4 : i32
      %add3A_1298 = vector.broadcast %add3A_1297 : i32 to vector<16xi32>
      %add3A_1299 = arith.addi %mul3A_1276, %add3A_1298 : vector<16xi32>
      %swap3A_1300 = arith.constant 1584 : index
      %swap3A_1301 = tpu.vector_load %arg12[%swap3A_1300] {strides = array<i32>} : memref<2880xi32, #tpu.memory_space<vmem>>, vector<16xi32>,
      tpu.vector_store %arg12[%swap3A_1300], %add3A_1299 {strides = array<i32>} : memref<2880xi32, #tpu.memory_space<vmem>>, vector<16xi32>,
      %add3A_1302 = arith.constant 5 : i32
      %add3A_1303 = vector.broadcast %add3A_1302 : i32 to vector<16xi32>
      %add3A_1304 = arith.addi %mul3A_1276, %add3A_1303 : vector<16xi32>
      %swap3A_1305 = arith.constant 1904 : index
      %swap3A_1306 = tpu.vector_load %arg12[%swap3A_1305] {strides = array<i32>} : memref<2880xi32, #tpu.memory_space<vmem>>, vector<16xi32>,
      tpu.vector_store %arg12[%swap3A_1305], %add3A_1304 {strides = array<i32>} : memref<2880xi32, #tpu.memory_space<vmem>>, vector<16xi32>,
      %add3A_1307 = arith.constant 6 : i32
      %add3A_1308 = vector.broadcast %add3A_1307 : i32 to vector<16xi32>
      %add3A_1309 = arith.addi %mul3A_1276, %add3A_1308 : vector<16xi32>
      %swap3A_1310 = arith.constant 2224 : index
      %swap3A_1311 = tpu.vector_load %arg12[%swap3A_1310] {strides = array<i32>} : memref<2880xi32, #tpu.memory_space<vmem>>, vector<16xi32>,
      tpu.vector_store %arg12[%swap3A_1310], %add3A_1309 {strides = array<i32>} : memref<2880xi32, #tpu.memory_space<vmem>>, vector<16xi32>,
      %add3A_1312 = arith.constant 7 : i32
      %add3A_1313 = vector.broadcast %add3A_1312 : i32 to vector<16xi32>
      %add3A_1314 = arith.addi %mul3A_1276, %add3A_1313 : vector<16xi32>
      %swap3A_1315 = arith.constant 2544 : index
      %swap3A_1316 = tpu.vector_load %arg12[%swap3A_1315] {strides = array<i32>} : memref<2880xi32, #tpu.memory_space<vmem>>, vector<16xi32>,
      tpu.vector_store %arg12[%swap3A_1315], %add3A_1314 {strides = array<i32>} : memref<2880xi32, #tpu.memory_space<vmem>>, vector<16xi32>,
      %add3A_1317 = arith.constant 8 : i32
      %add3A_1318 = vector.broadcast %add3A_1317 : i32 to vector<16xi32>
      %add3A_1319 = arith.addi %mul3A_1276, %add3A_1318 : vector<16xi32>
      %swap3A_1320 = arith.constant 2864 : index
      %swap3A_1321 = tpu.vector_load %arg12[%swap3A_1320] {strides = array<i32>} : memref<2880xi32, #tpu.memory_space<vmem>>, vector<16xi32>,
      tpu.vector_store %arg12[%swap3A_1320], %add3A_1319 {strides = array<i32>} : memref<2880xi32, #tpu.memory_space<vmem>>, vector<16xi32>,
      %dma_start3A = arith.constant 0 : i32
      %dma_start3A_1322 = tpu.memref_slice %arg13[%dma_start3A] : memref<2880xf32, #tpu.memory_space<vmem>> -> memref<96xf32, #tpu.memory_space<vmem>>
      %dma_start3A_1323 = arith.constant 0 : i32
      %dma_start3A_1324 = tpu.memref_slice %arg12[%dma_start3A_1323] : memref<2880xi32, #tpu.memory_space<vmem>> -> memref<96xi32, #tpu.memory_space<vmem>>
      %dma_start3A_1325 = arith.constant 0 : i32
      %dma_start3A_1326 = tpu.memref_slice %arg3[%dma_start3A_1325] : memref<3628800xf32, #tpu.memory_space<hbm>> -> memref<3628800xf32, #tpu.memory_space<hbm>>
      tpu.enqueue_indirect_dma source(%dma_start3A_1326 : memref<3628800xf32, #tpu.memory_space<hbm>>) target(%dma_start3A_1322 : memref<96xf32, #tpu.memory_space<vmem>>) offsets(%dma_start3A_1324 : memref<96xi32, #tpu.memory_space<vmem>>) semaphore(%arg15 : memref<!tpu.dma_semaphore, #tpu.memory_space<semaphore_mem>>)
      %dma_start3A_1327 = arith.constant 96 : i32
      %dma_start3A_1328 = tpu.memref_slice %arg13[%dma_start3A_1327] : memref<2880xf32, #tpu.memory_space<vmem>> -> memref<96xf32, #tpu.memory_space<vmem>>
      %dma_start3A_1329 = arith.constant 96 : i32
      %dma_start3A_1330 = tpu.memref_slice %arg12[%dma_start3A_1329] : memref<2880xi32, #tpu.memory_space<vmem>> -> memref<96xi32, #tpu.memory_space<vmem>>
      %dma_start3A_1331 = arith.constant 0 : i32
      %dma_start3A_1332 = tpu.memref_slice %arg3[%dma_start3A_1331] : memref<3628800xf32, #tpu.memory_space<hbm>> -> memref<3628800xf32, #tpu.memory_space<hbm>>
      tpu.enqueue_indirect_dma source(%dma_start3A_1332 : memref<3628800xf32, #tpu.memory_space<hbm>>) target(%dma_start3A_1328 : memref<96xf32, #tpu.memory_space<vmem>>) offsets(%dma_start3A_1330 : memref<96xi32, #tpu.memory_space<vmem>>) semaphore(%arg15 : memref<!tpu.dma_semaphore, #tpu.memory_space<semaphore_mem>>)
      %dma_start3A_1333 = arith.constant 192 : i32
      %dma_start3A_1334 = tpu.memref_slice %arg13[%dma_start3A_1333] : memref<2880xf32, #tpu.memory_space<vmem>> -> memref<96xf32, #tpu.memory_space<vmem>>
      %dma_start3A_1335 = arith.constant 192 : i32
      %dma_start3A_1336 = tpu.memref_slice %arg12[%dma_start3A_1335] : memref<2880xi32, #tpu.memory_space<vmem>> -> memref<96xi32, #tpu.memory_space<vmem>>
      %dma_start3A_1337 = arith.constant 0 : i32
      %dma_start3A_1338 = tpu.memref_slice %arg3[%dma_start3A_1337] : memref<3628800xf32, #tpu.memory_space<hbm>> -> memref<3628800xf32, #tpu.memory_space<hbm>>
      tpu.enqueue_indirect_dma source(%dma_start3A_1338 : memref<3628800xf32, #tpu.memory_space<hbm>>) target(%dma_start3A_1334 : memref<96xf32, #tpu.memory_space<vmem>>) offsets(%dma_start3A_1336 : memref<96xi32, #tpu.memory_space<vmem>>) semaphore(%arg15 : memref<!tpu.dma_semaphore, #tpu.memory_space<semaphore_mem>>)
      %dma_start3A_1339 = arith.constant 288 : i32
      %dma_start3A_1340 = tpu.memref_slice %arg13[%dma_start3A_1339] : memref<2880xf32, #tpu.memory_space<vmem>> -> memref<96xf32, #tpu.memory_space<vmem>>
      %dma_start3A_1341 = arith.constant 288 : i32
      %dma_start3A_1342 = tpu.memref_slice %arg12[%dma_start3A_1341] : memref<2880xi32, #tpu.memory_space<vmem>> -> memref<96xi32, #tpu.memory_space<vmem>>
      %dma_start3A_1343 = arith.constant 0 : i32
      %dma_start3A_1344 = tpu.memref_slice %arg3[%dma_start3A_1343] : memref<3628800xf32, #tpu.memory_space<hbm>> -> memref<3628800xf32, #tpu.memory_space<hbm>>
      tpu.enqueue_indirect_dma source(%dma_start3A_1344 : memref<3628800xf32, #tpu.memory_space<hbm>>) target(%dma_start3A_1340 : memref<96xf32, #tpu.memory_space<vmem>>) offsets(%dma_start3A_1342 : memref<96xi32, #tpu.memory_space<vmem>>) semaphore(%arg15 : memref<!tpu.dma_semaphore, #tpu.memory_space<semaphore_mem>>)
      %dma_start3A_1345 = arith.constant 384 : i32
      %dma_start3A_1346 = tpu.memref_slice %arg13[%dma_start3A_1345] : memref<2880xf32, #tpu.memory_space<vmem>> -> memref<96xf32, #tpu.memory_space<vmem>>
      %dma_start3A_1347 = arith.constant 384 : i32
      %dma_start3A_1348 = tpu.memref_slice %arg12[%dma_start3A_1347] : memref<2880xi32, #tpu.memory_space<vmem>> -> memref<96xi32, #tpu.memory_space<vmem>>
      %dma_start3A_1349 = arith.constant 0 : i32
      %dma_start3A_1350 = tpu.memref_slice %arg3[%dma_start3A_1349] : memref<3628800xf32, #tpu.memory_space<hbm>> -> memref<3628800xf32, #tpu.memory_space<hbm>>
      tpu.enqueue_indirect_dma source(%dma_start3A_1350 : memref<3628800xf32, #tpu.memory_space<hbm>>) target(%dma_start3A_1346 : memref<96xf32, #tpu.memory_space<vmem>>) offsets(%dma_start3A_1348 : memref<96xi32, #tpu.memory_space<vmem>>) semaphore(%arg15 : memref<!tpu.dma_semaphore, #tpu.memory_space<semaphore_mem>>)
      %dma_start3A_1351 = arith.constant 480 : i32
      %dma_start3A_1352 = tpu.memref_slice %arg13[%dma_start3A_1351] : memref<2880xf32, #tpu.memory_space<vmem>> -> memref<96xf32, #tpu.memory_space<vmem>>
      %dma_start3A_1353 = arith.constant 480 : i32
      %dma_start3A_1354 = tpu.memref_slice %arg12[%dma_start3A_1353] : memref<2880xi32, #tpu.memory_space<vmem>> -> memref<96xi32, #tpu.memory_space<vmem>>
      %dma_start3A_1355 = arith.constant 0 : i32
      %dma_start3A_1356 = tpu.memref_slice %arg3[%dma_start3A_1355] : memref<3628800xf32, #tpu.memory_space<hbm>> -> memref<3628800xf32, #tpu.memory_space<hbm>>
      tpu.enqueue_indirect_dma source(%dma_start3A_1356 : memref<3628800xf32, #tpu.memory_space<hbm>>) target(%dma_start3A_1352 : memref<96xf32, #tpu.memory_space<vmem>>) offsets(%dma_start3A_1354 : memref<96xi32, #tpu.memory_space<vmem>>) semaphore(%arg15 : memref<!tpu.dma_semaphore, #tpu.memory_space<semaphore_mem>>)
      %dma_start3A_1357 = arith.constant 576 : i32
      %dma_start3A_1358 = tpu.memref_slice %arg13[%dma_start3A_1357] : memref<2880xf32, #tpu.memory_space<vmem>> -> memref<96xf32, #tpu.memory_space<vmem>>
      %dma_start3A_1359 = arith.constant 576 : i32
      %dma_start3A_1360 = tpu.memref_slice %arg12[%dma_start3A_1359] : memref<2880xi32, #tpu.memory_space<vmem>> -> memref<96xi32, #tpu.memory_space<vmem>>
      %dma_start3A_1361 = arith.constant 0 : i32
      %dma_start3A_1362 = tpu.memref_slice %arg3[%dma_start3A_1361] : memref<3628800xf32, #tpu.memory_space<hbm>> -> memref<3628800xf32, #tpu.memory_space<hbm>>
      tpu.enqueue_indirect_dma source(%dma_start3A_1362 : memref<3628800xf32, #tpu.memory_space<hbm>>) target(%dma_start3A_1358 : memref<96xf32, #tpu.memory_space<vmem>>) offsets(%dma_start3A_1360 : memref<96xi32, #tpu.memory_space<vmem>>) semaphore(%arg15 : memref<!tpu.dma_semaphore, #tpu.memory_space<semaphore_mem>>)
      %dma_start3A_1363 = arith.constant 672 : i32
      %dma_start3A_1364 = tpu.memref_slice %arg13[%dma_start3A_1363] : memref<2880xf32, #tpu.memory_space<vmem>> -> memref<96xf32, #tpu.memory_space<vmem>>
      %dma_start3A_1365 = arith.constant 672 : i32
      %dma_start3A_1366 = tpu.memref_slice %arg12[%dma_start3A_1365] : memref<2880xi32, #tpu.memory_space<vmem>> -> memref<96xi32, #tpu.memory_space<vmem>>
      %dma_start3A_1367 = arith.constant 0 : i32
      %dma_start3A_1368 = tpu.memref_slice %arg3[%dma_start3A_1367] : memref<3628800xf32, #tpu.memory_space<hbm>> -> memref<3628800xf32, #tpu.memory_space<hbm>>
      tpu.enqueue_indirect_dma source(%dma_start3A_1368 : memref<3628800xf32, #tpu.memory_space<hbm>>) target(%dma_start3A_1364 : memref<96xf32, #tpu.memory_space<vmem>>) offsets(%dma_start3A_1366 : memref<96xi32, #tpu.memory_space<vmem>>) semaphore(%arg15 : memref<!tpu.dma_semaphore, #tpu.memory_space<semaphore_mem>>)
      %dma_start3A_1369 = arith.constant 768 : i32
      %dma_start3A_1370 = tpu.memref_slice %arg13[%dma_start3A_1369] : memref<2880xf32, #tpu.memory_space<vmem>> -> memref<96xf32, #tpu.memory_space<vmem>>
      %dma_start3A_1371 = arith.constant 768 : i32
      %dma_start3A_1372 = tpu.memref_slice %arg12[%dma_start3A_1371] : memref<2880xi32, #tpu.memory_space<vmem>> -> memref<96xi32, #tpu.memory_space<vmem>>
      %dma_start3A_1373 = arith.constant 0 : i32
      %dma_start3A_1374 = tpu.memref_slice %arg3[%dma_start3A_1373] : memref<3628800xf32, #tpu.memory_space<hbm>> -> memref<3628800xf32, #tpu.memory_space<hbm>>
      tpu.enqueue_indirect_dma source(%dma_start3A_1374 : memref<3628800xf32, #tpu.memory_space<hbm>>) target(%dma_start3A_1370 : memref<96xf32, #tpu.memory_space<vmem>>) offsets(%dma_start3A_1372 : memref<96xi32, #tpu.memory_space<vmem>>) semaphore(%arg15 : memref<!tpu.dma_semaphore, #tpu.memory_space<semaphore_mem>>)
      %dma_start3A_1375 = arith.constant 864 : i32
      %dma_start3A_1376 = tpu.memref_slice %arg13[%dma_start3A_1375] : memref<2880xf32, #tpu.memory_space<vmem>> -> memref<96xf32, #tpu.memory_space<vmem>>
      %dma_start3A_1377 = arith.constant 864 : i32
      %dma_start3A_1378 = tpu.memref_slice %arg12[%dma_start3A_1377] : memref<2880xi32, #tpu.memory_space<vmem>> -> memref<96xi32, #tpu.memory_space<vmem>>
      %dma_start3A_1379 = arith.constant 0 : i32
      %dma_start3A_1380 = tpu.memref_slice %arg3[%dma_start3A_1379] : memref<3628800xf32, #tpu.memory_space<hbm>> -> memref<3628800xf32, #tpu.memory_space<hbm>>
      tpu.enqueue_indirect_dma source(%dma_start3A_1380 : memref<3628800xf32, #tpu.memory_space<hbm>>) target(%dma_start3A_1376 : memref<96xf32, #tpu.memory_space<vmem>>) offsets(%dma_start3A_1378 : memref<96xi32, #tpu.memory_space<vmem>>) semaphore(%arg15 : memref<!tpu.dma_semaphore, #tpu.memory_space<semaphore_mem>>)
      %dma_start3A_1381 = arith.constant 960 : i32
      %dma_start3A_1382 = tpu.memref_slice %arg13[%dma_start3A_1381] : memref<2880xf32, #tpu.memory_space<vmem>> -> memref<96xf32, #tpu.memory_space<vmem>>
      %dma_start3A_1383 = arith.constant 960 : i32
      %dma_start3A_1384 = tpu.memref_slice %arg12[%dma_start3A_1383] : memref<2880xi32, #tpu.memory_space<vmem>> -> memref<96xi32, #tpu.memory_space<vmem>>
      %dma_start3A_1385 = arith.constant 0 : i32
      %dma_start3A_1386 = tpu.memref_slice %arg3[%dma_start3A_1385] : memref<3628800xf32, #tpu.memory_space<hbm>> -> memref<3628800xf32, #tpu.memory_space<hbm>>
      tpu.enqueue_indirect_dma source(%dma_start3A_1386 : memref<3628800xf32, #tpu.memory_space<hbm>>) target(%dma_start3A_1382 : memref<96xf32, #tpu.memory_space<vmem>>) offsets(%dma_start3A_1384 : memref<96xi32, #tpu.memory_space<vmem>>) semaphore(%arg15 : memref<!tpu.dma_semaphore, #tpu.memory_space<semaphore_mem>>)
      %dma_start3A_1387 = arith.constant 1056 : i32
      %dma_start3A_1388 = tpu.memref_slice %arg13[%dma_start3A_1387] : memref<2880xf32, #tpu.memory_space<vmem>> -> memref<96xf32, #tpu.memory_space<vmem>>
      %dma_start3A_1389 = arith.constant 1056 : i32
      %dma_start3A_1390 = tpu.memref_slice %arg12[%dma_start3A_1389] : memref<2880xi32, #tpu.memory_space<vmem>> -> memref<96xi32, #tpu.memory_space<vmem>>
      %dma_start3A_1391 = arith.constant 0 : i32
      %dma_start3A_1392 = tpu.memref_slice %arg3[%dma_start3A_1391] : memref<3628800xf32, #tpu.memory_space<hbm>> -> memref<3628800xf32, #tpu.memory_space<hbm>>
      tpu.enqueue_indirect_dma source(%dma_start3A_1392 : memref<3628800xf32, #tpu.memory_space<hbm>>) target(%dma_start3A_1388 : memref<96xf32, #tpu.memory_space<vmem>>) offsets(%dma_start3A_1390 : memref<96xi32, #tpu.memory_space<vmem>>) semaphore(%arg15 : memref<!tpu.dma_semaphore, #tpu.memory_space<semaphore_mem>>)
      %dma_start3A_1393 = arith.constant 1152 : i32
      %dma_start3A_1394 = tpu.memref_slice %arg13[%dma_start3A_1393] : memref<2880xf32, #tpu.memory_space<vmem>> -> memref<96xf32, #tpu.memory_space<vmem>>
      %dma_start3A_1395 = arith.constant 1152 : i32
      %dma_start3A_1396 = tpu.memref_slice %arg12[%dma_start3A_1395] : memref<2880xi32, #tpu.memory_space<vmem>> -> memref<96xi32, #tpu.memory_space<vmem>>
      %dma_start3A_1397 = arith.constant 0 : i32
      %dma_start3A_1398 = tpu.memref_slice %arg3[%dma_start3A_1397] : memref<3628800xf32, #tpu.memory_space<hbm>> -> memref<3628800xf32, #tpu.memory_space<hbm>>
      tpu.enqueue_indirect_dma source(%dma_start3A_1398 : memref<3628800xf32, #tpu.memory_space<hbm>>) target(%dma_start3A_1394 : memref<96xf32, #tpu.memory_space<vmem>>) offsets(%dma_start3A_1396 : memref<96xi32, #tpu.memory_space<vmem>>) semaphore(%arg15 : memref<!tpu.dma_semaphore, #tpu.memory_space<semaphore_mem>>)
      %dma_start3A_1399 = arith.constant 1248 : i32
      %dma_start3A_1400 = tpu.memref_slice %arg13[%dma_start3A_1399] : memref<2880xf32, #tpu.memory_space<vmem>> -> memref<96xf32, #tpu.memory_space<vmem>>
      %dma_start3A_1401 = arith.constant 1248 : i32
      %dma_start3A_1402 = tpu.memref_slice %arg12[%dma_start3A_1401] : memref<2880xi32, #tpu.memory_space<vmem>> -> memref<96xi32, #tpu.memory_space<vmem>>
      %dma_start3A_1403 = arith.constant 0 : i32
      %dma_start3A_1404 = tpu.memref_slice %arg3[%dma_start3A_1403] : memref<3628800xf32, #tpu.memory_space<hbm>> -> memref<3628800xf32, #tpu.memory_space<hbm>>
      tpu.enqueue_indirect_dma source(%dma_start3A_1404 : memref<3628800xf32, #tpu.memory_space<hbm>>) target(%dma_start3A_1400 : memref<96xf32, #tpu.memory_space<vmem>>) offsets(%dma_start3A_1402 : memref<96xi32, #tpu.memory_space<vmem>>) semaphore(%arg15 : memref<!tpu.dma_semaphore, #tpu.memory_space<semaphore_mem>>)
      %dma_start3A_1405 = arith.constant 1344 : i32
      %dma_start3A_1406 = tpu.memref_slice %arg13[%dma_start3A_1405] : memref<2880xf32, #tpu.memory_space<vmem>> -> memref<96xf32, #tpu.memory_space<vmem>>
      %dma_start3A_1407 = arith.constant 1344 : i32
      %dma_start3A_1408 = tpu.memref_slice %arg12[%dma_start3A_1407] : memref<2880xi32, #tpu.memory_space<vmem>> -> memref<96xi32, #tpu.memory_space<vmem>>
      %dma_start3A_1409 = arith.constant 0 : i32
      %dma_start3A_1410 = tpu.memref_slice %arg3[%dma_start3A_1409] : memref<3628800xf32, #tpu.memory_space<hbm>> -> memref<3628800xf32, #tpu.memory_space<hbm>>
      tpu.enqueue_indirect_dma source(%dma_start3A_1410 : memref<3628800xf32, #tpu.memory_space<hbm>>) target(%dma_start3A_1406 : memref<96xf32, #tpu.memory_space<vmem>>) offsets(%dma_start3A_1408 : memref<96xi32, #tpu.memory_space<vmem>>) semaphore(%arg15 : memref<!tpu.dma_semaphore, #tpu.memory_space<semaphore_mem>>)
      %dma_start3A_1411 = arith.constant 1440 : i32
      %dma_start3A_1412 = tpu.memref_slice %arg13[%dma_start3A_1411] : memref<2880xf32, #tpu.memory_space<vmem>> -> memref<96xf32, #tpu.memory_space<vmem>>
      %dma_start3A_1413 = arith.constant 1440 : i32
      %dma_start3A_1414 = tpu.memref_slice %arg12[%dma_start3A_1413] : memref<2880xi32, #tpu.memory_space<vmem>> -> memref<96xi32, #tpu.memory_space<vmem>>
      %dma_start3A_1415 = arith.constant 0 : i32
      %dma_start3A_1416 = tpu.memref_slice %arg3[%dma_start3A_1415] : memref<3628800xf32, #tpu.memory_space<hbm>> -> memref<3628800xf32, #tpu.memory_space<hbm>>
      tpu.enqueue_indirect_dma source(%dma_start3A_1416 : memref<3628800xf32, #tpu.memory_space<hbm>>) target(%dma_start3A_1412 : memref<96xf32, #tpu.memory_space<vmem>>) offsets(%dma_start3A_1414 : memref<96xi32, #tpu.memory_space<vmem>>) semaphore(%arg15 : memref<!tpu.dma_semaphore, #tpu.memory_space<semaphore_mem>>)
      %dma_start3A_1417 = arith.constant 1536 : i32
      %dma_start3A_1418 = tpu.memref_slice %arg13[%dma_start3A_1417] : memref<2880xf32, #tpu.memory_space<vmem>> -> memref<96xf32, #tpu.memory_space<vmem>>
      %dma_start3A_1419 = arith.constant 1536 : i32
      %dma_start3A_1420 = tpu.memref_slice %arg12[%dma_start3A_1419] : memref<2880xi32, #tpu.memory_space<vmem>> -> memref<96xi32, #tpu.memory_space<vmem>>
      %dma_start3A_1421 = arith.constant 0 : i32
      %dma_start3A_1422 = tpu.memref_slice %arg3[%dma_start3A_1421] : memref<3628800xf32, #tpu.memory_space<hbm>> -> memref<3628800xf32, #tpu.memory_space<hbm>>
      tpu.enqueue_indirect_dma source(%dma_start3A_1422 : memref<3628800xf32, #tpu.memory_space<hbm>>) target(%dma_start3A_1418 : memref<96xf32, #tpu.memory_space<vmem>>) offsets(%dma_start3A_1420 : memref<96xi32, #tpu.memory_space<vmem>>) semaphore(%arg15 : memref<!tpu.dma_semaphore, #tpu.memory_space<semaphore_mem>>)
      %dma_start3A_1423 = arith.constant 1632 : i32
      %dma_start3A_1424 = tpu.memref_slice %arg13[%dma_start3A_1423] : memref<2880xf32, #tpu.memory_space<vmem>> -> memref<96xf32, #tpu.memory_space<vmem>>
      %dma_start3A_1425 = arith.constant 1632 : i32
      %dma_start3A_1426 = tpu.memref_slice %arg12[%dma_start3A_1425] : memref<2880xi32, #tpu.memory_space<vmem>> -> memref<96xi32, #tpu.memory_space<vmem>>
      %dma_start3A_1427 = arith.constant 0 : i32
      %dma_start3A_1428 = tpu.memref_slice %arg3[%dma_start3A_1427] : memref<3628800xf32, #tpu.memory_space<hbm>> -> memref<3628800xf32, #tpu.memory_space<hbm>>
      tpu.enqueue_indirect_dma source(%dma_start3A_1428 : memref<3628800xf32, #tpu.memory_space<hbm>>) target(%dma_start3A_1424 : memref<96xf32, #tpu.memory_space<vmem>>) offsets(%dma_start3A_1426 : memref<96xi32, #tpu.memory_space<vmem>>) semaphore(%arg15 : memref<!tpu.dma_semaphore, #tpu.memory_space<semaphore_mem>>)
      %dma_start3A_1429 = arith.constant 1728 : i32
      %dma_start3A_1430 = tpu.memref_slice %arg13[%dma_start3A_1429] : memref<2880xf32, #tpu.memory_space<vmem>> -> memref<96xf32, #tpu.memory_space<vmem>>
      %dma_start3A_1431 = arith.constant 1728 : i32
      %dma_start3A_1432 = tpu.memref_slice %arg12[%dma_start3A_1431] : memref<2880xi32, #tpu.memory_space<vmem>> -> memref<96xi32, #tpu.memory_space<vmem>>
      %dma_start3A_1433 = arith.constant 0 : i32
      %dma_start3A_1434 = tpu.memref_slice %arg3[%dma_start3A_1433] : memref<3628800xf32, #tpu.memory_space<hbm>> -> memref<3628800xf32, #tpu.memory_space<hbm>>
      tpu.enqueue_indirect_dma source(%dma_start3A_1434 : memref<3628800xf32, #tpu.memory_space<hbm>>) target(%dma_start3A_1430 : memref<96xf32, #tpu.memory_space<vmem>>) offsets(%dma_start3A_1432 : memref<96xi32, #tpu.memory_space<vmem>>) semaphore(%arg15 : memref<!tpu.dma_semaphore, #tpu.memory_space<semaphore_mem>>)
      %dma_start3A_1435 = arith.constant 1824 : i32
      %dma_start3A_1436 = tpu.memref_slice %arg13[%dma_start3A_1435] : memref<2880xf32, #tpu.memory_space<vmem>> -> memref<96xf32, #tpu.memory_space<vmem>>
      %dma_start3A_1437 = arith.constant 1824 : i32
      %dma_start3A_1438 = tpu.memref_slice %arg12[%dma_start3A_1437] : memref<2880xi32, #tpu.memory_space<vmem>> -> memref<96xi32, #tpu.memory_space<vmem>>
      %dma_start3A_1439 = arith.constant 0 : i32
      %dma_start3A_1440 = tpu.memref_slice %arg3[%dma_start3A_1439] : memref<3628800xf32, #tpu.memory_space<hbm>> -> memref<3628800xf32, #tpu.memory_space<hbm>>
      tpu.enqueue_indirect_dma source(%dma_start3A_1440 : memref<3628800xf32, #tpu.memory_space<hbm>>) target(%dma_start3A_1436 : memref<96xf32, #tpu.memory_space<vmem>>) offsets(%dma_start3A_1438 : memref<96xi32, #tpu.memory_space<vmem>>) semaphore(%arg15 : memref<!tpu.dma_semaphore, #tpu.memory_space<semaphore_mem>>)
      %dma_start3A_1441 = arith.constant 1920 : i32
      %dma_start3A_1442 = tpu.memref_slice %arg13[%dma_start3A_1441] : memref<2880xf32, #tpu.memory_space<vmem>> -> memref<96xf32, #tpu.memory_space<vmem>>
      %dma_start3A_1443 = arith.constant 1920 : i32
      %dma_start3A_1444 = tpu.memref_slice %arg12[%dma_start3A_1443] : memref<2880xi32, #tpu.memory_space<vmem>> -> memref<96xi32, #tpu.memory_space<vmem>>
      %dma_start3A_1445 = arith.constant 0 : i32
      %dma_start3A_1446 = tpu.memref_slice %arg3[%dma_start3A_1445] : memref<3628800xf32, #tpu.memory_space<hbm>> -> memref<3628800xf32, #tpu.memory_space<hbm>>
      tpu.enqueue_indirect_dma source(%dma_start3A_1446 : memref<3628800xf32, #tpu.memory_space<hbm>>) target(%dma_start3A_1442 : memref<96xf32, #tpu.memory_space<vmem>>) offsets(%dma_start3A_1444 : memref<96xi32, #tpu.memory_space<vmem>>) semaphore(%arg15 : memref<!tpu.dma_semaphore, #tpu.memory_space<semaphore_mem>>)
      %dma_start3A_1447 = arith.constant 2016 : i32
      %dma_start3A_1448 = tpu.memref_slice %arg13[%dma_start3A_1447] : memref<2880xf32, #tpu.memory_space<vmem>> -> memref<96xf32, #tpu.memory_space<vmem>>
      %dma_start3A_1449 = arith.constant 2016 : i32
      %dma_start3A_1450 = tpu.memref_slice %arg12[%dma_start3A_1449] : memref<2880xi32, #tpu.memory_space<vmem>> -> memref<96xi32, #tpu.memory_space<vmem>>
      %dma_start3A_1451 = arith.constant 0 : i32
      %dma_start3A_1452 = tpu.memref_slice %arg3[%dma_start3A_1451] : memref<3628800xf32, #tpu.memory_space<hbm>> -> memref<3628800xf32, #tpu.memory_space<hbm>>
      tpu.enqueue_indirect_dma source(%dma_start3A_1452 : memref<3628800xf32, #tpu.memory_space<hbm>>) target(%dma_start3A_1448 : memref<96xf32, #tpu.memory_space<vmem>>) offsets(%dma_start3A_1450 : memref<96xi32, #tpu.memory_space<vmem>>) semaphore(%arg15 : memref<!tpu.dma_semaphore, #tpu.memory_space<semaphore_mem>>)
      %dma_start3A_1453 = arith.constant 2112 : i32
      %dma_start3A_1454 = tpu.memref_slice %arg13[%dma_start3A_1453] : memref<2880xf32, #tpu.memory_space<vmem>> -> memref<96xf32, #tpu.memory_space<vmem>>
      %dma_start3A_1455 = arith.constant 2112 : i32
      %dma_start3A_1456 = tpu.memref_slice %arg12[%dma_start3A_1455] : memref<2880xi32, #tpu.memory_space<vmem>> -> memref<96xi32, #tpu.memory_space<vmem>>
      %dma_start3A_1457 = arith.constant 0 : i32
      %dma_start3A_1458 = tpu.memref_slice %arg3[%dma_start3A_1457] : memref<3628800xf32, #tpu.memory_space<hbm>> -> memref<3628800xf32, #tpu.memory_space<hbm>>
      tpu.enqueue_indirect_dma source(%dma_start3A_1458 : memref<3628800xf32, #tpu.memory_space<hbm>>) target(%dma_start3A_1454 : memref<96xf32, #tpu.memory_space<vmem>>) offsets(%dma_start3A_1456 : memref<96xi32, #tpu.memory_space<vmem>>) semaphore(%arg15 : memref<!tpu.dma_semaphore, #tpu.memory_space<semaphore_mem>>)
      %dma_start3A_1459 = arith.constant 2208 : i32
      %dma_start3A_1460 = tpu.memref_slice %arg13[%dma_start3A_1459] : memref<2880xf32, #tpu.memory_space<vmem>> -> memref<96xf32, #tpu.memory_space<vmem>>
      %dma_start3A_1461 = arith.constant 2208 : i32
      %dma_start3A_1462 = tpu.memref_slice %arg12[%dma_start3A_1461] : memref<2880xi32, #tpu.memory_space<vmem>> -> memref<96xi32, #tpu.memory_space<vmem>>
      %dma_start3A_1463 = arith.constant 0 : i32
      %dma_start3A_1464 = tpu.memref_slice %arg3[%dma_start3A_1463] : memref<3628800xf32, #tpu.memory_space<hbm>> -> memref<3628800xf32, #tpu.memory_space<hbm>>
      tpu.enqueue_indirect_dma source(%dma_start3A_1464 : memref<3628800xf32, #tpu.memory_space<hbm>>) target(%dma_start3A_1460 : memref<96xf32, #tpu.memory_space<vmem>>) offsets(%dma_start3A_1462 : memref<96xi32, #tpu.memory_space<vmem>>) semaphore(%arg15 : memref<!tpu.dma_semaphore, #tpu.memory_space<semaphore_mem>>)
      %dma_start3A_1465 = arith.constant 2304 : i32
      %dma_start3A_1466 = tpu.memref_slice %arg13[%dma_start3A_1465] : memref<2880xf32, #tpu.memory_space<vmem>> -> memref<96xf32, #tpu.memory_space<vmem>>
      %dma_start3A_1467 = arith.constant 2304 : i32
      %dma_start3A_1468 = tpu.memref_slice %arg12[%dma_start3A_1467] : memref<2880xi32, #tpu.memory_space<vmem>> -> memref<96xi32, #tpu.memory_space<vmem>>
      %dma_start3A_1469 = arith.constant 0 : i32
      %dma_start3A_1470 = tpu.memref_slice %arg3[%dma_start3A_1469] : memref<3628800xf32, #tpu.memory_space<hbm>> -> memref<3628800xf32, #tpu.memory_space<hbm>>
      tpu.enqueue_indirect_dma source(%dma_start3A_1470 : memref<3628800xf32, #tpu.memory_space<hbm>>) target(%dma_start3A_1466 : memref<96xf32, #tpu.memory_space<vmem>>) offsets(%dma_start3A_1468 : memref<96xi32, #tpu.memory_space<vmem>>) semaphore(%arg15 : memref<!tpu.dma_semaphore, #tpu.memory_space<semaphore_mem>>)
      %dma_start3A_1471 = arith.constant 2400 : i32
      %dma_start3A_1472 = tpu.memref_slice %arg13[%dma_start3A_1471] : memref<2880xf32, #tpu.memory_space<vmem>> -> memref<96xf32, #tpu.memory_space<vmem>>
      %dma_start3A_1473 = arith.constant 2400 : i32
      %dma_start3A_1474 = tpu.memref_slice %arg12[%dma_start3A_1473] : memref<2880xi32, #tpu.memory_space<vmem>> -> memref<96xi32, #tpu.memory_space<vmem>>
      %dma_start3A_1475 = arith.constant 0 : i32
      %dma_start3A_1476 = tpu.memref_slice %arg3[%dma_start3A_1475] : memref<3628800xf32, #tpu.memory_space<hbm>> -> memref<3628800xf32, #tpu.memory_space<hbm>>
      tpu.enqueue_indirect_dma source(%dma_start3A_1476 : memref<3628800xf32, #tpu.memory_space<hbm>>) target(%dma_start3A_1472 : memref<96xf32, #tpu.memory_space<vmem>>) offsets(%dma_start3A_1474 : memref<96xi32, #tpu.memory_space<vmem>>) semaphore(%arg15 : memref<!tpu.dma_semaphore, #tpu.memory_space<semaphore_mem>>)
      %dma_start3A_1477 = arith.constant 2496 : i32
      %dma_start3A_1478 = tpu.memref_slice %arg13[%dma_start3A_1477] : memref<2880xf32, #tpu.memory_space<vmem>> -> memref<96xf32, #tpu.memory_space<vmem>>
      %dma_start3A_1479 = arith.constant 2496 : i32
      %dma_start3A_1480 = tpu.memref_slice %arg12[%dma_start3A_1479] : memref<2880xi32, #tpu.memory_space<vmem>> -> memref<96xi32, #tpu.memory_space<vmem>>
      %dma_start3A_1481 = arith.constant 0 : i32
      %dma_start3A_1482 = tpu.memref_slice %arg3[%dma_start3A_1481] : memref<3628800xf32, #tpu.memory_space<hbm>> -> memref<3628800xf32, #tpu.memory_space<hbm>>
      tpu.enqueue_indirect_dma source(%dma_start3A_1482 : memref<3628800xf32, #tpu.memory_space<hbm>>) target(%dma_start3A_1478 : memref<96xf32, #tpu.memory_space<vmem>>) offsets(%dma_start3A_1480 : memref<96xi32, #tpu.memory_space<vmem>>) semaphore(%arg15 : memref<!tpu.dma_semaphore, #tpu.memory_space<semaphore_mem>>)
      %dma_start3A_1483 = arith.constant 2592 : i32
      %dma_start3A_1484 = tpu.memref_slice %arg13[%dma_start3A_1483] : memref<2880xf32, #tpu.memory_space<vmem>> -> memref<96xf32, #tpu.memory_space<vmem>>
      %dma_start3A_1485 = arith.constant 2592 : i32
      %dma_start3A_1486 = tpu.memref_slice %arg12[%dma_start3A_1485] : memref<2880xi32, #tpu.memory_space<vmem>> -> memref<96xi32, #tpu.memory_space<vmem>>
      %dma_start3A_1487 = arith.constant 0 : i32
      %dma_start3A_1488 = tpu.memref_slice %arg3[%dma_start3A_1487] : memref<3628800xf32, #tpu.memory_space<hbm>> -> memref<3628800xf32, #tpu.memory_space<hbm>>
      tpu.enqueue_indirect_dma source(%dma_start3A_1488 : memref<3628800xf32, #tpu.memory_space<hbm>>) target(%dma_start3A_1484 : memref<96xf32, #tpu.memory_space<vmem>>) offsets(%dma_start3A_1486 : memref<96xi32, #tpu.memory_space<vmem>>) semaphore(%arg15 : memref<!tpu.dma_semaphore, #tpu.memory_space<semaphore_mem>>)
      %dma_start3A_1489 = arith.constant 2688 : i32
      %dma_start3A_1490 = tpu.memref_slice %arg13[%dma_start3A_1489] : memref<2880xf32, #tpu.memory_space<vmem>> -> memref<96xf32, #tpu.memory_space<vmem>>
      %dma_start3A_1491 = arith.constant 2688 : i32
      %dma_start3A_1492 = tpu.memref_slice %arg12[%dma_start3A_1491] : memref<2880xi32, #tpu.memory_space<vmem>> -> memref<96xi32, #tpu.memory_space<vmem>>
      %dma_start3A_1493 = arith.constant 0 : i32
      %dma_start3A_1494 = tpu.memref_slice %arg3[%dma_start3A_1493] : memref<3628800xf32, #tpu.memory_space<hbm>> -> memref<3628800xf32, #tpu.memory_space<hbm>>
      tpu.enqueue_indirect_dma source(%dma_start3A_1494 : memref<3628800xf32, #tpu.memory_space<hbm>>) target(%dma_start3A_1490 : memref<96xf32, #tpu.memory_space<vmem>>) offsets(%dma_start3A_1492 : memref<96xi32, #tpu.memory_space<vmem>>) semaphore(%arg15 : memref<!tpu.dma_semaphore, #tpu.memory_space<semaphore_mem>>)
      %dma_start3A_1495 = arith.constant 2784 : i32
      %dma_start3A_1496 = tpu.memref_slice %arg13[%dma_start3A_1495] : memref<2880xf32, #tpu.memory_space<vmem>> -> memref<96xf32, #tpu.memory_space<vmem>>
      %dma_start3A_1497 = arith.constant 2784 : i32
      %dma_start3A_1498 = tpu.memref_slice %arg12[%dma_start3A_1497] : memref<2880xi32, #tpu.memory_space<vmem>> -> memref<96xi32, #tpu.memory_space<vmem>>
      %dma_start3A_1499 = arith.constant 0 : i32
      %dma_start3A_1500 = tpu.memref_slice %arg3[%dma_start3A_1499] : memref<3628800xf32, #tpu.memory_space<hbm>> -> memref<3628800xf32, #tpu.memory_space<hbm>>
      tpu.enqueue_indirect_dma source(%dma_start3A_1500 : memref<3628800xf32, #tpu.memory_space<hbm>>) target(%dma_start3A_1496 : memref<96xf32, #tpu.memory_space<vmem>>) offsets(%dma_start3A_1498 : memref<96xi32, #tpu.memory_space<vmem>>) semaphore(%arg15 : memref<!tpu.dma_semaphore, #tpu.memory_space<semaphore_mem>>)
      %dma_wait3A = arith.constant 0 : i32
      %dma_wait3A_1501 = tpu.memref_slice %arg13[%dma_wait3A] : memref<2880xf32, #tpu.memory_space<vmem>> -> memref<96xf32, #tpu.memory_space<vmem>>
      %dma_wait3A_1502 = arith.constant 0 : i32
      %dma_wait3A_1503 = tpu.memref_slice %arg12[%dma_wait3A_1502] : memref<2880xi32, #tpu.memory_space<vmem>> -> memref<96xi32, #tpu.memory_space<vmem>>
      %dma_wait3A_1504 = arith.constant 0 : i32
      %dma_wait3A_1505 = tpu.memref_slice %arg3[%dma_wait3A_1504] : memref<3628800xf32, #tpu.memory_space<hbm>> -> memref<3628800xf32, #tpu.memory_space<hbm>>
      tpu.wait_indirect_dma semaphore(%arg15 : memref<!tpu.dma_semaphore, #tpu.memory_space<semaphore_mem>>) src(%dma_wait3A_1505 : memref<3628800xf32, #tpu.memory_space<hbm>>) dst(%dma_wait3A_1501 : memref<96xf32, #tpu.memory_space<vmem>>)
      %dma_wait3A_1506 = arith.constant 96 : i32
      %dma_wait3A_1507 = tpu.memref_slice %arg13[%dma_wait3A_1506] : memref<2880xf32, #tpu.memory_space<vmem>> -> memref<96xf32, #tpu.memory_space<vmem>>
      %dma_wait3A_1508 = arith.constant 96 : i32
      %dma_wait3A_1509 = tpu.memref_slice %arg12[%dma_wait3A_1508] : memref<2880xi32, #tpu.memory_space<vmem>> -> memref<96xi32, #tpu.memory_space<vmem>>
      %dma_wait3A_1510 = arith.constant 0 : i32
      %dma_wait3A_1511 = tpu.memref_slice %arg3[%dma_wait3A_1510] : memref<3628800xf32, #tpu.memory_space<hbm>> -> memref<3628800xf32, #tpu.memory_space<hbm>>
      tpu.wait_indirect_dma semaphore(%arg15 : memref<!tpu.dma_semaphore, #tpu.memory_space<semaphore_mem>>) src(%dma_wait3A_1511 : memref<3628800xf32, #tpu.memory_space<hbm>>) dst(%dma_wait3A_1507 : memref<96xf32, #tpu.memory_space<vmem>>)
      %dma_wait3A_1512 = arith.constant 192 : i32
      %dma_wait3A_1513 = tpu.memref_slice %arg13[%dma_wait3A_1512] : memref<2880xf32, #tpu.memory_space<vmem>> -> memref<96xf32, #tpu.memory_space<vmem>>
      %dma_wait3A_1514 = arith.constant 192 : i32
      %dma_wait3A_1515 = tpu.memref_slice %arg12[%dma_wait3A_1514] : memref<2880xi32, #tpu.memory_space<vmem>> -> memref<96xi32, #tpu.memory_space<vmem>>
      %dma_wait3A_1516 = arith.constant 0 : i32
      %dma_wait3A_1517 = tpu.memref_slice %arg3[%dma_wait3A_1516] : memref<3628800xf32, #tpu.memory_space<hbm>> -> memref<3628800xf32, #tpu.memory_space<hbm>>
      tpu.wait_indirect_dma semaphore(%arg15 : memref<!tpu.dma_semaphore, #tpu.memory_space<semaphore_mem>>) src(%dma_wait3A_1517 : memref<3628800xf32, #tpu.memory_space<hbm>>) dst(%dma_wait3A_1513 : memref<96xf32, #tpu.memory_space<vmem>>)
      %dma_wait3A_1518 = arith.constant 288 : i32
      %dma_wait3A_1519 = tpu.memref_slice %arg13[%dma_wait3A_1518] : memref<2880xf32, #tpu.memory_space<vmem>> -> memref<96xf32, #tpu.memory_space<vmem>>
      %dma_wait3A_1520 = arith.constant 288 : i32
      %dma_wait3A_1521 = tpu.memref_slice %arg12[%dma_wait3A_1520] : memref<2880xi32, #tpu.memory_space<vmem>> -> memref<96xi32, #tpu.memory_space<vmem>>
      %dma_wait3A_1522 = arith.constant 0 : i32
      %dma_wait3A_1523 = tpu.memref_slice %arg3[%dma_wait3A_1522] : memref<3628800xf32, #tpu.memory_space<hbm>> -> memref<3628800xf32, #tpu.memory_space<hbm>>
      tpu.wait_indirect_dma semaphore(%arg15 : memref<!tpu.dma_semaphore, #tpu.memory_space<semaphore_mem>>) src(%dma_wait3A_1523 : memref<3628800xf32, #tpu.memory_space<hbm>>) dst(%dma_wait3A_1519 : memref<96xf32, #tpu.memory_space<vmem>>)
      %dma_wait3A_1524 = arith.constant 384 : i32
      %dma_wait3A_1525 = tpu.memref_slice %arg13[%dma_wait3A_1524] : memref<2880xf32, #tpu.memory_space<vmem>> -> memref<96xf32, #tpu.memory_space<vmem>>
      %dma_wait3A_1526 = arith.constant 384 : i32
      %dma_wait3A_1527 = tpu.memref_slice %arg12[%dma_wait3A_1526] : memref<2880xi32, #tpu.memory_space<vmem>> -> memref<96xi32, #tpu.memory_space<vmem>>
      %dma_wait3A_1528 = arith.constant 0 : i32
      %dma_wait3A_1529 = tpu.memref_slice %arg3[%dma_wait3A_1528] : memref<3628800xf32, #tpu.memory_space<hbm>> -> memref<3628800xf32, #tpu.memory_space<hbm>>
      tpu.wait_indirect_dma semaphore(%arg15 : memref<!tpu.dma_semaphore, #tpu.memory_space<semaphore_mem>>) src(%dma_wait3A_1529 : memref<3628800xf32, #tpu.memory_space<hbm>>) dst(%dma_wait3A_1525 : memref<96xf32, #tpu.memory_space<vmem>>)
      %dma_wait3A_1530 = arith.constant 480 : i32
      %dma_wait3A_1531 = tpu.memref_slice %arg13[%dma_wait3A_1530] : memref<2880xf32, #tpu.memory_space<vmem>> -> memref<96xf32, #tpu.memory_space<vmem>>
      %dma_wait3A_1532 = arith.constant 480 : i32
      %dma_wait3A_1533 = tpu.memref_slice %arg12[%dma_wait3A_1532] : memref<2880xi32, #tpu.memory_space<vmem>> -> memref<96xi32, #tpu.memory_space<vmem>>
      %dma_wait3A_1534 = arith.constant 0 : i32
      %dma_wait3A_1535 = tpu.memref_slice %arg3[%dma_wait3A_1534] : memref<3628800xf32, #tpu.memory_space<hbm>> -> memref<3628800xf32, #tpu.memory_space<hbm>>
      tpu.wait_indirect_dma semaphore(%arg15 : memref<!tpu.dma_semaphore, #tpu.memory_space<semaphore_mem>>) src(%dma_wait3A_1535 : memref<3628800xf32, #tpu.memory_space<hbm>>) dst(%dma_wait3A_1531 : memref<96xf32, #tpu.memory_space<vmem>>)
      %dma_wait3A_1536 = arith.constant 576 : i32
      %dma_wait3A_1537 = tpu.memref_slice %arg13[%dma_wait3A_1536] : memref<2880xf32, #tpu.memory_space<vmem>> -> memref<96xf32, #tpu.memory_space<vmem>>
      %dma_wait3A_1538 = arith.constant 576 : i32
      %dma_wait3A_1539 = tpu.memref_slice %arg12[%dma_wait3A_1538] : memref<2880xi32, #tpu.memory_space<vmem>> -> memref<96xi32, #tpu.memory_space<vmem>>
      %dma_wait3A_1540 = arith.constant 0 : i32
      %dma_wait3A_1541 = tpu.memref_slice %arg3[%dma_wait3A_1540] : memref<3628800xf32, #tpu.memory_space<hbm>> -> memref<3628800xf32, #tpu.memory_space<hbm>>
      tpu.wait_indirect_dma semaphore(%arg15 : memref<!tpu.dma_semaphore, #tpu.memory_space<semaphore_mem>>) src(%dma_wait3A_1541 : memref<3628800xf32, #tpu.memory_space<hbm>>) dst(%dma_wait3A_1537 : memref<96xf32, #tpu.memory_space<vmem>>)
      %dma_wait3A_1542 = arith.constant 672 : i32
      %dma_wait3A_1543 = tpu.memref_slice %arg13[%dma_wait3A_1542] : memref<2880xf32, #tpu.memory_space<vmem>> -> memref<96xf32, #tpu.memory_space<vmem>>
      %dma_wait3A_1544 = arith.constant 672 : i32
      %dma_wait3A_1545 = tpu.memref_slice %arg12[%dma_wait3A_1544] : memref<2880xi32, #tpu.memory_space<vmem>> -> memref<96xi32, #tpu.memory_space<vmem>>
      %dma_wait3A_1546 = arith.constant 0 : i32
      %dma_wait3A_1547 = tpu.memref_slice %arg3[%dma_wait3A_1546] : memref<3628800xf32, #tpu.memory_space<hbm>> -> memref<3628800xf32, #tpu.memory_space<hbm>>
      tpu.wait_indirect_dma semaphore(%arg15 : memref<!tpu.dma_semaphore, #tpu.memory_space<semaphore_mem>>) src(%dma_wait3A_1547 : memref<3628800xf32, #tpu.memory_space<hbm>>) dst(%dma_wait3A_1543 : memref<96xf32, #tpu.memory_space<vmem>>)
      %dma_wait3A_1548 = arith.constant 768 : i32
      %dma_wait3A_1549 = tpu.memref_slice %arg13[%dma_wait3A_1548] : memref<2880xf32, #tpu.memory_space<vmem>> -> memref<96xf32, #tpu.memory_space<vmem>>
      %dma_wait3A_1550 = arith.constant 768 : i32
      %dma_wait3A_1551 = tpu.memref_slice %arg12[%dma_wait3A_1550] : memref<2880xi32, #tpu.memory_space<vmem>> -> memref<96xi32, #tpu.memory_space<vmem>>
      %dma_wait3A_1552 = arith.constant 0 : i32
      %dma_wait3A_1553 = tpu.memref_slice %arg3[%dma_wait3A_1552] : memref<3628800xf32, #tpu.memory_space<hbm>> -> memref<3628800xf32, #tpu.memory_space<hbm>>
      tpu.wait_indirect_dma semaphore(%arg15 : memref<!tpu.dma_semaphore, #tpu.memory_space<semaphore_mem>>) src(%dma_wait3A_1553 : memref<3628800xf32, #tpu.memory_space<hbm>>) dst(%dma_wait3A_1549 : memref<96xf32, #tpu.memory_space<vmem>>)
      %dma_wait3A_1554 = arith.constant 864 : i32
      %dma_wait3A_1555 = tpu.memref_slice %arg13[%dma_wait3A_1554] : memref<2880xf32, #tpu.memory_space<vmem>> -> memref<96xf32, #tpu.memory_space<vmem>>
      %dma_wait3A_1556 = arith.constant 864 : i32
      %dma_wait3A_1557 = tpu.memref_slice %arg12[%dma_wait3A_1556] : memref<2880xi32, #tpu.memory_space<vmem>> -> memref<96xi32, #tpu.memory_space<vmem>>
      %dma_wait3A_1558 = arith.constant 0 : i32
      %dma_wait3A_1559 = tpu.memref_slice %arg3[%dma_wait3A_1558] : memref<3628800xf32, #tpu.memory_space<hbm>> -> memref<3628800xf32, #tpu.memory_space<hbm>>
      tpu.wait_indirect_dma semaphore(%arg15 : memref<!tpu.dma_semaphore, #tpu.memory_space<semaphore_mem>>) src(%dma_wait3A_1559 : memref<3628800xf32, #tpu.memory_space<hbm>>) dst(%dma_wait3A_1555 : memref<96xf32, #tpu.memory_space<vmem>>)
      %dma_wait3A_1560 = arith.constant 960 : i32
      %dma_wait3A_1561 = tpu.memref_slice %arg13[%dma_wait3A_1560] : memref<2880xf32, #tpu.memory_space<vmem>> -> memref<96xf32, #tpu.memory_space<vmem>>
      %dma_wait3A_1562 = arith.constant 960 : i32
      %dma_wait3A_1563 = tpu.memref_slice %arg12[%dma_wait3A_1562] : memref<2880xi32, #tpu.memory_space<vmem>> -> memref<96xi32, #tpu.memory_space<vmem>>
      %dma_wait3A_1564 = arith.constant 0 : i32
      %dma_wait3A_1565 = tpu.memref_slice %arg3[%dma_wait3A_1564] : memref<3628800xf32, #tpu.memory_space<hbm>> -> memref<3628800xf32, #tpu.memory_space<hbm>>
      tpu.wait_indirect_dma semaphore(%arg15 : memref<!tpu.dma_semaphore, #tpu.memory_space<semaphore_mem>>) src(%dma_wait3A_1565 : memref<3628800xf32, #tpu.memory_space<hbm>>) dst(%dma_wait3A_1561 : memref<96xf32, #tpu.memory_space<vmem>>)
      %dma_wait3A_1566 = arith.constant 1056 : i32
      %dma_wait3A_1567 = tpu.memref_slice %arg13[%dma_wait3A_1566] : memref<2880xf32, #tpu.memory_space<vmem>> -> memref<96xf32, #tpu.memory_space<vmem>>
      %dma_wait3A_1568 = arith.constant 1056 : i32
      %dma_wait3A_1569 = tpu.memref_slice %arg12[%dma_wait3A_1568] : memref<2880xi32, #tpu.memory_space<vmem>> -> memref<96xi32, #tpu.memory_space<vmem>>
      %dma_wait3A_1570 = arith.constant 0 : i32
      %dma_wait3A_1571 = tpu.memref_slice %arg3[%dma_wait3A_1570] : memref<3628800xf32, #tpu.memory_space<hbm>> -> memref<3628800xf32, #tpu.memory_space<hbm>>
      tpu.wait_indirect_dma semaphore(%arg15 : memref<!tpu.dma_semaphore, #tpu.memory_space<semaphore_mem>>) src(%dma_wait3A_1571 : memref<3628800xf32, #tpu.memory_space<hbm>>) dst(%dma_wait3A_1567 : memref<96xf32, #tpu.memory_space<vmem>>)
      %dma_wait3A_1572 = arith.constant 1152 : i32
      %dma_wait3A_1573 = tpu.memref_slice %arg13[%dma_wait3A_1572] : memref<2880xf32, #tpu.memory_space<vmem>> -> memref<96xf32, #tpu.memory_space<vmem>>
      %dma_wait3A_1574 = arith.constant 1152 : i32
      %dma_wait3A_1575 = tpu.memref_slice %arg12[%dma_wait3A_1574] : memref<2880xi32, #tpu.memory_space<vmem>> -> memref<96xi32, #tpu.memory_space<vmem>>
      %dma_wait3A_1576 = arith.constant 0 : i32
      %dma_wait3A_1577 = tpu.memref_slice %arg3[%dma_wait3A_1576] : memref<3628800xf32, #tpu.memory_space<hbm>> -> memref<3628800xf32, #tpu.memory_space<hbm>>
      tpu.wait_indirect_dma semaphore(%arg15 : memref<!tpu.dma_semaphore, #tpu.memory_space<semaphore_mem>>) src(%dma_wait3A_1577 : memref<3628800xf32, #tpu.memory_space<hbm>>) dst(%dma_wait3A_1573 : memref<96xf32, #tpu.memory_space<vmem>>)
      %dma_wait3A_1578 = arith.constant 1248 : i32
      %dma_wait3A_1579 = tpu.memref_slice %arg13[%dma_wait3A_1578] : memref<2880xf32, #tpu.memory_space<vmem>> -> memref<96xf32, #tpu.memory_space<vmem>>
      %dma_wait3A_1580 = arith.constant 1248 : i32
      %dma_wait3A_1581 = tpu.memref_slice %arg12[%dma_wait3A_1580] : memref<2880xi32, #tpu.memory_space<vmem>> -> memref<96xi32, #tpu.memory_space<vmem>>
      %dma_wait3A_1582 = arith.constant 0 : i32
      %dma_wait3A_1583 = tpu.memref_slice %arg3[%dma_wait3A_1582] : memref<3628800xf32, #tpu.memory_space<hbm>> -> memref<3628800xf32, #tpu.memory_space<hbm>>
      tpu.wait_indirect_dma semaphore(%arg15 : memref<!tpu.dma_semaphore, #tpu.memory_space<semaphore_mem>>) src(%dma_wait3A_1583 : memref<3628800xf32, #tpu.memory_space<hbm>>) dst(%dma_wait3A_1579 : memref<96xf32, #tpu.memory_space<vmem>>)
      %dma_wait3A_1584 = arith.constant 1344 : i32
      %dma_wait3A_1585 = tpu.memref_slice %arg13[%dma_wait3A_1584] : memref<2880xf32, #tpu.memory_space<vmem>> -> memref<96xf32, #tpu.memory_space<vmem>>
      %dma_wait3A_1586 = arith.constant 1344 : i32
      %dma_wait3A_1587 = tpu.memref_slice %arg12[%dma_wait3A_1586] : memref<2880xi32, #tpu.memory_space<vmem>> -> memref<96xi32, #tpu.memory_space<vmem>>
      %dma_wait3A_1588 = arith.constant 0 : i32
      %dma_wait3A_1589 = tpu.memref_slice %arg3[%dma_wait3A_1588] : memref<3628800xf32, #tpu.memory_space<hbm>> -> memref<3628800xf32, #tpu.memory_space<hbm>>
      tpu.wait_indirect_dma semaphore(%arg15 : memref<!tpu.dma_semaphore, #tpu.memory_space<semaphore_mem>>) src(%dma_wait3A_1589 : memref<3628800xf32, #tpu.memory_space<hbm>>) dst(%dma_wait3A_1585 : memref<96xf32, #tpu.memory_space<vmem>>)
      %dma_wait3A_1590 = arith.constant 1440 : i32
      %dma_wait3A_1591 = tpu.memref_slice %arg13[%dma_wait3A_1590] : memref<2880xf32, #tpu.memory_space<vmem>> -> memref<96xf32, #tpu.memory_space<vmem>>
      %dma_wait3A_1592 = arith.constant 1440 : i32
      %dma_wait3A_1593 = tpu.memref_slice %arg12[%dma_wait3A_1592] : memref<2880xi32, #tpu.memory_space<vmem>> -> memref<96xi32, #tpu.memory_space<vmem>>
      %dma_wait3A_1594 = arith.constant 0 : i32
      %dma_wait3A_1595 = tpu.memref_slice %arg3[%dma_wait3A_1594] : memref<3628800xf32, #tpu.memory_space<hbm>> -> memref<3628800xf32, #tpu.memory_space<hbm>>
      tpu.wait_indirect_dma semaphore(%arg15 : memref<!tpu.dma_semaphore, #tpu.memory_space<semaphore_mem>>) src(%dma_wait3A_1595 : memref<3628800xf32, #tpu.memory_space<hbm>>) dst(%dma_wait3A_1591 : memref<96xf32, #tpu.memory_space<vmem>>)
      %dma_wait3A_1596 = arith.constant 1536 : i32
      %dma_wait3A_1597 = tpu.memref_slice %arg13[%dma_wait3A_1596] : memref<2880xf32, #tpu.memory_space<vmem>> -> memref<96xf32, #tpu.memory_space<vmem>>
      %dma_wait3A_1598 = arith.constant 1536 : i32
      %dma_wait3A_1599 = tpu.memref_slice %arg12[%dma_wait3A_1598] : memref<2880xi32, #tpu.memory_space<vmem>> -> memref<96xi32, #tpu.memory_space<vmem>>
      %dma_wait3A_1600 = arith.constant 0 : i32
      %dma_wait3A_1601 = tpu.memref_slice %arg3[%dma_wait3A_1600] : memref<3628800xf32, #tpu.memory_space<hbm>> -> memref<3628800xf32, #tpu.memory_space<hbm>>
      tpu.wait_indirect_dma semaphore(%arg15 : memref<!tpu.dma_semaphore, #tpu.memory_space<semaphore_mem>>) src(%dma_wait3A_1601 : memref<3628800xf32, #tpu.memory_space<hbm>>) dst(%dma_wait3A_1597 : memref<96xf32, #tpu.memory_space<vmem>>)
      %dma_wait3A_1602 = arith.constant 1632 : i32
      %dma_wait3A_1603 = tpu.memref_slice %arg13[%dma_wait3A_1602] : memref<2880xf32, #tpu.memory_space<vmem>> -> memref<96xf32, #tpu.memory_space<vmem>>
      %dma_wait3A_1604 = arith.constant 1632 : i32
      %dma_wait3A_1605 = tpu.memref_slice %arg12[%dma_wait3A_1604] : memref<2880xi32, #tpu.memory_space<vmem>> -> memref<96xi32, #tpu.memory_space<vmem>>
      %dma_wait3A_1606 = arith.constant 0 : i32
      %dma_wait3A_1607 = tpu.memref_slice %arg3[%dma_wait3A_1606] : memref<3628800xf32, #tpu.memory_space<hbm>> -> memref<3628800xf32, #tpu.memory_space<hbm>>
      tpu.wait_indirect_dma semaphore(%arg15 : memref<!tpu.dma_semaphore, #tpu.memory_space<semaphore_mem>>) src(%dma_wait3A_1607 : memref<3628800xf32, #tpu.memory_space<hbm>>) dst(%dma_wait3A_1603 : memref<96xf32, #tpu.memory_space<vmem>>)
      %dma_wait3A_1608 = arith.constant 1728 : i32
      %dma_wait3A_1609 = tpu.memref_slice %arg13[%dma_wait3A_1608] : memref<2880xf32, #tpu.memory_space<vmem>> -> memref<96xf32, #tpu.memory_space<vmem>>
      %dma_wait3A_1610 = arith.constant 1728 : i32
      %dma_wait3A_1611 = tpu.memref_slice %arg12[%dma_wait3A_1610] : memref<2880xi32, #tpu.memory_space<vmem>> -> memref<96xi32, #tpu.memory_space<vmem>>
      %dma_wait3A_1612 = arith.constant 0 : i32
      %dma_wait3A_1613 = tpu.memref_slice %arg3[%dma_wait3A_1612] : memref<3628800xf32, #tpu.memory_space<hbm>> -> memref<3628800xf32, #tpu.memory_space<hbm>>
      tpu.wait_indirect_dma semaphore(%arg15 : memref<!tpu.dma_semaphore, #tpu.memory_space<semaphore_mem>>) src(%dma_wait3A_1613 : memref<3628800xf32, #tpu.memory_space<hbm>>) dst(%dma_wait3A_1609 : memref<96xf32, #tpu.memory_space<vmem>>)
      %dma_wait3A_1614 = arith.constant 1824 : i32
      %dma_wait3A_1615 = tpu.memref_slice %arg13[%dma_wait3A_1614] : memref<2880xf32, #tpu.memory_space<vmem>> -> memref<96xf32, #tpu.memory_space<vmem>>
      %dma_wait3A_1616 = arith.constant 1824 : i32
      %dma_wait3A_1617 = tpu.memref_slice %arg12[%dma_wait3A_1616] : memref<2880xi32, #tpu.memory_space<vmem>> -> memref<96xi32, #tpu.memory_space<vmem>>
      %dma_wait3A_1618 = arith.constant 0 : i32
      %dma_wait3A_1619 = tpu.memref_slice %arg3[%dma_wait3A_1618] : memref<3628800xf32, #tpu.memory_space<hbm>> -> memref<3628800xf32, #tpu.memory_space<hbm>>
      tpu.wait_indirect_dma semaphore(%arg15 : memref<!tpu.dma_semaphore, #tpu.memory_space<semaphore_mem>>) src(%dma_wait3A_1619 : memref<3628800xf32, #tpu.memory_space<hbm>>) dst(%dma_wait3A_1615 : memref<96xf32, #tpu.memory_space<vmem>>)
      %dma_wait3A_1620 = arith.constant 1920 : i32
      %dma_wait3A_1621 = tpu.memref_slice %arg13[%dma_wait3A_1620] : memref<2880xf32, #tpu.memory_space<vmem>> -> memref<96xf32, #tpu.memory_space<vmem>>
      %dma_wait3A_1622 = arith.constant 1920 : i32
      %dma_wait3A_1623 = tpu.memref_slice %arg12[%dma_wait3A_1622] : memref<2880xi32, #tpu.memory_space<vmem>> -> memref<96xi32, #tpu.memory_space<vmem>>
      %dma_wait3A_1624 = arith.constant 0 : i32
      %dma_wait3A_1625 = tpu.memref_slice %arg3[%dma_wait3A_1624] : memref<3628800xf32, #tpu.memory_space<hbm>> -> memref<3628800xf32, #tpu.memory_space<hbm>>
      tpu.wait_indirect_dma semaphore(%arg15 : memref<!tpu.dma_semaphore, #tpu.memory_space<semaphore_mem>>) src(%dma_wait3A_1625 : memref<3628800xf32, #tpu.memory_space<hbm>>) dst(%dma_wait3A_1621 : memref<96xf32, #tpu.memory_space<vmem>>)
      %dma_wait3A_1626 = arith.constant 2016 : i32
      %dma_wait3A_1627 = tpu.memref_slice %arg13[%dma_wait3A_1626] : memref<2880xf32, #tpu.memory_space<vmem>> -> memref<96xf32, #tpu.memory_space<vmem>>
      %dma_wait3A_1628 = arith.constant 2016 : i32
      %dma_wait3A_1629 = tpu.memref_slice %arg12[%dma_wait3A_1628] : memref<2880xi32, #tpu.memory_space<vmem>> -> memref<96xi32, #tpu.memory_space<vmem>>
      %dma_wait3A_1630 = arith.constant 0 : i32
      %dma_wait3A_1631 = tpu.memref_slice %arg3[%dma_wait3A_1630] : memref<3628800xf32, #tpu.memory_space<hbm>> -> memref<3628800xf32, #tpu.memory_space<hbm>>
      tpu.wait_indirect_dma semaphore(%arg15 : memref<!tpu.dma_semaphore, #tpu.memory_space<semaphore_mem>>) src(%dma_wait3A_1631 : memref<3628800xf32, #tpu.memory_space<hbm>>) dst(%dma_wait3A_1627 : memref<96xf32, #tpu.memory_space<vmem>>)
      %dma_wait3A_1632 = arith.constant 2112 : i32
      %dma_wait3A_1633 = tpu.memref_slice %arg13[%dma_wait3A_1632] : memref<2880xf32, #tpu.memory_space<vmem>> -> memref<96xf32, #tpu.memory_space<vmem>>
      %dma_wait3A_1634 = arith.constant 2112 : i32
      %dma_wait3A_1635 = tpu.memref_slice %arg12[%dma_wait3A_1634] : memref<2880xi32, #tpu.memory_space<vmem>> -> memref<96xi32, #tpu.memory_space<vmem>>
      %dma_wait3A_1636 = arith.constant 0 : i32
      %dma_wait3A_1637 = tpu.memref_slice %arg3[%dma_wait3A_1636] : memref<3628800xf32, #tpu.memory_space<hbm>> -> memref<3628800xf32, #tpu.memory_space<hbm>>
      tpu.wait_indirect_dma semaphore(%arg15 : memref<!tpu.dma_semaphore, #tpu.memory_space<semaphore_mem>>) src(%dma_wait3A_1637 : memref<3628800xf32, #tpu.memory_space<hbm>>) dst(%dma_wait3A_1633 : memref<96xf32, #tpu.memory_space<vmem>>)
      %dma_wait3A_1638 = arith.constant 2208 : i32
      %dma_wait3A_1639 = tpu.memref_slice %arg13[%dma_wait3A_1638] : memref<2880xf32, #tpu.memory_space<vmem>> -> memref<96xf32, #tpu.memory_space<vmem>>
      %dma_wait3A_1640 = arith.constant 2208 : i32
      %dma_wait3A_1641 = tpu.memref_slice %arg12[%dma_wait3A_1640] : memref<2880xi32, #tpu.memory_space<vmem>> -> memref<96xi32, #tpu.memory_space<vmem>>
      %dma_wait3A_1642 = arith.constant 0 : i32
      %dma_wait3A_1643 = tpu.memref_slice %arg3[%dma_wait3A_1642] : memref<3628800xf32, #tpu.memory_space<hbm>> -> memref<3628800xf32, #tpu.memory_space<hbm>>
      tpu.wait_indirect_dma semaphore(%arg15 : memref<!tpu.dma_semaphore, #tpu.memory_space<semaphore_mem>>) src(%dma_wait3A_1643 : memref<3628800xf32, #tpu.memory_space<hbm>>) dst(%dma_wait3A_1639 : memref<96xf32, #tpu.memory_space<vmem>>)
      %dma_wait3A_1644 = arith.constant 2304 : i32
      %dma_wait3A_1645 = tpu.memref_slice %arg13[%dma_wait3A_1644] : memref<2880xf32, #tpu.memory_space<vmem>> -> memref<96xf32, #tpu.memory_space<vmem>>
      %dma_wait3A_1646 = arith.constant 2304 : i32
      %dma_wait3A_1647 = tpu.memref_slice %arg12[%dma_wait3A_1646] : memref<2880xi32, #tpu.memory_space<vmem>> -> memref<96xi32, #tpu.memory_space<vmem>>
      %dma_wait3A_1648 = arith.constant 0 : i32
      %dma_wait3A_1649 = tpu.memref_slice %arg3[%dma_wait3A_1648] : memref<3628800xf32, #tpu.memory_space<hbm>> -> memref<3628800xf32, #tpu.memory_space<hbm>>
      tpu.wait_indirect_dma semaphore(%arg15 : memref<!tpu.dma_semaphore, #tpu.memory_space<semaphore_mem>>) src(%dma_wait3A_1649 : memref<3628800xf32, #tpu.memory_space<hbm>>) dst(%dma_wait3A_1645 : memref<96xf32, #tpu.memory_space<vmem>>)
      %dma_wait3A_1650 = arith.constant 2400 : i32
      %dma_wait3A_1651 = tpu.memref_slice %arg13[%dma_wait3A_1650] : memref<2880xf32, #tpu.memory_space<vmem>> -> memref<96xf32, #tpu.memory_space<vmem>>
      %dma_wait3A_1652 = arith.constant 2400 : i32
      %dma_wait3A_1653 = tpu.memref_slice %arg12[%dma_wait3A_1652] : memref<2880xi32, #tpu.memory_space<vmem>> -> memref<96xi32, #tpu.memory_space<vmem>>
      %dma_wait3A_1654 = arith.constant 0 : i32
      %dma_wait3A_1655 = tpu.memref_slice %arg3[%dma_wait3A_1654] : memref<3628800xf32, #tpu.memory_space<hbm>> -> memref<3628800xf32, #tpu.memory_space<hbm>>
      tpu.wait_indirect_dma semaphore(%arg15 : memref<!tpu.dma_semaphore, #tpu.memory_space<semaphore_mem>>) src(%dma_wait3A_1655 : memref<3628800xf32, #tpu.memory_space<hbm>>) dst(%dma_wait3A_1651 : memref<96xf32, #tpu.memory_space<vmem>>)
      %dma_wait3A_1656 = arith.constant 2496 : i32
      %dma_wait3A_1657 = tpu.memref_slice %arg13[%dma_wait3A_1656] : memref<2880xf32, #tpu.memory_space<vmem>> -> memref<96xf32, #tpu.memory_space<vmem>>
      %dma_wait3A_1658 = arith.constant 2496 : i32
      %dma_wait3A_1659 = tpu.memref_slice %arg12[%dma_wait3A_1658] : memref<2880xi32, #tpu.memory_space<vmem>> -> memref<96xi32, #tpu.memory_space<vmem>>
      %dma_wait3A_1660 = arith.constant 0 : i32
      %dma_wait3A_1661 = tpu.memref_slice %arg3[%dma_wait3A_1660] : memref<3628800xf32, #tpu.memory_space<hbm>> -> memref<3628800xf32, #tpu.memory_space<hbm>>
      tpu.wait_indirect_dma semaphore(%arg15 : memref<!tpu.dma_semaphore, #tpu.memory_space<semaphore_mem>>) src(%dma_wait3A_1661 : memref<3628800xf32, #tpu.memory_space<hbm>>) dst(%dma_wait3A_1657 : memref<96xf32, #tpu.memory_space<vmem>>)
      %dma_wait3A_1662 = arith.constant 2592 : i32
      %dma_wait3A_1663 = tpu.memref_slice %arg13[%dma_wait3A_1662] : memref<2880xf32, #tpu.memory_space<vmem>> -> memref<96xf32, #tpu.memory_space<vmem>>
      %dma_wait3A_1664 = arith.constant 2592 : i32
      %dma_wait3A_1665 = tpu.memref_slice %arg12[%dma_wait3A_1664] : memref<2880xi32, #tpu.memory_space<vmem>> -> memref<96xi32, #tpu.memory_space<vmem>>
      %dma_wait3A_1666 = arith.constant 0 : i32
      %dma_wait3A_1667 = tpu.memref_slice %arg3[%dma_wait3A_1666] : memref<3628800xf32, #tpu.memory_space<hbm>> -> memref<3628800xf32, #tpu.memory_space<hbm>>
      tpu.wait_indirect_dma semaphore(%arg15 : memref<!tpu.dma_semaphore, #tpu.memory_space<semaphore_mem>>) src(%dma_wait3A_1667 : memref<3628800xf32, #tpu.memory_space<hbm>>) dst(%dma_wait3A_1663 : memref<96xf32, #tpu.memory_space<vmem>>)
      %dma_wait3A_1668 = arith.constant 2688 : i32
      %dma_wait3A_1669 = tpu.memref_slice %arg13[%dma_wait3A_1668] : memref<2880xf32, #tpu.memory_space<vmem>> -> memref<96xf32, #tpu.memory_space<vmem>>
      %dma_wait3A_1670 = arith.constant 2688 : i32
      %dma_wait3A_1671 = tpu.memref_slice %arg12[%dma_wait3A_1670] : memref<2880xi32, #tpu.memory_space<vmem>> -> memref<96xi32, #tpu.memory_space<vmem>>
      %dma_wait3A_1672 = arith.constant 0 : i32
      %dma_wait3A_1673 = tpu.memref_slice %arg3[%dma_wait3A_1672] : memref<3628800xf32, #tpu.memory_space<hbm>> -> memref<3628800xf32, #tpu.memory_space<hbm>>
      tpu.wait_indirect_dma semaphore(%arg15 : memref<!tpu.dma_semaphore, #tpu.memory_space<semaphore_mem>>) src(%dma_wait3A_1673 : memref<3628800xf32, #tpu.memory_space<hbm>>) dst(%dma_wait3A_1669 : memref<96xf32, #tpu.memory_space<vmem>>)
      %dma_wait3A_1674 = arith.constant 2784 : i32
      %dma_wait3A_1675 = tpu.memref_slice %arg13[%dma_wait3A_1674] : memref<2880xf32, #tpu.memory_space<vmem>> -> memref<96xf32, #tpu.memory_space<vmem>>
      %dma_wait3A_1676 = arith.constant 2784 : i32
      %dma_wait3A_1677 = tpu.memref_slice %arg12[%dma_wait3A_1676] : memref<2880xi32, #tpu.memory_space<vmem>> -> memref<96xi32, #tpu.memory_space<vmem>>
      %dma_wait3A_1678 = arith.constant 0 : i32
      %dma_wait3A_1679 = tpu.memref_slice %arg3[%dma_wait3A_1678] : memref<3628800xf32, #tpu.memory_space<hbm>> -> memref<3628800xf32, #tpu.memory_space<hbm>>
      tpu.wait_indirect_dma semaphore(%arg15 : memref<!tpu.dma_semaphore, #tpu.memory_space<semaphore_mem>>) src(%dma_wait3A_1679 : memref<3628800xf32, #tpu.memory_space<hbm>>) dst(%dma_wait3A_1675 : memref<96xf32, #tpu.memory_space<vmem>>)
      %mul3A_1680 = arith.constant 2880 : i32
      %mul3A_1681 = arith.muli %add3A, %mul3A_1680 : i32
      "tpu.region"() ({
        %run_scoped3A = tpu.sem_alloc : memref<!tpu.dma_semaphore, #tpu.memory_space<semaphore_mem>>
        %dma_start3A_1686 = tpu.memref_slice %arg4[%mul3A_1681] : memref<46080xf32, #tpu.memory_space<hbm>> -> memref<2880xf32, #tpu.memory_space<hbm>>
        %dma_start3A_1687 = tpu.memref_slice %arg4[%mul3A_1681] : memref<46080xf32, #tpu.memory_space<hbm>> -> memref<2880xf32, #tpu.memory_space<hbm>>
        tpu.enqueue_dma source(%arg13 : memref<2880xf32, #tpu.memory_space<vmem>>) target(%dma_start3A_1687 : memref<2880xf32, #tpu.memory_space<hbm>>) target_semaphore(%run_scoped3A : memref<!tpu.dma_semaphore, #tpu.memory_space<semaphore_mem>>)
        %dma_wait3A_1688 = tpu.memref_slice %arg4[%mul3A_1681] : memref<46080xf32, #tpu.memory_space<hbm>> -> memref<2880xf32, #tpu.memory_space<hbm>>
        %dma_wait3A_1689 = tpu.memref_slice %arg4[%mul3A_1681] : memref<46080xf32, #tpu.memory_space<hbm>> -> memref<2880xf32, #tpu.memory_space<hbm>>
        tpu.wait_dma2 semaphore(%run_scoped3A : memref<!tpu.dma_semaphore, #tpu.memory_space<semaphore_mem>>) src(%arg13 : memref<2880xf32, #tpu.memory_space<vmem>>) dst(%dma_wait3A_1689 : memref<2880xf32, #tpu.memory_space<hbm>>)
        tpu.yield
      }) : () -> ()
      %mul3A_1682 = arith.constant 320 : i32
      %mul3A_1683 = arith.muli %add3A, %mul3A_1682 : i32
      "tpu.region"() ({
        %run_scoped3A = tpu.sem_alloc : memref<!tpu.dma_semaphore, #tpu.memory_space<semaphore_mem>>
        %dma_start3A_1686 = arith.constant 0 : i32
        %dma_start3A_1687 = tpu.memref_slice %arg10[%dma_start3A_1686] : memref<352xi32, #tpu.memory_space<vmem>> -> memref<320xi32, #tpu.memory_space<vmem>>
        %dma_start3A_1688 = tpu.memref_slice %arg5[%mul3A_1683] : memref<5120xi32, #tpu.memory_space<hbm>> -> memref<320xi32, #tpu.memory_space<hbm>>
        %dma_start3A_1689 = tpu.memref_slice %arg5[%mul3A_1683] : memref<5120xi32, #tpu.memory_space<hbm>> -> memref<320xi32, #tpu.memory_space<hbm>>
        %dma_start3A_1690 = arith.constant 0 : i32
        %dma_start3A_1691 = tpu.memref_slice %arg10[%dma_start3A_1690] : memref<352xi32, #tpu.memory_space<vmem>> -> memref<320xi32, #tpu.memory_space<vmem>>
        tpu.enqueue_dma source(%dma_start3A_1691 : memref<320xi32, #tpu.memory_space<vmem>>) target(%dma_start3A_1689 : memref<320xi32, #tpu.memory_space<hbm>>) target_semaphore(%run_scoped3A : memref<!tpu.dma_semaphore, #tpu.memory_space<semaphore_mem>>)
        %dma_wait3A_1692 = arith.constant 0 : i32
        %dma_wait3A_1693 = tpu.memref_slice %arg10[%dma_wait3A_1692] : memref<352xi32, #tpu.memory_space<vmem>> -> memref<320xi32, #tpu.memory_space<vmem>>
        %dma_wait3A_1694 = tpu.memref_slice %arg5[%mul3A_1683] : memref<5120xi32, #tpu.memory_space<hbm>> -> memref<320xi32, #tpu.memory_space<hbm>>
        %dma_wait3A_1695 = tpu.memref_slice %arg5[%mul3A_1683] : memref<5120xi32, #tpu.memory_space<hbm>> -> memref<320xi32, #tpu.memory_space<hbm>>
        %dma_wait3A_1696 = arith.constant 0 : i32
        %dma_wait3A_1697 = tpu.memref_slice %arg10[%dma_wait3A_1696] : memref<352xi32, #tpu.memory_space<vmem>> -> memref<320xi32, #tpu.memory_space<vmem>>
        tpu.wait_dma2 semaphore(%run_scoped3A : memref<!tpu.dma_semaphore, #tpu.memory_space<semaphore_mem>>) src(%dma_wait3A_1697 : memref<320xi32, #tpu.memory_space<vmem>>) dst(%dma_wait3A_1695 : memref<320xi32, #tpu.memory_space<hbm>>)
        tpu.yield
      }) : () -> ()
      %mul3A_1684 = arith.constant 320 : i32
      %mul3A_1685 = arith.muli %add3A, %mul3A_1684 : i32
      "tpu.region"() ({
        %run_scoped3A = tpu.sem_alloc : memref<!tpu.dma_semaphore, #tpu.memory_space<semaphore_mem>>
        %dma_start3A_1686 = arith.constant 0 : i32
        %dma_start3A_1687 = tpu.memref_slice %arg11[%dma_start3A_1686] : memref<352xi32, #tpu.memory_space<vmem>> -> memref<320xi32, #tpu.memory_space<vmem>>
        %dma_start3A_1688 = tpu.memref_slice %arg6[%mul3A_1685] : memref<5120xi32, #tpu.memory_space<hbm>> -> memref<320xi32, #tpu.memory_space<hbm>>
        %dma_start3A_1689 = tpu.memref_slice %arg6[%mul3A_1685] : memref<5120xi32, #tpu.memory_space<hbm>> -> memref<320xi32, #tpu.memory_space<hbm>>
        %dma_start3A_1690 = arith.constant 0 : i32
        %dma_start3A_1691 = tpu.memref_slice %arg11[%dma_start3A_1690] : memref<352xi32, #tpu.memory_space<vmem>> -> memref<320xi32, #tpu.memory_space<vmem>>
        tpu.enqueue_dma source(%dma_start3A_1691 : memref<320xi32, #tpu.memory_space<vmem>>) target(%dma_start3A_1689 : memref<320xi32, #tpu.memory_space<hbm>>) target_semaphore(%run_scoped3A : memref<!tpu.dma_semaphore, #tpu.memory_space<semaphore_mem>>)
        %dma_wait3A_1692 = arith.constant 0 : i32
        %dma_wait3A_1693 = tpu.memref_slice %arg11[%dma_wait3A_1692] : memref<352xi32, #tpu.memory_space<vmem>> -> memref<320xi32, #tpu.memory_space<vmem>>
        %dma_wait3A_1694 = tpu.memref_slice %arg6[%mul3A_1685] : memref<5120xi32, #tpu.memory_space<hbm>> -> memref<320xi32, #tpu.memory_space<hbm>>
        %dma_wait3A_1695 = tpu.memref_slice %arg6[%mul3A_1685] : memref<5120xi32, #tpu.memory_space<hbm>> -> memref<320xi32, #tpu.memory_space<hbm>>
        %dma_wait3A_1696 = arith.constant 0 : i32
        %dma_wait3A_1697 = tpu.memref_slice %arg11[%dma_wait3A_1696] : memref<352xi32, #tpu.memory_space<vmem>> -> memref<320xi32, #tpu.memory_space<vmem>>
        tpu.wait_dma2 semaphore(%run_scoped3A : memref<!tpu.dma_semaphore, #tpu.memory_space<semaphore_mem>>) src(%dma_wait3A_1697 : memref<320xi32, #tpu.memory_space<vmem>>) dst(%dma_wait3A_1695 : memref<320xi32, #tpu.memory_space<hbm>>)
        tpu.yield
      }) : () -> ()
    } else {
    }
    return
  }
}

module attributes {stable_mosaic.version = 14 : i64} {
  func.func @_tc_body(%arg0: i32, %arg1: memref<25600xf32, #tpu.memory_space<vmem>>, %arg2: memref<1x9x320xf32, #tpu.memory_space<vmem>>, %arg3: memref<1x1x320xi32, #tpu.memory_space<vmem>>, %arg4: memref<1x1x320xi32, #tpu.memory_space<vmem>>, %arg5: memref<1x20x5xf32, #tpu.memory_space<vmem>>, %arg6: memref<1x1x128xf32, #tpu.memory_space<vmem>>) attributes {dimension_semantics = [#tpu.dimension_semantics<arbitrary>], iteration_bounds = array<i64: 16>, scalar_prefetch = 0 : i64, scratch_operands = 0 : i64, tpu.core_type = #tpu.core_type<tc>, window_params = [{transform_indices = @transform_0, window_bounds = array<i64: 25600>}, {transform_indices = @transform_1, window_bounds = array<i64: 1, 9, 320>}, {transform_indices = @transform_2, window_bounds = array<i64: 1, 1, 320>}, {transform_indices = @transform_3, window_bounds = array<i64: 1, 1, 320>}, {transform_indices = @transform_4, window_bounds = array<i64: 1, 20, 5>}, {transform_indices = @transform_5, window_bounds = array<i64: 1, 1, 128>}]} {
    %get3A = arith.constant 0 : index
    %get3A_0 = vector.load %arg1[%get3A] : memref<25600xf32, #tpu.memory_space<vmem>>, vector<25600xf32>
    %reshape3A = vector.shape_cast %get3A_0 : vector<25600xf32> to vector<200x128xf32>
    %get3A_1 = arith.constant 0 : index
    %get3A_2 = arith.constant 0 : index
    %get3A_3 = arith.constant 0 : index
    %get3A_4 = vector.load %arg2[%get3A_1, %get3A_2, %get3A_3] : memref<1x9x320xf32, #tpu.memory_space<vmem>>, vector<1x9x320xf32>
    %reshape3A_5 = vector.shape_cast %get3A_4 : vector<1x9x320xf32> to vector<9x320xf32>
    %get3A_6 = arith.constant 0 : index
    %get3A_7 = arith.constant 0 : index
    %get3A_8 = arith.constant 0 : index
    %get3A_9 = vector.load %arg3[%get3A_6, %get3A_7, %get3A_8] : memref<1x1x320xi32, #tpu.memory_space<vmem>>, vector<1x1x320xi32>
    %reshape3A_10 = vector.shape_cast %get3A_9 : vector<1x1x320xi32> to vector<1x320xi32>
    %get3A_11 = arith.constant 0 : index
    %get3A_12 = arith.constant 0 : index
    %get3A_13 = arith.constant 0 : index
    %get3A_14 = vector.load %arg4[%get3A_11, %get3A_12, %get3A_13] : memref<1x1x320xi32, #tpu.memory_space<vmem>>, vector<1x1x320xi32>
    %reshape3A_15 = vector.shape_cast %get3A_14 : vector<1x1x320xi32> to vector<1x320xi32>
    %get3A_16 = arith.constant 0 : index
    %get3A_17 = arith.constant 0 : index
    %get3A_18 = arith.constant 0 : index
    %get3A_19 = vector.load %arg5[%get3A_16, %get3A_17, %get3A_18] : memref<1x20x5xf32, #tpu.memory_space<vmem>>, vector<1x20x5xf32>
    %reshape3A_20 = vector.shape_cast %get3A_19 : vector<1x20x5xf32> to vector<20x5xf32>
    %iota3A = tpu.iota {dimensions = array<i32: 1>} : vector<1x320xi32>
    %lt3A = arith.constant 300 : i32
    %lt3A_21 = vector.broadcast %lt3A : i32 to vector<1x320xi32>
    %lt3A_22 = arith.cmpi slt, %iota3A, %lt3A_21 : vector<1x320xi32>
    %slice3A = vector.extract_strided_slice %reshape3A_5 {offsets = [0, 0], sizes = [1, 320], strides = [1, 1]} : vector<9x320xf32> to vector<1x320xf32>
    %logistic3A = arith.negf %slice3A : vector<1x320xf32>
    %logistic3A_23 = math.exp %logistic3A : vector<1x320xf32>
    %logistic3A_24 = arith.constant 1.000000e+00 : f32
    %logistic3A_25 = vector.broadcast %logistic3A_24 : f32 to vector<1x320xf32>
    %logistic3A_26 = arith.addf %logistic3A_25, %logistic3A_23 : vector<1x320xf32>
    %logistic3A_27 = arith.divf %logistic3A_25, %logistic3A_26 : vector<1x320xf32>
    %slice3A_28 = vector.extract_strided_slice %reshape3A_5 {offsets = [1, 0], sizes = [1, 320], strides = [1, 1]} : vector<9x320xf32> to vector<1x320xf32>
    %logistic3A_29 = arith.negf %slice3A_28 : vector<1x320xf32>
    %logistic3A_30 = math.exp %logistic3A_29 : vector<1x320xf32>
    %logistic3A_31 = arith.constant 1.000000e+00 : f32
    %logistic3A_32 = vector.broadcast %logistic3A_31 : f32 to vector<1x320xf32>
    %logistic3A_33 = arith.addf %logistic3A_32, %logistic3A_30 : vector<1x320xf32>
    %logistic3A_34 = arith.divf %logistic3A_32, %logistic3A_33 : vector<1x320xf32>
    %slice3A_35 = vector.extract_strided_slice %reshape3A_5 {offsets = [2, 0], sizes = [1, 320], strides = [1, 1]} : vector<9x320xf32> to vector<1x320xf32>
    %logistic3A_36 = arith.negf %slice3A_35 : vector<1x320xf32>
    %logistic3A_37 = math.exp %logistic3A_36 : vector<1x320xf32>
    %logistic3A_38 = arith.constant 1.000000e+00 : f32
    %logistic3A_39 = vector.broadcast %logistic3A_38 : f32 to vector<1x320xf32>
    %logistic3A_40 = arith.addf %logistic3A_39, %logistic3A_37 : vector<1x320xf32>
    %logistic3A_41 = arith.divf %logistic3A_39, %logistic3A_40 : vector<1x320xf32>
    %slice3A_42 = vector.extract_strided_slice %reshape3A_5 {offsets = [3, 0], sizes = [1, 320], strides = [1, 1]} : vector<9x320xf32> to vector<1x320xf32>
    %logistic3A_43 = arith.negf %slice3A_42 : vector<1x320xf32>
    %logistic3A_44 = math.exp %logistic3A_43 : vector<1x320xf32>
    %logistic3A_45 = arith.constant 1.000000e+00 : f32
    %logistic3A_46 = vector.broadcast %logistic3A_45 : f32 to vector<1x320xf32>
    %logistic3A_47 = arith.addf %logistic3A_46, %logistic3A_44 : vector<1x320xf32>
    %logistic3A_48 = arith.divf %logistic3A_46, %logistic3A_47 : vector<1x320xf32>
    %mul3A = arith.constant 5.000000e-01 : f32
    %mul3A_49 = vector.broadcast %mul3A : f32 to vector<1x320xf32>
    %mul3A_50 = arith.mulf %logistic3A_41, %mul3A_49 : vector<1x320xf32>
    %sub3A = arith.subf %logistic3A_27, %mul3A_50 : vector<1x320xf32>
    %mul3A_51 = arith.constant 5.000000e-01 : f32
    %mul3A_52 = vector.broadcast %mul3A_51 : f32 to vector<1x320xf32>
    %mul3A_53 = arith.mulf %logistic3A_48, %mul3A_52 : vector<1x320xf32>
    %sub3A_54 = arith.subf %logistic3A_34, %mul3A_53 : vector<1x320xf32>
    %mul3A_55 = arith.constant 5.000000e-01 : f32
    %mul3A_56 = vector.broadcast %mul3A_55 : f32 to vector<1x320xf32>
    %mul3A_57 = arith.mulf %logistic3A_41, %mul3A_56 : vector<1x320xf32>
    %add3A = arith.addf %logistic3A_27, %mul3A_57 : vector<1x320xf32>
    %mul3A_58 = arith.constant 5.000000e-01 : f32
    %mul3A_59 = vector.broadcast %mul3A_58 : f32 to vector<1x320xf32>
    %mul3A_60 = arith.mulf %logistic3A_48, %mul3A_59 : vector<1x320xf32>
    %add3A_61 = arith.addf %logistic3A_34, %mul3A_60 : vector<1x320xf32>
    %sub3A_62 = arith.subf %add3A, %sub3A : vector<1x320xf32>
    %sub3A_63 = arith.subf %add3A_61, %sub3A_54 : vector<1x320xf32>
    %mul3A_64 = arith.mulf %sub3A_62, %sub3A_63 : vector<1x320xf32>
    %slice3A_65 = vector.extract_strided_slice %reshape3A_20 {offsets = [0, 0], sizes = [20, 1], strides = [1, 1]} : vector<20x5xf32> to vector<20x1xf32>
    %convert_element_type3A = arith.fptosi %slice3A_65 : vector<20x1xf32> to vector<20x1xi32>
    %jit3A = arith.constant 0 : i32
    %jit3A_66 = arith.constant 3 : i32
    %max3A = vector.broadcast %jit3A : i32 to vector<20x1xi32>
    %max3A_67 = arith.maxsi %max3A, %convert_element_type3A : vector<20x1xi32>
    %min3A = vector.broadcast %jit3A_66 : i32 to vector<20x1xi32>
    %min3A_68 = arith.minsi %min3A, %max3A_67 : vector<20x1xi32>
    %slice3A_69 = vector.extract_strided_slice %reshape3A_20 {offsets = [0, 1], sizes = [20, 1], strides = [1, 1]} : vector<20x5xf32> to vector<20x1xf32>
    %jit3A_70 = arith.constant 0.000000e+00 : f32
    %jit3A_71 = arith.constant 1.000000e+00 : f32
    %max3A_72 = vector.broadcast %jit3A_70 : f32 to vector<20x1xf32>
    %max3A_73 = arith.maximumf %max3A_72, %slice3A_69 : vector<20x1xf32>
    %min3A_74 = vector.broadcast %jit3A_71 : f32 to vector<20x1xf32>
    %min3A_75 = arith.minimumf %min3A_74, %max3A_73 : vector<20x1xf32>
    %slice3A_76 = vector.extract_strided_slice %reshape3A_20 {offsets = [0, 2], sizes = [20, 1], strides = [1, 1]} : vector<20x5xf32> to vector<20x1xf32>
    %jit3A_77 = arith.constant 0.000000e+00 : f32
    %jit3A_78 = arith.constant 1.000000e+00 : f32
    %max3A_79 = vector.broadcast %jit3A_77 : f32 to vector<20x1xf32>
    %max3A_80 = arith.maximumf %max3A_79, %slice3A_76 : vector<20x1xf32>
    %min3A_81 = vector.broadcast %jit3A_78 : f32 to vector<20x1xf32>
    %min3A_82 = arith.minimumf %min3A_81, %max3A_80 : vector<20x1xf32>
    %slice3A_83 = vector.extract_strided_slice %reshape3A_20 {offsets = [0, 3], sizes = [20, 1], strides = [1, 1]} : vector<20x5xf32> to vector<20x1xf32>
    %jit3A_84 = arith.constant 0.000000e+00 : f32
    %jit3A_85 = arith.constant 1.000000e+00 : f32
    %max3A_86 = vector.broadcast %jit3A_84 : f32 to vector<20x1xf32>
    %max3A_87 = arith.maximumf %max3A_86, %slice3A_83 : vector<20x1xf32>
    %min3A_88 = vector.broadcast %jit3A_85 : f32 to vector<20x1xf32>
    %min3A_89 = arith.minimumf %min3A_88, %max3A_87 : vector<20x1xf32>
    %slice3A_90 = vector.extract_strided_slice %reshape3A_20 {offsets = [0, 4], sizes = [20, 1], strides = [1, 1]} : vector<20x5xf32> to vector<20x1xf32>
    %jit3A_91 = arith.constant 0.000000e+00 : f32
    %jit3A_92 = arith.constant 1.000000e+00 : f32
    %max3A_93 = vector.broadcast %jit3A_91 : f32 to vector<20x1xf32>
    %max3A_94 = arith.maximumf %max3A_93, %slice3A_90 : vector<20x1xf32>
    %min3A_95 = vector.broadcast %jit3A_92 : f32 to vector<20x1xf32>
    %min3A_96 = arith.minimumf %min3A_95, %max3A_94 : vector<20x1xf32>
    %mul3A_97 = arith.constant 5.000000e-01 : f32
    %mul3A_98 = vector.broadcast %mul3A_97 : f32 to vector<20x1xf32>
    %mul3A_99 = arith.mulf %min3A_89, %mul3A_98 : vector<20x1xf32>
    %sub3A_100 = arith.subf %min3A_75, %mul3A_99 : vector<20x1xf32>
    %mul3A_101 = arith.constant 5.000000e-01 : f32
    %mul3A_102 = vector.broadcast %mul3A_101 : f32 to vector<20x1xf32>
    %mul3A_103 = arith.mulf %min3A_96, %mul3A_102 : vector<20x1xf32>
    %sub3A_104 = arith.subf %min3A_82, %mul3A_103 : vector<20x1xf32>
    %mul3A_105 = arith.constant 5.000000e-01 : f32
    %mul3A_106 = vector.broadcast %mul3A_105 : f32 to vector<20x1xf32>
    %mul3A_107 = arith.mulf %min3A_89, %mul3A_106 : vector<20x1xf32>
    %add3A_108 = arith.addf %min3A_75, %mul3A_107 : vector<20x1xf32>
    %mul3A_109 = arith.constant 5.000000e-01 : f32
    %mul3A_110 = vector.broadcast %mul3A_109 : f32 to vector<20x1xf32>
    %mul3A_111 = arith.mulf %min3A_96, %mul3A_110 : vector<20x1xf32>
    %add3A_112 = arith.addf %min3A_82, %mul3A_111 : vector<20x1xf32>
    %sub3A_113 = arith.subf %add3A_108, %sub3A_100 : vector<20x1xf32>
    %sub3A_114 = arith.subf %add3A_112, %sub3A_104 : vector<20x1xf32>
    %mul3A_115 = arith.mulf %sub3A_113, %sub3A_114 : vector<20x1xf32>
    %min3A_116 = vector.broadcast %add3A : vector<1x320xf32> to vector<20x320xf32>
    %min3A_117 = vector.broadcast %add3A_108 : vector<20x1xf32> to vector<20x320xf32>
    %min3A_118 = arith.minimumf %min3A_116, %min3A_117 : vector<20x320xf32>
    %max3A_119 = vector.broadcast %sub3A : vector<1x320xf32> to vector<20x320xf32>
    %max3A_120 = vector.broadcast %sub3A_100 : vector<20x1xf32> to vector<20x320xf32>
    %max3A_121 = arith.maximumf %max3A_119, %max3A_120 : vector<20x320xf32>
    %sub3A_122 = arith.subf %min3A_118, %max3A_121 : vector<20x320xf32>
    %jit3A_123 = arith.constant 0.000000e+00 : f32
    %max3A_124 = vector.broadcast %jit3A_123 : f32 to vector<20x320xf32>
    %max3A_125 = arith.maximumf %max3A_124, %sub3A_122 : vector<20x320xf32>
    %min3A_126 = vector.broadcast %add3A_61 : vector<1x320xf32> to vector<20x320xf32>
    %min3A_127 = vector.broadcast %add3A_112 : vector<20x1xf32> to vector<20x320xf32>
    %min3A_128 = arith.minimumf %min3A_126, %min3A_127 : vector<20x320xf32>
    %max3A_129 = vector.broadcast %sub3A_54 : vector<1x320xf32> to vector<20x320xf32>
    %max3A_130 = vector.broadcast %sub3A_104 : vector<20x1xf32> to vector<20x320xf32>
    %max3A_131 = arith.maximumf %max3A_129, %max3A_130 : vector<20x320xf32>
    %sub3A_132 = arith.subf %min3A_128, %max3A_131 : vector<20x320xf32>
    %jit3A_133 = arith.constant 0.000000e+00 : f32
    %max3A_134 = vector.broadcast %jit3A_133 : f32 to vector<20x320xf32>
    %max3A_135 = arith.maximumf %max3A_134, %sub3A_132 : vector<20x320xf32>
    %mul3A_136 = arith.mulf %max3A_125, %max3A_135 : vector<20x320xf32>
    %add3A_137 = vector.broadcast %mul3A_64 : vector<1x320xf32> to vector<20x320xf32>
    %add3A_138 = vector.broadcast %mul3A_115 : vector<20x1xf32> to vector<20x320xf32>
    %add3A_139 = arith.addf %add3A_137, %add3A_138 : vector<20x320xf32>
    %sub3A_140 = arith.subf %add3A_139, %mul3A_136 : vector<20x320xf32>
    %gt3A = arith.constant 0.000000e+00 : f32
    %gt3A_141 = vector.broadcast %gt3A : f32 to vector<20x320xf32>
    %gt3A_142 = arith.cmpf ogt, %sub3A_140, %gt3A_141 : vector<20x320xf32>
    %gt3A_143 = arith.constant 0.000000e+00 : f32
    %gt3A_144 = vector.broadcast %gt3A_143 : f32 to vector<20x320xf32>
    %gt3A_145 = arith.cmpf ogt, %sub3A_140, %gt3A_144 : vector<20x320xf32>
    %jit3A_146 = arith.constant 1.000000e+00 : f32
    %broadcast_in_dim3A = vector.broadcast %jit3A_146 : f32 to vector<20x320xf32>
    %select_n3A = arith.select %gt3A_145, %sub3A_140, %broadcast_in_dim3A : vector<20x320xi1>, vector<20x320xf32>
    %div3A = arith.divf %mul3A_136, %select_n3A : vector<20x320xf32>
    %jit3A_147 = arith.constant 0.000000e+00 : f32
    %broadcast_in_dim3A_148 = vector.broadcast %jit3A_147 : f32 to vector<20x320xf32>
    %select_n3A_149 = arith.select %gt3A_142, %div3A, %broadcast_in_dim3A_148 : vector<20x320xi1>, vector<20x320xf32>
    %jit3A_150 = arith.constant -1.000000e+00 : f32
    %broadcast_in_dim3A_151 = vector.shape_cast %lt3A_22 : vector<1x320xi1> to vector<1x320xi1>
    %broadcast_in_dim3A_152 = vector.broadcast %broadcast_in_dim3A_151 : vector<1x320xi1> to vector<20x320xi1>
    %broadcast_in_dim3A_153 = vector.broadcast %jit3A_150 : f32 to vector<20x320xf32>
    %select_n3A_154 = arith.select %broadcast_in_dim3A_152, %select_n3A_149, %broadcast_in_dim3A_153 : vector<20x320xi1>, vector<20x320xf32>
    %reduce_max3A = arith.constant dense<0xFF800000> : vector<20xf32>
    %reduce_max3A_155 = vector.multi_reduction <maximumf>, %select_n3A_154, %reduce_max3A [1] : vector<20x320xf32> to vector<20xf32>
    %broadcast_in_dim3A_156 = vector.shape_cast %reduce_max3A_155 : vector<20xf32> to vector<20x1xf32>
    %eq3A = vector.broadcast %broadcast_in_dim3A_156 : vector<20x1xf32> to vector<20x320xf32>
    %eq3A_157 = arith.cmpf oeq, %select_n3A_154, %eq3A : vector<20x320xf32>
    %jit3A_158 = arith.constant -2147483648 : i32
    %broadcast_in_dim3A_159 = vector.shape_cast %reshape3A_10 : vector<1x320xi32> to vector<1x320xi32>
    %broadcast_in_dim3A_160 = vector.broadcast %broadcast_in_dim3A_159 : vector<1x320xi32> to vector<20x320xi32>
    %broadcast_in_dim3A_161 = vector.broadcast %jit3A_158 : i32 to vector<20x320xi32>
    %select_n3A_162 = arith.select %eq3A_157, %broadcast_in_dim3A_160, %broadcast_in_dim3A_161 : vector<20x320xi1>, vector<20x320xi32>
    %reduce_max3A_163 = arith.constant dense<-2147483648> : vector<20xi32>
    %reduce_max3A_164 = vector.multi_reduction <maxsi>, %select_n3A_162, %reduce_max3A_163 [1] : vector<20x320xi32> to vector<20xi32>
    %broadcast_in_dim3A_165 = vector.shape_cast %reduce_max3A_164 : vector<20xi32> to vector<20x1xi32>
    %eq3A_166 = vector.broadcast %reshape3A_10 : vector<1x320xi32> to vector<20x320xi32>
    %eq3A_167 = vector.broadcast %broadcast_in_dim3A_165 : vector<20x1xi32> to vector<20x320xi32>
    %eq3A_168 = arith.cmpi eq, %eq3A_166, %eq3A_167 : vector<20x320xi32>
    %and3A = arith.andi %eq3A_157, %eq3A_168 : vector<20x320xi1>
    %jit3A_169 = arith.constant 2147483647 : i32
    %broadcast_in_dim3A_170 = vector.shape_cast %reshape3A_15 : vector<1x320xi32> to vector<1x320xi32>
    %broadcast_in_dim3A_171 = vector.broadcast %broadcast_in_dim3A_170 : vector<1x320xi32> to vector<20x320xi32>
    %broadcast_in_dim3A_172 = vector.broadcast %jit3A_169 : i32 to vector<20x320xi32>
    %select_n3A_173 = arith.select %and3A, %broadcast_in_dim3A_171, %broadcast_in_dim3A_172 : vector<20x320xi1>, vector<20x320xi32>
    %reduce_min3A = arith.constant dense<2147483647> : vector<20xi32>
    %reduce_min3A_174 = vector.multi_reduction <minsi>, %select_n3A_173, %reduce_min3A [1] : vector<20x320xi32> to vector<20xi32>
    %broadcast_in_dim3A_175 = vector.shape_cast %reduce_min3A_174 : vector<20xi32> to vector<20x1xi32>
    %eq3A_176 = vector.broadcast %reshape3A_15 : vector<1x320xi32> to vector<20x320xi32>
    %eq3A_177 = vector.broadcast %broadcast_in_dim3A_175 : vector<20x1xi32> to vector<20x320xi32>
    %eq3A_178 = arith.cmpi eq, %eq3A_176, %eq3A_177 : vector<20x320xi32>
    %and3A_179 = arith.andi %and3A, %eq3A_178 : vector<20x320xi1>
    %jit3A_180 = arith.constant 2147483647 : i32
    %broadcast_in_dim3A_181 = vector.shape_cast %iota3A : vector<1x320xi32> to vector<1x320xi32>
    %broadcast_in_dim3A_182 = vector.broadcast %broadcast_in_dim3A_181 : vector<1x320xi32> to vector<20x320xi32>
    %broadcast_in_dim3A_183 = vector.broadcast %jit3A_180 : i32 to vector<20x320xi32>
    %select_n3A_184 = arith.select %and3A_179, %broadcast_in_dim3A_182, %broadcast_in_dim3A_183 : vector<20x320xi1>, vector<20x320xi32>
    %reduce_min3A_185 = arith.constant dense<2147483647> : vector<20xi32>
    %reduce_min3A_186 = vector.multi_reduction <minsi>, %select_n3A_184, %reduce_min3A_185 [1] : vector<20x320xi32> to vector<20xi32>
    %broadcast_in_dim3A_187 = vector.shape_cast %reduce_min3A_186 : vector<20xi32> to vector<20x1xi32>
    %transpose3A = tpu.transpose %broadcast_in_dim3A_175, [1, 0] : vector<20x1xi32> -> vector<1x20xi32>
    %eq3A_188 = vector.broadcast %broadcast_in_dim3A_175 : vector<20x1xi32> to vector<20x20xi32>
    %eq3A_189 = vector.broadcast %transpose3A : vector<1x20xi32> to vector<20x20xi32>
    %eq3A_190 = arith.cmpi eq, %eq3A_188, %eq3A_189 : vector<20x20xi32>
    %iota3A_191 = tpu.iota {dimensions = array<i32: 0>} : vector<20x1xi32>
    %iota3A_192 = tpu.iota {dimensions = array<i32: 1>} : vector<1x20xi32>
    %lt3A_193 = vector.broadcast %iota3A_192 : vector<1x20xi32> to vector<20x20xi32>
    %lt3A_194 = vector.broadcast %iota3A_191 : vector<20x1xi32> to vector<20x20xi32>
    %lt3A_195 = arith.cmpi slt, %lt3A_193, %lt3A_194 : vector<20x20xi32>
    %and3A_196 = arith.andi %eq3A_190, %lt3A_195 : vector<20x20xi1>
    %reduce_or3A = arith.constant 1.000000e+00 : f32
    %reduce_or3A_197 = arith.constant 0.000000e+00 : f32
    %reduce_or3A_198 = vector.broadcast %reduce_or3A : f32 to vector<20x20xf32>
    %reduce_or3A_199 = vector.broadcast %reduce_or3A_197 : f32 to vector<20x20xf32>
    %reduce_or3A_200 = arith.select %and3A_196, %reduce_or3A_198, %reduce_or3A_199 : vector<20x20xi1>, vector<20x20xf32>
    %reduce_or3A_201 = arith.constant dense<0xFF800000> : vector<20xf32>
    %reduce_or3A_202 = vector.multi_reduction <maximumf>, %reduce_or3A_200, %reduce_or3A_201 [1] : vector<20x20xf32> to vector<20xf32>
    %reduce_or3A_203 = arith.constant 0.000000e+00 : f32
    %reduce_or3A_204 = vector.broadcast %reduce_or3A_203 : f32 to vector<20xf32>
    %reduce_or3A_205 = arith.cmpf ogt, %reduce_or3A_202, %reduce_or3A_204 : vector<20xf32>
    %broadcast_in_dim3A_206 = vector.shape_cast %reduce_or3A_205 : vector<20xi1> to vector<20x1xi1>
    %not3A = arith.constant dense<true> : vector<20x1xi1>
    %not3A_207 = arith.xori %broadcast_in_dim3A_206, %not3A : vector<20x1xi1>
    %gt3A_208 = vector.broadcast %iota3A_192 : vector<1x20xi32> to vector<20x20xi32>
    %gt3A_209 = vector.broadcast %iota3A_191 : vector<20x1xi32> to vector<20x20xi32>
    %gt3A_210 = arith.cmpi sgt, %gt3A_208, %gt3A_209 : vector<20x20xi32>
    %and3A_211 = arith.andi %eq3A_190, %gt3A_210 : vector<20x20xi1>
    %reduce_or3A_212 = arith.constant 1.000000e+00 : f32
    %reduce_or3A_213 = arith.constant 0.000000e+00 : f32
    %reduce_or3A_214 = vector.broadcast %reduce_or3A_212 : f32 to vector<20x20xf32>
    %reduce_or3A_215 = vector.broadcast %reduce_or3A_213 : f32 to vector<20x20xf32>
    %reduce_or3A_216 = arith.select %and3A_211, %reduce_or3A_214, %reduce_or3A_215 : vector<20x20xi1>, vector<20x20xf32>
    %reduce_or3A_217 = arith.constant dense<0xFF800000> : vector<20xf32>
    %reduce_or3A_218 = vector.multi_reduction <maximumf>, %reduce_or3A_216, %reduce_or3A_217 [1] : vector<20x20xf32> to vector<20xf32>
    %reduce_or3A_219 = arith.constant 0.000000e+00 : f32
    %reduce_or3A_220 = vector.broadcast %reduce_or3A_219 : f32 to vector<20xf32>
    %reduce_or3A_221 = arith.cmpf ogt, %reduce_or3A_218, %reduce_or3A_220 : vector<20xf32>
    %broadcast_in_dim3A_222 = vector.shape_cast %reduce_or3A_221 : vector<20xi1> to vector<20x1xi1>
    %not3A_223 = arith.constant dense<true> : vector<20x1xi1>
    %not3A_224 = arith.xori %broadcast_in_dim3A_222, %not3A_223 : vector<20x1xi1>
    %convert_element_type3A_225 = arith.extui %not3A_207 : vector<20x1xi1> to vector<20x1xi32>
    %convert_element_type3A_226 = arith.sitofp %convert_element_type3A_225 : vector<20x1xi32> to vector<20x1xf32>
    %reduce_sum3A = vector.shape_cast %convert_element_type3A_226 : vector<20x1xf32> to vector<1x20x1xf32>
    %reduce_sum3A_227 = arith.constant dense<0.000000e+00> : vector<1xf32>
    %reduce_sum3A_228 = vector.multi_reduction <add>, %reduce_sum3A, %reduce_sum3A_227 [1, 2] : vector<1x20x1xf32> to vector<1xf32>
    %reduce_sum3A_229 = vector.shape_cast %reduce_sum3A_228 : vector<1xf32> to vector<1x1x1xf32>
    %reduce_sum3A_230 = vector.extract %reduce_sum3A_229[0, 0, 0] : f32 from vector<1x1x1xf32>
    %eq3A_231 = vector.broadcast %iota3A : vector<1x320xi32> to vector<20x320xi32>
    %eq3A_232 = vector.broadcast %broadcast_in_dim3A_187 : vector<20x1xi32> to vector<20x320xi32>
    %eq3A_233 = arith.cmpi eq, %eq3A_231, %eq3A_232 : vector<20x320xi32>
    %reduce_or3A_234 = arith.constant 1.000000e+00 : f32
    %reduce_or3A_235 = arith.constant 0.000000e+00 : f32
    %reduce_or3A_236 = vector.broadcast %reduce_or3A_234 : f32 to vector<20x320xf32>
    %reduce_or3A_237 = vector.broadcast %reduce_or3A_235 : f32 to vector<20x320xf32>
    %reduce_or3A_238 = arith.select %eq3A_233, %reduce_or3A_236, %reduce_or3A_237 : vector<20x320xi1>, vector<20x320xf32>
    %reduce_or3A_239 = arith.constant dense<0xFF800000> : vector<320xf32>
    %reduce_or3A_240 = vector.multi_reduction <maximumf>, %reduce_or3A_238, %reduce_or3A_239 [0] : vector<20x320xf32> to vector<320xf32>
    %reduce_or3A_241 = arith.constant 0.000000e+00 : f32
    %reduce_or3A_242 = vector.broadcast %reduce_or3A_241 : f32 to vector<320xf32>
    %reduce_or3A_243 = arith.cmpf ogt, %reduce_or3A_240, %reduce_or3A_242 : vector<320xf32>
    %broadcast_in_dim3A_244 = vector.shape_cast %reduce_or3A_243 : vector<320xi1> to vector<1x320xi1>
    %iota3A_245 = tpu.iota {dimensions = array<i32: 0>} : vector<200x128xi32>
    %mul3A_246 = arith.constant 128 : i32
    %mul3A_247 = vector.broadcast %mul3A_246 : i32 to vector<200x128xi32>
    %mul3A_248 = arith.muli %iota3A_245, %mul3A_247 : vector<200x128xi32>
    %iota3A_249 = tpu.iota {dimensions = array<i32: 1>} : vector<200x128xi32>
    %add3A_250 = arith.addi %mul3A_248, %iota3A_249 : vector<200x128xi32>
    %lt3A_251 = arith.constant 25200 : i32
    %lt3A_252 = vector.broadcast %lt3A_251 : i32 to vector<200x128xi32>
    %lt3A_253 = arith.cmpi slt, %add3A_250, %lt3A_252 : vector<200x128xi32>
    %max3A_254 = arith.constant 0.000000e+00 : f32
    %max3A_255 = vector.broadcast %max3A_254 : f32 to vector<200x128xf32>
    %max3A_256 = arith.maximumf %reshape3A, %max3A_255 : vector<200x128xf32>
    %abs3A = math.absf %reshape3A : vector<200x128xf32>
    %neg3A = arith.constant 0.000000e+00 : f32
    %neg3A_257 = vector.broadcast %neg3A : f32 to vector<200x128xf32>
    %neg3A_258 = arith.subf %neg3A_257, %abs3A : vector<200x128xf32>
    %exp3A = math.exp %neg3A_258 : vector<200x128xf32>
    %add3A_259 = arith.constant 1.000000e+00 : f32
    %add3A_260 = vector.broadcast %add3A_259 : f32 to vector<200x128xf32>
    %add3A_261 = arith.addf %add3A_260, %exp3A : vector<200x128xf32>
    %log3A = math.log %add3A_261 : vector<200x128xf32>
    %add3A_262 = arith.addf %max3A_256, %log3A : vector<200x128xf32>
    %jit3A_263 = arith.constant 0.000000e+00 : f32
    %broadcast_in_dim3A_264 = vector.broadcast %jit3A_263 : f32 to vector<200x128xf32>
    %select_n3A_265 = arith.select %lt3A_253, %add3A_262, %broadcast_in_dim3A_264 : vector<200x128xi1>, vector<200x128xf32>
    %reduce_sum3A_266 = vector.shape_cast %select_n3A_265 : vector<200x128xf32> to vector<1x200x128xf32>
    %reduce_sum3A_267 = arith.constant dense<0.000000e+00> : vector<1xf32>
    %reduce_sum3A_268 = vector.multi_reduction <add>, %reduce_sum3A_266, %reduce_sum3A_267 [1, 2] : vector<1x200x128xf32> to vector<1xf32>
    %reduce_sum3A_269 = vector.shape_cast %reduce_sum3A_268 : vector<1xf32> to vector<1x1x1xf32>
    %reduce_sum3A_270 = vector.extract %reduce_sum3A_269[0, 0, 0] : f32 from vector<1x1x1xf32>
    %mul3A_271 = arith.constant 5.000000e-01 : f32
    %mul3A_272 = arith.mulf %mul3A_271, %reduce_sum3A_270 : f32
    %slice3A_273 = vector.extract_strided_slice %reshape3A_5 {offsets = [4, 0], sizes = [1, 320], strides = [1, 1]} : vector<9x320xf32> to vector<1x320xf32>
    %max3A_274 = arith.constant 0.000000e+00 : f32
    %max3A_275 = vector.broadcast %max3A_274 : f32 to vector<1x320xf32>
    %max3A_276 = arith.maximumf %slice3A_273, %max3A_275 : vector<1x320xf32>
    %abs3A_277 = math.absf %slice3A_273 : vector<1x320xf32>
    %neg3A_278 = arith.constant 0.000000e+00 : f32
    %neg3A_279 = vector.broadcast %neg3A_278 : f32 to vector<1x320xf32>
    %neg3A_280 = arith.subf %neg3A_279, %abs3A_277 : vector<1x320xf32>
    %exp3A_281 = math.exp %neg3A_280 : vector<1x320xf32>
    %add3A_282 = arith.constant 1.000000e+00 : f32
    %add3A_283 = vector.broadcast %add3A_282 : f32 to vector<1x320xf32>
    %add3A_284 = arith.addf %add3A_283, %exp3A_281 : vector<1x320xf32>
    %log3A_285 = math.log %add3A_284 : vector<1x320xf32>
    %add3A_286 = arith.addf %max3A_276, %log3A_285 : vector<1x320xf32>
    %mul3A_287 = arith.constant 1.500000e+00 : f32
    %mul3A_288 = vector.broadcast %mul3A_287 : f32 to vector<1x320xf32>
    %mul3A_289 = arith.mulf %mul3A_288, %add3A_286 : vector<1x320xf32>
    %mul3A_290 = arith.constant 2.000000e+00 : f32
    %mul3A_291 = vector.broadcast %mul3A_290 : f32 to vector<1x320xf32>
    %mul3A_292 = arith.mulf %mul3A_291, %slice3A_273 : vector<1x320xf32>
    %sub3A_293 = arith.subf %mul3A_289, %mul3A_292 : vector<1x320xf32>
    %jit3A_294 = arith.constant 0.000000e+00 : f32
    %broadcast_in_dim3A_295 = vector.broadcast %jit3A_294 : f32 to vector<1x320xf32>
    %select_n3A_296 = arith.select %broadcast_in_dim3A_244, %sub3A_293, %broadcast_in_dim3A_295 : vector<1x320xi1>, vector<1x320xf32>
    %reduce_sum3A_297 = vector.shape_cast %select_n3A_296 : vector<1x320xf32> to vector<1x1x320xf32>
    %reduce_sum3A_298 = arith.constant dense<0.000000e+00> : vector<1xf32>
    %reduce_sum3A_299 = vector.multi_reduction <add>, %reduce_sum3A_297, %reduce_sum3A_298 [1, 2] : vector<1x1x320xf32> to vector<1xf32>
    %reduce_sum3A_300 = vector.shape_cast %reduce_sum3A_299 : vector<1xf32> to vector<1x1x1xf32>
    %reduce_sum3A_301 = vector.extract %reduce_sum3A_300[0, 0, 0] : f32 from vector<1x1x1xf32>
    %add3A_302 = arith.addf %mul3A_272, %reduce_sum3A_301 : f32
    %div3A_303 = arith.constant 2.520000e+04 : f32
    %div3A_304 = arith.divf %add3A_302, %div3A_303 : f32
    %slice3A_305 = vector.extract_strided_slice %reshape3A_5 {offsets = [5, 0], sizes = [1, 320], strides = [1, 1]} : vector<9x320xf32> to vector<1x320xf32>
    %max3A_306 = arith.constant 0.000000e+00 : f32
    %max3A_307 = vector.broadcast %max3A_306 : f32 to vector<1x320xf32>
    %max3A_308 = arith.maximumf %slice3A_305, %max3A_307 : vector<1x320xf32>
    %abs3A_309 = math.absf %slice3A_305 : vector<1x320xf32>
    %neg3A_310 = arith.constant 0.000000e+00 : f32
    %neg3A_311 = vector.broadcast %neg3A_310 : f32 to vector<1x320xf32>
    %neg3A_312 = arith.subf %neg3A_311, %abs3A_309 : vector<1x320xf32>
    %exp3A_313 = math.exp %neg3A_312 : vector<1x320xf32>
    %add3A_314 = arith.constant 1.000000e+00 : f32
    %add3A_315 = vector.broadcast %add3A_314 : f32 to vector<1x320xf32>
    %add3A_316 = arith.addf %add3A_315, %exp3A_313 : vector<1x320xf32>
    %log3A_317 = math.log %add3A_316 : vector<1x320xf32>
    %add3A_318 = arith.addf %max3A_308, %log3A_317 : vector<1x320xf32>
    %jit3A_319 = arith.constant 0.000000e+00 : f32
    %broadcast_in_dim3A_320 = vector.broadcast %jit3A_319 : f32 to vector<1x320xf32>
    %select_n3A_321 = arith.select %broadcast_in_dim3A_244, %add3A_318, %broadcast_in_dim3A_320 : vector<1x320xi1>, vector<1x320xf32>
    %reduce_sum3A_322 = vector.shape_cast %select_n3A_321 : vector<1x320xf32> to vector<1x1x320xf32>
    %reduce_sum3A_323 = arith.constant dense<0.000000e+00> : vector<1xf32>
    %reduce_sum3A_324 = vector.multi_reduction <add>, %reduce_sum3A_322, %reduce_sum3A_323 [1, 2] : vector<1x1x320xf32> to vector<1xf32>
    %reduce_sum3A_325 = vector.shape_cast %reduce_sum3A_324 : vector<1xf32> to vector<1x1x1xf32>
    %reduce_sum3A_326 = vector.extract %reduce_sum3A_325[0, 0, 0] : f32 from vector<1x1x1xf32>
    %add3A_327 = arith.constant 0.000000e+00 : f32
    %add3A_328 = arith.addf %add3A_327, %reduce_sum3A_326 : f32
    %jit3A_329 = arith.constant 0.000000e+00 : f32
    %broadcast_in_dim3A_330 = vector.broadcast %jit3A_329 : f32 to vector<1x320xf32>
    %select_n3A_331 = arith.select %broadcast_in_dim3A_244, %slice3A_305, %broadcast_in_dim3A_330 : vector<1x320xi1>, vector<1x320xf32>
    %reduce_sum3A_332 = vector.shape_cast %select_n3A_331 : vector<1x320xf32> to vector<1x1x320xf32>
    %reduce_sum3A_333 = arith.constant dense<0.000000e+00> : vector<1xf32>
    %reduce_sum3A_334 = vector.multi_reduction <add>, %reduce_sum3A_332, %reduce_sum3A_333 [1, 2] : vector<1x1x320xf32> to vector<1xf32>
    %reduce_sum3A_335 = vector.shape_cast %reduce_sum3A_334 : vector<1xf32> to vector<1x1x1xf32>
    %reduce_sum3A_336 = vector.extract %reduce_sum3A_335[0, 0, 0] : f32 from vector<1x1x1xf32>
    %mul3A_337 = arith.constant 0.0166666675 : f32
    %mul3A_338 = arith.mulf %mul3A_337, %reduce_sum3A_336 : f32
    %sub3A_339 = arith.subf %add3A_328, %mul3A_338 : f32
    %eq3A_340 = arith.constant 0 : i32
    %eq3A_341 = vector.broadcast %eq3A_340 : i32 to vector<20x1xi32>
    %eq3A_342 = arith.cmpi eq, %min3A_68, %eq3A_341 : vector<20x1xi32>
    %and3A_343 = vector.broadcast %eq3A_342 : vector<20x1xi1> to vector<20x320xi1>
    %and3A_344 = arith.andi %eq3A_233, %and3A_343 : vector<20x320xi1>
    %jit3A_345 = arith.constant 1.000000e+00 : f32
    %jit3A_346 = arith.constant 0.000000e+00 : f32
    %broadcast_in_dim3A_347 = vector.broadcast %jit3A_345 : f32 to vector<20x320xf32>
    %broadcast_in_dim3A_348 = vector.broadcast %jit3A_346 : f32 to vector<20x320xf32>
    %select_n3A_349 = arith.select %and3A_344, %broadcast_in_dim3A_347, %broadcast_in_dim3A_348 : vector<20x320xi1>, vector<20x320xf32>
    %reduce_sum3A_350 = arith.constant dense<0.000000e+00> : vector<320xf32>
    %reduce_sum3A_351 = vector.multi_reduction <add>, %select_n3A_349, %reduce_sum3A_350 [0] : vector<20x320xf32> to vector<320xf32>
    %broadcast_in_dim3A_352 = vector.shape_cast %reduce_sum3A_351 : vector<320xf32> to vector<1x320xf32>
    %min3A_353 = arith.constant 1.000000e+00 : f32
    %min3A_354 = vector.broadcast %min3A_353 : f32 to vector<1x320xf32>
    %min3A_355 = arith.minimumf %broadcast_in_dim3A_352, %min3A_354 : vector<1x320xf32>
    %mul3A_356 = arith.mulf %min3A_355, %slice3A_305 : vector<1x320xf32>
    %reduce_sum3A_357 = vector.shape_cast %mul3A_356 : vector<1x320xf32> to vector<1x1x320xf32>
    %reduce_sum3A_358 = arith.constant dense<0.000000e+00> : vector<1xf32>
    %reduce_sum3A_359 = vector.multi_reduction <add>, %reduce_sum3A_357, %reduce_sum3A_358 [1, 2] : vector<1x1x320xf32> to vector<1xf32>
    %reduce_sum3A_360 = vector.shape_cast %reduce_sum3A_359 : vector<1xf32> to vector<1x1x1xf32>
    %reduce_sum3A_361 = vector.extract %reduce_sum3A_360[0, 0, 0] : f32 from vector<1x1x1xf32>
    %mul3A_362 = arith.constant 0.933333337 : f32
    %mul3A_363 = arith.mulf %mul3A_362, %reduce_sum3A_361 : f32
    %sub3A_364 = arith.subf %sub3A_339, %mul3A_363 : f32
    %slice3A_365 = vector.extract_strided_slice %reshape3A_5 {offsets = [6, 0], sizes = [1, 320], strides = [1, 1]} : vector<9x320xf32> to vector<1x320xf32>
    %max3A_366 = arith.constant 0.000000e+00 : f32
    %max3A_367 = vector.broadcast %max3A_366 : f32 to vector<1x320xf32>
    %max3A_368 = arith.maximumf %slice3A_365, %max3A_367 : vector<1x320xf32>
    %abs3A_369 = math.absf %slice3A_365 : vector<1x320xf32>
    %neg3A_370 = arith.constant 0.000000e+00 : f32
    %neg3A_371 = vector.broadcast %neg3A_370 : f32 to vector<1x320xf32>
    %neg3A_372 = arith.subf %neg3A_371, %abs3A_369 : vector<1x320xf32>
    %exp3A_373 = math.exp %neg3A_372 : vector<1x320xf32>
    %add3A_374 = arith.constant 1.000000e+00 : f32
    %add3A_375 = vector.broadcast %add3A_374 : f32 to vector<1x320xf32>
    %add3A_376 = arith.addf %add3A_375, %exp3A_373 : vector<1x320xf32>
    %log3A_377 = math.log %add3A_376 : vector<1x320xf32>
    %add3A_378 = arith.addf %max3A_368, %log3A_377 : vector<1x320xf32>
    %jit3A_379 = arith.constant 0.000000e+00 : f32
    %broadcast_in_dim3A_380 = vector.broadcast %jit3A_379 : f32 to vector<1x320xf32>
    %select_n3A_381 = arith.select %broadcast_in_dim3A_244, %add3A_378, %broadcast_in_dim3A_380 : vector<1x320xi1>, vector<1x320xf32>
    %reduce_sum3A_382 = vector.shape_cast %select_n3A_381 : vector<1x320xf32> to vector<1x1x320xf32>
    %reduce_sum3A_383 = arith.constant dense<0.000000e+00> : vector<1xf32>
    %reduce_sum3A_384 = vector.multi_reduction <add>, %reduce_sum3A_382, %reduce_sum3A_383 [1, 2] : vector<1x1x320xf32> to vector<1xf32>
    %reduce_sum3A_385 = vector.shape_cast %reduce_sum3A_384 : vector<1xf32> to vector<1x1x1xf32>
    %reduce_sum3A_386 = vector.extract %reduce_sum3A_385[0, 0, 0] : f32 from vector<1x1x1xf32>
    %add3A_387 = arith.addf %sub3A_364, %reduce_sum3A_386 : f32
    %jit3A_388 = arith.constant 0.000000e+00 : f32
    %broadcast_in_dim3A_389 = vector.broadcast %jit3A_388 : f32 to vector<1x320xf32>
    %select_n3A_390 = arith.select %broadcast_in_dim3A_244, %slice3A_365, %broadcast_in_dim3A_389 : vector<1x320xi1>, vector<1x320xf32>
    %reduce_sum3A_391 = vector.shape_cast %select_n3A_390 : vector<1x320xf32> to vector<1x1x320xf32>
    %reduce_sum3A_392 = arith.constant dense<0.000000e+00> : vector<1xf32>
    %reduce_sum3A_393 = vector.multi_reduction <add>, %reduce_sum3A_391, %reduce_sum3A_392 [1, 2] : vector<1x1x320xf32> to vector<1xf32>
    %reduce_sum3A_394 = vector.shape_cast %reduce_sum3A_393 : vector<1xf32> to vector<1x1x1xf32>
    %reduce_sum3A_395 = vector.extract %reduce_sum3A_394[0, 0, 0] : f32 from vector<1x1x1xf32>
    %mul3A_396 = arith.constant 0.0166666675 : f32
    %mul3A_397 = arith.mulf %mul3A_396, %reduce_sum3A_395 : f32
    %sub3A_398 = arith.subf %add3A_387, %mul3A_397 : f32
    %eq3A_399 = arith.constant 1 : i32
    %eq3A_400 = vector.broadcast %eq3A_399 : i32 to vector<20x1xi32>
    %eq3A_401 = arith.cmpi eq, %min3A_68, %eq3A_400 : vector<20x1xi32>
    %and3A_402 = vector.broadcast %eq3A_401 : vector<20x1xi1> to vector<20x320xi1>
    %and3A_403 = arith.andi %eq3A_233, %and3A_402 : vector<20x320xi1>
    %jit3A_404 = arith.constant 1.000000e+00 : f32
    %jit3A_405 = arith.constant 0.000000e+00 : f32
    %broadcast_in_dim3A_406 = vector.broadcast %jit3A_404 : f32 to vector<20x320xf32>
    %broadcast_in_dim3A_407 = vector.broadcast %jit3A_405 : f32 to vector<20x320xf32>
    %select_n3A_408 = arith.select %and3A_403, %broadcast_in_dim3A_406, %broadcast_in_dim3A_407 : vector<20x320xi1>, vector<20x320xf32>
    %reduce_sum3A_409 = arith.constant dense<0.000000e+00> : vector<320xf32>
    %reduce_sum3A_410 = vector.multi_reduction <add>, %select_n3A_408, %reduce_sum3A_409 [0] : vector<20x320xf32> to vector<320xf32>
    %broadcast_in_dim3A_411 = vector.shape_cast %reduce_sum3A_410 : vector<320xf32> to vector<1x320xf32>
    %min3A_412 = arith.constant 1.000000e+00 : f32
    %min3A_413 = vector.broadcast %min3A_412 : f32 to vector<1x320xf32>
    %min3A_414 = arith.minimumf %broadcast_in_dim3A_411, %min3A_413 : vector<1x320xf32>
    %mul3A_415 = arith.mulf %min3A_414, %slice3A_365 : vector<1x320xf32>
    %reduce_sum3A_416 = vector.shape_cast %mul3A_415 : vector<1x320xf32> to vector<1x1x320xf32>
    %reduce_sum3A_417 = arith.constant dense<0.000000e+00> : vector<1xf32>
    %reduce_sum3A_418 = vector.multi_reduction <add>, %reduce_sum3A_416, %reduce_sum3A_417 [1, 2] : vector<1x1x320xf32> to vector<1xf32>
    %reduce_sum3A_419 = vector.shape_cast %reduce_sum3A_418 : vector<1xf32> to vector<1x1x1xf32>
    %reduce_sum3A_420 = vector.extract %reduce_sum3A_419[0, 0, 0] : f32 from vector<1x1x1xf32>
    %mul3A_421 = arith.constant 0.933333337 : f32
    %mul3A_422 = arith.mulf %mul3A_421, %reduce_sum3A_420 : f32
    %sub3A_423 = arith.subf %sub3A_398, %mul3A_422 : f32
    %slice3A_424 = vector.extract_strided_slice %reshape3A_5 {offsets = [7, 0], sizes = [1, 320], strides = [1, 1]} : vector<9x320xf32> to vector<1x320xf32>
    %max3A_425 = arith.constant 0.000000e+00 : f32
    %max3A_426 = vector.broadcast %max3A_425 : f32 to vector<1x320xf32>
    %max3A_427 = arith.maximumf %slice3A_424, %max3A_426 : vector<1x320xf32>
    %abs3A_428 = math.absf %slice3A_424 : vector<1x320xf32>
    %neg3A_429 = arith.constant 0.000000e+00 : f32
    %neg3A_430 = vector.broadcast %neg3A_429 : f32 to vector<1x320xf32>
    %neg3A_431 = arith.subf %neg3A_430, %abs3A_428 : vector<1x320xf32>
    %exp3A_432 = math.exp %neg3A_431 : vector<1x320xf32>
    %add3A_433 = arith.constant 1.000000e+00 : f32
    %add3A_434 = vector.broadcast %add3A_433 : f32 to vector<1x320xf32>
    %add3A_435 = arith.addf %add3A_434, %exp3A_432 : vector<1x320xf32>
    %log3A_436 = math.log %add3A_435 : vector<1x320xf32>
    %add3A_437 = arith.addf %max3A_427, %log3A_436 : vector<1x320xf32>
    %jit3A_438 = arith.constant 0.000000e+00 : f32
    %broadcast_in_dim3A_439 = vector.broadcast %jit3A_438 : f32 to vector<1x320xf32>
    %select_n3A_440 = arith.select %broadcast_in_dim3A_244, %add3A_437, %broadcast_in_dim3A_439 : vector<1x320xi1>, vector<1x320xf32>
    %reduce_sum3A_441 = vector.shape_cast %select_n3A_440 : vector<1x320xf32> to vector<1x1x320xf32>
    %reduce_sum3A_442 = arith.constant dense<0.000000e+00> : vector<1xf32>
    %reduce_sum3A_443 = vector.multi_reduction <add>, %reduce_sum3A_441, %reduce_sum3A_442 [1, 2] : vector<1x1x320xf32> to vector<1xf32>
    %reduce_sum3A_444 = vector.shape_cast %reduce_sum3A_443 : vector<1xf32> to vector<1x1x1xf32>
    %reduce_sum3A_445 = vector.extract %reduce_sum3A_444[0, 0, 0] : f32 from vector<1x1x1xf32>
    %add3A_446 = arith.addf %sub3A_423, %reduce_sum3A_445 : f32
    %jit3A_447 = arith.constant 0.000000e+00 : f32
    %broadcast_in_dim3A_448 = vector.broadcast %jit3A_447 : f32 to vector<1x320xf32>
    %select_n3A_449 = arith.select %broadcast_in_dim3A_244, %slice3A_424, %broadcast_in_dim3A_448 : vector<1x320xi1>, vector<1x320xf32>
    %reduce_sum3A_450 = vector.shape_cast %select_n3A_449 : vector<1x320xf32> to vector<1x1x320xf32>
    %reduce_sum3A_451 = arith.constant dense<0.000000e+00> : vector<1xf32>
    %reduce_sum3A_452 = vector.multi_reduction <add>, %reduce_sum3A_450, %reduce_sum3A_451 [1, 2] : vector<1x1x320xf32> to vector<1xf32>
    %reduce_sum3A_453 = vector.shape_cast %reduce_sum3A_452 : vector<1xf32> to vector<1x1x1xf32>
    %reduce_sum3A_454 = vector.extract %reduce_sum3A_453[0, 0, 0] : f32 from vector<1x1x1xf32>
    %mul3A_455 = arith.constant 0.0166666675 : f32
    %mul3A_456 = arith.mulf %mul3A_455, %reduce_sum3A_454 : f32
    %sub3A_457 = arith.subf %add3A_446, %mul3A_456 : f32
    %eq3A_458 = arith.constant 2 : i32
    %eq3A_459 = vector.broadcast %eq3A_458 : i32 to vector<20x1xi32>
    %eq3A_460 = arith.cmpi eq, %min3A_68, %eq3A_459 : vector<20x1xi32>
    %and3A_461 = vector.broadcast %eq3A_460 : vector<20x1xi1> to vector<20x320xi1>
    %and3A_462 = arith.andi %eq3A_233, %and3A_461 : vector<20x320xi1>
    %jit3A_463 = arith.constant 1.000000e+00 : f32
    %jit3A_464 = arith.constant 0.000000e+00 : f32
    %broadcast_in_dim3A_465 = vector.broadcast %jit3A_463 : f32 to vector<20x320xf32>
    %broadcast_in_dim3A_466 = vector.broadcast %jit3A_464 : f32 to vector<20x320xf32>
    %select_n3A_467 = arith.select %and3A_462, %broadcast_in_dim3A_465, %broadcast_in_dim3A_466 : vector<20x320xi1>, vector<20x320xf32>
    %reduce_sum3A_468 = arith.constant dense<0.000000e+00> : vector<320xf32>
    %reduce_sum3A_469 = vector.multi_reduction <add>, %select_n3A_467, %reduce_sum3A_468 [0] : vector<20x320xf32> to vector<320xf32>
    %broadcast_in_dim3A_470 = vector.shape_cast %reduce_sum3A_469 : vector<320xf32> to vector<1x320xf32>
    %min3A_471 = arith.constant 1.000000e+00 : f32
    %min3A_472 = vector.broadcast %min3A_471 : f32 to vector<1x320xf32>
    %min3A_473 = arith.minimumf %broadcast_in_dim3A_470, %min3A_472 : vector<1x320xf32>
    %mul3A_474 = arith.mulf %min3A_473, %slice3A_424 : vector<1x320xf32>
    %reduce_sum3A_475 = vector.shape_cast %mul3A_474 : vector<1x320xf32> to vector<1x1x320xf32>
    %reduce_sum3A_476 = arith.constant dense<0.000000e+00> : vector<1xf32>
    %reduce_sum3A_477 = vector.multi_reduction <add>, %reduce_sum3A_475, %reduce_sum3A_476 [1, 2] : vector<1x1x320xf32> to vector<1xf32>
    %reduce_sum3A_478 = vector.shape_cast %reduce_sum3A_477 : vector<1xf32> to vector<1x1x1xf32>
    %reduce_sum3A_479 = vector.extract %reduce_sum3A_478[0, 0, 0] : f32 from vector<1x1x1xf32>
    %mul3A_480 = arith.constant 0.933333337 : f32
    %mul3A_481 = arith.mulf %mul3A_480, %reduce_sum3A_479 : f32
    %sub3A_482 = arith.subf %sub3A_457, %mul3A_481 : f32
    %slice3A_483 = vector.extract_strided_slice %reshape3A_5 {offsets = [8, 0], sizes = [1, 320], strides = [1, 1]} : vector<9x320xf32> to vector<1x320xf32>
    %max3A_484 = arith.constant 0.000000e+00 : f32
    %max3A_485 = vector.broadcast %max3A_484 : f32 to vector<1x320xf32>
    %max3A_486 = arith.maximumf %slice3A_483, %max3A_485 : vector<1x320xf32>
    %abs3A_487 = math.absf %slice3A_483 : vector<1x320xf32>
    %neg3A_488 = arith.constant 0.000000e+00 : f32
    %neg3A_489 = vector.broadcast %neg3A_488 : f32 to vector<1x320xf32>
    %neg3A_490 = arith.subf %neg3A_489, %abs3A_487 : vector<1x320xf32>
    %exp3A_491 = math.exp %neg3A_490 : vector<1x320xf32>
    %add3A_492 = arith.constant 1.000000e+00 : f32
    %add3A_493 = vector.broadcast %add3A_492 : f32 to vector<1x320xf32>
    %add3A_494 = arith.addf %add3A_493, %exp3A_491 : vector<1x320xf32>
    %log3A_495 = math.log %add3A_494 : vector<1x320xf32>
    %add3A_496 = arith.addf %max3A_486, %log3A_495 : vector<1x320xf32>
    %jit3A_497 = arith.constant 0.000000e+00 : f32
    %broadcast_in_dim3A_498 = vector.broadcast %jit3A_497 : f32 to vector<1x320xf32>
    %select_n3A_499 = arith.select %broadcast_in_dim3A_244, %add3A_496, %broadcast_in_dim3A_498 : vector<1x320xi1>, vector<1x320xf32>
    %reduce_sum3A_500 = vector.shape_cast %select_n3A_499 : vector<1x320xf32> to vector<1x1x320xf32>
    %reduce_sum3A_501 = arith.constant dense<0.000000e+00> : vector<1xf32>
    %reduce_sum3A_502 = vector.multi_reduction <add>, %reduce_sum3A_500, %reduce_sum3A_501 [1, 2] : vector<1x1x320xf32> to vector<1xf32>
    %reduce_sum3A_503 = vector.shape_cast %reduce_sum3A_502 : vector<1xf32> to vector<1x1x1xf32>
    %reduce_sum3A_504 = vector.extract %reduce_sum3A_503[0, 0, 0] : f32 from vector<1x1x1xf32>
    %add3A_505 = arith.addf %sub3A_482, %reduce_sum3A_504 : f32
    %jit3A_506 = arith.constant 0.000000e+00 : f32
    %broadcast_in_dim3A_507 = vector.broadcast %jit3A_506 : f32 to vector<1x320xf32>
    %select_n3A_508 = arith.select %broadcast_in_dim3A_244, %slice3A_483, %broadcast_in_dim3A_507 : vector<1x320xi1>, vector<1x320xf32>
    %reduce_sum3A_509 = vector.shape_cast %select_n3A_508 : vector<1x320xf32> to vector<1x1x320xf32>
    %reduce_sum3A_510 = arith.constant dense<0.000000e+00> : vector<1xf32>
    %reduce_sum3A_511 = vector.multi_reduction <add>, %reduce_sum3A_509, %reduce_sum3A_510 [1, 2] : vector<1x1x320xf32> to vector<1xf32>
    %reduce_sum3A_512 = vector.shape_cast %reduce_sum3A_511 : vector<1xf32> to vector<1x1x1xf32>
    %reduce_sum3A_513 = vector.extract %reduce_sum3A_512[0, 0, 0] : f32 from vector<1x1x1xf32>
    %mul3A_514 = arith.constant 0.0166666675 : f32
    %mul3A_515 = arith.mulf %mul3A_514, %reduce_sum3A_513 : f32
    %sub3A_516 = arith.subf %add3A_505, %mul3A_515 : f32
    %eq3A_517 = arith.constant 3 : i32
    %eq3A_518 = vector.broadcast %eq3A_517 : i32 to vector<20x1xi32>
    %eq3A_519 = arith.cmpi eq, %min3A_68, %eq3A_518 : vector<20x1xi32>
    %and3A_520 = vector.broadcast %eq3A_519 : vector<20x1xi1> to vector<20x320xi1>
    %and3A_521 = arith.andi %eq3A_233, %and3A_520 : vector<20x320xi1>
    %jit3A_522 = arith.constant 1.000000e+00 : f32
    %jit3A_523 = arith.constant 0.000000e+00 : f32
    %broadcast_in_dim3A_524 = vector.broadcast %jit3A_522 : f32 to vector<20x320xf32>
    %broadcast_in_dim3A_525 = vector.broadcast %jit3A_523 : f32 to vector<20x320xf32>
    %select_n3A_526 = arith.select %and3A_521, %broadcast_in_dim3A_524, %broadcast_in_dim3A_525 : vector<20x320xi1>, vector<20x320xf32>
    %reduce_sum3A_527 = arith.constant dense<0.000000e+00> : vector<320xf32>
    %reduce_sum3A_528 = vector.multi_reduction <add>, %select_n3A_526, %reduce_sum3A_527 [0] : vector<20x320xf32> to vector<320xf32>
    %broadcast_in_dim3A_529 = vector.shape_cast %reduce_sum3A_528 : vector<320xf32> to vector<1x320xf32>
    %min3A_530 = arith.constant 1.000000e+00 : f32
    %min3A_531 = vector.broadcast %min3A_530 : f32 to vector<1x320xf32>
    %min3A_532 = arith.minimumf %broadcast_in_dim3A_529, %min3A_531 : vector<1x320xf32>
    %mul3A_533 = arith.mulf %min3A_532, %slice3A_483 : vector<1x320xf32>
    %reduce_sum3A_534 = vector.shape_cast %mul3A_533 : vector<1x320xf32> to vector<1x1x320xf32>
    %reduce_sum3A_535 = arith.constant dense<0.000000e+00> : vector<1xf32>
    %reduce_sum3A_536 = vector.multi_reduction <add>, %reduce_sum3A_534, %reduce_sum3A_535 [1, 2] : vector<1x1x320xf32> to vector<1xf32>
    %reduce_sum3A_537 = vector.shape_cast %reduce_sum3A_536 : vector<1xf32> to vector<1x1x1xf32>
    %reduce_sum3A_538 = vector.extract %reduce_sum3A_537[0, 0, 0] : f32 from vector<1x1x1xf32>
    %mul3A_539 = arith.constant 0.933333337 : f32
    %mul3A_540 = arith.mulf %mul3A_539, %reduce_sum3A_538 : f32
    %sub3A_541 = arith.subf %sub3A_516, %mul3A_540 : f32
    %mul3A_542 = arith.constant 4.000000e+00 : f32
    %mul3A_543 = arith.mulf %reduce_sum3A_230, %mul3A_542 : f32
    %div3A_544 = arith.divf %sub3A_541, %mul3A_543 : f32
    %and3A_545 = vector.broadcast %not3A_224 : vector<20x1xi1> to vector<20x320xi1>
    %and3A_546 = arith.andi %eq3A_233, %and3A_545 : vector<20x320xi1>
    %jit3A_547 = arith.constant 0.000000e+00 : f32
    %broadcast_in_dim3A_548 = vector.shape_cast %min3A_75 : vector<20x1xf32> to vector<20x1xf32>
    %broadcast_in_dim3A_549 = vector.broadcast %broadcast_in_dim3A_548 : vector<20x1xf32> to vector<20x320xf32>
    %broadcast_in_dim3A_550 = vector.broadcast %jit3A_547 : f32 to vector<20x320xf32>
    %select_n3A_551 = arith.select %and3A_546, %broadcast_in_dim3A_549, %broadcast_in_dim3A_550 : vector<20x320xi1>, vector<20x320xf32>
    %reduce_sum3A_552 = arith.constant dense<0.000000e+00> : vector<320xf32>
    %reduce_sum3A_553 = vector.multi_reduction <add>, %select_n3A_551, %reduce_sum3A_552 [0] : vector<20x320xf32> to vector<320xf32>
    %broadcast_in_dim3A_554 = vector.shape_cast %reduce_sum3A_553 : vector<320xf32> to vector<1x320xf32>
    %sub3A_555 = arith.subf %logistic3A_27, %broadcast_in_dim3A_554 : vector<1x320xf32>
    %abs3A_556 = math.absf %sub3A_555 : vector<1x320xf32>
    %lt3A_557 = arith.constant 1.000000e-01 : f32
    %lt3A_558 = vector.broadcast %lt3A_557 : f32 to vector<1x320xf32>
    %lt3A_559 = arith.cmpf olt, %abs3A_556, %lt3A_558 : vector<1x320xf32>
    %mul3A_560 = arith.constant 5.000000e-01 : f32
    %mul3A_561 = vector.broadcast %mul3A_560 : f32 to vector<1x320xf32>
    %mul3A_562 = arith.mulf %mul3A_561, %sub3A_555 : vector<1x320xf32>
    %mul3A_563 = arith.mulf %mul3A_562, %sub3A_555 : vector<1x320xf32>
    %div3A_564 = arith.constant 1.000000e-01 : f32
    %div3A_565 = vector.broadcast %div3A_564 : f32 to vector<1x320xf32>
    %div3A_566 = arith.divf %mul3A_563, %div3A_565 : vector<1x320xf32>
    %sub3A_567 = arith.constant 5.000000e-02 : f32
    %sub3A_568 = vector.broadcast %sub3A_567 : f32 to vector<1x320xf32>
    %sub3A_569 = arith.subf %abs3A_556, %sub3A_568 : vector<1x320xf32>
    %select_n3A_570 = arith.select %lt3A_559, %div3A_566, %sub3A_569 : vector<1x320xi1>, vector<1x320xf32>
    %jit3A_571 = arith.constant 0.000000e+00 : f32
    %broadcast_in_dim3A_572 = vector.broadcast %jit3A_571 : f32 to vector<1x320xf32>
    %select_n3A_573 = arith.select %broadcast_in_dim3A_244, %select_n3A_570, %broadcast_in_dim3A_572 : vector<1x320xi1>, vector<1x320xf32>
    %reduce_sum3A_574 = vector.shape_cast %select_n3A_573 : vector<1x320xf32> to vector<1x1x320xf32>
    %reduce_sum3A_575 = arith.constant dense<0.000000e+00> : vector<1xf32>
    %reduce_sum3A_576 = vector.multi_reduction <add>, %reduce_sum3A_574, %reduce_sum3A_575 [1, 2] : vector<1x1x320xf32> to vector<1xf32>
    %reduce_sum3A_577 = vector.shape_cast %reduce_sum3A_576 : vector<1xf32> to vector<1x1x1xf32>
    %reduce_sum3A_578 = vector.extract %reduce_sum3A_577[0, 0, 0] : f32 from vector<1x1x1xf32>
    %add3A_579 = arith.constant 0.000000e+00 : f32
    %add3A_580 = arith.addf %add3A_579, %reduce_sum3A_578 : f32
    %and3A_581 = vector.broadcast %not3A_224 : vector<20x1xi1> to vector<20x320xi1>
    %and3A_582 = arith.andi %eq3A_233, %and3A_581 : vector<20x320xi1>
    %jit3A_583 = arith.constant 0.000000e+00 : f32
    %broadcast_in_dim3A_584 = vector.shape_cast %min3A_82 : vector<20x1xf32> to vector<20x1xf32>
    %broadcast_in_dim3A_585 = vector.broadcast %broadcast_in_dim3A_584 : vector<20x1xf32> to vector<20x320xf32>
    %broadcast_in_dim3A_586 = vector.broadcast %jit3A_583 : f32 to vector<20x320xf32>
    %select_n3A_587 = arith.select %and3A_582, %broadcast_in_dim3A_585, %broadcast_in_dim3A_586 : vector<20x320xi1>, vector<20x320xf32>
    %reduce_sum3A_588 = arith.constant dense<0.000000e+00> : vector<320xf32>
    %reduce_sum3A_589 = vector.multi_reduction <add>, %select_n3A_587, %reduce_sum3A_588 [0] : vector<20x320xf32> to vector<320xf32>
    %broadcast_in_dim3A_590 = vector.shape_cast %reduce_sum3A_589 : vector<320xf32> to vector<1x320xf32>
    %sub3A_591 = arith.subf %logistic3A_34, %broadcast_in_dim3A_590 : vector<1x320xf32>
    %abs3A_592 = math.absf %sub3A_591 : vector<1x320xf32>
    %lt3A_593 = arith.constant 1.000000e-01 : f32
    %lt3A_594 = vector.broadcast %lt3A_593 : f32 to vector<1x320xf32>
    %lt3A_595 = arith.cmpf olt, %abs3A_592, %lt3A_594 : vector<1x320xf32>
    %mul3A_596 = arith.constant 5.000000e-01 : f32
    %mul3A_597 = vector.broadcast %mul3A_596 : f32 to vector<1x320xf32>
    %mul3A_598 = arith.mulf %mul3A_597, %sub3A_591 : vector<1x320xf32>
    %mul3A_599 = arith.mulf %mul3A_598, %sub3A_591 : vector<1x320xf32>
    %div3A_600 = arith.constant 1.000000e-01 : f32
    %div3A_601 = vector.broadcast %div3A_600 : f32 to vector<1x320xf32>
    %div3A_602 = arith.divf %mul3A_599, %div3A_601 : vector<1x320xf32>
    %sub3A_603 = arith.constant 5.000000e-02 : f32
    %sub3A_604 = vector.broadcast %sub3A_603 : f32 to vector<1x320xf32>
    %sub3A_605 = arith.subf %abs3A_592, %sub3A_604 : vector<1x320xf32>
    %select_n3A_606 = arith.select %lt3A_595, %div3A_602, %sub3A_605 : vector<1x320xi1>, vector<1x320xf32>
    %jit3A_607 = arith.constant 0.000000e+00 : f32
    %broadcast_in_dim3A_608 = vector.broadcast %jit3A_607 : f32 to vector<1x320xf32>
    %select_n3A_609 = arith.select %broadcast_in_dim3A_244, %select_n3A_606, %broadcast_in_dim3A_608 : vector<1x320xi1>, vector<1x320xf32>
    %reduce_sum3A_610 = vector.shape_cast %select_n3A_609 : vector<1x320xf32> to vector<1x1x320xf32>
    %reduce_sum3A_611 = arith.constant dense<0.000000e+00> : vector<1xf32>
    %reduce_sum3A_612 = vector.multi_reduction <add>, %reduce_sum3A_610, %reduce_sum3A_611 [1, 2] : vector<1x1x320xf32> to vector<1xf32>
    %reduce_sum3A_613 = vector.shape_cast %reduce_sum3A_612 : vector<1xf32> to vector<1x1x1xf32>
    %reduce_sum3A_614 = vector.extract %reduce_sum3A_613[0, 0, 0] : f32 from vector<1x1x1xf32>
    %add3A_615 = arith.addf %add3A_580, %reduce_sum3A_614 : f32
    %and3A_616 = vector.broadcast %not3A_224 : vector<20x1xi1> to vector<20x320xi1>
    %and3A_617 = arith.andi %eq3A_233, %and3A_616 : vector<20x320xi1>
    %jit3A_618 = arith.constant 0.000000e+00 : f32
    %broadcast_in_dim3A_619 = vector.shape_cast %min3A_89 : vector<20x1xf32> to vector<20x1xf32>
    %broadcast_in_dim3A_620 = vector.broadcast %broadcast_in_dim3A_619 : vector<20x1xf32> to vector<20x320xf32>
    %broadcast_in_dim3A_621 = vector.broadcast %jit3A_618 : f32 to vector<20x320xf32>
    %select_n3A_622 = arith.select %and3A_617, %broadcast_in_dim3A_620, %broadcast_in_dim3A_621 : vector<20x320xi1>, vector<20x320xf32>
    %reduce_sum3A_623 = arith.constant dense<0.000000e+00> : vector<320xf32>
    %reduce_sum3A_624 = vector.multi_reduction <add>, %select_n3A_622, %reduce_sum3A_623 [0] : vector<20x320xf32> to vector<320xf32>
    %broadcast_in_dim3A_625 = vector.shape_cast %reduce_sum3A_624 : vector<320xf32> to vector<1x320xf32>
    %sub3A_626 = arith.subf %logistic3A_41, %broadcast_in_dim3A_625 : vector<1x320xf32>
    %abs3A_627 = math.absf %sub3A_626 : vector<1x320xf32>
    %lt3A_628 = arith.constant 1.000000e-01 : f32
    %lt3A_629 = vector.broadcast %lt3A_628 : f32 to vector<1x320xf32>
    %lt3A_630 = arith.cmpf olt, %abs3A_627, %lt3A_629 : vector<1x320xf32>
    %mul3A_631 = arith.constant 5.000000e-01 : f32
    %mul3A_632 = vector.broadcast %mul3A_631 : f32 to vector<1x320xf32>
    %mul3A_633 = arith.mulf %mul3A_632, %sub3A_626 : vector<1x320xf32>
    %mul3A_634 = arith.mulf %mul3A_633, %sub3A_626 : vector<1x320xf32>
    %div3A_635 = arith.constant 1.000000e-01 : f32
    %div3A_636 = vector.broadcast %div3A_635 : f32 to vector<1x320xf32>
    %div3A_637 = arith.divf %mul3A_634, %div3A_636 : vector<1x320xf32>
    %sub3A_638 = arith.constant 5.000000e-02 : f32
    %sub3A_639 = vector.broadcast %sub3A_638 : f32 to vector<1x320xf32>
    %sub3A_640 = arith.subf %abs3A_627, %sub3A_639 : vector<1x320xf32>
    %select_n3A_641 = arith.select %lt3A_630, %div3A_637, %sub3A_640 : vector<1x320xi1>, vector<1x320xf32>
    %jit3A_642 = arith.constant 0.000000e+00 : f32
    %broadcast_in_dim3A_643 = vector.broadcast %jit3A_642 : f32 to vector<1x320xf32>
    %select_n3A_644 = arith.select %broadcast_in_dim3A_244, %select_n3A_641, %broadcast_in_dim3A_643 : vector<1x320xi1>, vector<1x320xf32>
    %reduce_sum3A_645 = vector.shape_cast %select_n3A_644 : vector<1x320xf32> to vector<1x1x320xf32>
    %reduce_sum3A_646 = arith.constant dense<0.000000e+00> : vector<1xf32>
    %reduce_sum3A_647 = vector.multi_reduction <add>, %reduce_sum3A_645, %reduce_sum3A_646 [1, 2] : vector<1x1x320xf32> to vector<1xf32>
    %reduce_sum3A_648 = vector.shape_cast %reduce_sum3A_647 : vector<1xf32> to vector<1x1x1xf32>
    %reduce_sum3A_649 = vector.extract %reduce_sum3A_648[0, 0, 0] : f32 from vector<1x1x1xf32>
    %add3A_650 = arith.addf %add3A_615, %reduce_sum3A_649 : f32
    %and3A_651 = vector.broadcast %not3A_224 : vector<20x1xi1> to vector<20x320xi1>
    %and3A_652 = arith.andi %eq3A_233, %and3A_651 : vector<20x320xi1>
    %jit3A_653 = arith.constant 0.000000e+00 : f32
    %broadcast_in_dim3A_654 = vector.shape_cast %min3A_96 : vector<20x1xf32> to vector<20x1xf32>
    %broadcast_in_dim3A_655 = vector.broadcast %broadcast_in_dim3A_654 : vector<20x1xf32> to vector<20x320xf32>
    %broadcast_in_dim3A_656 = vector.broadcast %jit3A_653 : f32 to vector<20x320xf32>
    %select_n3A_657 = arith.select %and3A_652, %broadcast_in_dim3A_655, %broadcast_in_dim3A_656 : vector<20x320xi1>, vector<20x320xf32>
    %reduce_sum3A_658 = arith.constant dense<0.000000e+00> : vector<320xf32>
    %reduce_sum3A_659 = vector.multi_reduction <add>, %select_n3A_657, %reduce_sum3A_658 [0] : vector<20x320xf32> to vector<320xf32>
    %broadcast_in_dim3A_660 = vector.shape_cast %reduce_sum3A_659 : vector<320xf32> to vector<1x320xf32>
    %sub3A_661 = arith.subf %logistic3A_48, %broadcast_in_dim3A_660 : vector<1x320xf32>
    %abs3A_662 = math.absf %sub3A_661 : vector<1x320xf32>
    %lt3A_663 = arith.constant 1.000000e-01 : f32
    %lt3A_664 = vector.broadcast %lt3A_663 : f32 to vector<1x320xf32>
    %lt3A_665 = arith.cmpf olt, %abs3A_662, %lt3A_664 : vector<1x320xf32>
    %mul3A_666 = arith.constant 5.000000e-01 : f32
    %mul3A_667 = vector.broadcast %mul3A_666 : f32 to vector<1x320xf32>
    %mul3A_668 = arith.mulf %mul3A_667, %sub3A_661 : vector<1x320xf32>
    %mul3A_669 = arith.mulf %mul3A_668, %sub3A_661 : vector<1x320xf32>
    %div3A_670 = arith.constant 1.000000e-01 : f32
    %div3A_671 = vector.broadcast %div3A_670 : f32 to vector<1x320xf32>
    %div3A_672 = arith.divf %mul3A_669, %div3A_671 : vector<1x320xf32>
    %sub3A_673 = arith.constant 5.000000e-02 : f32
    %sub3A_674 = vector.broadcast %sub3A_673 : f32 to vector<1x320xf32>
    %sub3A_675 = arith.subf %abs3A_662, %sub3A_674 : vector<1x320xf32>
    %select_n3A_676 = arith.select %lt3A_665, %div3A_672, %sub3A_675 : vector<1x320xi1>, vector<1x320xf32>
    %jit3A_677 = arith.constant 0.000000e+00 : f32
    %broadcast_in_dim3A_678 = vector.broadcast %jit3A_677 : f32 to vector<1x320xf32>
    %select_n3A_679 = arith.select %broadcast_in_dim3A_244, %select_n3A_676, %broadcast_in_dim3A_678 : vector<1x320xi1>, vector<1x320xf32>
    %reduce_sum3A_680 = vector.shape_cast %select_n3A_679 : vector<1x320xf32> to vector<1x1x320xf32>
    %reduce_sum3A_681 = arith.constant dense<0.000000e+00> : vector<1xf32>
    %reduce_sum3A_682 = vector.multi_reduction <add>, %reduce_sum3A_680, %reduce_sum3A_681 [1, 2] : vector<1x1x320xf32> to vector<1xf32>
    %reduce_sum3A_683 = vector.shape_cast %reduce_sum3A_682 : vector<1xf32> to vector<1x1x1xf32>
    %reduce_sum3A_684 = vector.extract %reduce_sum3A_683[0, 0, 0] : f32 from vector<1x1x1xf32>
    %add3A_685 = arith.addf %add3A_650, %reduce_sum3A_684 : f32
    %mul3A_686 = arith.constant 4.000000e+00 : f32
    %mul3A_687 = arith.mulf %reduce_sum3A_230, %mul3A_686 : f32
    %div3A_688 = arith.divf %add3A_685, %mul3A_687 : f32
    %mul3A_689 = arith.constant 2.000000e+00 : f32
    %mul3A_690 = arith.mulf %div3A_688, %mul3A_689 : f32
    %iota3A_691 = tpu.iota {dimensions = array<i32: 1>} : vector<1x128xi32>
    %eq3A_692 = arith.constant 0 : i32
    %eq3A_693 = vector.broadcast %eq3A_692 : i32 to vector<1x128xi32>
    %eq3A_694 = arith.cmpi eq, %iota3A_691, %eq3A_693 : vector<1x128xi32>
    %eq3A_695 = arith.constant 1 : i32
    %eq3A_696 = vector.broadcast %eq3A_695 : i32 to vector<1x128xi32>
    %eq3A_697 = arith.cmpi eq, %iota3A_691, %eq3A_696 : vector<1x128xi32>
    %eq3A_698 = arith.constant 2 : i32
    %eq3A_699 = vector.broadcast %eq3A_698 : i32 to vector<1x128xi32>
    %eq3A_700 = arith.cmpi eq, %iota3A_691, %eq3A_699 : vector<1x128xi32>
    %jit3A_701 = arith.constant 0.000000e+00 : f32
    %broadcast_in_dim3A_702 = vector.broadcast %div3A_304 : f32 to vector<1x128xf32>
    %broadcast_in_dim3A_703 = vector.broadcast %jit3A_701 : f32 to vector<1x128xf32>
    %select_n3A_704 = arith.select %eq3A_700, %broadcast_in_dim3A_702, %broadcast_in_dim3A_703 : vector<1x128xi1>, vector<1x128xf32>
    %broadcast_in_dim3A_705 = vector.broadcast %div3A_544 : f32 to vector<1x128xf32>
    %select_n3A_706 = arith.select %eq3A_697, %broadcast_in_dim3A_705, %select_n3A_704 : vector<1x128xi1>, vector<1x128xf32>
    %broadcast_in_dim3A_707 = vector.broadcast %mul3A_690 : f32 to vector<1x128xf32>
    %select_n3A_708 = arith.select %eq3A_694, %broadcast_in_dim3A_707, %select_n3A_706 : vector<1x128xi1>, vector<1x128xf32>
    %reshape3A_709 = vector.shape_cast %select_n3A_708 : vector<1x128xf32> to vector<1x1x128xf32>
    %swap3A = arith.constant 0 : index
    %swap3A_710 = arith.constant 0 : index
    %swap3A_711 = arith.constant 0 : index
    %swap3A_712 = vector.load %arg6[%swap3A, %swap3A_710, %swap3A_711] : memref<1x1x128xf32, #tpu.memory_space<vmem>>, vector<1x1x128xf32>
    tpu.vector_store %arg6[%swap3A, %swap3A_710, %swap3A_711], %reshape3A_709 {strides = array<i32>} : memref<1x1x128xf32, #tpu.memory_space<vmem>>, vector<1x1x128xf32>,
    return
  }
  func.func @transform_0(%arg0: i32) -> i32 {
    %c0_i32 = arith.constant 0 : i32
    return %arg0 : i32
  }
  func.func @transform_1(%arg0: i32) -> (i32, i32, i32) {
    %c0_i32 = arith.constant 0 : i32
    %c0_i32_0 = arith.constant 0 : i32
    %c0_i32_1 = arith.constant 0 : i32
    return %arg0, %c0_i32, %c0_i32_0 : i32, i32, i32
  }
  func.func @transform_2(%arg0: i32) -> (i32, i32, i32) {
    %c0_i32 = arith.constant 0 : i32
    %c0_i32_0 = arith.constant 0 : i32
    %c0_i32_1 = arith.constant 0 : i32
    return %arg0, %c0_i32, %c0_i32_0 : i32, i32, i32
  }
  func.func @transform_3(%arg0: i32) -> (i32, i32, i32) {
    %c0_i32 = arith.constant 0 : i32
    %c0_i32_0 = arith.constant 0 : i32
    %c0_i32_1 = arith.constant 0 : i32
    return %arg0, %c0_i32, %c0_i32_0 : i32, i32, i32
  }
  func.func @transform_4(%arg0: i32) -> (i32, i32, i32) {
    %c0_i32 = arith.constant 0 : i32
    %c0_i32_0 = arith.constant 0 : i32
    %c0_i32_1 = arith.constant 0 : i32
    return %arg0, %c0_i32, %c0_i32_0 : i32, i32, i32
  }
  func.func @transform_5(%arg0: i32) -> (i32, i32, i32) {
    %c0_i32 = arith.constant 0 : i32
    %c0_i32_0 = arith.constant 0 : i32
    %c0_i32_1 = arith.constant 0 : i32
    return %arg0, %c0_i32, %c0_i32_0 : i32, i32, i32
  }
}

</mosaic_0001>

<sc_bundles>
// kernel: kernel.4.cloned.1.call-start
scs
__scs_entry_jumppad:
0x0: {  	(pc) =	sbr.rel $0x88, $3  }
0x1: {  	(tag) =	ssettag $0x0;
	lr =	simm.s32 $0x1  }
0x2: {  	[smem:$0x3F9F] =	sst lr;
	_ =	strace $0xD0000000  }
0x3: {  	_ = 	snop  }
0x4: {  	_ = 	snop  }
0x5: {  	_ = 	snop  }
0x6: {  	_ = 	snop  }
0x7: {  	_ = 	snop  }
__scs_overlays_trampoline_lowered:
0x8: {  	[smem:$0x3FAE] =	sst s0  }
0x9: {  	[smem:$0x3FAF] =	sst s1  }
0xa: {  	[smem:$0x3FB0] =	sst s2  }
0xb: {  	[smem:$0x3FB1] =	sst s3  }
0xc: {  	[smem:$0x3FB2] =	sst s4  }
0xd: {  	[smem:$0x3FB3] =	sst s5  }
0xe: {  	[smem:$0x3FB4] =	sst s6  }
0xf: {  	[smem:$0x3FB5] =	sst s7  }
0x10: {  	[smem:$0x3FB6] =	sst s8  }
0x11: {  	[smem:$0x3FB7] =	sst s9;
	s0 =	simm.s32 @!p0 $0x0  }
0x12: {  	s1 =	sld [smem:$0x3F9D];
	s0 =	simm.s32 @p0 $0x1  }
0x13: {  	[smem:$0x3FB8] =	sst s0;
	s0 =	simm.s32 @!p1 $0x0  }
0x14: {  	s2 =	sld [smem:$0x3F9C];
	s0 =	simm.s32 @p1 $0x1  }
0x15: {  	[smem:$0x3FB9] =	sst s0;
	s0 =	simm.s32 @!p2 $0x0  }
0x16: {  	s3 =	sld [smem:$0x3FDB];
	s0 =	simm.s32 @p2 $0x1  }
0x17: {  	s4 =	simm.s32 $0x1BF5;
	[smem:$0x3FBB] =	sst s0  }
0x18: {  	s0 =	sld [smem:$0x3F9E];
	_ =	swait.ge [sflag:s4], $0x0  }
0x19: {  	s7 =	sld [smem:$0x3F9F]  }
0x1a: {  	s8 =	sadd.s32 $0xFFFFE003, lr  }
0x1b: {  	s9 =	sadd.s32 $0xFFFFFEF7, lr;
	s5 =	simm.s32 $0xFFFFFFFF;
	p2 =	slt.u32 s8, $0xFFFFF086  }
0x1c: {  	p1 =	slt.u32 s9, $0xF7A;
	s5 =	simm.s32 @!p2 $0x0  }
0x1d: {  	s5 =	simm.s32 @p1 $0x1;
	p0 =	seq.s32 s7, s2  }
0x1e: {  	s7 =	smul.u32 @!p0 $0xF7A, s2;
	p2 =	seq.s32 @!p0 s5, $0x0  }
0x1f: {  	s9 =	smul.u32 $0xF7A, s1;
	s8 =	simm.s32 @!p0 $0x1BF5;
	p2 =	por !p2, p0  }
0x20: {  	[sflag:s8] =	ssyncset.s32 @!p0 $0xFFFFF086;
	s6 =	sadd.s32 @!p0 s3, s7;
	s7 =	simm.s32 @!p0 $0x108  }
0x21: {  	s3 =	sadd.s32 s3, s9;
	s6 =	sadd.s32 @!p0 $0x88, s6;
	s7 =	simm.s32 @p2 $0x1082  }
0x22: {  	[simem:s7], [sflag:s8] =	dma.local @!p0 [hbm:s6], $0xF7A  }
0x23: {  	s9 =	sor.u32 $0xD0000000, s2;
	s6 =	simm.s32 $0x108;
	_ =	swait.ge @!p0 [sflag:s8], $0x0  }
0x24: {  	s3 =	sadd.s32 $0x88, s3;
	s6 =	simm.s32 @!p1 $0x1082;
	[sflag:s4] =	ssyncset.s32 $0xFFFFF086  }
0x25: {  	[simem:s6], [sflag:s4] =	dma.local [hbm:s3], $0xF7A  }
0x26: {  	[smem:$0x3F9F] =	sst s1;
	(tag) =	ssettag s2;
	_ =	strace s9  }
0x27: {  	s1 =	sld [smem:$0x3FAF]  }
0x28: {  	s2 =	sld [smem:$0x3FB0]  }
0x29: {  	s4 =	sld [smem:$0x3FB2]  }
0x2a: {  	p0 =	seq.s32 s5, $0x0;
	s5 =	sld [smem:$0x3FB3]  }
0x2b: {  	s6 =	sld [smem:$0x3FB4]  }
0x2c: {  	s7 =	sld [smem:$0x3FB5]  }
0x2d: {  	s3 =	simm.s32 $0x108;
	s8 =	sld [smem:$0x3FB6]  }
0x2e: {  	s3 =	simm.s32 @!p0 $0x1082;
	s9 =	sld [smem:$0x3FB7]  }
0x2f: {  	lr =	sadd.s32 s0, s3;
	s0 =	sld [smem:$0x3FAE]  }
0x30: {  	s3 =	sld [smem:$0x3FB1]  }
0x31: {  	[smem:$0x3FBA] =	sst s10  }
0x32: {  	s10 =	sld [smem:$0x3FB8];
	_ =	sdelay $0x3  }
0x33: {  	p0 =	seq.s32 s10, $0x1;
	s10 =	sld [smem:$0x3FBA];
	_ =	sdelay $0x3  }
0x34: {  	[smem:$0x3FBA] =	sst s10  }
0x35: {  	s10 =	sld [smem:$0x3FB9];
	_ =	sdelay $0x3  }
0x36: {  	p1 =	seq.s32 s10, $0x1;
	s10 =	sld [smem:$0x3FBA];
	_ =	sdelay $0x3  }
0x37: {  	[smem:$0x3FBA] =	sst s10  }
0x38: {  	s10 =	sld [smem:$0x3FBB]  }
0x39: {  	_ = 	snop;
	(pc) =	sbr.ind lr, $3  }
0x3a: {  	_ = 	snop  }
0x3b: {  	_ = 	snop  }
0x3c: {  	p2 =	seq.s32 s10, $0x1;
	s10 =	sld [smem:$0x3FBA]  }
0x3d: {  	_ =	shalt  }
0x3e: {  	_ =	shalt  }
0x3f: {  	_ =	shalt  }
0x40: {  	_ =	shalt  }
0x41: {  	_ =	shalt  }
0x42: {  	_ =	shalt  }
0x43: {  	_ =	shalt  }
0x44: {  	_ =	shalt  }
0x45: {  	_ =	shalt  }
0x46: {  	_ =	shalt  }
0x47: {  	_ =	shalt  }
0x48: {  	_ =	shalt  }
0x49: {  	_ =	shalt  }
0x4a: {  	_ =	shalt  }
0x4b: {  	_ =	shalt  }
0x4c: {  	_ =	shalt  }
0x4d: {  	_ =	shalt  }
0x4e: {  	_ =	shalt  }
0x4f: {  	_ =	shalt  }
0x50: {  	_ =	shalt  }
0x51: {  	_ =	shalt  }
0x52: {  	_ =	shalt  }
0x53: {  	_ =	shalt  }
0x54: {  	_ =	shalt  }
0x55: {  	_ =	shalt  }
0x56: {  	_ =	shalt  }
0x57: {  	_ =	shalt  }
0x58: {  	_ =	shalt  }
0x59: {  	_ =	shalt  }
0x5a: {  	_ =	shalt  }
0x5b: {  	_ =	shalt  }
0x5c: {  	_ =	shalt  }
0x5d: {  	_ =	shalt  }
0x5e: {  	_ =	shalt  }
0x5f: {  	_ =	shalt  }
0x60: {  	_ =	shalt  }
0x61: {  	_ =	shalt  }
0x62: {  	_ =	shalt  }
0x63: {  	_ =	shalt  }
0x64: {  	_ =	shalt  }
0x65: {  	_ =	shalt  }
0x66: {  	_ =	shalt  }
0x67: {  	_ =	shalt  }
0x68: {  	_ =	shalt  }
0x69: {  	_ =	shalt  }
0x6a: {  	_ =	shalt  }
0x6b: {  	_ =	shalt  }
0x6c: {  	_ =	shalt  }
0x6d: {  	_ =	shalt  }
0x6e: {  	_ =	shalt  }
0x6f: {  	_ =	shalt  }
0x70: {  	_ =	shalt  }
0x71: {  	_ =	shalt  }
0x72: {  	_ =	shalt  }
0x73: {  	_ =	shalt  }
0x74: {  	_ =	shalt  }
0x75: {  	_ =	shalt  }
0x76: {  	_ =	shalt  }
0x77: {  	_ =	shalt  }
0x78: {  	_ =	shalt  }
0x79: {  	_ =	shalt  }
0x7a: {  	_ =	shalt  }
0x7b: {  	_ =	shalt  }
0x7c: {  	_ =	shalt  }
0x7d: {  	_ =	shalt  }
0x7e: {  	_ =	shalt  }
0x7f: {  	_ =	shalt  }
0x80: {  	_ =	shalt  }
0x81: {  	_ =	shalt  }
0x82: {  	_ =	shalt  }
0x83: {  	_ =	shalt  }
0x84: {  	_ =	shalt  }
0x85: {  	_ =	shalt  }
0x86: {  	_ =	shalt  }
0x87: {  	_ =	shalt  }
.Lfunc_end0:
.L_simem_size_0:
called_computation_lowered:
.L_overlay_start_0:
0x88: {  	s2 =	sld [smem:$0x3FD9]  }
0x89: {  	s3 =	sld [smem:$0x3FFE];
	_ =	sdelay $0x1  }
0x8a: {  	s1 =	srdreg.scid  }
0x8b: {  	s0 =	sand.u32 $0x1, s1  }
0x8c: {  	s16 =	sshll.u32 s0, $0xA;
	s2 =	sadd.s32 s3, s2  }
0x8d: {  	s2 =	sadd.s32 s2, s16  }
0x8e: {  	[smem:$0x3FC6] =	sst s2  }
0x8f: {  	_ = 	snop  }
0x90: {  	(tm) =	ssettm $0x1  }
0x91: {  	s17 =	sld [smem:$0x3FFB];
	_ =	sdelay $0x3  }
0x92: {  	_ =	strace s17  }
0x93: {  	s2 =	sld [smem:$0x3FFC];
	_ =	sdelay $0x3  }
0x94: {  	_ =	strace s2  }
0x95: {  	s2 =	sld [smem:$0x3FFD];
	_ =	sdelay $0x3  }
0x96: {  	_ =	strace s2  }
0x97: {  	_ =	strace $0x8FFFFFFF  }
0x98: {  	s18 =	sld [smem:$0x3FDB];
	_ =	sdelay $0x1  }
0x99: {  	s19 =	simm.s32 $_scs_section_size  }
0x9a: {  	s4 =	simm.s32 $_size__tile_overlayer_lowered;
	s5 =	simm.s32 $_tile_overlayer_lowered  }
0x9b: {  	s22 =	simm.s32 $0x1BFF;
	s21 =	sshll.u32 s5, $0x1;
	s2 =	sadd.s32 s19, s18  }
0x9c: {  	s6 =	simm.s32 $0x0;
	s20 =	sshll.u32 s4, $0x1;
	s4 =	sadd.s32 s21, s2  }
0x9d: {  	[timem:s6], [sflag:s22] =	dma.local [hbm:s4], s20  }
0x9e: {  	_ =	swait.ge [sflag:s22], s20  }
0x9f: {  	s3 =	ssub.s32 $0x0, s20;
	[sflag:s22] =	ssyncset.done $0x0  }
0xa0: {  	[sflag:s22] =	ssyncadd.s32 s3;
	_ =	sdelay $0x1  }
0xa1: {  	s23 =	simm.s32 $0x1B8B  }
0xa2: {  	_ =	swait.ge [sflag:s23], $0x1  }
0xa3: {  	[sflag:s23] =	ssyncset.done $0x0  }
0xa4: {  	s25 =	simm.s32 $0x1B8E;
	s24 =	sld [smem:$0x3FFE];
	[sflag:s23] =	ssyncadd.s32 $0xFFFFFFFF  }
0xa5: {  	s26 =	simm.s32 $execute0_lowered;
	[smem:$0x3FD2] =	sst s25  }
0xa6: {  	s4 =	sshll.u32 s26, $0x1;
	_ =	strace $0x80000046;
	[dreg:$0x1] =	wrdreg $0xFFFFFFFF  }
0xa7: {  	s28 =	simm.s32 $_size_execute0_lowered;
	s2 =	sadd.s32 s2, s4;
	[dreg:$0x0] =	wrdreg $0x0  }
0xa8: {  	s4 =	sshll.u32 s28, $0x1;
	[dreg:$0x2] =	wrdreg s2  }
0xa9: {  	[dreg:$0x3] =	wrdreg s4  }
0xaa: {  	[dreg:$0x4] =	wrdreg $0xC0  }
0xab: {  	_ =	task [dreg:s6], $0x5FFFF  }
0xac: {  	[dreg:$0x1] =	wrdreg $0xFFFFFFFF  }
0xad: {  	[dreg:$0x0] =	wrdreg $0x60  }
0xae: {  	[dreg:$0x2] =	wrdreg s24  }
0xaf: {  	[dreg:$0x3] =	wrdreg $0x9  }
0xb0: {  	_ =	task.clear_ibuf [dreg:s6], $0x4FFFF;
	_ =	strace $0x90000046  }
0xb1: {  	s29 =	simm.s32 $0x9;
	_ =	strace $0x80000048  }
0xb2: {  	_ =	swait.ge [sflag:s29], $0x1  }
0xb3: {  	[sflag:s29] =	ssyncadd.s32 $0xFFFFFFFF  }
0xb4: {  	_ =	strace $0x90000048  }
0xb5: {  	_ =	sfence  }
0xb6: {  	s30 =	sld [smem:$0x0];
	_ =	sdelay $0x2  }
0xb7: {  	s31 =	sshll.u32 s1, $0xD;
	s1 =	sshrl.u32 s1, $0x2  }
0xb8: {  	s3 =	sand.u32 $0x4000, s31;
	s1 =	sadd.s32 s1, s30  }
0xb9: {  	s0 =	sor.u32 s3, s0;
	s1 =	sshll.u32 s1, $0x11  }
0xba: {  	s0 =	sor.u32 s1, s0  }
0xbb: {  	s0 =	sadd.s32 $0x8F2B, s0  }
0xbc: {  	[sflag:s0] =	ssyncadd.remote.s32 $0x1  }
0xbd: {  	_ =	sfence.sel $0xFFFF  }
0xbe: {  	[dreg:$0x0] =	wrdreg $0xFFFFFFFF;
	(pc) =	sbr.abs _section_cstart, $3  }
0xbf: {  	[dreg:$0x1] =	wrdreg $0xFFFFFFFF  }
0xc0: {  	_ =	task.clear_ibuf [dreg:s6], $0x2FFFF;
	_ =	strace $0x9FFFFFFF  }
0xc1: {  	(tm) =	ssettm $0x7FFFFFFF  }
tec
execute0_lowered:
.L_overlay_start_1:
0x0: {  	(tag) =	ssettag $0x1  }
0x1: {  	s0 =	stileid.u32  }
0x2: {  	p0 =	sgt.u32 s0, $0x7  }
.Ltmp0:
0x3: {  	_ = 	snop;
	(pc) =	sbr.rel @p0 .LBB2_71-.Ltmp0, $4  }
0x4: {  	_ = 	snop  }
0x5: {  	s2 =	simm.s32 $0x0  }
0x6: {  	[smem:$0x7FF] =	sst s2  }
0x7: {  	s1 =	rddreg [dreg:$0x0];
	_ =	strace $0x80000047  }
0x8: {  	s0 =	srdreg.scid;
	s26 =	stileid.u32;
	s3 =	sadd.s32 $0x834000, s1  }
0x9: {  	s11 =	simm.s32 $0x6280;
	s12 =	simm.s32 $0x7300;
	s13 =	simm.s32 $0x1  }
0xa: {  	s14 =	simm.s32 $0x8380;
	s15 =	simm.s32 $0x8500;
	s16 =	simm.s32 $0x60  }
0xb: {  	s18 =	simm.s32 $0x9200;
	s4 =	sand.u32 $0x1, s0;
	s0 =	sshll.u32 s26, $0x1  }
0xc: {  	s20 =	simm.s32 $0x9B60;
	s21 =	simm.s32 $0x9040;
	s5 =	sor.u32 s4, s0  }
0xd: {  	s22 =	simm.s32 $0x9BC0;
	s23 =	simm.s32 $0x90A0;
	s0 =	smul.u32 $0x168, s5  }
0xe: {  	s24 =	simm.s32 $0x9C20;
	s25 =	simm.s32 $0x9100;
	s6 =	smul.u32 $0x28, s5  }
0xf: {  	s28 =	simm.s32 $0x9160;
	s29 =	simm.s32 $0x9CE0;
	s31 =	smul.u32 $0x6270, s5  }
.Ltmp1:
0x10: {  	s30 =	simm.s32 $0x0;
	s8 =	ssub.s32 $0x2, s4;
	(pc) =	sbr.rel .LBB2_2-.Ltmp1, $4  }
0x11: {  	s26 =	simm.s32 $0x9C80;
	s9 =	sshrl.u32 s8, $0x1;
	s10 =	smul.u32 $0xC80, s5  }
0x12: {  	s8 =	ssub.s32 s8, s9;
	s9 =	simm.s32 $0x2;
	s7 =	sadd.s32 s0, s1  }
0x13: {  	v1 =	vimm.s32 $0x0;
	s6 =	sadd.s32 s6, s1;
	s8 =	smax.u32 s8, $0x1;
	s4 =	sadd.s32 $0xC800, s7  }
0x14: {  	v2 =	vlaneseq.u32;
	v3 =	vimm.s32 $0x80000000;
	v0 =	vmov s31;
	s5 =	sadd.s32 $0xE000, s6;
	s6 =	sadd.s32 $0xE400, s6;
	s7 =	sadd.s32 s1, s10  }
.LBB2_65:
0x15: {  	s1 =	simm.s32 $0x7300  }
.LBB2_69:
0x16: {  	vm0 =	veq.s32 v5, v4  }
0x17: {  	v4 =	vsel vm0, $0x1, v1  }
0x18: {  	(xrf0) =	vadd.scan.msk.s32 $0xffff, v4;
	_ =	sdelay $0x5  }
0x19: {  	v4, _, _ =	vpop (xrf0)  }
0x1a: {  	v4 =	vadd.s32 v4, v6  }
0x1b: {  	v4 =	vadd.s32 $0xFFFFFFFF, v4  }
0x1c: {  	vm1 =	vlt.s32 v4, $0x12C  }
0x1d: {  	s1 =	sadd.s32 @p0 $0x10, s1;
	vm0 =	vmand vm0, vm1  }
0x1e: {  	s0 =	smov.u32 @p0 s1  }
0x1f: {  	v63 =	vld [tilespmem:s0+$0x0];
	_ =	sdelay $0x3  }
0x20: {  	[tilespmem:v4+s14+$0x0] =	vst.idx.msk vm0, v5  }
0x21: {  	[tilespmem:v4+s15+$0x0] =	vst.idx.msk vm0, v63  }
.LBB2_70:
0x22: {  	v4 =	vadd.s32 $0x12C, v2;
	_ =	sdelay $0x3  }
0x23: {  	[tilespmem:$0x8630] =	vst v1  }
0x24: {  	[tilespmem:v4+s15+$0x0] =	vst.idx.msk $0xffff, v1  }
0x25: {  	[tilespmem:$0x84B0] =	vst v1  }
0x26: {  	[tilespmem:v4+s14+$0x0] =	vst.idx.msk $0xffff, v1  }
0x27: {  	v4 =	vld [tilespmem:$0x8500];
	_ =	sdelay $0x4  }
0x28: {  	v4 =	vadd.s32 v0, v4  }
0x29: {  	v4 =	vmul.u32 $0x9, v4;
	_ =	sdelay $0x1  }
0x2a: {  	[tilespmem:$0x8680] =	vst v4;
	v5 =	vadd.s32 $0x1, v4  }
0x2b: {  	v6 =	vld [tilespmem:$0x8510];
	[tilespmem:$0x87C0] =	vst v5;
	v5 =	vadd.s32 $0x2, v4  }
0x2c: {  	[tilespmem:$0x8900] =	vst v5;
	v5 =	vadd.s32 $0x3, v4  }
0x2d: {  	[tilespmem:$0x8A40] =	vst v5;
	v5 =	vadd.s32 $0x4, v4  }
0x2e: {  	[tilespmem:$0x8B80] =	vst v5;
	v5 =	vadd.s32 $0x5, v4  }
0x2f: {  	[tilespmem:$0x8CC0] =	vst v5;
	v5 =	vadd.s32 $0x6, v4  }
0x30: {  	v6 =	vadd.s32 v0, v6;
	[tilespmem:$0x8E00] =	vst v5;
	v5 =	vadd.s32 $0x7, v4  }
0x31: {  	v4 =	vadd.s32 $0x8, v4;
	[tilespmem:$0x8F40] =	vst v5;
	v5 =	vmul.u32 $0x9, v6  }
0x32: {  	[tilespmem:$0x9080] =	vst v4  }
0x33: {  	[tilespmem:$0x8690] =	vst v5;
	v4 =	vadd.s32 $0x1, v5  }
0x34: {  	v47 =	vld [tilespmem:$0x8520];
	[tilespmem:$0x87D0] =	vst v4;
	v4 =	vadd.s32 $0x2, v5  }
0x35: {  	[tilespmem:$0x8910] =	vst v4;
	v4 =	vadd.s32 $0x3, v5  }
0x36: {  	[tilespmem:$0x8A50] =	vst v4;
	v4 =	vadd.s32 $0x4, v5  }
0x37: {  	[tilespmem:$0x8B90] =	vst v4;
	v4 =	vadd.s32 $0x5, v5  }
0x38: {  	[tilespmem:$0x8CD0] =	vst v4;
	v4 =	vadd.s32 $0x6, v5  }
0x39: {  	v6 =	vadd.s32 v0, v47;
	[tilespmem:$0x8E10] =	vst v4;
	v4 =	vadd.s32 $0x7, v5  }
0x3a: {  	[tilespmem:$0x8F50] =	vst v4;
	v4 =	vadd.s32 $0x8, v5;
	v5 =	vmul.u32 $0x9, v6  }
0x3b: {  	[tilespmem:$0x9090] =	vst v4  }
0x3c: {  	[tilespmem:$0x86A0] =	vst v5;
	v4 =	vadd.s32 $0x1, v5  }
0x3d: {  	v48 =	vld [tilespmem:$0x8530];
	[tilespmem:$0x87E0] =	vst v4;
	v4 =	vadd.s32 $0x2, v5  }
0x3e: {  	[tilespmem:$0x8920] =	vst v4;
	v4 =	vadd.s32 $0x3, v5  }
0x3f: {  	[tilespmem:$0x8A60] =	vst v4;
	v4 =	vadd.s32 $0x4, v5  }
0x40: {  	[tilespmem:$0x8BA0] =	vst v4;
	v4 =	vadd.s32 $0x5, v5  }
0x41: {  	[tilespmem:$0x8CE0] =	vst v4;
	v4 =	vadd.s32 $0x6, v5  }
0x42: {  	v6 =	vadd.s32 v0, v48;
	[tilespmem:$0x8E20] =	vst v4;
	v4 =	vadd.s32 $0x7, v5  }
0x43: {  	[tilespmem:$0x8F60] =	vst v4;
	v4 =	vadd.s32 $0x8, v5;
	v5 =	vmul.u32 $0x9, v6  }
0x44: {  	[tilespmem:$0x90A0] =	vst v4  }
0x45: {  	[tilespmem:$0x86B0] =	vst v5;
	v4 =	vadd.s32 $0x1, v5  }
0x46: {  	v49 =	vld [tilespmem:$0x8540];
	[tilespmem:$0x87F0] =	vst v4;
	v4 =	vadd.s32 $0x2, v5  }
0x47: {  	[tilespmem:$0x8930] =	vst v4;
	v4 =	vadd.s32 $0x3, v5  }
0x48: {  	[tilespmem:$0x8A70] =	vst v4;
	v4 =	vadd.s32 $0x4, v5  }
0x49: {  	[tilespmem:$0x8BB0] =	vst v4;
	v4 =	vadd.s32 $0x5, v5  }
0x4a: {  	[tilespmem:$0x8CF0] =	vst v4;
	v4 =	vadd.s32 $0x6, v5  }
0x4b: {  	v6 =	vadd.s32 v0, v49;
	[tilespmem:$0x8E30] =	vst v4;
	v4 =	vadd.s32 $0x7, v5  }
0x4c: {  	[tilespmem:$0x8F70] =	vst v4;
	v4 =	vadd.s32 $0x8, v5;
	v5 =	vmul.u32 $0x9, v6  }
0x4d: {  	[tilespmem:$0x90B0] =	vst v4  }
0x4e: {  	[tilespmem:$0x86C0] =	vst v5;
	v4 =	vadd.s32 $0x1, v5  }
0x4f: {  	v50 =	vld [tilespmem:$0x8550];
	[tilespmem:$0x8800] =	vst v4;
	v4 =	vadd.s32 $0x2, v5  }
0x50: {  	[tilespmem:$0x8940] =	vst v4;
	v4 =	vadd.s32 $0x3, v5  }
0x51: {  	[tilespmem:$0x8A80] =	vst v4;
	v4 =	vadd.s32 $0x4, v5  }
0x52: {  	[tilespmem:$0x8BC0] =	vst v4;
	v4 =	vadd.s32 $0x5, v5  }
0x53: {  	[tilespmem:$0x8D00] =	vst v4;
	v4 =	vadd.s32 $0x6, v5  }
0x54: {  	v6 =	vadd.s32 v0, v50;
	[tilespmem:$0x8E40] =	vst v4;
	v4 =	vadd.s32 $0x7, v5  }
0x55: {  	[tilespmem:$0x8F80] =	vst v4;
	v4 =	vadd.s32 $0x8, v5;
	v5 =	vmul.u32 $0x9, v6  }
0x56: {  	[tilespmem:$0x90C0] =	vst v4  }
0x57: {  	[tilespmem:$0x86D0] =	vst v5;
	v4 =	vadd.s32 $0x1, v5  }
0x58: {  	v51 =	vld [tilespmem:$0x8560];
	[tilespmem:$0x8810] =	vst v4;
	v4 =	vadd.s32 $0x2, v5  }
0x59: {  	[tilespmem:$0x8950] =	vst v4;
	v4 =	vadd.s32 $0x3, v5  }
0x5a: {  	[tilespmem:$0x8A90] =	vst v4;
	v4 =	vadd.s32 $0x4, v5  }
0x5b: {  	[tilespmem:$0x8BD0] =	vst v4;
	v4 =	vadd.s32 $0x5, v5  }
0x5c: {  	[tilespmem:$0x8D10] =	vst v4;
	v4 =	vadd.s32 $0x6, v5  }
0x5d: {  	v6 =	vadd.s32 v0, v51;
	[tilespmem:$0x8E50] =	vst v4;
	v4 =	vadd.s32 $0x7, v5  }
0x5e: {  	[tilespmem:$0x8F90] =	vst v4;
	v4 =	vadd.s32 $0x8, v5;
	v5 =	vmul.u32 $0x9, v6  }
0x5f: {  	[tilespmem:$0x90D0] =	vst v4  }
0x60: {  	[tilespmem:$0x86E0] =	vst v5;
	v4 =	vadd.s32 $0x1, v5  }
0x61: {  	v52 =	vld [tilespmem:$0x8570];
	[tilespmem:$0x8820] =	vst v4;
	v4 =	vadd.s32 $0x2, v5  }
0x62: {  	[tilespmem:$0x8960] =	vst v4;
	v4 =	vadd.s32 $0x3, v5  }
0x63: {  	[tilespmem:$0x8AA0] =	vst v4;
	v4 =	vadd.s32 $0x4, v5  }
0x64: {  	[tilespmem:$0x8BE0] =	vst v4;
	v4 =	vadd.s32 $0x5, v5  }
0x65: {  	[tilespmem:$0x8D20] =	vst v4;
	v4 =	vadd.s32 $0x6, v5  }
0x66: {  	v6 =	vadd.s32 v0, v52;
	[tilespmem:$0x8E60] =	vst v4;
	v4 =	vadd.s32 $0x7, v5  }
0x67: {  	[tilespmem:$0x8FA0] =	vst v4;
	v4 =	vadd.s32 $0x8, v5;
	v5 =	vmul.u32 $0x9, v6  }
0x68: {  	[tilespmem:$0x90E0] =	vst v4  }
0x69: {  	[tilespmem:$0x86F0] =	vst v5;
	v4 =	vadd.s32 $0x1, v5  }
0x6a: {  	v53 =	vld [tilespmem:$0x8580];
	[tilespmem:$0x8830] =	vst v4;
	v4 =	vadd.s32 $0x2, v5  }
0x6b: {  	[tilespmem:$0x8970] =	vst v4;
	v4 =	vadd.s32 $0x3, v5  }
0x6c: {  	[tilespmem:$0x8AB0] =	vst v4;
	v4 =	vadd.s32 $0x4, v5  }
0x6d: {  	[tilespmem:$0x8BF0] =	vst v4;
	v4 =	vadd.s32 $0x5, v5  }
0x6e: {  	[tilespmem:$0x8D30] =	vst v4;
	v4 =	vadd.s32 $0x6, v5  }
0x6f: {  	v6 =	vadd.s32 v0, v53;
	[tilespmem:$0x8E70] =	vst v4;
	v4 =	vadd.s32 $0x7, v5  }
0x70: {  	[tilespmem:$0x8FB0] =	vst v4;
	v4 =	vadd.s32 $0x8, v5;
	v5 =	vmul.u32 $0x9, v6  }
0x71: {  	[tilespmem:$0x90F0] =	vst v4  }
0x72: {  	[tilespmem:$0x8700] =	vst v5;
	v4 =	vadd.s32 $0x1, v5  }
0x73: {  	v54 =	vld [tilespmem:$0x8590];
	[tilespmem:$0x8840] =	vst v4;
	v4 =	vadd.s32 $0x2, v5  }
0x74: {  	[tilespmem:$0x8980] =	vst v4;
	v4 =	vadd.s32 $0x3, v5  }
0x75: {  	[tilespmem:$0x8AC0] =	vst v4;
	v4 =	vadd.s32 $0x4, v5  }
0x76: {  	[tilespmem:$0x8C00] =	vst v4;
	v4 =	vadd.s32 $0x5, v5  }
0x77: {  	[tilespmem:$0x8D40] =	vst v4;
	v4 =	vadd.s32 $0x6, v5  }
0x78: {  	v6 =	vadd.s32 v0, v54;
	[tilespmem:$0x8E80] =	vst v4;
	v4 =	vadd.s32 $0x7, v5  }
0x79: {  	[tilespmem:$0x8FC0] =	vst v4;
	v4 =	vadd.s32 $0x8, v5;
	v5 =	vmul.u32 $0x9, v6  }
0x7a: {  	[tilespmem:$0x9100] =	vst v4  }
0x7b: {  	[tilespmem:$0x8710] =	vst v5;
	v4 =	vadd.s32 $0x1, v5  }
0x7c: {  	v55 =	vld [tilespmem:$0x85A0];
	[tilespmem:$0x8850] =	vst v4;
	v4 =	vadd.s32 $0x2, v5  }
0x7d: {  	[tilespmem:$0x8990] =	vst v4;
	v4 =	vadd.s32 $0x3, v5  }
0x7e: {  	[tilespmem:$0x8AD0] =	vst v4;
	v4 =	vadd.s32 $0x4, v5  }
0x7f: {  	[tilespmem:$0x8C10] =	vst v4;
	v4 =	vadd.s32 $0x5, v5  }
0x80: {  	[tilespmem:$0x8D50] =	vst v4;
	v4 =	vadd.s32 $0x6, v5  }
0x81: {  	v6 =	vadd.s32 v0, v55;
	[tilespmem:$0x8E90] =	vst v4;
	v4 =	vadd.s32 $0x7, v5  }
0x82: {  	[tilespmem:$0x8FD0] =	vst v4;
	v4 =	vadd.s32 $0x8, v5;
	v5 =	vmul.u32 $0x9, v6  }
0x83: {  	[tilespmem:$0x9110] =	vst v4  }
0x84: {  	[tilespmem:$0x8720] =	vst v5;
	v4 =	vadd.s32 $0x1, v5  }
0x85: {  	v56 =	vld [tilespmem:$0x85B0];
	[tilespmem:$0x8860] =	vst v4;
	v4 =	vadd.s32 $0x2, v5  }
0x86: {  	[tilespmem:$0x89A0] =	vst v4;
	v4 =	vadd.s32 $0x3, v5  }
0x87: {  	[tilespmem:$0x8AE0] =	vst v4;
	v4 =	vadd.s32 $0x4, v5  }
0x88: {  	[tilespmem:$0x8C20] =	vst v4;
	v4 =	vadd.s32 $0x5, v5  }
0x89: {  	[tilespmem:$0x8D60] =	vst v4;
	v4 =	vadd.s32 $0x6, v5  }
0x8a: {  	v6 =	vadd.s32 v0, v56;
	[tilespmem:$0x8EA0] =	vst v4;
	v4 =	vadd.s32 $0x7, v5  }
0x8b: {  	[tilespmem:$0x8FE0] =	vst v4;
	v4 =	vadd.s32 $0x8, v5;
	v5 =	vmul.u32 $0x9, v6  }
0x8c: {  	[tilespmem:$0x9120] =	vst v4  }
0x8d: {  	[tilespmem:$0x8730] =	vst v5;
	v4 =	vadd.s32 $0x1, v5  }
0x8e: {  	v57 =	vld [tilespmem:$0x85C0];
	[tilespmem:$0x8870] =	vst v4;
	v4 =	vadd.s32 $0x2, v5  }
0x8f: {  	[tilespmem:$0x89B0] =	vst v4;
	v4 =	vadd.s32 $0x3, v5  }
0x90: {  	[tilespmem:$0x8AF0] =	vst v4;
	v4 =	vadd.s32 $0x4, v5  }
0x91: {  	[tilespmem:$0x8C30] =	vst v4;
	v4 =	vadd.s32 $0x5, v5  }
0x92: {  	[tilespmem:$0x8D70] =	vst v4;
	v4 =	vadd.s32 $0x6, v5  }
0x93: {  	v6 =	vadd.s32 v0, v57;
	[tilespmem:$0x8EB0] =	vst v4;
	v4 =	vadd.s32 $0x7, v5  }
0x94: {  	[tilespmem:$0x8FF0] =	vst v4;
	v4 =	vadd.s32 $0x8, v5;
	v5 =	vmul.u32 $0x9, v6  }
0x95: {  	[tilespmem:$0x9130] =	vst v4  }
0x96: {  	[tilespmem:$0x8740] =	vst v5;
	v4 =	vadd.s32 $0x1, v5  }
0x97: {  	v58 =	vld [tilespmem:$0x85D0];
	[tilespmem:$0x8880] =	vst v4;
	v4 =	vadd.s32 $0x2, v5  }
0x98: {  	[tilespmem:$0x89C0] =	vst v4;
	v4 =	vadd.s32 $0x3, v5  }
0x99: {  	[tilespmem:$0x8B00] =	vst v4;
	v4 =	vadd.s32 $0x4, v5  }
0x9a: {  	[tilespmem:$0x8C40] =	vst v4;
	v4 =	vadd.s32 $0x5, v5  }
0x9b: {  	[tilespmem:$0x8D80] =	vst v4;
	v4 =	vadd.s32 $0x6, v5  }
0x9c: {  	v6 =	vadd.s32 v0, v58;
	[tilespmem:$0x8EC0] =	vst v4;
	v4 =	vadd.s32 $0x7, v5  }
0x9d: {  	[tilespmem:$0x9000] =	vst v4;
	v4 =	vadd.s32 $0x8, v5;
	v5 =	vmul.u32 $0x9, v6  }
0x9e: {  	[tilespmem:$0x9140] =	vst v4  }
0x9f: {  	[tilespmem:$0x8750] =	vst v5;
	v4 =	vadd.s32 $0x1, v5  }
0xa0: {  	v59 =	vld [tilespmem:$0x85E0];
	[tilespmem:$0x8890] =	vst v4;
	v4 =	vadd.s32 $0x2, v5  }
0xa1: {  	[tilespmem:$0x89D0] =	vst v4;
	v4 =	vadd.s32 $0x3, v5  }
0xa2: {  	[tilespmem:$0x8B10] =	vst v4;
	v4 =	vadd.s32 $0x4, v5  }
0xa3: {  	[tilespmem:$0x8C50] =	vst v4;
	v4 =	vadd.s32 $0x5, v5  }
0xa4: {  	[tilespmem:$0x8D90] =	vst v4;
	v4 =	vadd.s32 $0x6, v5  }
0xa5: {  	v6 =	vadd.s32 v0, v59;
	[tilespmem:$0x8ED0] =	vst v4;
	v4 =	vadd.s32 $0x7, v5  }
0xa6: {  	[tilespmem:$0x9010] =	vst v4;
	v4 =	vadd.s32 $0x8, v5;
	v5 =	vmul.u32 $0x9, v6  }
0xa7: {  	[tilespmem:$0x9150] =	vst v4  }
0xa8: {  	[tilespmem:$0x8760] =	vst v5;
	v4 =	vadd.s32 $0x1, v5  }
0xa9: {  	v60 =	vld [tilespmem:$0x85F0];
	[tilespmem:$0x88A0] =	vst v4;
	v4 =	vadd.s32 $0x2, v5  }
0xaa: {  	[tilespmem:$0x89E0] =	vst v4;
	v4 =	vadd.s32 $0x3, v5  }
0xab: {  	[tilespmem:$0x8B20] =	vst v4;
	v4 =	vadd.s32 $0x4, v5  }
0xac: {  	[tilespmem:$0x8C60] =	vst v4;
	v4 =	vadd.s32 $0x5, v5  }
0xad: {  	[tilespmem:$0x8DA0] =	vst v4;
	v4 =	vadd.s32 $0x6, v5  }
0xae: {  	v6 =	vadd.s32 v0, v60;
	[tilespmem:$0x8EE0] =	vst v4;
	v4 =	vadd.s32 $0x7, v5  }
0xaf: {  	[tilespmem:$0x9020] =	vst v4;
	v4 =	vadd.s32 $0x8, v5;
	v5 =	vmul.u32 $0x9, v6  }
0xb0: {  	[tilespmem:$0x9160] =	vst v4  }
0xb1: {  	[tilespmem:$0x8770] =	vst v5;
	v4 =	vadd.s32 $0x1, v5  }
0xb2: {  	v61 =	vld [tilespmem:$0x8600];
	[tilespmem:$0x88B0] =	vst v4;
	v4 =	vadd.s32 $0x2, v5  }
0xb3: {  	[tilespmem:$0x89F0] =	vst v4;
	v4 =	vadd.s32 $0x3, v5  }
0xb4: {  	[tilespmem:$0x8B30] =	vst v4;
	v4 =	vadd.s32 $0x4, v5  }
0xb5: {  	[tilespmem:$0x8C70] =	vst v4;
	v4 =	vadd.s32 $0x5, v5  }
0xb6: {  	[tilespmem:$0x8DB0] =	vst v4;
	v4 =	vadd.s32 $0x6, v5  }
0xb7: {  	v6 =	vadd.s32 v0, v61;
	[tilespmem:$0x8EF0] =	vst v4;
	v4 =	vadd.s32 $0x7, v5  }
0xb8: {  	[tilespmem:$0x9030] =	vst v4;
	v4 =	vadd.s32 $0x8, v5;
	v5 =	vmul.u32 $0x9, v6  }
0xb9: {  	[tilespmem:$0x9170] =	vst v4  }
0xba: {  	[tilespmem:$0x8780] =	vst v5;
	v4 =	vadd.s32 $0x1, v5  }
0xbb: {  	v62 =	vld [tilespmem:$0x8610];
	[tilespmem:$0x88C0] =	vst v4;
	v4 =	vadd.s32 $0x2, v5  }
0xbc: {  	[tilespmem:$0x8A00] =	vst v4;
	v4 =	vadd.s32 $0x3, v5  }
0xbd: {  	[tilespmem:$0x8B40] =	vst v4;
	v4 =	vadd.s32 $0x4, v5  }
0xbe: {  	[tilespmem:$0x8C80] =	vst v4;
	v4 =	vadd.s32 $0x5, v5  }
0xbf: {  	[tilespmem:$0x8DC0] =	vst v4;
	v4 =	vadd.s32 $0x6, v5  }
0xc0: {  	v6 =	vadd.s32 v0, v62;
	[tilespmem:$0x8F00] =	vst v4;
	v4 =	vadd.s32 $0x7, v5  }
0xc1: {  	[tilespmem:$0x9040] =	vst v4;
	v4 =	vadd.s32 $0x8, v5;
	v5 =	vmul.u32 $0x9, v6  }
0xc2: {  	[tilespmem:$0x9180] =	vst v4  }
0xc3: {  	v63 =	vld [tilespmem:$0x8620];
	[tilespmem:$0x8790] =	vst v5;
	v4 =	vadd.s32 $0x1, v5  }
0xc4: {  	[tilespmem:$0x88D0] =	vst v4;
	v4 =	vadd.s32 $0x2, v5  }
0xc5: {  	[tilespmem:$0x8A10] =	vst v4;
	v4 =	vadd.s32 $0x3, v5  }
0xc6: {  	[tilespmem:$0x8B50] =	vst v4;
	v4 =	vadd.s32 $0x4, v5  }
0xc7: {  	[tilespmem:$0x8C90] =	vst v4;
	v4 =	vadd.s32 $0x5, v5  }
0xc8: {  	v6 =	vadd.s32 v0, v63;
	[tilespmem:$0x8DD0] =	vst v4;
	v4 =	vadd.s32 $0x6, v5  }
0xc9: {  	v6 =	vmul.u32 $0x9, v6;
	[tilespmem:$0x8F10] =	vst v4;
	v4 =	vadd.s32 $0x7, v5  }
0xca: {  	[tilespmem:$0x9050] =	vst v4;
	v4 =	vadd.s32 $0x8, v5  }
0xcb: {  	[tilespmem:$0x9190] =	vst v4;
	v4 =	vadd.s32 $0x1, v6  }
0xcc: {  	[tilespmem:$0x88E0] =	vst v4;
	v4 =	vadd.s32 $0x2, v6  }
0xcd: {  	v5 =	vld [tilespmem:$0x8630];
	[tilespmem:$0x8A20] =	vst v4;
	v4 =	vadd.s32 $0x3, v6  }
0xce: {  	[tilespmem:$0x8B60] =	vst v4;
	v4 =	vadd.s32 $0x4, v6  }
0xcf: {  	[tilespmem:$0x8CA0] =	vst v4;
	v4 =	vadd.s32 $0x5, v6  }
0xd0: {  	[tilespmem:$0x8DE0] =	vst v4;
	v4 =	vadd.s32 $0x6, v6  }
0xd1: {  	[tilespmem:$0x8F20] =	vst v4;
	v4 =	vadd.s32 $0x7, v6  }
0xd2: {  	[tilespmem:$0x9060] =	vst v4;
	v4 =	vadd.s32 v0, v5  }
0xd3: {  	[tilespmem:$0x87A0] =	vst v6;
	v5 =	vadd.s32 $0x8, v6;
	v4 =	vmul.u32 $0x9, v4  }
0xd4: {  	[tilespmem:$0x91A0] =	vst v5  }
0xd5: {  	[tilespmem:$0x87B0] =	vst v4;
	v5 =	vadd.s32 $0x1, v4  }
0xd6: {  	[tilespmem:$0x88F0] =	vst v5;
	v5 =	vadd.s32 $0x2, v4  }
0xd7: {  	[tilespmem:$0x8A30] =	vst v5;
	v5 =	vadd.s32 $0x3, v4  }
0xd8: {  	[tilespmem:$0x8B70] =	vst v5;
	v5 =	vadd.s32 $0x4, v4  }
0xd9: {  	[tilespmem:$0x8CB0] =	vst v5;
	v5 =	vadd.s32 $0x5, v4  }
0xda: {  	[tilespmem:$0x8DF0] =	vst v5;
	v5 =	vadd.s32 $0x6, v4  }
0xdb: {  	[tilespmem:$0x8F30] =	vst v5;
	v5 =	vadd.s32 $0x7, v4  }
0xdc: {  	v4 =	vadd.s32 $0x8, v4;
	[tilespmem:$0x9070] =	vst v5  }
0xdd: {  	s0 =	simm.s32 $0x8680;
	[tilespmem:$0x91B0] =	vst v4  }
0xde: {  	[tilespmem:s18], [sflag:$0x1] =	stream.indirect.gather [hbm4b:s3+s16], $0x1, s0, s16, $0xb8;
	[tilespmem:$0x9D80] =	vst v63  }
0xdf: {  	s17 =	simm.s32 $0x86E0;
	s1 =	simm.s32 $0x9260  }
0xe0: {  	[tilespmem:s1], [sflag:$0x1] =	stream.indirect.gather [hbm4b:s3+s16], $0x1, s17, s16, $0xb8;
	[tilespmem:$0x9D80] =	vst v63  }
0xe1: {  	s19 =	simm.s32 $0x8740;
	s31 =	simm.s32 $0x92C0  }
0xe2: {  	[tilespmem:s31], [sflag:$0x1] =	stream.indirect.gather [hbm4b:s3+s16], $0x1, s19, s16, $0xb8;
	[tilespmem:$0x9D80] =	vst v63  }
0xe3: {  	s10 =	simm.s32 $0x87A0;
	s17 =	simm.s32 $0x9320  }
0xe4: {  	[tilespmem:s17], [sflag:$0x1] =	stream.indirect.gather [hbm4b:s3+s16], $0x1, s10, s16, $0xb8;
	[tilespmem:$0x9D80] =	vst v63  }
0xe5: {  	s19 =	simm.s32 $0x8800;
	s31 =	simm.s32 $0x9380  }
0xe6: {  	[tilespmem:s31], [sflag:$0x1] =	stream.indirect.gather [hbm4b:s3+s16], $0x1, s19, s16, $0xb8;
	[tilespmem:$0x9D80] =	vst v63  }
0xe7: {  	s10 =	simm.s32 $0x8860;
	s17 =	simm.s32 $0x93E0  }
0xe8: {  	[tilespmem:s17], [sflag:$0x1] =	stream.indirect.gather [hbm4b:s3+s16], $0x1, s10, s16, $0xb8;
	[tilespmem:$0x9D80] =	vst v63  }
0xe9: {  	s19 =	simm.s32 $0x88C0;
	s31 =	simm.s32 $0x9440  }
0xea: {  	[tilespmem:s31], [sflag:$0x1] =	stream.indirect.gather [hbm4b:s3+s16], $0x1, s19, s16, $0xb8;
	[tilespmem:$0x9D80] =	vst v63  }
0xeb: {  	s10 =	simm.s32 $0x8920;
	s17 =	simm.s32 $0x94A0  }
0xec: {  	[tilespmem:s17], [sflag:$0x1] =	stream.indirect.gather [hbm4b:s3+s16], $0x1, s10, s16, $0xb8;
	[tilespmem:$0x9D80] =	vst v63  }
0xed: {  	s19 =	simm.s32 $0x8980;
	s31 =	simm.s32 $0x9500  }
0xee: {  	[tilespmem:s31], [sflag:$0x1] =	stream.indirect.gather [hbm4b:s3+s16], $0x1, s19, s16, $0xb8;
	[tilespmem:$0x9D80] =	vst v63  }
0xef: {  	s10 =	simm.s32 $0x89E0;
	s17 =	simm.s32 $0x9560  }
0xf0: {  	[tilespmem:s17], [sflag:$0x1] =	stream.indirect.gather [hbm4b:s3+s16], $0x1, s10, s16, $0xb8;
	[tilespmem:$0x9D80] =	vst v63  }
0xf1: {  	s19 =	simm.s32 $0x8A40;
	s31 =	simm.s32 $0x95C0  }
0xf2: {  	[tilespmem:s31], [sflag:$0x1] =	stream.indirect.gather [hbm4b:s3+s16], $0x1, s19, s16, $0xb8;
	[tilespmem:$0x9D80] =	vst v63  }
0xf3: {  	s10 =	simm.s32 $0x8AA0;
	s17 =	simm.s32 $0x9620  }
0xf4: {  	[tilespmem:s17], [sflag:$0x1] =	stream.indirect.gather [hbm4b:s3+s16], $0x1, s10, s16, $0xb8;
	[tilespmem:$0x9D80] =	vst v63  }
0xf5: {  	s19 =	simm.s32 $0x8B00;
	s31 =	simm.s32 $0x9680  }
0xf6: {  	[tilespmem:s31], [sflag:$0x1] =	stream.indirect.gather [hbm4b:s3+s16], $0x1, s19, s16, $0xb8;
	[tilespmem:$0x9D80] =	vst v63  }
0xf7: {  	s10 =	simm.s32 $0x8B60;
	s17 =	simm.s32 $0x96E0  }
0xf8: {  	[tilespmem:s17], [sflag:$0x1] =	stream.indirect.gather [hbm4b:s3+s16], $0x1, s10, s16, $0xb8;
	[tilespmem:$0x9D80] =	vst v63  }
0xf9: {  	s19 =	simm.s32 $0x8BC0;
	s31 =	simm.s32 $0x9740  }
0xfa: {  	[tilespmem:s31], [sflag:$0x1] =	stream.indirect.gather [hbm4b:s3+s16], $0x1, s19, s16, $0xb8;
	[tilespmem:$0x9D80] =	vst v63  }
0xfb: {  	s10 =	simm.s32 $0x8C20;
	s17 =	simm.s32 $0x97A0  }
0xfc: {  	[tilespmem:s17], [sflag:$0x1] =	stream.indirect.gather [hbm4b:s3+s16], $0x1, s10, s16, $0xb8;
	[tilespmem:$0x9D80] =	vst v63  }
0xfd: {  	s19 =	simm.s32 $0x8C80;
	s31 =	simm.s32 $0x9800  }
0xfe: {  	[tilespmem:s31], [sflag:$0x1] =	stream.indirect.gather [hbm4b:s3+s16], $0x1, s19, s16, $0xb8;
	[tilespmem:$0x9D80] =	vst v63  }
0xff: {  	s10 =	simm.s32 $0x8CE0;
	s17 =	simm.s32 $0x9860  }
0x100: {  	[tilespmem:s17], [sflag:$0x1] =	stream.indirect.gather [hbm4b:s3+s16], $0x1, s10, s16, $0xb8;
	[tilespmem:$0x9D80] =	vst v63  }
0x101: {  	s19 =	simm.s32 $0x8D40;
	s31 =	simm.s32 $0x98C0  }
0x102: {  	[tilespmem:s31], [sflag:$0x1] =	stream.indirect.gather [hbm4b:s3+s16], $0x1, s19, s16, $0xb8;
	[tilespmem:$0x9D80] =	vst v63  }
0x103: {  	s10 =	simm.s32 $0x8DA0;
	s17 =	simm.s32 $0x9920  }
0x104: {  	[tilespmem:s17], [sflag:$0x1] =	stream.indirect.gather [hbm4b:s3+s16], $0x1, s10, s16, $0xb8;
	[tilespmem:$0x9D80] =	vst v63  }
0x105: {  	s19 =	simm.s32 $0x8E00;
	s31 =	simm.s32 $0x9980  }
0x106: {  	[tilespmem:s31], [sflag:$0x1] =	stream.indirect.gather [hbm4b:s3+s16], $0x1, s19, s16, $0xb8;
	[tilespmem:$0x9D80] =	vst v63  }
0x107: {  	s10 =	simm.s32 $0x8E60;
	s17 =	simm.s32 $0x99E0  }
0x108: {  	[tilespmem:s17], [sflag:$0x1] =	stream.indirect.gather [hbm4b:s3+s16], $0x1, s10, s16, $0xb8;
	[tilespmem:$0x9D80] =	vst v63  }
0x109: {  	s19 =	simm.s32 $0x8EC0;
	s31 =	simm.s32 $0x9A40  }
0x10a: {  	[tilespmem:s31], [sflag:$0x1] =	stream.indirect.gather [hbm4b:s3+s16], $0x1, s19, s16, $0xb8;
	[tilespmem:$0x9D80] =	vst v63  }
0x10b: {  	s1 =	simm.s32 $0x8F20;
	s10 =	simm.s32 $0x9AA0  }
0x10c: {  	[tilespmem:s10], [sflag:$0x1] =	stream.indirect.gather [hbm4b:s3+s16], $0x1, s1, s16, $0xb8;
	[tilespmem:$0x9D80] =	vst v63  }
0x10d: {  	s17 =	simm.s32 $0x8F80;
	s19 =	simm.s32 $0x9B00  }
0x10e: {  	[tilespmem:s19], [sflag:$0x1] =	stream.indirect.gather [hbm4b:s3+s16], $0x1, s17, s16, $0xb8;
	[tilespmem:$0x9D80] =	vst v63  }
0x10f: {  	s31 =	simm.s32 $0x8FE0  }
0x110: {  	[tilespmem:s20], [sflag:$0x1] =	stream.indirect.gather [hbm4b:s3+s16], $0x1, s31, s16, $0xb8;
	[tilespmem:$0x9D80] =	vst v63  }
0x111: {  	_ = 	snop  }
0x112: {  	[tilespmem:s22], [sflag:$0x1] =	stream.indirect.gather [hbm4b:s3+s16], $0x1, s21, s16, $0xb8;
	[tilespmem:$0x9D80] =	vst v63  }
0x113: {  	_ = 	snop  }
0x114: {  	[tilespmem:s24], [sflag:$0x1] =	stream.indirect.gather [hbm4b:s3+s16], $0x1, s23, s16, $0xb8;
	[tilespmem:$0x9D80] =	vst v63  }
0x115: {  	_ = 	snop  }
0x116: {  	[tilespmem:s26], [sflag:$0x1] =	stream.indirect.gather [hbm4b:s3+s16], $0x1, s25, s16, $0xb8;
	[tilespmem:$0x9D80] =	vst v63  }
0x117: {  	_ = 	snop  }
0x118: {  	[tilespmem:s29], [sflag:$0x1] =	stream.indirect.gather [hbm4b:s3+s16], $0x1, s28, s16, $0xb8;
	[tilespmem:$0x9D80] =	vst v63  }
0x119: {  	_ =	swait.ge [sflag:s13], $0x60  }
0x11a: {  	[sflag:s13] =	ssyncset.done $0x0  }
0x11b: {  	[sflag:s13] =	ssyncadd.s32 $0xFFFFFFA0  }
0x11c: {  	_ =	swait.ge [sflag:s13], $0x60  }
0x11d: {  	[sflag:s13] =	ssyncset.done $0x0  }
0x11e: {  	[sflag:s13] =	ssyncadd.s32 $0xFFFFFFA0  }
0x11f: {  	_ =	swait.ge [sflag:s13], $0x60  }
0x120: {  	[sflag:s13] =	ssyncset.done $0x0  }
0x121: {  	[sflag:s13] =	ssyncadd.s32 $0xFFFFFFA0  }
0x122: {  	_ =	swait.ge [sflag:s13], $0x60  }
0x123: {  	[sflag:s13] =	ssyncset.done $0x0  }
0x124: {  	[sflag:s13] =	ssyncadd.s32 $0xFFFFFFA0  }
0x125: {  	_ =	swait.ge [sflag:s13], $0x60  }
0x126: {  	[sflag:s13] =	ssyncset.done $0x0  }
0x127: {  	[sflag:s13] =	ssyncadd.s32 $0xFFFFFFA0  }
0x128: {  	_ =	swait.ge [sflag:s13], $0x60  }
0x129: {  	[sflag:s13] =	ssyncset.done $0x0  }
0x12a: {  	[sflag:s13] =	ssyncadd.s32 $0xFFFFFFA0  }
0x12b: {  	_ =	swait.ge [sflag:s13], $0x60  }
0x12c: {  	[sflag:s13] =	ssyncset.done $0x0  }
0x12d: {  	[sflag:s13] =	ssyncadd.s32 $0xFFFFFFA0  }
0x12e: {  	_ =	swait.ge [sflag:s13], $0x60  }
0x12f: {  	[sflag:s13] =	ssyncset.done $0x0  }
0x130: {  	[sflag:s13] =	ssyncadd.s32 $0xFFFFFFA0  }
0x131: {  	_ =	swait.ge [sflag:s13], $0x60  }
0x132: {  	[sflag:s13] =	ssyncset.done $0x0  }
0x133: {  	[sflag:s13] =	ssyncadd.s32 $0xFFFFFFA0  }
0x134: {  	_ =	swait.ge [sflag:s13], $0x60  }
0x135: {  	[sflag:s13] =	ssyncset.done $0x0  }
0x136: {  	[sflag:s13] =	ssyncadd.s32 $0xFFFFFFA0  }
0x137: {  	_ =	swait.ge [sflag:s13], $0x60  }
0x138: {  	[sflag:s13] =	ssyncset.done $0x0  }
0x139: {  	[sflag:s13] =	ssyncadd.s32 $0xFFFFFFA0  }
0x13a: {  	_ =	swait.ge [sflag:s13], $0x60  }
0x13b: {  	[sflag:s13] =	ssyncset.done $0x0  }
0x13c: {  	[sflag:s13] =	ssyncadd.s32 $0xFFFFFFA0  }
0x13d: {  	_ =	swait.ge [sflag:s13], $0x60  }
0x13e: {  	[sflag:s13] =	ssyncset.done $0x0  }
0x13f: {  	[sflag:s13] =	ssyncadd.s32 $0xFFFFFFA0  }
0x140: {  	_ =	swait.ge [sflag:s13], $0x60  }
0x141: {  	[sflag:s13] =	ssyncset.done $0x0  }
0x142: {  	[sflag:s13] =	ssyncadd.s32 $0xFFFFFFA0  }
0x143: {  	_ =	swait.ge [sflag:s13], $0x60  }
0x144: {  	[sflag:s13] =	ssyncset.done $0x0  }
0x145: {  	[sflag:s13] =	ssyncadd.s32 $0xFFFFFFA0  }
0x146: {  	_ =	swait.ge [sflag:s13], $0x60  }
0x147: {  	[sflag:s13] =	ssyncset.done $0x0  }
0x148: {  	[sflag:s13] =	ssyncadd.s32 $0xFFFFFFA0  }
0x149: {  	_ =	swait.ge [sflag:s13], $0x60  }
0x14a: {  	[sflag:s13] =	ssyncset.done $0x0  }
0x14b: {  	[sflag:s13] =	ssyncadd.s32 $0xFFFFFFA0  }
0x14c: {  	_ =	swait.ge [sflag:s13], $0x60  }
0x14d: {  	[sflag:s13] =	ssyncset.done $0x0  }
0x14e: {  	[sflag:s13] =	ssyncadd.s32 $0xFFFFFFA0  }
0x14f: {  	_ =	swait.ge [sflag:s13], $0x60  }
0x150: {  	[sflag:s13] =	ssyncset.done $0x0  }
0x151: {  	[sflag:s13] =	ssyncadd.s32 $0xFFFFFFA0  }
0x152: {  	_ =	swait.ge [sflag:s13], $0x60  }
0x153: {  	[sflag:s13] =	ssyncset.done $0x0  }
0x154: {  	[sflag:s13] =	ssyncadd.s32 $0xFFFFFFA0  }
0x155: {  	_ =	swait.ge [sflag:s13], $0x60  }
0x156: {  	[sflag:s13] =	ssyncset.done $0x0  }
0x157: {  	[sflag:s13] =	ssyncadd.s32 $0xFFFFFFA0  }
0x158: {  	_ =	swait.ge [sflag:s13], $0x60  }
0x159: {  	[sflag:s13] =	ssyncset.done $0x0  }
0x15a: {  	[sflag:s13] =	ssyncadd.s32 $0xFFFFFFA0  }
0x15b: {  	_ =	swait.ge [sflag:s13], $0x60  }
0x15c: {  	[sflag:s13] =	ssyncset.done $0x0  }
0x15d: {  	[sflag:s13] =	ssyncadd.s32 $0xFFFFFFA0  }
0x15e: {  	_ =	swait.ge [sflag:s13], $0x60  }
0x15f: {  	[sflag:s13] =	ssyncset.done $0x0  }
0x160: {  	[sflag:s13] =	ssyncadd.s32 $0xFFFFFFA0  }
0x161: {  	_ =	swait.ge [sflag:s13], $0x60  }
0x162: {  	[sflag:s13] =	ssyncset.done $0x0  }
0x163: {  	[sflag:s13] =	ssyncadd.s32 $0xFFFFFFA0  }
0x164: {  	_ =	swait.ge [sflag:s13], $0x60  }
0x165: {  	[sflag:s13] =	ssyncset.done $0x0  }
0x166: {  	[sflag:s13] =	ssyncadd.s32 $0xFFFFFFA0  }
0x167: {  	_ =	swait.ge [sflag:s13], $0x60  }
0x168: {  	[sflag:s13] =	ssyncset.done $0x0  }
0x169: {  	[sflag:s13] =	ssyncadd.s32 $0xFFFFFFA0  }
0x16a: {  	_ =	swait.ge [sflag:s13], $0x60  }
0x16b: {  	[sflag:s13] =	ssyncset.done $0x0  }
0x16c: {  	[sflag:s13] =	ssyncadd.s32 $0xFFFFFFA0  }
0x16d: {  	_ =	swait.ge [sflag:s13], $0x60  }
0x16e: {  	[sflag:s13] =	ssyncset.done $0x0  }
0x16f: {  	[sflag:s13] =	ssyncadd.s32 $0xFFFFFFA0  }
0x170: {  	_ =	swait.ge [sflag:s13], $0x60  }
0x171: {  	[sflag:s13] =	ssyncset.done $0x0  }
0x172: {  	[sflag:s13] =	ssyncadd.s32 $0xFFFFFFA0  }
0x173: {  	[hbm4b:s4+s2] =	stream.linear.scatter [tilespmem:s18], [sflag:$0x2], $0xB40, $0x38;
	[tilespmem:$0x9D80] =	vst v63  }
0x174: {  	_ =	swait.ge [sflag:s9], $0xB40  }
0x175: {  	[sflag:s9] =	ssyncset.done $0x0  }
0x176: {  	[sflag:s9] =	ssyncadd.s32 $0xFFFFF4C0  }
0x177: {  	[hbm4b:s5+s2] =	stream.linear.scatter [tilespmem:s14], [sflag:$0x2], $0x140, $0x38;
	[tilespmem:$0x9D80] =	vst v63  }
0x178: {  	s30 =	sadd.s32 $0x1, s30;
	_ =	swait.ge [sflag:s9], $0x140  }
0x179: {  	p0 =	sne.s32 s30, s8;
	[sflag:s9] =	ssyncset.done $0x0  }
.Ltmp2:
0x17a: {  	[sflag:s9] =	ssyncadd.s32 $0xFFFFFEC0;
	(pc) =	sbr.rel @!p0 .LBB2_71-.Ltmp2, $4  }
0x17b: {  	[hbm4b:s6+s2] =	stream.linear.scatter [tilespmem:s15], [sflag:$0x2], $0x140, $0x38;
	[tilespmem:$0x9D80] =	vst v63  }
0x17c: {  	_ =	swait.ge [sflag:s9], $0x140  }
0x17d: {  	[sflag:s9] =	ssyncset.done $0x0  }
0x17e: {  	[sflag:s9] =	ssyncadd.s32 $0xFFFFFEC0  }
.LBB2_2:
0x17f: {  	s0 =	simm.s32 $0x0  }
0x180: {  	[tilespmem:s0], [sflag:$0x2] =	stream.linear.gather [hbm4b:s7+s0], $0x6270, $0x38;
	[tilespmem:$0x9D80] =	vst v63  }
0x181: {  	_ =	swait.ge [sflag:s9], $0x6270  }
0x182: {  	[sflag:s9] =	ssyncset.done $0x0  }
0x183: {  	s31 =	simm.s32 $0x0;
	[sflag:s9] =	ssyncadd.s32 $0xFFFF9D90  }
0x184: {  	v4 =	vld [tilespmem:s31+$0x0];
	_ =	sdelay $0x4  }
0x185: {  	s1 =	simm.s32 $0x10;
	v5 =	vxor.u32 $0x7FFFFFFF, v4;
	vm0 =	vlt.s32 v4, $0x0  }
0x186: {  	v7 =	vld [tilespmem:s1+$0x0];
	v4 =	vsel vm0, v5, v4  }
0x187: {  	vm0 =	vgt.s32 v4, $0xFFFFFFFF;
	vm1 =	vgt.s32 v4, $0xBFFFFFFF  }
0x188: {  	vm2 =	vgt.s32 v4, $0x3FFFFFFF;
	v4 =	vmpcnt.ones.xlane vm0;
	v6 =	vmpcnt.ones.xlane vm1  }
0x189: {  	v8 =	vmpcnt.ones.xlane vm2  }
0x18a: {  	s0 =	simm.s32 $0x80;
	v5 =	vadd.s32 v1, v4;
	v4 =	vadd.s32 v1, v6;
	v6 =	vimm.s32 $0x0  }
.LBB2_3:
0x18b: {  	s1 =	sshra.s32 s0, $0x2;
	p0 =	sne.s32 s0, $0x18980;
	s0 =	sadd.s32 $0x40, s0;
	v9 =	vxor.u32 $0x7FFFFFFF, v7;
	vm0 =	vlt.s32 v7, $0x0;
	v6 =	vadd.s32 v6, v8  }
.Ltmp3:
0x18c: {  	v8 =	vsel vm0, v9, v7;
	v7 =	vld [tilespmem:s1+$0x0];
	(pc) =	sbr.rel @p0 .LBB2_3-.Ltmp3, $4  }
0x18d: {  	vm0 =	vgt.s32 v8, $0xFFFFFFFF;
	vm1 =	vgt.s32 v8, $0x3FFFFFFF;
	vm2 =	vgt.s32 v8, $0xBFFFFFFF  }
0x18e: {  	v9 =	vmpcnt.ones.xlane vm0;
	v10 =	vmpcnt.ones.xlane vm2  }
0x18f: {  	v8 =	vmpcnt.ones.xlane vm1  }
0x190: {  	v5 =	vadd.s32 v5, v9;
	v4 =	vadd.s32 v4, v10  }
0x191: {  	v9 =	vxor.u32 $0x7FFFFFFF, v7;
	vm0 =	vlt.s32 v7, $0x0  }
0x192: {  	v7 =	vsel vm0, v9, v7  }
0x193: {  	vm0 =	vgt.s32 v7, $0xFFFFFFFF  }
0x194: {  	vm1 =	vgt.s32 v7, $0x3FFFFFFF;
	v61 =	vmpcnt.ones.xlane vm0  }
0x195: {  	vm15 =	vgt.s32 v7, $0xBFFFFFFF;
	v62 =	vmpcnt.ones.xlane vm1  }
0x196: {  	v6 =	vadd.s32 v6, v8;
	v63 =	vmpcnt.ones.xlane vm15;
	v5 =	vadd.s32 v5, v61  }
0x197: {  	v6 =	vadd.s32 v6, v62;
	(v2sf) =	vpush v5, $0x0  }
0x198: {  	v4 =	vadd.s32 v4, v63;
	(v2sf) =	vpush v6, $0x0  }
0x199: {  	(v2sf) =	vpush v4, $0x0;
	_ =	sdelay $0xc  }
0x19a: {  	s0 =	spop (v2sf)  }
0x19b: {  	s1 =	spop (v2sf)  }
0x19c: {  	p0 =	sgt.s32 s0, $0x12B;
	s10 =	spop (v2sf)  }
0x19d: {  	s31 =	simm.s32 $0x80000000;
	s10 =	smov.u32 @p0 s1  }
0x19e: {  	s31 =	simm.s32 @!p0 $0x0;
	s0 =	simm.s32 @!p0 $0x6270;
	p0 =	sgt.s32 s10, $0x12B  }
0x19f: {  	s1 =	sor.u32 $0x40000000, s31;
	s0 =	smov.u32 @p0 s10  }
0x1a0: {  	s31 =	smov.u32 @p0 s1;
	p0 =	sgt.s32 s0, $0xFF0  }
.Ltmp4:
0x1a1: {  	_ = 	snop;
	(pc) =	sbr.rel @!p0 .LBB2_5-.Ltmp4, $3  }
0x1a2: {  	_ =	sdelay $0x1  }
0x1a3: {  	[smem:$0x0] =	sst s31  }
0x1a4: {  	[smem:$0x2] =	sst s0  }
0x1a5: {  	s10 =	simm.s32 $0x0  }
0x1a6: {  	v6 =	vld [tilespmem:s10+$0x0];
	_ =	sdelay $0x2  }
0x1a7: {  	s1 =	sxor.u32 $0xA0000000, s31  }
0x1a8: {  	v4 =	vimm.s32 $0x0;
	v5 =	vmov s1;
	s1 =	simm.s32 $0x40  }
.LBB2_9:
0x1a9: {  	s10 =	sshra.s32 s1, $0x2;
	p0 =	sne.s32 s1, $0x18980;
	s1 =	sadd.s32 $0x40, s1;
	v7 =	vxor.u32 $0x7FFFFFFF, v6;
	vm0 =	vlt.s32 v6, $0x0  }
.Ltmp5:
0x1aa: {  	v7 =	vsel vm0, v7, v6;
	v6 =	vld [tilespmem:s10+$0x0];
	(pc) =	sbr.rel @p0 .LBB2_9-.Ltmp5, $3  }
0x1ab: {  	vm0 =	vge.s32 v7, v5  }
0x1ac: {  	v7 =	vmpcnt.ones.xlane vm0;
	_ =	sdelay $0x1  }
0x1ad: {  	v4 =	vadd.s32 v4, v7  }
0x1ae: {  	v7 =	vxor.u32 $0x7FFFFFFF, v6;
	vm0 =	vlt.s32 v6, $0x0  }
0x1af: {  	v6 =	vsel vm0, v7, v6  }
0x1b0: {  	vm0 =	vge.s32 v6, v5  }
0x1b1: {  	v5 =	vmpcnt.ones.xlane vm0;
	_ =	sdelay $0x1  }
0x1b2: {  	v4 =	vadd.s32 v4, v5  }
0x1b3: {  	(v2sf) =	vpush v4, $0x0;
	_ =	sdelay $0xe  }
0x1b4: {  	s1 =	spop (v2sf)  }
0x1b5: {  	p0 =	sgt.s32 s1, $0x12B  }
0x1b6: {  	s10 =	sor.u32 $0x20000000, s31;
	s0 =	smov.u32 @p0 s1  }
0x1b7: {  	s31 =	smov.u32 @p0 s10;
	p0 =	sgt.s32 s0, $0xFF0  }
.Ltmp6:
0x1b8: {  	_ = 	snop;
	(pc) =	sbr.rel @p0 .LBB2_14-.Ltmp6, $3  }
0x1b9: {  	_ =	sdelay $0x1  }
0x1ba: {  	[smem:$0x0] =	sst s31  }
0x1bb: {  	[smem:$0x2] =	sst s0  }
0x1bc: {  	s0 =	simm.s32 $0x0  }
0x1bd: {  	s1 =	sxor.u32 $0x80000000, s31;
	v7 =	vld [tilespmem:s0+$0x0]  }
0x1be: {  	v4 =	vimm.s32 $0x0;
	v5 =	vimm.s32 $0x0;
	s10 =	simm.s32 $0x0;
	v6 =	vmov s1;
	s1 =	simm.s32 $0x10  }
.LBB2_12:
0x1bf: {  	p0 =	seq.s32 s1, $0x6260;
	_ =	sdelay $0x2  }
0x1c0: {  	v8 =	vxor.u32 $0x7FFFFFFF, v7;
	vm0 =	vlt.s32 v7, $0x0  }
0x1c1: {  	v7 =	vsel vm0, v8, v7  }
0x1c2: {  	vm1 =	vlt.s32 v4, $0x1000;
	vm0 =	vge.s32 v7, v6  }
0x1c3: {  	vm0 =	vmand vm1, vm0  }
0x1c4: {  	v8 =	vsel vm0, $0x1, v1;
	v9 =	vmpcnt.ones.xlane vm0  }
0x1c5: {  	(xrf0) =	vadd.scan.msk.s32 $0xffff, v8  }
0x1c6: {  	v4 =	vadd.s32 v4, v9;
	_ =	sdelay $0x4  }
0x1c7: {  	v8, _, _ =	vpop (xrf0)  }
0x1c8: {  	v8 =	vadd.s32 v8, v5;
	v5 =	vmov v4  }
0x1c9: {  	v8 =	vadd.s32 $0xFFFFFFFF, v8;
	_ =	sdelay $0x3  }
.Ltmp7:
0x1ca: {  	(pc) =	sbr.rel @!p0 .LBB2_12-.Ltmp7, $4  }
0x1cb: {  	[tilespmem:v8+s11+$0x0] =	vst.idx.msk vm0, v7;
	v7 =	vor.u32 s0, v2;
	s0 =	smov.u32 s1  }
0x1cc: {  	s10 =	sadd.s32 $0x10, s10;
	[tilespmem:v8+s12+$0x0] =	vst.idx.msk vm0, v7  }
0x1cd: {  	v7 =	vld [tilespmem:s10+$0x0]  }
0x1ce: {  	s1 =	sadd.s32 $0x10, s1  }
0x1cf: {  	_ =	sdelay $0x2  }
0x1d0: {  	v8 =	vxor.u32 $0x7FFFFFFF, v7;
	vm0 =	vlt.s32 v7, $0x0  }
0x1d1: {  	v7 =	vsel vm0, v8, v7  }
0x1d2: {  	vm1 =	vlt.s32 v4, $0x1000;
	vm0 =	vge.s32 v7, v6  }
0x1d3: {  	vm0 =	vmand vm1, vm0  }
0x1d4: {  	v6 =	vsel vm0, $0x1, v1  }
0x1d5: {  	(xrf0) =	vadd.scan.msk.s32 $0xffff, v6;
	_ =	sdelay $0x5  }
0x1d6: {  	v6, _, _ =	vpop (xrf0)  }
0x1d7: {  	v5 =	vadd.s32 v6, v5  }
0x1d8: {  	v5 =	vadd.s32 $0xFFFFFFFF, v5;
	_ =	sdelay $0x1  }
.Ltmp8:
0x1d9: {  	_ = 	snop;
	(pc) =	sbr.rel .LBB2_53-.Ltmp8, $4  }
0x1da: {  	_ = 	snop  }
0x1db: {  	v6 =	vmpcnt.ones.xlane vm0  }
0x1dc: {  	[tilespmem:v5+s11+$0x0] =	vst.idx.msk vm0, v7;
	v7 =	vor.u32 s0, v2  }
0x1dd: {  	v4 =	vadd.s32 v4, v6;
	[tilespmem:v5+s12+$0x0] =	vst.idx.msk vm0, v7  }
.LBB2_5:
0x1de: {  	s0 =	simm.s32 $0x0  }
0x1df: {  	s1 =	sxor.u32 $0x80000000, s31;
	v7 =	vld [tilespmem:s0+$0x0]  }
0x1e0: {  	v4 =	vimm.s32 $0x0;
	v5 =	vimm.s32 $0x0;
	s10 =	simm.s32 $0x0;
	v6 =	vmov s1;
	s1 =	simm.s32 $0x10  }
.LBB2_6:
0x1e1: {  	p0 =	seq.s32 s1, $0x6260;
	_ =	sdelay $0x2  }
0x1e2: {  	v8 =	vxor.u32 $0x7FFFFFFF, v7;
	vm0 =	vlt.s32 v7, $0x0  }
0x1e3: {  	v7 =	vsel vm0, v8, v7  }
0x1e4: {  	vm1 =	vlt.s32 v4, $0x1000;
	vm0 =	vge.s32 v7, v6  }
0x1e5: {  	vm0 =	vmand vm1, vm0  }
0x1e6: {  	v8 =	vsel vm0, $0x1, v1;
	v9 =	vmpcnt.ones.xlane vm0  }
0x1e7: {  	(xrf0) =	vadd.scan.msk.s32 $0xffff, v8  }
0x1e8: {  	v4 =	vadd.s32 v4, v9;
	_ =	sdelay $0x4  }
0x1e9: {  	v8, _, _ =	vpop (xrf0)  }
0x1ea: {  	v8 =	vadd.s32 v8, v5;
	v5 =	vmov v4  }
0x1eb: {  	v8 =	vadd.s32 $0xFFFFFFFF, v8;
	_ =	sdelay $0x3  }
.Ltmp9:
0x1ec: {  	(pc) =	sbr.rel @!p0 .LBB2_6-.Ltmp9, $4  }
0x1ed: {  	[tilespmem:v8+s11+$0x0] =	vst.idx.msk vm0, v7;
	v7 =	vor.u32 s0, v2;
	s0 =	smov.u32 s1  }
0x1ee: {  	s10 =	sadd.s32 $0x10, s10;
	[tilespmem:v8+s12+$0x0] =	vst.idx.msk vm0, v7  }
0x1ef: {  	v7 =	vld [tilespmem:s10+$0x0]  }
0x1f0: {  	s1 =	sadd.s32 $0x10, s1  }
0x1f1: {  	_ =	sdelay $0x2  }
0x1f2: {  	v8 =	vxor.u32 $0x7FFFFFFF, v7;
	vm0 =	vlt.s32 v7, $0x0  }
0x1f3: {  	v7 =	vsel vm0, v8, v7  }
0x1f4: {  	vm1 =	vlt.s32 v4, $0x1000;
	vm0 =	vge.s32 v7, v6  }
0x1f5: {  	vm0 =	vmand vm1, vm0  }
0x1f6: {  	v6 =	vsel vm0, $0x1, v1  }
0x1f7: {  	(xrf0) =	vadd.scan.msk.s32 $0xffff, v6;
	_ =	sdelay $0x5  }
0x1f8: {  	v6, _, _ =	vpop (xrf0)  }
0x1f9: {  	v5 =	vadd.s32 v6, v5  }
0x1fa: {  	v5 =	vadd.s32 $0xFFFFFFFF, v5;
	_ =	sdelay $0x3  }
0x1fb: {  	v6 =	vmpcnt.ones.xlane vm0  }
0x1fc: {  	[tilespmem:v5+s11+$0x0] =	vst.idx.msk vm0, v7;
	v7 =	vor.u32 s0, v2  }
0x1fd: {  	v4 =	vadd.s32 v4, v6;
	[tilespmem:v5+s12+$0x0] =	vst.idx.msk vm0, v7  }
.LBB2_53:
0x1fe: {  	(v2sf) =	vpush v4, $0x0;
	_ =	sdelay $0xe  }
0x1ff: {  	s0 =	spop (v2sf)  }
0x200: {  	p0 =	slt.s32 s0, $0x1000  }
0x201: {  	p1 =	slt.s32 s0, $0xFFFFFFF2;
	s0 =	simm.s32 @!p0 $0x1000  }
0x202: {  	s1 =	sadd.s32 $0xF, s0  }
0x203: {  	s10 =	sand.u32 $0xF, s1  }
0x204: {  	v4 =	vadd.s32 s0, v2;
	s17 =	sshra.s32 s1, $0x1F;
	p6 =	sne.s32 s10, $0x0  }
0x205: {  	s10 =	sshrl.u32 s17, $0x1C;
	p0 =	por !p1, !p6  }
0x206: {  	s1 =	sadd.s32 s10, s1;
	s10 =	simm.s32 $0x1;
	p0 =	por !p0, !p0  }
0x207: {  	s19 =	sshra.s32 s1, $0x4;
	s10 =	simm.s32 @!p0 $0x0  }
0x208: {  	[smem:$0x3] =	sst s0;
	s0 =	simm.s32 $0x0;
	s31 =	ssub.s32 s19, s10  }
0x209: {  	[smem:$0x1] =	sst s13;
	s1 =	simm.s32 $0x0;
	[tilespmem:v4+s11+$0x0] =	vst.idx.msk $0xffff, v3;
	p0 =	slt.s32 s31, $0x1  }
.LBB2_54:
.Ltmp10:
0x20a: {  	(pc) =	sbr.rel @!p0 .LBB2_55-.Ltmp10, $1  }
0x20b: {  	_ =	sdelay $0x3  }
0x20c: {  	s1 =	sadd.s32 $0x1, s1  }
0x20d: {  	p1 =	seq.s32 s1, $0x20  }
.Ltmp11:
0x20e: {  	_ = 	snop;
	(pc) =	sbr.rel @!p1 .LBB2_54-.Ltmp11, $4  }
.Ltmp12:
0x20f: {  	_ = 	snop;
	(pc) =	sbr.rel @p1 .LBB2_70-.Ltmp12, $4  }
0x210: {  	_ = 	snop  }
0x211: {  	_ = 	snop  }
0x212: {  	_ = 	snop  }
0x213: {  	_ = 	snop  }
.LBB2_55:
0x214: {  	s10 =	simm.s32 $0x6280  }
0x215: {  	s19 =	simm.s32 $0x80000000;
	p1 =	sne.s32 s31, $0x1;
	v6 =	vld [tilespmem:s10+$0x0]  }
.Ltmp13:
0x216: {  	s10 =	sshrl.u32 s19, s1;
	(pc) =	sbr.rel @!p1 .LBB2_57-.Ltmp13, $4  }
0x217: {  	s10 =	sor.u32 s10, s0  }
0x218: {  	s17 =	sxor.u32 $0x80000000, s10  }
0x219: {  	v5 =	vmov s17  }
0x21a: {  	v4 =	vimm.s32 $0x0;
	s19 =	simm.s32 $0x6290;
	s17 =	sadd.s32 $0xFFFFFFFF, s31;
	vm0 =	vge.s32 v6, v5  }
.LBB2_56:
0x21b: {  	v6 =	vld [tilespmem:s19+$0x0];
	p2 =	sne.s32 s17, $0x1;
	s17 =	sadd.s32 $0xFFFFFFFF, s17;
	v7 =	vmpcnt.ones.xlane vm0  }
.Ltmp14:
0x21c: {  	(pc) =	sbr.rel @p2 .LBB2_56-.Ltmp14, $2  }
0x21d: {  	v4 =	vadd.s32 v4, v7;
	_ =	sdelay $0x2  }
0x21e: {  	s19 =	sadd.s32 $0x10, s19;
	vm0 =	vge.s32 v6, v5  }
.LBB2_57:
0x21f: {  	v5 =	vmpcnt.ones.xlane vm0;
	_ =	sdelay $0x1  }
0x220: {  	v4 =	vadd.s32 v4, v5  }
0x221: {  	(v2sf) =	vpush v4, $0x0;
	_ =	sdelay $0xb  }
0x222: {  	p3 =	seq.s32 s1, $0x1F  }
.Ltmp15:
0x223: {  	_ = 	snop;
	(pc) =	sbr.rel @!p3 .LBB2_54-.Ltmp15, $4  }
0x224: {  	_ = 	snop  }
0x225: {  	s17 =	spop (v2sf)  }
0x226: {  	p2 =	sgt.s32 s17, $0x12B  }
0x227: {  	s1 =	sadd.s32 $0x1, s1;
	s0 =	smov.u32 @p2 s10  }
.Ltmp16:
0x228: {  	(pc) =	sbr.rel @!p1 .LBB2_59-.Ltmp16, $3  }
0x229: {  	_ =	sdelay $0x1  }
0x22a: {  	s0 =	sxor.u32 $0x80000000, s0;
	s1 =	simm.s32 $0x6280  }
0x22b: {  	v8 =	vimm.s32 $0x0;
	s31 =	sadd.s32 $0xFFFFFFFF, s31;
	p0 =	por $0x0, $0x0;
	v4 =	vmov s0;
	s0 =	simm.s32 $0x7300;
	v5 =	vld [tilespmem:s1+$0x0]  }
0x22c: {  	_ =	sdelay $0x3  }
0x22d: {  	vm0 =	vgt.s32 v5, v4  }
0x22e: {  	v6 =	vsel vm0, $0x1, v1  }
0x22f: {  	(xrf0) =	vadd.scan.msk.s32 $0xffff, v6;
	_ =	sdelay $0x5  }
0x230: {  	v6, _, _ =	vpop (xrf0)  }
0x231: {  	v6 =	vadd.s32 v6, v8  }
0x232: {  	v6 =	vadd.s32 $0xFFFFFFFF, v6  }
0x233: {  	v9 =	vld [tilespmem:s0+$0x0];
	_ =	sdelay $0x1  }
0x234: {  	p3 =	sne.s32 s31, $0x1  }
.Ltmp17:
0x235: {  	_ = 	snop;
	(pc) =	sbr.rel @!p3 .LBB2_61-.Ltmp17, $4  }
0x236: {  	v7 =	vmpcnt.ones.xlane vm0;
	[tilespmem:v6+s14+$0x0] =	vst.idx.msk vm0, v5  }
0x237: {  	s17 =	simm.s32 $0x6290;
	[tilespmem:v6+s15+$0x0] =	vst.idx.msk vm0, v9  }
0x238: {  	v7 =	vadd.s32 v8, v7;
	v5 =	vld [tilespmem:s17+$0x0]  }
0x239: {  	s19 =	sadd.s32 $0xFFFFFFFF, s31;
	p2 =	por $0x1, $0x1;
	s10 =	simm.s32 $0x7300;
	v6 =	vmov v7  }
.LBB2_62:
0x23a: {  	p3 =	sne.s32 s19, $0x1;
	_ =	sdelay $0x2  }
0x23b: {  	vm0 =	vgt.s32 v5, v4  }
0x23c: {  	v8 =	vsel vm0, $0x1, v1;
	v9 =	vmpcnt.ones.xlane vm0  }
0x23d: {  	(xrf0) =	vadd.scan.msk.s32 $0xffff, v8  }
0x23e: {  	v7 =	vadd.s32 v7, v9;
	_ =	sdelay $0x4  }
0x23f: {  	v8, _, _ =	vpop (xrf0)  }
0x240: {  	v8 =	vadd.s32 v8, v6;
	v6 =	vmov v7  }
0x241: {  	s10 =	sadd.s32 $0x10, s10;
	v8 =	vadd.s32 $0xFFFFFFFF, v8  }
0x242: {  	v9 =	vld [tilespmem:s10+$0x0];
	_ =	sdelay $0x2  }
.Ltmp18:
0x243: {  	(pc) =	sbr.rel @p3 .LBB2_62-.Ltmp18, $4  }
0x244: {  	[tilespmem:v8+s14+$0x0] =	vst.idx.msk vm0, v5  }
0x245: {  	s17 =	sadd.s32 $0x10, s17;
	[tilespmem:v8+s15+$0x0] =	vst.idx.msk vm0, v9  }
0x246: {  	v5 =	vld [tilespmem:s17+$0x0]  }
0x247: {  	s19 =	sadd.s32 $0xFFFFFFFF, s19  }
0x248: {  	v8 =	vmov v7  }
.LBB2_64:
0x249: {  	_ =	sdelay $0x1  }
0x24a: {  	vm0 =	vgt.s32 v5, v4  }
0x24b: {  	v7 =	vsel vm0, $0x1, v1  }
0x24c: {  	(xrf0) =	vadd.scan.msk.s32 $0xffff, v7;
	_ =	sdelay $0x5  }
0x24d: {  	v7, _, _ =	vpop (xrf0)  }
0x24e: {  	s10 =	sadd.s32 @p2 $0x10, s10;
	s17 =	simm.s32 $0x7300;
	v6 =	vadd.s32 v7, v6  }
0x24f: {  	s17 =	smov.u32 @p2 s10;
	v6 =	vadd.s32 $0xFFFFFFFF, v6  }
0x250: {  	v7 =	vld [tilespmem:s17+$0x0];
	_ =	sdelay $0x3  }
0x251: {  	[tilespmem:v6+s14+$0x0] =	vst.idx.msk vm0, v5  }
0x252: {  	[tilespmem:v6+s15+$0x0] =	vst.idx.msk vm0, v7  }
.Ltmp19:
0x253: {  	v5 =	vld [tilespmem:s1+$0x0];
	(pc) =	sbr.rel @!p1 .LBB2_65-.Ltmp19, $3  }
0x254: {  	_ = 	snop  }
0x255: {  	v9 =	vmpcnt.ones.xlane vm0;
	_ =	sdelay $0x1  }
0x256: {  	v6 =	vadd.s32 v8, v9  }
0x257: {  	vm0 =	veq.s32 v5, v4  }
0x258: {  	v7 =	vsel vm0, $0x1, v1  }
0x259: {  	(xrf0) =	vadd.scan.msk.s32 $0xffff, v7;
	_ =	sdelay $0x5  }
0x25a: {  	v7, _, _ =	vpop (xrf0)  }
0x25b: {  	v7 =	vadd.s32 v7, v6  }
0x25c: {  	v7 =	vadd.s32 $0xFFFFFFFF, v7  }
0x25d: {  	vm1 =	vlt.s32 v7, $0x12C  }
0x25e: {  	vm1 =	vmand vm0, vm1;
	_ =	sdelay $0x1  }
0x25f: {  	v8 =	vld [tilespmem:s0+$0x0];
	_ =	sdelay $0x3  }
0x260: {  	[tilespmem:v7+s14+$0x0] =	vst.idx.msk vm1, v5  }
0x261: {  	p1 =	sne.s32 s31, $0x1;
	s10 =	simm.s32 $0x6290;
	[tilespmem:v7+s15+$0x0] =	vst.idx.msk vm1, v8  }
.Ltmp20:
0x262: {  	v5 =	vld [tilespmem:s10+$0x0];
	(pc) =	sbr.rel @!p1 .LBB2_67-.Ltmp20, $3  }
0x263: {  	v9 =	vmpcnt.ones.xlane vm0;
	_ =	sdelay $0x1  }
0x264: {  	v6 =	vadd.s32 v6, v9  }
0x265: {  	s31 =	sadd.s32 $0xFFFFFFFF, s31;
	p0 =	por $0x1, $0x1;
	s1 =	simm.s32 $0x7300;
	v7 =	vmov v6  }
.LBB2_68:
0x266: {  	p1 =	sne.s32 s31, $0x1;
	_ =	sdelay $0x2  }
0x267: {  	vm0 =	veq.s32 v5, v4  }
0x268: {  	v8 =	vsel vm0, $0x1, v1;
	v9 =	vmpcnt.ones.xlane vm0  }
0x269: {  	(xrf0) =	vadd.scan.msk.s32 $0xffff, v8  }
0x26a: {  	v7 =	vadd.s32 v7, v9;
	_ =	sdelay $0x4  }
0x26b: {  	v8, _, _ =	vpop (xrf0)  }
0x26c: {  	v8 =	vadd.s32 v8, v6;
	v6 =	vmov v7  }
0x26d: {  	v8 =	vadd.s32 $0xFFFFFFFF, v8  }
0x26e: {  	vm1 =	vlt.s32 v8, $0x12C  }
0x26f: {  	vm0 =	vmand vm0, vm1  }
0x270: {  	s1 =	sadd.s32 $0x10, s1  }
0x271: {  	v9 =	vld [tilespmem:s1+$0x0];
	_ =	sdelay $0x2  }
.Ltmp21:
0x272: {  	(pc) =	sbr.rel @p1 .LBB2_68-.Ltmp21, $4  }
0x273: {  	[tilespmem:v8+s14+$0x0] =	vst.idx.msk vm0, v5  }
0x274: {  	s10 =	sadd.s32 $0x10, s10;
	[tilespmem:v8+s15+$0x0] =	vst.idx.msk vm0, v9  }
0x275: {  	v5 =	vld [tilespmem:s10+$0x0]  }
0x276: {  	s31 =	sadd.s32 $0xFFFFFFFF, s31  }
.Ltmp22:
0x277: {  	_ = 	snop;
	(pc) =	sbr.rel .LBB2_69-.Ltmp22, $1  }
0x278: {  	_ =	sdelay $0x3  }
.LBB2_14:
0x279: {  	s17 =	simm.s32 $0x0  }
0x27a: {  	v6 =	vld [tilespmem:s17+$0x0];
	_ =	sdelay $0x2  }
0x27b: {  	s10 =	sxor.u32 $0x90000000, s31  }
0x27c: {  	s1 =	sor.u32 $0x10000000, s31;
	v4 =	vimm.s32 $0x0;
	v5 =	vmov s10;
	s10 =	simm.s32 $0x40  }
.LBB2_15:
0x27d: {  	s17 =	sshra.s32 s10, $0x2;
	p0 =	sne.s32 s10, $0x18980;
	s10 =	sadd.s32 $0x40, s10;
	v7 =	vxor.u32 $0x7FFFFFFF, v6;
	vm0 =	vlt.s32 v6, $0x0  }
.Ltmp23:
0x27e: {  	v7 =	vsel vm0, v7, v6;
	v6 =	vld [tilespmem:s17+$0x0];
	(pc) =	sbr.rel @p0 .LBB2_15-.Ltmp23, $3  }
0x27f: {  	vm0 =	vge.s32 v7, v5  }
0x280: {  	v7 =	vmpcnt.ones.xlane vm0;
	_ =	sdelay $0x1  }
0x281: {  	v4 =	vadd.s32 v4, v7  }
0x282: {  	v7 =	vxor.u32 $0x7FFFFFFF, v6;
	vm0 =	vlt.s32 v6, $0x0  }
0x283: {  	v6 =	vsel vm0, v7, v6  }
0x284: {  	vm0 =	vge.s32 v6, v5  }
0x285: {  	v5 =	vmpcnt.ones.xlane vm0;
	_ =	sdelay $0x1  }
0x286: {  	v4 =	vadd.s32 v4, v5  }
0x287: {  	(v2sf) =	vpush v4, $0x0;
	_ =	sdelay $0xe  }
0x288: {  	s10 =	spop (v2sf)  }
0x289: {  	p0 =	sgt.s32 s10, $0x12B  }
0x28a: {  	s0 =	smov.u32 @p0 s10  }
0x28b: {  	s31 =	smov.u32 @p0 s1;
	p0 =	sgt.s32 s0, $0xFF0  }
.Ltmp24:
0x28c: {  	_ = 	snop;
	(pc) =	sbr.rel @p0 .LBB2_20-.Ltmp24, $3  }
0x28d: {  	_ =	sdelay $0x1  }
0x28e: {  	[smem:$0x0] =	sst s31  }
0x28f: {  	[smem:$0x2] =	sst s0  }
0x290: {  	s0 =	simm.s32 $0x0  }
0x291: {  	s1 =	sxor.u32 $0x80000000, s31;
	v7 =	vld [tilespmem:s0+$0x0]  }
0x292: {  	v4 =	vimm.s32 $0x0;
	v5 =	vimm.s32 $0x0;
	s10 =	simm.s32 $0x0;
	v6 =	vmov s1;
	s1 =	simm.s32 $0x10  }
.LBB2_18:
0x293: {  	p0 =	seq.s32 s1, $0x6260;
	_ =	sdelay $0x2  }
0x294: {  	v8 =	vxor.u32 $0x7FFFFFFF, v7;
	vm0 =	vlt.s32 v7, $0x0  }
0x295: {  	v7 =	vsel vm0, v8, v7  }
0x296: {  	vm1 =	vlt.s32 v4, $0x1000;
	vm0 =	vge.s32 v7, v6  }
0x297: {  	vm0 =	vmand vm1, vm0  }
0x298: {  	v8 =	vsel vm0, $0x1, v1;
	v9 =	vmpcnt.ones.xlane vm0  }
0x299: {  	(xrf0) =	vadd.scan.msk.s32 $0xffff, v8  }
0x29a: {  	v4 =	vadd.s32 v4, v9;
	_ =	sdelay $0x4  }
0x29b: {  	v8, _, _ =	vpop (xrf0)  }
0x29c: {  	v8 =	vadd.s32 v8, v5;
	v5 =	vmov v4  }
0x29d: {  	v8 =	vadd.s32 $0xFFFFFFFF, v8;
	_ =	sdelay $0x3  }
.Ltmp25:
0x29e: {  	(pc) =	sbr.rel @!p0 .LBB2_18-.Ltmp25, $4  }
0x29f: {  	[tilespmem:v8+s11+$0x0] =	vst.idx.msk vm0, v7;
	v7 =	vor.u32 s0, v2;
	s0 =	smov.u32 s1  }
0x2a0: {  	s10 =	sadd.s32 $0x10, s10;
	[tilespmem:v8+s12+$0x0] =	vst.idx.msk vm0, v7  }
0x2a1: {  	v7 =	vld [tilespmem:s10+$0x0]  }
0x2a2: {  	s1 =	sadd.s32 $0x10, s1  }
0x2a3: {  	_ =	sdelay $0x2  }
0x2a4: {  	v8 =	vxor.u32 $0x7FFFFFFF, v7;
	vm0 =	vlt.s32 v7, $0x0  }
0x2a5: {  	v7 =	vsel vm0, v8, v7  }
0x2a6: {  	vm1 =	vlt.s32 v4, $0x1000;
	vm0 =	vge.s32 v7, v6  }
0x2a7: {  	vm0 =	vmand vm1, vm0  }
0x2a8: {  	v6 =	vsel vm0, $0x1, v1  }
0x2a9: {  	(xrf0) =	vadd.scan.msk.s32 $0xffff, v6;
	_ =	sdelay $0x5  }
0x2aa: {  	v6, _, _ =	vpop (xrf0)  }
0x2ab: {  	v5 =	vadd.s32 v6, v5  }
0x2ac: {  	v5 =	vadd.s32 $0xFFFFFFFF, v5;
	_ =	sdelay $0x1  }
.Ltmp26:
0x2ad: {  	_ = 	snop;
	(pc) =	sbr.rel .LBB2_53-.Ltmp26, $4  }
0x2ae: {  	_ = 	snop  }
0x2af: {  	v6 =	vmpcnt.ones.xlane vm0  }
0x2b0: {  	[tilespmem:v5+s11+$0x0] =	vst.idx.msk vm0, v7;
	v7 =	vor.u32 s0, v2  }
0x2b1: {  	v4 =	vadd.s32 v4, v6;
	[tilespmem:v5+s12+$0x0] =	vst.idx.msk vm0, v7  }
.LBB2_20:
0x2b2: {  	s17 =	simm.s32 $0x0  }
0x2b3: {  	v6 =	vld [tilespmem:s17+$0x0];
	_ =	sdelay $0x1  }
0x2b4: {  	s1 =	sor.u32 $0x8000000, s31  }
0x2b5: {  	s10 =	sxor.u32 $0x80000000, s1  }
0x2b6: {  	v4 =	vimm.s32 $0x0;
	v5 =	vmov s10;
	s10 =	simm.s32 $0x40  }
.LBB2_21:
0x2b7: {  	s17 =	sshra.s32 s10, $0x2;
	p0 =	sne.s32 s10, $0x18980;
	s10 =	sadd.s32 $0x40, s10;
	v7 =	vxor.u32 $0x7FFFFFFF, v6;
	vm0 =	vlt.s32 v6, $0x0  }
.Ltmp27:
0x2b8: {  	v7 =	vsel vm0, v7, v6;
	v6 =	vld [tilespmem:s17+$0x0];
	(pc) =	sbr.rel @p0 .LBB2_21-.Ltmp27, $3  }
0x2b9: {  	vm0 =	vge.s32 v7, v5  }
0x2ba: {  	v7 =	vmpcnt.ones.xlane vm0;
	_ =	sdelay $0x1  }
0x2bb: {  	v4 =	vadd.s32 v4, v7  }
0x2bc: {  	v7 =	vxor.u32 $0x7FFFFFFF, v6;
	vm0 =	vlt.s32 v6, $0x0  }
0x2bd: {  	v6 =	vsel vm0, v7, v6  }
0x2be: {  	vm0 =	vge.s32 v6, v5  }
0x2bf: {  	v5 =	vmpcnt.ones.xlane vm0;
	_ =	sdelay $0x1  }
0x2c0: {  	v4 =	vadd.s32 v4, v5  }
0x2c1: {  	(v2sf) =	vpush v4, $0x0;
	_ =	sdelay $0xe  }
0x2c2: {  	s10 =	spop (v2sf)  }
0x2c3: {  	p0 =	sgt.s32 s10, $0x12B  }
0x2c4: {  	s0 =	smov.u32 @p0 s10  }
0x2c5: {  	s31 =	smov.u32 @p0 s1;
	p0 =	sgt.s32 s0, $0xFF0  }
.Ltmp28:
0x2c6: {  	_ = 	snop;
	(pc) =	sbr.rel @p0 .LBB2_26-.Ltmp28, $3  }
0x2c7: {  	_ =	sdelay $0x1  }
0x2c8: {  	[smem:$0x0] =	sst s31  }
0x2c9: {  	[smem:$0x2] =	sst s0  }
0x2ca: {  	s0 =	simm.s32 $0x0  }
0x2cb: {  	s1 =	sxor.u32 $0x80000000, s31;
	v7 =	vld [tilespmem:s0+$0x0]  }
0x2cc: {  	v4 =	vimm.s32 $0x0;
	v5 =	vimm.s32 $0x0;
	s10 =	simm.s32 $0x0;
	v6 =	vmov s1;
	s1 =	simm.s32 $0x10  }
.LBB2_24:
0x2cd: {  	p0 =	seq.s32 s1, $0x6260;
	_ =	sdelay $0x2  }
0x2ce: {  	v8 =	vxor.u32 $0x7FFFFFFF, v7;
	vm0 =	vlt.s32 v7, $0x0  }
0x2cf: {  	v7 =	vsel vm0, v8, v7  }
0x2d0: {  	vm1 =	vlt.s32 v4, $0x1000;
	vm0 =	vge.s32 v7, v6  }
0x2d1: {  	vm0 =	vmand vm1, vm0  }
0x2d2: {  	v8 =	vsel vm0, $0x1, v1;
	v9 =	vmpcnt.ones.xlane vm0  }
0x2d3: {  	(xrf0) =	vadd.scan.msk.s32 $0xffff, v8  }
0x2d4: {  	v4 =	vadd.s32 v4, v9;
	_ =	sdelay $0x4  }
0x2d5: {  	v8, _, _ =	vpop (xrf0)  }
0x2d6: {  	v8 =	vadd.s32 v8, v5;
	v5 =	vmov v4  }
0x2d7: {  	v8 =	vadd.s32 $0xFFFFFFFF, v8;
	_ =	sdelay $0x3  }
.Ltmp29:
0x2d8: {  	(pc) =	sbr.rel @!p0 .LBB2_24-.Ltmp29, $4  }
0x2d9: {  	[tilespmem:v8+s11+$0x0] =	vst.idx.msk vm0, v7;
	v7 =	vor.u32 s0, v2;
	s0 =	smov.u32 s1  }
0x2da: {  	s10 =	sadd.s32 $0x10, s10;
	[tilespmem:v8+s12+$0x0] =	vst.idx.msk vm0, v7  }
0x2db: {  	v7 =	vld [tilespmem:s10+$0x0]  }
0x2dc: {  	s1 =	sadd.s32 $0x10, s1  }
0x2dd: {  	_ =	sdelay $0x2  }
0x2de: {  	v8 =	vxor.u32 $0x7FFFFFFF, v7;
	vm0 =	vlt.s32 v7, $0x0  }
0x2df: {  	v7 =	vsel vm0, v8, v7  }
0x2e0: {  	vm1 =	vlt.s32 v4, $0x1000;
	vm0 =	vge.s32 v7, v6  }
0x2e1: {  	vm0 =	vmand vm1, vm0  }
0x2e2: {  	v6 =	vsel vm0, $0x1, v1  }
0x2e3: {  	(xrf0) =	vadd.scan.msk.s32 $0xffff, v6;
	_ =	sdelay $0x5  }
0x2e4: {  	v6, _, _ =	vpop (xrf0)  }
0x2e5: {  	v5 =	vadd.s32 v6, v5  }
0x2e6: {  	v5 =	vadd.s32 $0xFFFFFFFF, v5;
	_ =	sdelay $0x1  }
.Ltmp30:
0x2e7: {  	_ = 	snop;
	(pc) =	sbr.rel .LBB2_53-.Ltmp30, $4  }
0x2e8: {  	_ = 	snop  }
0x2e9: {  	v6 =	vmpcnt.ones.xlane vm0  }
0x2ea: {  	[tilespmem:v5+s11+$0x0] =	vst.idx.msk vm0, v7;
	v7 =	vor.u32 s0, v2  }
0x2eb: {  	v4 =	vadd.s32 v4, v6;
	[tilespmem:v5+s12+$0x0] =	vst.idx.msk vm0, v7  }
.LBB2_26:
0x2ec: {  	s17 =	simm.s32 $0x0  }
0x2ed: {  	v6 =	vld [tilespmem:s17+$0x0];
	_ =	sdelay $0x1  }
0x2ee: {  	s1 =	sor.u32 $0x4000000, s31  }
0x2ef: {  	s10 =	sxor.u32 $0x80000000, s1  }
0x2f0: {  	v4 =	vimm.s32 $0x0;
	v5 =	vmov s10;
	s10 =	simm.s32 $0x40  }
.LBB2_27:
0x2f1: {  	s17 =	sshra.s32 s10, $0x2;
	p0 =	sne.s32 s10, $0x18980;
	s10 =	sadd.s32 $0x40, s10;
	v7 =	vxor.u32 $0x7FFFFFFF, v6;
	vm0 =	vlt.s32 v6, $0x0  }
.Ltmp31:
0x2f2: {  	v7 =	vsel vm0, v7, v6;
	v6 =	vld [tilespmem:s17+$0x0];
	(pc) =	sbr.rel @p0 .LBB2_27-.Ltmp31, $3  }
0x2f3: {  	vm0 =	vge.s32 v7, v5  }
0x2f4: {  	v7 =	vmpcnt.ones.xlane vm0;
	_ =	sdelay $0x1  }
0x2f5: {  	v4 =	vadd.s32 v4, v7  }
0x2f6: {  	v7 =	vxor.u32 $0x7FFFFFFF, v6;
	vm0 =	vlt.s32 v6, $0x0  }
0x2f7: {  	v6 =	vsel vm0, v7, v6  }
0x2f8: {  	vm0 =	vge.s32 v6, v5  }
0x2f9: {  	v5 =	vmpcnt.ones.xlane vm0;
	_ =	sdelay $0x1  }
0x2fa: {  	v4 =	vadd.s32 v4, v5  }
0x2fb: {  	(v2sf) =	vpush v4, $0x0;
	_ =	sdelay $0xe  }
0x2fc: {  	s10 =	spop (v2sf)  }
0x2fd: {  	p0 =	sgt.s32 s10, $0x12B  }
0x2fe: {  	s0 =	smov.u32 @p0 s10  }
0x2ff: {  	s31 =	smov.u32 @p0 s1;
	p0 =	sgt.s32 s0, $0xFF0  }
.Ltmp32:
0x300: {  	_ = 	snop;
	(pc) =	sbr.rel @p0 .LBB2_32-.Ltmp32, $3  }
0x301: {  	_ =	sdelay $0x1  }
0x302: {  	[smem:$0x0] =	sst s31  }
0x303: {  	[smem:$0x2] =	sst s0  }
0x304: {  	s0 =	simm.s32 $0x0  }
0x305: {  	s1 =	sxor.u32 $0x80000000, s31;
	v7 =	vld [tilespmem:s0+$0x0]  }
0x306: {  	v4 =	vimm.s32 $0x0;
	v5 =	vimm.s32 $0x0;
	s10 =	simm.s32 $0x0;
	v6 =	vmov s1;
	s1 =	simm.s32 $0x10  }
.LBB2_30:
0x307: {  	p0 =	seq.s32 s1, $0x6260;
	_ =	sdelay $0x2  }
0x308: {  	v8 =	vxor.u32 $0x7FFFFFFF, v7;
	vm0 =	vlt.s32 v7, $0x0  }
0x309: {  	v7 =	vsel vm0, v8, v7  }
0x30a: {  	vm1 =	vlt.s32 v4, $0x1000;
	vm0 =	vge.s32 v7, v6  }
0x30b: {  	vm0 =	vmand vm1, vm0  }
0x30c: {  	v8 =	vsel vm0, $0x1, v1;
	v9 =	vmpcnt.ones.xlane vm0  }
0x30d: {  	(xrf0) =	vadd.scan.msk.s32 $0xffff, v8  }
0x30e: {  	v4 =	vadd.s32 v4, v9;
	_ =	sdelay $0x4  }
0x30f: {  	v8, _, _ =	vpop (xrf0)  }
0x310: {  	v8 =	vadd.s32 v8, v5;
	v5 =	vmov v4  }
0x311: {  	v8 =	vadd.s32 $0xFFFFFFFF, v8;
	_ =	sdelay $0x3  }
.Ltmp33:
0x312: {  	(pc) =	sbr.rel @!p0 .LBB2_30-.Ltmp33, $4  }
0x313: {  	[tilespmem:v8+s11+$0x0] =	vst.idx.msk vm0, v7;
	v7 =	vor.u32 s0, v2;
	s0 =	smov.u32 s1  }
0x314: {  	s10 =	sadd.s32 $0x10, s10;
	[tilespmem:v8+s12+$0x0] =	vst.idx.msk vm0, v7  }
0x315: {  	v7 =	vld [tilespmem:s10+$0x0]  }
0x316: {  	s1 =	sadd.s32 $0x10, s1  }
0x317: {  	_ =	sdelay $0x2  }
0x318: {  	v8 =	vxor.u32 $0x7FFFFFFF, v7;
	vm0 =	vlt.s32 v7, $0x0  }
0x319: {  	v7 =	vsel vm0, v8, v7  }
0x31a: {  	vm1 =	vlt.s32 v4, $0x1000;
	vm0 =	vge.s32 v7, v6  }
0x31b: {  	vm0 =	vmand vm1, vm0  }
0x31c: {  	v6 =	vsel vm0, $0x1, v1  }
0x31d: {  	(xrf0) =	vadd.scan.msk.s32 $0xffff, v6;
	_ =	sdelay $0x5  }
0x31e: {  	v6, _, _ =	vpop (xrf0)  }
0x31f: {  	v5 =	vadd.s32 v6, v5  }
0x320: {  	v5 =	vadd.s32 $0xFFFFFFFF, v5;
	_ =	sdelay $0x1  }
.Ltmp34:
0x321: {  	_ = 	snop;
	(pc) =	sbr.rel .LBB2_53-.Ltmp34, $4  }
0x322: {  	_ = 	snop  }
0x323: {  	v6 =	vmpcnt.ones.xlane vm0  }
0x324: {  	[tilespmem:v5+s11+$0x0] =	vst.idx.msk vm0, v7;
	v7 =	vor.u32 s0, v2  }
0x325: {  	v4 =	vadd.s32 v4, v6;
	[tilespmem:v5+s12+$0x0] =	vst.idx.msk vm0, v7  }
.LBB2_32:
0x326: {  	s17 =	simm.s32 $0x0  }
0x327: {  	v6 =	vld [tilespmem:s17+$0x0];
	_ =	sdelay $0x1  }
0x328: {  	s1 =	sor.u32 $0x2000000, s31  }
0x329: {  	s10 =	sxor.u32 $0x80000000, s1  }
0x32a: {  	v4 =	vimm.s32 $0x0;
	v5 =	vmov s10;
	s10 =	simm.s32 $0x40  }
.LBB2_33:
0x32b: {  	s17 =	sshra.s32 s10, $0x2;
	p0 =	sne.s32 s10, $0x18980;
	s10 =	sadd.s32 $0x40, s10;
	v7 =	vxor.u32 $0x7FFFFFFF, v6;
	vm0 =	vlt.s32 v6, $0x0  }
.Ltmp35:
0x32c: {  	v7 =	vsel vm0, v7, v6;
	v6 =	vld [tilespmem:s17+$0x0];
	(pc) =	sbr.rel @p0 .LBB2_33-.Ltmp35, $3  }
0x32d: {  	vm0 =	vge.s32 v7, v5  }
0x32e: {  	v7 =	vmpcnt.ones.xlane vm0;
	_ =	sdelay $0x1  }
0x32f: {  	v4 =	vadd.s32 v4, v7  }
0x330: {  	v7 =	vxor.u32 $0x7FFFFFFF, v6;
	vm0 =	vlt.s32 v6, $0x0  }
0x331: {  	v6 =	vsel vm0, v7, v6  }
0x332: {  	vm0 =	vge.s32 v6, v5  }
0x333: {  	v5 =	vmpcnt.ones.xlane vm0;
	_ =	sdelay $0x1  }
0x334: {  	v4 =	vadd.s32 v4, v5  }
0x335: {  	(v2sf) =	vpush v4, $0x0;
	_ =	sdelay $0xe  }
0x336: {  	s10 =	spop (v2sf)  }
0x337: {  	p0 =	sgt.s32 s10, $0x12B  }
0x338: {  	s0 =	smov.u32 @p0 s10  }
0x339: {  	s31 =	smov.u32 @p0 s1;
	p0 =	sgt.s32 s0, $0xFF0  }
.Ltmp36:
0x33a: {  	_ = 	snop;
	(pc) =	sbr.rel @p0 .LBB2_38-.Ltmp36, $3  }
0x33b: {  	_ =	sdelay $0x1  }
0x33c: {  	[smem:$0x0] =	sst s31  }
0x33d: {  	[smem:$0x2] =	sst s0  }
0x33e: {  	s0 =	simm.s32 $0x0  }
0x33f: {  	s1 =	sxor.u32 $0x80000000, s31;
	v7 =	vld [tilespmem:s0+$0x0]  }
0x340: {  	v4 =	vimm.s32 $0x0;
	v5 =	vimm.s32 $0x0;
	s10 =	simm.s32 $0x0;
	v6 =	vmov s1;
	s1 =	simm.s32 $0x10  }
.LBB2_36:
0x341: {  	p0 =	seq.s32 s1, $0x6260;
	_ =	sdelay $0x2  }
0x342: {  	v8 =	vxor.u32 $0x7FFFFFFF, v7;
	vm0 =	vlt.s32 v7, $0x0  }
0x343: {  	v7 =	vsel vm0, v8, v7  }
0x344: {  	vm1 =	vlt.s32 v4, $0x1000;
	vm0 =	vge.s32 v7, v6  }
0x345: {  	vm0 =	vmand vm1, vm0  }
0x346: {  	v8 =	vsel vm0, $0x1, v1;
	v9 =	vmpcnt.ones.xlane vm0  }
0x347: {  	(xrf0) =	vadd.scan.msk.s32 $0xffff, v8  }
0x348: {  	v4 =	vadd.s32 v4, v9;
	_ =	sdelay $0x4  }
0x349: {  	v8, _, _ =	vpop (xrf0)  }
0x34a: {  	v8 =	vadd.s32 v8, v5;
	v5 =	vmov v4  }
0x34b: {  	v8 =	vadd.s32 $0xFFFFFFFF, v8;
	_ =	sdelay $0x3  }
.Ltmp37:
0x34c: {  	(pc) =	sbr.rel @!p0 .LBB2_36-.Ltmp37, $4  }
0x34d: {  	[tilespmem:v8+s11+$0x0] =	vst.idx.msk vm0, v7;
	v7 =	vor.u32 s0, v2;
	s0 =	smov.u32 s1  }
0x34e: {  	s10 =	sadd.s32 $0x10, s10;
	[tilespmem:v8+s12+$0x0] =	vst.idx.msk vm0, v7  }
0x34f: {  	v7 =	vld [tilespmem:s10+$0x0]  }
0x350: {  	s1 =	sadd.s32 $0x10, s1  }
0x351: {  	_ =	sdelay $0x2  }
0x352: {  	v8 =	vxor.u32 $0x7FFFFFFF, v7;
	vm0 =	vlt.s32 v7, $0x0  }
0x353: {  	v7 =	vsel vm0, v8, v7  }
0x354: {  	vm1 =	vlt.s32 v4, $0x1000;
	vm0 =	vge.s32 v7, v6  }
0x355: {  	vm0 =	vmand vm1, vm0  }
0x356: {  	v6 =	vsel vm0, $0x1, v1  }
0x357: {  	(xrf0) =	vadd.scan.msk.s32 $0xffff, v6;
	_ =	sdelay $0x5  }
0x358: {  	v6, _, _ =	vpop (xrf0)  }
0x359: {  	v5 =	vadd.s32 v6, v5  }
0x35a: {  	v5 =	vadd.s32 $0xFFFFFFFF, v5;
	_ =	sdelay $0x1  }
.Ltmp38:
0x35b: {  	_ = 	snop;
	(pc) =	sbr.rel .LBB2_53-.Ltmp38, $4  }
0x35c: {  	_ = 	snop  }
0x35d: {  	v6 =	vmpcnt.ones.xlane vm0  }
0x35e: {  	[tilespmem:v5+s11+$0x0] =	vst.idx.msk vm0, v7;
	v7 =	vor.u32 s0, v2  }
0x35f: {  	v4 =	vadd.s32 v4, v6;
	[tilespmem:v5+s12+$0x0] =	vst.idx.msk vm0, v7  }
.LBB2_38:
0x360: {  	s17 =	simm.s32 $0x0  }
0x361: {  	v6 =	vld [tilespmem:s17+$0x0];
	_ =	sdelay $0x1  }
0x362: {  	s1 =	sor.u32 $0x1000000, s31  }
0x363: {  	s10 =	sxor.u32 $0x80000000, s1  }
0x364: {  	v4 =	vimm.s32 $0x0;
	v5 =	vmov s10;
	s10 =	simm.s32 $0x40  }
.LBB2_39:
0x365: {  	s17 =	sshra.s32 s10, $0x2;
	p0 =	sne.s32 s10, $0x18980;
	s10 =	sadd.s32 $0x40, s10;
	v7 =	vxor.u32 $0x7FFFFFFF, v6;
	vm0 =	vlt.s32 v6, $0x0  }
.Ltmp39:
0x366: {  	v7 =	vsel vm0, v7, v6;
	v6 =	vld [tilespmem:s17+$0x0];
	(pc) =	sbr.rel @p0 .LBB2_39-.Ltmp39, $3  }
0x367: {  	vm0 =	vge.s32 v7, v5  }
0x368: {  	v7 =	vmpcnt.ones.xlane vm0;
	_ =	sdelay $0x1  }
0x369: {  	v4 =	vadd.s32 v4, v7  }
0x36a: {  	v7 =	vxor.u32 $0x7FFFFFFF, v6;
	vm0 =	vlt.s32 v6, $0x0  }
0x36b: {  	v6 =	vsel vm0, v7, v6  }
0x36c: {  	vm0 =	vge.s32 v6, v5  }
0x36d: {  	v5 =	vmpcnt.ones.xlane vm0;
	_ =	sdelay $0x1  }
0x36e: {  	v4 =	vadd.s32 v4, v5  }
0x36f: {  	(v2sf) =	vpush v4, $0x0;
	_ =	sdelay $0xe  }
0x370: {  	s10 =	spop (v2sf)  }
0x371: {  	p0 =	sgt.s32 s10, $0x12B  }
0x372: {  	s0 =	smov.u32 @p0 s10  }
0x373: {  	s31 =	smov.u32 @p0 s1;
	p0 =	sgt.s32 s0, $0xFF0  }
.Ltmp40:
0x374: {  	_ = 	snop;
	(pc) =	sbr.rel @p0 .LBB2_44-.Ltmp40, $3  }
0x375: {  	_ =	sdelay $0x1  }
0x376: {  	[smem:$0x0] =	sst s31  }
0x377: {  	[smem:$0x2] =	sst s0  }
0x378: {  	s0 =	simm.s32 $0x0  }
0x379: {  	s1 =	sxor.u32 $0x80000000, s31;
	v7 =	vld [tilespmem:s0+$0x0]  }
0x37a: {  	v4 =	vimm.s32 $0x0;
	v5 =	vimm.s32 $0x0;
	s10 =	simm.s32 $0x0;
	v6 =	vmov s1;
	s1 =	simm.s32 $0x10  }
.LBB2_42:
0x37b: {  	p0 =	seq.s32 s1, $0x6260;
	_ =	sdelay $0x2  }
0x37c: {  	v8 =	vxor.u32 $0x7FFFFFFF, v7;
	vm0 =	vlt.s32 v7, $0x0  }
0x37d: {  	v7 =	vsel vm0, v8, v7  }
0x37e: {  	vm1 =	vlt.s32 v4, $0x1000;
	vm0 =	vge.s32 v7, v6  }
0x37f: {  	vm0 =	vmand vm1, vm0  }
0x380: {  	v8 =	vsel vm0, $0x1, v1;
	v9 =	vmpcnt.ones.xlane vm0  }
0x381: {  	(xrf0) =	vadd.scan.msk.s32 $0xffff, v8  }
0x382: {  	v4 =	vadd.s32 v4, v9;
	_ =	sdelay $0x4  }
0x383: {  	v8, _, _ =	vpop (xrf0)  }
0x384: {  	v8 =	vadd.s32 v8, v5;
	v5 =	vmov v4  }
0x385: {  	v8 =	vadd.s32 $0xFFFFFFFF, v8;
	_ =	sdelay $0x3  }
.Ltmp41:
0x386: {  	(pc) =	sbr.rel @!p0 .LBB2_42-.Ltmp41, $4  }
0x387: {  	[tilespmem:v8+s11+$0x0] =	vst.idx.msk vm0, v7;
	v7 =	vor.u32 s0, v2;
	s0 =	smov.u32 s1  }
0x388: {  	s10 =	sadd.s32 $0x10, s10;
	[tilespmem:v8+s12+$0x0] =	vst.idx.msk vm0, v7  }
0x389: {  	v7 =	vld [tilespmem:s10+$0x0]  }
0x38a: {  	s1 =	sadd.s32 $0x10, s1  }
0x38b: {  	_ =	sdelay $0x2  }
0x38c: {  	v8 =	vxor.u32 $0x7FFFFFFF, v7;
	vm0 =	vlt.s32 v7, $0x0  }
0x38d: {  	v7 =	vsel vm0, v8, v7  }
0x38e: {  	vm1 =	vlt.s32 v4, $0x1000;
	vm0 =	vge.s32 v7, v6  }
0x38f: {  	vm0 =	vmand vm1, vm0  }
0x390: {  	v6 =	vsel vm0, $0x1, v1  }
0x391: {  	(xrf0) =	vadd.scan.msk.s32 $0xffff, v6;
	_ =	sdelay $0x5  }
0x392: {  	v6, _, _ =	vpop (xrf0)  }
0x393: {  	v5 =	vadd.s32 v6, v5  }
0x394: {  	v5 =	vadd.s32 $0xFFFFFFFF, v5;
	_ =	sdelay $0x1  }
.Ltmp42:
0x395: {  	_ = 	snop;
	(pc) =	sbr.rel .LBB2_53-.Ltmp42, $4  }
0x396: {  	_ = 	snop  }
0x397: {  	v6 =	vmpcnt.ones.xlane vm0  }
0x398: {  	[tilespmem:v5+s11+$0x0] =	vst.idx.msk vm0, v7;
	v7 =	vor.u32 s0, v2  }
0x399: {  	v4 =	vadd.s32 v4, v6;
	[tilespmem:v5+s12+$0x0] =	vst.idx.msk vm0, v7  }
.LBB2_44:
0x39a: {  	s17 =	simm.s32 $0x0  }
0x39b: {  	v6 =	vld [tilespmem:s17+$0x0];
	_ =	sdelay $0x1  }
0x39c: {  	s1 =	sor.u32 $0x800000, s31  }
0x39d: {  	s10 =	sxor.u32 $0x80000000, s1  }
0x39e: {  	v4 =	vimm.s32 $0x0;
	v5 =	vmov s10;
	s10 =	simm.s32 $0x40  }
.LBB2_45:
0x39f: {  	s17 =	sshra.s32 s10, $0x2;
	p0 =	sne.s32 s10, $0x18980;
	s10 =	sadd.s32 $0x40, s10;
	v7 =	vxor.u32 $0x7FFFFFFF, v6;
	vm0 =	vlt.s32 v6, $0x0  }
.Ltmp43:
0x3a0: {  	v7 =	vsel vm0, v7, v6;
	v6 =	vld [tilespmem:s17+$0x0];
	(pc) =	sbr.rel @p0 .LBB2_45-.Ltmp43, $3  }
0x3a1: {  	vm0 =	vge.s32 v7, v5  }
0x3a2: {  	v7 =	vmpcnt.ones.xlane vm0;
	_ =	sdelay $0x1  }
0x3a3: {  	v4 =	vadd.s32 v4, v7  }
0x3a4: {  	v7 =	vxor.u32 $0x7FFFFFFF, v6;
	vm0 =	vlt.s32 v6, $0x0  }
0x3a5: {  	v6 =	vsel vm0, v7, v6  }
0x3a6: {  	vm0 =	vge.s32 v6, v5  }
0x3a7: {  	v5 =	vmpcnt.ones.xlane vm0;
	_ =	sdelay $0x1  }
0x3a8: {  	v4 =	vadd.s32 v4, v5  }
0x3a9: {  	(v2sf) =	vpush v4, $0x0;
	_ =	sdelay $0xe  }
0x3aa: {  	s10 =	spop (v2sf)  }
0x3ab: {  	p0 =	sgt.s32 s10, $0x12B  }
0x3ac: {  	s0 =	smov.u32 @p0 s10  }
0x3ad: {  	s31 =	smov.u32 @p0 s1;
	p0 =	sgt.s32 s0, $0xFF0  }
.Ltmp44:
0x3ae: {  	_ = 	snop;
	(pc) =	sbr.rel @p0 .LBB2_50-.Ltmp44, $3  }
0x3af: {  	_ =	sdelay $0x1  }
0x3b0: {  	[smem:$0x0] =	sst s31;
	s1 =	sxor.u32 $0x80000000, s31  }
0x3b1: {  	v4 =	vimm.s32 $0x0;
	[smem:$0x2] =	sst s0;
	v5 =	vmov s1;
	s0 =	simm.s32 $0x0  }
0x3b2: {  	v7 =	vld [tilespmem:s0+$0x0]  }
0x3b3: {  	s1 =	simm.s32 $0x10;
	v6 =	vimm.s32 $0x0;
	s10 =	simm.s32 $0x0  }
.LBB2_48:
0x3b4: {  	p0 =	seq.s32 s1, $0x6260;
	_ =	sdelay $0x2  }
0x3b5: {  	v8 =	vxor.u32 $0x7FFFFFFF, v7;
	vm0 =	vlt.s32 v7, $0x0  }
0x3b6: {  	v7 =	vsel vm0, v8, v7  }
0x3b7: {  	vm1 =	vlt.s32 v4, $0x1000;
	vm0 =	vge.s32 v7, v5  }
0x3b8: {  	vm0 =	vmand vm1, vm0  }
0x3b9: {  	v8 =	vsel vm0, $0x1, v1;
	v9 =	vmpcnt.ones.xlane vm0  }
0x3ba: {  	(xrf0) =	vadd.scan.msk.s32 $0xffff, v8  }
0x3bb: {  	v4 =	vadd.s32 v4, v9;
	_ =	sdelay $0x4  }
0x3bc: {  	v8, _, _ =	vpop (xrf0)  }
0x3bd: {  	v8 =	vadd.s32 v8, v6;
	v6 =	vmov v4  }
0x3be: {  	v8 =	vadd.s32 $0xFFFFFFFF, v8;
	_ =	sdelay $0x3  }
.Ltmp45:
0x3bf: {  	(pc) =	sbr.rel @!p0 .LBB2_48-.Ltmp45, $4  }
0x3c0: {  	[tilespmem:v8+s11+$0x0] =	vst.idx.msk vm0, v7;
	v7 =	vor.u32 s0, v2;
	s0 =	smov.u32 s1  }
0x3c1: {  	s10 =	sadd.s32 $0x10, s10;
	[tilespmem:v8+s12+$0x0] =	vst.idx.msk vm0, v7  }
0x3c2: {  	v7 =	vld [tilespmem:s10+$0x0]  }
0x3c3: {  	s1 =	sadd.s32 $0x10, s1  }
0x3c4: {  	_ =	sdelay $0x2  }
0x3c5: {  	v8 =	vxor.u32 $0x7FFFFFFF, v7;
	vm0 =	vlt.s32 v7, $0x0  }
0x3c6: {  	v7 =	vsel vm0, v8, v7  }
0x3c7: {  	vm1 =	vlt.s32 v4, $0x1000;
	vm0 =	vge.s32 v7, v5  }
0x3c8: {  	vm0 =	vmand vm1, vm0  }
0x3c9: {  	v5 =	vsel vm0, $0x1, v1  }
0x3ca: {  	(xrf0) =	vadd.scan.msk.s32 $0xffff, v5;
	_ =	sdelay $0x5  }
0x3cb: {  	v5, _, _ =	vpop (xrf0)  }
0x3cc: {  	v5 =	vadd.s32 v5, v6  }
0x3cd: {  	v5 =	vadd.s32 $0xFFFFFFFF, v5;
	_ =	sdelay $0x1  }
.Ltmp46:
0x3ce: {  	_ = 	snop;
	(pc) =	sbr.rel .LBB2_53-.Ltmp46, $4  }
0x3cf: {  	_ = 	snop  }
0x3d0: {  	v6 =	vmpcnt.ones.xlane vm0  }
0x3d1: {  	[tilespmem:v5+s11+$0x0] =	vst.idx.msk vm0, v7;
	v7 =	vor.u32 s0, v2  }
0x3d2: {  	v4 =	vadd.s32 v4, v6;
	[tilespmem:v5+s12+$0x0] =	vst.idx.msk vm0, v7  }
.LBB2_50:
0x3d3: {  	v7 =	vld [tilespmem:s0+$0x0]  }
0x3d4: {  	s1 =	simm.s32 $0x10;
	v6 =	vimm.s32 $0x0;
	s10 =	simm.s32 $0x0  }
.LBB2_51:
0x3d5: {  	p0 =	sne.s32 s1, $0x6260;
	_ =	sdelay $0x2  }
0x3d6: {  	v8 =	vxor.u32 $0x7FFFFFFF, v7;
	vm0 =	vlt.s32 v7, $0x0  }
0x3d7: {  	v7 =	vsel vm0, v8, v7  }
0x3d8: {  	vm1 =	vlt.s32 v4, $0x1000;
	vm0 =	vge.s32 v7, v5  }
0x3d9: {  	vm0 =	vmand vm1, vm0  }
0x3da: {  	v8 =	vsel vm0, $0x1, v1;
	v9 =	vmpcnt.ones.xlane vm0  }
0x3db: {  	(xrf0) =	vadd.scan.msk.s32 $0xffff, v8  }
0x3dc: {  	v4 =	vadd.s32 v4, v9;
	_ =	sdelay $0x4  }
0x3dd: {  	v8, _, _ =	vpop (xrf0)  }
0x3de: {  	v8 =	vadd.s32 v8, v6;
	v6 =	vmov v4  }
0x3df: {  	v8 =	vadd.s32 $0xFFFFFFFF, v8;
	_ =	sdelay $0x3  }
.Ltmp47:
0x3e0: {  	(pc) =	sbr.rel @p0 .LBB2_51-.Ltmp47, $4  }
0x3e1: {  	[tilespmem:v8+s11+$0x0] =	vst.idx.msk vm0, v7;
	v7 =	vor.u32 s0, v2;
	s0 =	smov.u32 s1  }
0x3e2: {  	s10 =	sadd.s32 $0x10, s10;
	[tilespmem:v8+s12+$0x0] =	vst.idx.msk vm0, v7  }
0x3e3: {  	v7 =	vld [tilespmem:s10+$0x0]  }
0x3e4: {  	s1 =	sadd.s32 $0x10, s1  }
0x3e5: {  	_ =	sdelay $0x2  }
0x3e6: {  	v8 =	vxor.u32 $0x7FFFFFFF, v7;
	vm0 =	vlt.s32 v7, $0x0  }
0x3e7: {  	v7 =	vsel vm0, v8, v7  }
0x3e8: {  	vm1 =	vlt.s32 v4, $0x1000;
	vm0 =	vge.s32 v7, v5  }
0x3e9: {  	vm0 =	vmand vm1, vm0  }
0x3ea: {  	v5 =	vsel vm0, $0x1, v1  }
0x3eb: {  	(xrf0) =	vadd.scan.msk.s32 $0xffff, v5;
	_ =	sdelay $0x5  }
0x3ec: {  	v5, _, _ =	vpop (xrf0)  }
0x3ed: {  	v5 =	vadd.s32 v5, v6  }
0x3ee: {  	v5 =	vadd.s32 $0xFFFFFFFF, v5;
	_ =	sdelay $0x1  }
.Ltmp48:
0x3ef: {  	_ = 	snop;
	(pc) =	sbr.rel .LBB2_53-.Ltmp48, $4  }
0x3f0: {  	_ = 	snop  }
0x3f1: {  	v6 =	vmpcnt.ones.xlane vm0  }
0x3f2: {  	[tilespmem:v5+s11+$0x0] =	vst.idx.msk vm0, v7;
	v7 =	vor.u32 s0, v2  }
0x3f3: {  	v4 =	vadd.s32 v4, v6;
	[tilespmem:v5+s12+$0x0] =	vst.idx.msk vm0, v7  }
.LBB2_59:
.Ltmp49:
0x3f4: {  	(pc) =	sbr.rel .LBB2_64-.Ltmp49, $2  }
0x3f5: {  	_ =	sdelay $0x2  }
0x3f6: {  	v6 =	vimm.s32 $0x0;
	s10 =	simm.s32 $0x7300;
	p2 =	por $0x0, $0x0  }
.LBB2_61:
.Ltmp50:
0x3f7: {  	(pc) =	sbr.rel .LBB2_64-.Ltmp50, $2  }
0x3f8: {  	_ =	sdelay $0x2  }
0x3f9: {  	v8 =	vmov v7;
	v6 =	vmov v7;
	s10 =	simm.s32 $0x7300  }
.LBB2_67:
.Ltmp51:
0x3fa: {  	(pc) =	sbr.rel .LBB2_69-.Ltmp51, $2  }
0x3fb: {  	_ =	sdelay $0x2  }
0x3fc: {  	s1 =	simm.s32 $0x7300  }
.LBB2_71:
0x3fd: {  	_ =	sfence.sel $0x180000  }
0x3fe: {  	[bflag:$0x0] =	sbarrier.arrive $0xFFFF  }
0x3ff: {  	_ =	strace $0x90000047  }
0x400: {  	s0 =	stileid.u32;
	[bflag:$0x2] =	sbarrier.arrive $0xFFFF  }
0x401: {  	p0 =	sne.s32 s0, $0x0;
	s0 =	rddreg [dreg:$0x1]  }
0x402: {  	s0 =	sadd.s32 @!p0 $0x100000, s0  }
0x403: {  	[sflag:s0] =	ssyncadd.tile.s32 @!p0 $0x1;
	_ =	shalt  }
.Lfunc_end2:
_tile_overlayer_lowered:
.L_overlay_start_2:
0x404: {  	(tag) =	ssettag $0x2  }
0x405: {  	s0 =	rddreg [dreg:$0x0];
	s2 =	stileid.u32  }
0x406: {  	s1 =	rddreg [dreg:$0x1];
	p0 =	sne.s32 s2, $0x0  }
0x407: {  	s3 =	rddreg [dreg:$0x2];
	[bflag:$0x3] =	sbarrier.arrive $0xFFFF;
	s2 =	simm.s32 @!p0 $0x1C02  }
0x408: {  	[timem:s3], [sflag:s2] =	dma.local @!p0 [hbm:s0], s1  }
0x409: {  	s0 =	simm.s32 @!p0 $0x2  }
0x40a: {  	_ =	swait.ge @!p0 [sflag:s0], s1  }
0x40b: {  	s1 =	ssub.s32 @!p0 $0x0, s1;
	[sflag:s0] =	ssyncset.done @!p0 $0x0  }
0x40c: {  	[sflag:s0] =	ssyncadd.s32 @!p0 s1  }
0x40d: {  	[bflag:$0x3] =	sbarrier.arrive $0xFFFF  }
0x40e: {  	_ =	shalt  }

</sc_bundles>
